<compile_context>
chip_gen: v7x
topology: tpu7x:2x2x1
jax: 0.10.2.dev20260603
libtpu: 0.0.44.dev20260713+nightly
codegen_flags: <defaults>
</compile_context>

<pallas_src>
import functools

import jax
import jax.numpy as jnp
from jax import lax
from jax.experimental import pallas as pl
from jax.experimental.pallas import tpu as pltpu
from jax.experimental.pallas import tpu_sc as plsc

NC = 2
NS = 16
NW = NC * NS

CHUNK = 128
BLK = 2048


def _sc_mesh():
    return plsc.VectorSubcoreMesh(
        core_axis_name="c", subcore_axis_name="s",
        num_cores=NC, num_subcores=NS)


def _make_deg_kernel(npad, epw):

    @functools.partial(
        pl.kernel,
        out_type=jax.ShapeDtypeStruct((NW, npad), jnp.float32),
        mesh=_sc_mesh(),
        compiler_params=pltpu.CompilerParams(needs_layout_passes=False),
        scratch_types=[
            pltpu.VMEM((epw,), jnp.int32),
            pltpu.VMEM((npad,), jnp.float32),
        ],
    )
    def deg_kernel(dst_hbm, zeros_hbm, out_hbm, dstv, counts):
        cid = lax.axis_index("c")
        sid = lax.axis_index("s")
        wid = sid * NC + cid
        pltpu.sync_copy(dst_hbm.at[pl.ds(wid * epw, epw)], dstv)
        pltpu.sync_copy(zeros_hbm, counts)
        ones = jnp.ones((16,), jnp.float32)

        def body(i, carry):
            idx = dstv[pl.ds(i * 16, 16)]
            plsc.addupdate_scatter(counts, [idx], ones)
            return carry

        lax.fori_loop(0, epw // 16, body, 0)
        pltpu.sync_copy(counts, out_hbm.at[wid])

    return deg_kernel


def _make_scatter_kernel(npad, f, nchunks):

    nbuf = 8
    assert nchunks % nbuf == 0

    @functools.partial(
        pl.kernel,
        out_type=jax.ShapeDtypeStruct((NC, npad, 128), jnp.float32),
        mesh=_sc_mesh(),
        compiler_params=pltpu.CompilerParams(
            needs_layout_passes=False, use_tc_tiling_on_sc=False),
        scratch_types=[
            pltpu.VMEM((nchunks, CHUNK), jnp.int32),
            pltpu.VMEM((nchunks, CHUNK), jnp.int32),
            pltpu.VMEM((nbuf, CHUNK, f), jnp.float32),
            pltpu.VMEM_SHARED((npad, f), jnp.float32),
            pltpu.VMEM_SHARED((npad, f), jnp.float32),
            pltpu.SemaphoreType.DMA((nbuf,)),
            pltpu.SemaphoreType.DMA((nbuf,)),
        ],
    )
    def scatter_kernel(p_hbm, src2_hbm, dst2_hbm, out_hbm,
                       sidx, didx, rows, acc, pspm, gsem, ssem):
        cid = lax.axis_index("c")
        sid = lax.axis_index("s")
        rpt = npad // NS
        pltpu.sync_copy(p_hbm.at[cid, pl.ds(sid * rpt, rpt), pl.ds(0, f)],
                        acc.at[pl.ds(sid * rpt, rpt)])
        pltpu.sync_copy(p_hbm.at[cid, pl.ds(sid * rpt, rpt), pl.ds(0, f)],
                        pspm.at[pl.ds(sid * rpt, rpt)])
        pltpu.sync_copy(src2_hbm.at[pl.ds(sid * nchunks, nchunks)], sidx)
        pltpu.sync_copy(dst2_hbm.at[pl.ds(sid * nchunks, nchunks)], didx)
        plsc.subcore_barrier()

        for b in range(nbuf):
            pltpu.async_copy(pspm.at[sidx.at[b]], rows.at[b], gsem.at[b])

        def body(g, carry):
            for b in range(nbuf):
                c = g * nbuf + b
                pltpu.make_async_copy(
                    pspm.at[sidx.at[c]], rows.at[b], gsem.at[b]).wait()
                pltpu.async_copy(
                    rows.at[b], acc.at[didx.at[c]], ssem.at[b], add=True)
                pb = (b - 1) % nbuf
                pc = c - 1

                @pl.when((pc >= 0) & (pc + nbuf < nchunks))
                def _():
                    pltpu.make_async_copy(
                        rows.at[pb], acc.at[didx.at[pc]], ssem.at[pb]).wait()
                    pltpu.async_copy(
                        pspm.at[sidx.at[pc + nbuf]], rows.at[pb],
                        gsem.at[pb])

            return carry

        lax.fori_loop(0, nchunks // nbuf, body, 0)
        for b in range(nbuf):
            pltpu.make_async_copy(
                rows.at[b], acc.at[didx.at[nchunks - nbuf + b]],
                ssem.at[b]).wait()
        plsc.subcore_barrier()
        pltpu.sync_copy(acc.at[pl.ds(sid * rpt, rpt)],
                        out_hbm.at[cid, pl.ds(sid * rpt, rpt), pl.ds(0, f)])

    return scatter_kernel


def _dinv_of(degt_blk):
    deg = jnp.sum(degt_blk, axis=1, keepdims=True) + 1.0
    return 1.0 / jnp.sqrt(deg)


def _tc1_body(x_ref, w1_ref, degt_ref, p1_ref):
    dinv = _dinv_of(degt_ref[...])
    xw = jnp.dot(x_ref[...], w1_ref[...], preferred_element_type=jnp.float32)
    p1 = xw * dinv
    fh = p1.shape[1] // NC
    z = jnp.zeros((p1.shape[0], 128 - fh), jnp.float32)
    p1_ref[0] = jnp.concatenate([p1[:, :fh], z], axis=1)
    p1_ref[1] = jnp.concatenate([p1[:, fh:], z], axis=1)


def _tc2_body(a_ref, degt_ref, w2_ref, b1_ref, p2_ref):
    dinv = _dinv_of(degt_ref[...])
    fh = w2_ref.shape[0] // NC
    acc = jnp.concatenate([a_ref[0][:, :fh], a_ref[1][:, :fh]], axis=1)
    h = jnp.maximum(acc * dinv + b1_ref[...], 0.0)
    p2 = jnp.dot(h, w2_ref[...], preferred_element_type=jnp.float32) * dinv
    fh2 = p2.shape[1] // NC
    z = jnp.zeros((p2.shape[0], 128 - fh2), jnp.float32)
    p2_ref[0] = jnp.concatenate([p2[:, :fh2], z], axis=1)
    p2_ref[1] = jnp.concatenate([p2[:, fh2:], z], axis=1)


def _tc3_body(a_ref, degt_ref, b2_ref, y_ref):
    dinv = _dinv_of(degt_ref[...])
    fh2 = b2_ref.shape[1]
    y = a_ref[0][:, :fh2] * dinv + b2_ref[...]
    y_ref[...] = y[:, :y_ref.shape[1]]


def kernel(x, edge_index, W1, b1, W2, b2):
    n, in_ch = x.shape
    hid = W1.shape[1]
    out_ch = W2.shape[1]
    e = edge_index.shape[1]
    f2 = 16
    fh1 = hid // NC
    fh2 = f2 // NC

    epw = ((e + NW * CHUNK - 1) // (NW * CHUNK)) * CHUNK
    epad = epw * NW
    nct = epad // CHUNK // NS
    npad = ((n + 1 + NS * 16 - 1) // (NS * 16)) * (NS * 16)

    src = edge_index[0]
    dst = edge_index[1]
    pad = epad - e
    srcp = jnp.concatenate([src, jnp.zeros((pad,), jnp.int32)])
    dstp = jnp.concatenate([dst, jnp.full((pad,), n, jnp.int32)])
    src2 = srcp.reshape(epad // 128, 128)
    dst2 = dstp.reshape(epad // 128, 128)

    w2p = jnp.concatenate(
        [W2, jnp.zeros((hid, f2 - out_ch), jnp.float32)], axis=1)
    b1r = b1.reshape(1, hid)
    b2r = jnp.concatenate([b2, jnp.zeros((fh2 - out_ch,), jnp.float32)])
    b2r = b2r.reshape(1, fh2)

    zeros1 = jnp.zeros((npad,), jnp.float32)

    degp = _make_deg_kernel(npad, epw)(dstp, zeros1)
    degt = degp.T

    grid = npad // BLK
    degt_spec = pl.BlockSpec((BLK, NW), lambda i: (i, 0))

    p1 = pl.pallas_call(
        _tc1_body,
        grid=(grid,),
        in_specs=[
            pl.BlockSpec((BLK, in_ch), lambda i: (i, 0)),
            pl.BlockSpec((in_ch, hid), lambda i: (0, 0)),
            degt_spec,
        ],
        out_specs=pl.BlockSpec((NC, BLK, 128), lambda i: (0, i, 0)),
        out_shape=jax.ShapeDtypeStruct((NC, npad, 128), jnp.float32),
    )(x, W1, degt)

    acc1 = _make_scatter_kernel(npad, fh1, nct)(p1, src2, dst2)

    p2 = pl.pallas_call(
        _tc2_body,
        grid=(grid,),
        in_specs=[
            pl.BlockSpec((NC, BLK, 128), lambda i: (0, i, 0)),
            degt_spec,
            pl.BlockSpec((hid, f2), lambda i: (0, 0)),
            pl.BlockSpec((1, hid), lambda i: (0, 0)),
        ],
        out_specs=pl.BlockSpec((NC, BLK, 128), lambda i: (0, i, 0)),
        out_shape=jax.ShapeDtypeStruct((NC, npad, 128), jnp.float32),
    )(acc1, degt, w2p, b1r)

    acc2 = _make_scatter_kernel(npad, fh2, nct)(p2, src2, dst2)

    out = pl.pallas_call(
        _tc3_body,
        grid=(grid,),
        in_specs=[
            pl.BlockSpec((1, BLK, 128), lambda i: (0, i, 0)),
            degt_spec,
            pl.BlockSpec((1, fh2), lambda i: (0, 0)),
        ],
        out_specs=pl.BlockSpec((BLK, out_ch), lambda i: (i, 0)),
        out_shape=jax.ShapeDtypeStruct((n, out_ch), jnp.float32),
    )(acc2, degt, b2r)

    return out

# --- scband reference (transcript-rebuilt; emitter-appended) ---
"""Pipeline reference for scband-interface-gcn-22531398435100 (READ-ONLY COPY).

The authoritative reference and input builder live on the scoring server;
editing this copy changes nothing except your own understanding.
"""

import jax
import jax.numpy as jnp
import numpy as np

N_NODES = 10000
N_EDGES = 160000
IN_CH = 256
HID_CH = 64
OUT_CH = 2


def gcn_conv(x, edge_index, W, b):
    # Faithful PyG GCNConv: add self-loops, symmetric normalization,
    # message = norm * (x @ W)[src], aggregated via scatter-add at dst, plus bias.
    n = x.shape[0]
    loop = jnp.arange(n, dtype=edge_index.dtype)
    src = jnp.concatenate([edge_index[0], loop])
    dst = jnp.concatenate([edge_index[1], loop])
    deg = jnp.zeros((n,), dtype=x.dtype).at[dst].add(1.0)
    deg_inv_sqrt = jnp.where(deg > 0, 1.0 / jnp.sqrt(deg), 0.0)
    norm = deg_inv_sqrt[src] * deg_inv_sqrt[dst]
    xw = x @ W
    msg = xw[src] * norm[:, None]
    out = jnp.zeros((n, W.shape[1]), dtype=x.dtype).at[dst].add(msg)
    return out + b


def setup_inputs(seed: int = 0) -> dict:
    key = jax.random.key(seed)
    k1, k2, k3, k4, k5, k6 = jax.random.split(key, 6)
    x = jax.random.normal(k1, (N_NODES, IN_CH), dtype=jnp.float32)
    edge_index = jax.random.randint(k2, (2, N_EDGES), 0, N_NODES, dtype=jnp.int32)
    W1 = jax.random.normal(k3, (IN_CH, HID_CH), dtype=jnp.float32) * (1.0 / np.sqrt(IN_CH))
    b1 = jnp.zeros((HID_CH,), dtype=jnp.float32)
    W2 = jax.random.normal(k4, (HID_CH, OUT_CH), dtype=jnp.float32) * (1.0 / np.sqrt(HID_CH))
    b2 = jnp.zeros((OUT_CH,), dtype=jnp.float32)
    return {"x": x, "edge_index": edge_index, "W1": W1, "b1": b1, "W2": W2, "b2": b2}


def reference(x, edge_index, W1, b1, W2, b2):
    h = jax.nn.relu(gcn_conv(x, edge_index, W1, b1))
    out = gcn_conv(h, edge_index, W2, b2)
    return out

if __name__ == "__main__":
    import jax
    _d = setup_inputs()
    print(jax.jit(kernel)(*tuple(_d.values())))

</pallas_src>

<mosaic_0001>
#map = affine_map<(d0, d1) -> (0)>
#map1 = affine_map<(d0, d1) -> (0, 0)>
module attributes {stable_mosaic.version = 14 : i64} {
  func.func @deg_kernel(%arg0: i32, %arg1: i32, %arg2: memref<163840xi32, #tpu.memory_space<hbm>>, %arg3: memref<10240xf32, #tpu.memory_space<hbm>>, %arg4: memref<32x10240xf32, #tpu.memory_space<hbm>>, %arg5: memref<5120xi32, #tpu.memory_space<vmem>>, %arg6: memref<10240xf32, #tpu.memory_space<vmem>>) attributes {dimension_semantics = [#tpu.dimension_semantics<core_parallel>, #tpu.dimension_semantics<subcore_parallel>], iteration_bounds = array<i64: 2, 16>, scalar_prefetch = 0 : i64, scratch_operands = 2 : i64, tpu.core_type = #tpu.core_type<sc_vector_subcore>, window_params = [{transform_indices = #map}, {transform_indices = #map}, {transform_indices = #map1}]} {
    %mul3A = arith.constant 2 : i32
    %mul3A_0 = arith.muli %arg1, %mul3A : i32
    %add3A = arith.addi %mul3A_0, %arg0 : i32
    %mul3A_1 = arith.constant 5120 : i32
    %mul3A_2 = arith.muli %add3A, %mul3A_1 : i32
    "tpu.region"() ({
      %run_scoped3A = tpu.sem_alloc : memref<!tpu.dma_semaphore, #tpu.memory_space<semaphore_mem>>
      %dma_start3A = tpu.memref_slice %arg2[%mul3A_2] : memref<163840xi32, #tpu.memory_space<hbm>> -> memref<5120xi32, #tpu.memory_space<hbm>>
      %dma_start3A_9 = tpu.memref_slice %arg2[%mul3A_2] : memref<163840xi32, #tpu.memory_space<hbm>> -> memref<5120xi32, #tpu.memory_space<hbm>>
      tpu.enqueue_dma source(%dma_start3A_9 : memref<5120xi32, #tpu.memory_space<hbm>>) target(%arg5 : memref<5120xi32, #tpu.memory_space<vmem>>) target_semaphore(%run_scoped3A : memref<!tpu.dma_semaphore, #tpu.memory_space<semaphore_mem>>)
      %dma_wait3A = tpu.memref_slice %arg2[%mul3A_2] : memref<163840xi32, #tpu.memory_space<hbm>> -> memref<5120xi32, #tpu.memory_space<hbm>>
      %dma_wait3A_10 = tpu.memref_slice %arg2[%mul3A_2] : memref<163840xi32, #tpu.memory_space<hbm>> -> memref<5120xi32, #tpu.memory_space<hbm>>
      tpu.wait_dma2 semaphore(%run_scoped3A : memref<!tpu.dma_semaphore, #tpu.memory_space<semaphore_mem>>) src(%dma_wait3A_10 : memref<5120xi32, #tpu.memory_space<hbm>>) dst(%arg5 : memref<5120xi32, #tpu.memory_space<vmem>>)
      tpu.yield
    }) : () -> ()
    "tpu.region"() ({
      %run_scoped3A = tpu.sem_alloc : memref<!tpu.dma_semaphore, #tpu.memory_space<semaphore_mem>>
      tpu.enqueue_dma source(%arg3 : memref<10240xf32, #tpu.memory_space<hbm>>) target(%arg6 : memref<10240xf32, #tpu.memory_space<vmem>>) target_semaphore(%run_scoped3A : memref<!tpu.dma_semaphore, #tpu.memory_space<semaphore_mem>>)
      tpu.wait_dma2 semaphore(%run_scoped3A : memref<!tpu.dma_semaphore, #tpu.memory_space<semaphore_mem>>) src(%arg3 : memref<10240xf32, #tpu.memory_space<hbm>>) dst(%arg6 : memref<10240xf32, #tpu.memory_space<vmem>>)
      tpu.yield
    }) : () -> ()
    %broadcast_in_dim3A = arith.constant 1.000000e+00 : f32
    %broadcast_in_dim3A_3 = vector.broadcast %broadcast_in_dim3A : f32 to vector<16xf32>
    %scan3A = arith.constant 0 : i32
    %scan3A_4 = arith.constant 0 : i32
    %scan3A_5 = arith.constant 320 : i32
    %scan3A_6 = arith.addi %scan3A_4, %scan3A_5 : i32
    %scan3A_7 = arith.constant 1 : i32
    scf.for %scan3A_9 = %scan3A_4 to %scan3A_6 step %scan3A_7  : i32 {
      %mul3A_10 = arith.constant 16 : i32
      %mul3A_11 = arith.muli %scan3A_9, %mul3A_10 : i32
      %get3A = arith.index_cast %mul3A_11 : i32 to index
      %get3A_12 = tpu.vector_load %arg5[%get3A] {strides = array<i32>} : memref<5120xi32, #tpu.memory_space<vmem>>, vector<16xi32>,
      tpu.vector_store_idx %arg6[%get3A_12], %broadcast_in_dim3A_3 {add = true} : memref<10240xf32, #tpu.memory_space<vmem>>[vector<16xi32>], vector<16xf32>,
    }
    %scan3A_8 = arith.constant 320 : i32
    "tpu.region"() ({
      %run_scoped3A = tpu.sem_alloc : memref<!tpu.dma_semaphore, #tpu.memory_space<semaphore_mem>>
      %dma_start3A = arith.constant 0 : i32
      %dma_start3A_9 = tpu.memref_slice %arg4[%add3A, %dma_start3A] : memref<32x10240xf32, #tpu.memory_space<hbm>> -> memref<1x10240xf32, #tpu.memory_space<hbm>>
      %dma_start3A_10 = tpu.memref_squeeze %dma_start3A_9 : memref<1x10240xf32, #tpu.memory_space<hbm>> -> memref<10240xf32, #tpu.memory_space<hbm>>
      %dma_start3A_11 = arith.constant 0 : i32
      %dma_start3A_12 = tpu.memref_slice %arg4[%add3A, %dma_start3A_11] : memref<32x10240xf32, #tpu.memory_space<hbm>> -> memref<1x10240xf32, #tpu.memory_space<hbm>>
      %dma_start3A_13 = tpu.memref_squeeze %dma_start3A_12 : memref<1x10240xf32, #tpu.memory_space<hbm>> -> memref<10240xf32, #tpu.memory_space<hbm>>
      tpu.enqueue_dma source(%arg6 : memref<10240xf32, #tpu.memory_space<vmem>>) target(%dma_start3A_13 : memref<10240xf32, #tpu.memory_space<hbm>>) target_semaphore(%run_scoped3A : memref<!tpu.dma_semaphore, #tpu.memory_space<semaphore_mem>>)
      %dma_wait3A = arith.constant 0 : i32
      %dma_wait3A_14 = tpu.memref_slice %arg4[%add3A, %dma_wait3A] : memref<32x10240xf32, #tpu.memory_space<hbm>> -> memref<1x10240xf32, #tpu.memory_space<hbm>>
      %dma_wait3A_15 = tpu.memref_squeeze %dma_wait3A_14 : memref<1x10240xf32, #tpu.memory_space<hbm>> -> memref<10240xf32, #tpu.memory_space<hbm>>
      %dma_wait3A_16 = arith.constant 0 : i32
      %dma_wait3A_17 = tpu.memref_slice %arg4[%add3A, %dma_wait3A_16] : memref<32x10240xf32, #tpu.memory_space<hbm>> -> memref<1x10240xf32, #tpu.memory_space<hbm>>
      %dma_wait3A_18 = tpu.memref_squeeze %dma_wait3A_17 : memref<1x10240xf32, #tpu.memory_space<hbm>> -> memref<10240xf32, #tpu.memory_space<hbm>>
      tpu.wait_dma2 semaphore(%run_scoped3A : memref<!tpu.dma_semaphore, #tpu.memory_space<semaphore_mem>>) src(%arg6 : memref<10240xf32, #tpu.memory_space<vmem>>) dst(%dma_wait3A_18 : memref<10240xf32, #tpu.memory_space<hbm>>)
      tpu.yield
    }) : () -> ()
    return
  }
}

#map = affine_map<(d0, d1) -> (0, 0, 0)>
#map1 = affine_map<(d0, d1) -> (0, 0)>
module attributes {stable_mosaic.version = 14 : i64} {
  func.func @scatter_kernel(%arg0: i32, %arg1: i32, %arg2: memref<2x10240x128xf32, #tpu.memory_space<hbm>>, %arg3: memref<1280x128xi32, #tpu.memory_space<hbm>>, %arg4: memref<1280x128xi32, #tpu.memory_space<hbm>>, %arg5: memref<2x10240x128xf32, #tpu.memory_space<hbm>>, %arg6: memref<80x128xi32, #tpu.memory_space<vmem>>, %arg7: memref<80x128xi32, #tpu.memory_space<vmem>>, %arg8: memref<8x128x8xf32, #tpu.memory_space<vmem>>, %arg9: memref<10240x8xf32, #tpu.memory_space<vmem_shared>>, %arg10: memref<10240x8xf32, #tpu.memory_space<vmem_shared>>, %arg11: memref<8x!tpu.dma_semaphore, #tpu.memory_space<semaphore_mem>>, %arg12: memref<8x!tpu.dma_semaphore, #tpu.memory_space<semaphore_mem>>) attributes {dimension_semantics = [#tpu.dimension_semantics<core_parallel>, #tpu.dimension_semantics<subcore_parallel>], iteration_bounds = array<i64: 2, 16>, scalar_prefetch = 0 : i64, scratch_operands = 7 : i64, tpu.core_type = #tpu.core_type<sc_vector_subcore>, window_params = [{transform_indices = #map}, {transform_indices = #map1}, {transform_indices = #map1}, {transform_indices = #map}]} {
    %mul3A = arith.constant 640 : i32
    %mul3A_0 = arith.muli %arg1, %mul3A : i32
    %mul3A_1 = arith.constant 640 : i32
    %mul3A_2 = arith.muli %arg1, %mul3A_1 : i32
    "tpu.region"() ({
      %run_scoped3A = tpu.sem_alloc : memref<!tpu.dma_semaphore, #tpu.memory_space<semaphore_mem>>
      %dma_start3A_259 = arith.constant 0 : i32
      %dma_start3A_260 = tpu.memref_slice %arg9[%mul3A_2, %dma_start3A_259] : memref<10240x8xf32, #tpu.memory_space<vmem_shared>> -> memref<640x8xf32, #tpu.memory_space<vmem_shared>>
      %dma_start3A_261 = arith.constant 0 : i32
      %dma_start3A_262 = tpu.memref_slice %arg2[%arg0, %mul3A_0, %dma_start3A_261] : memref<2x10240x128xf32, #tpu.memory_space<hbm>> -> memref<1x640x8xf32, #tpu.memory_space<hbm>>
      %dma_start3A_263 = tpu.memref_squeeze %dma_start3A_262 : memref<1x640x8xf32, #tpu.memory_space<hbm>> -> memref<640x8xf32, #tpu.memory_space<hbm>>
      tpu.enqueue_dma source(%dma_start3A_263 : memref<640x8xf32, #tpu.memory_space<hbm>>) target(%dma_start3A_260 : memref<640x8xf32, #tpu.memory_space<vmem_shared>>) target_semaphore(%run_scoped3A : memref<!tpu.dma_semaphore, #tpu.memory_space<semaphore_mem>>)
      %dma_wait3A_264 = arith.constant 0 : i32
      %dma_wait3A_265 = tpu.memref_slice %arg9[%mul3A_2, %dma_wait3A_264] : memref<10240x8xf32, #tpu.memory_space<vmem_shared>> -> memref<640x8xf32, #tpu.memory_space<vmem_shared>>
      %dma_wait3A_266 = arith.constant 0 : i32
      %dma_wait3A_267 = tpu.memref_slice %arg2[%arg0, %mul3A_0, %dma_wait3A_266] : memref<2x10240x128xf32, #tpu.memory_space<hbm>> -> memref<1x640x8xf32, #tpu.memory_space<hbm>>
      %dma_wait3A_268 = tpu.memref_squeeze %dma_wait3A_267 : memref<1x640x8xf32, #tpu.memory_space<hbm>> -> memref<640x8xf32, #tpu.memory_space<hbm>>
      tpu.wait_dma2 semaphore(%run_scoped3A : memref<!tpu.dma_semaphore, #tpu.memory_space<semaphore_mem>>) src(%dma_wait3A_268 : memref<640x8xf32, #tpu.memory_space<hbm>>) dst(%dma_wait3A_265 : memref<640x8xf32, #tpu.memory_space<vmem_shared>>)
      tpu.yield
    }) : () -> ()
    %mul3A_3 = arith.constant 640 : i32
    %mul3A_4 = arith.muli %arg1, %mul3A_3 : i32
    %mul3A_5 = arith.constant 640 : i32
    %mul3A_6 = arith.muli %arg1, %mul3A_5 : i32
    "tpu.region"() ({
      %run_scoped3A = tpu.sem_alloc : memref<!tpu.dma_semaphore, #tpu.memory_space<semaphore_mem>>
      %dma_start3A_259 = arith.constant 0 : i32
      %dma_start3A_260 = tpu.memref_slice %arg10[%mul3A_6, %dma_start3A_259] : memref<10240x8xf32, #tpu.memory_space<vmem_shared>> -> memref<640x8xf32, #tpu.memory_space<vmem_shared>>
      %dma_start3A_261 = arith.constant 0 : i32
      %dma_start3A_262 = tpu.memref_slice %arg2[%arg0, %mul3A_4, %dma_start3A_261] : memref<2x10240x128xf32, #tpu.memory_space<hbm>> -> memref<1x640x8xf32, #tpu.memory_space<hbm>>
      %dma_start3A_263 = tpu.memref_squeeze %dma_start3A_262 : memref<1x640x8xf32, #tpu.memory_space<hbm>> -> memref<640x8xf32, #tpu.memory_space<hbm>>
      tpu.enqueue_dma source(%dma_start3A_263 : memref<640x8xf32, #tpu.memory_space<hbm>>) target(%dma_start3A_260 : memref<640x8xf32, #tpu.memory_space<vmem_shared>>) target_semaphore(%run_scoped3A : memref<!tpu.dma_semaphore, #tpu.memory_space<semaphore_mem>>)
      %dma_wait3A_264 = arith.constant 0 : i32
      %dma_wait3A_265 = tpu.memref_slice %arg10[%mul3A_6, %dma_wait3A_264] : memref<10240x8xf32, #tpu.memory_space<vmem_shared>> -> memref<640x8xf32, #tpu.memory_space<vmem_shared>>
      %dma_wait3A_266 = arith.constant 0 : i32
      %dma_wait3A_267 = tpu.memref_slice %arg2[%arg0, %mul3A_4, %dma_wait3A_266] : memref<2x10240x128xf32, #tpu.memory_space<hbm>> -> memref<1x640x8xf32, #tpu.memory_space<hbm>>
      %dma_wait3A_268 = tpu.memref_squeeze %dma_wait3A_267 : memref<1x640x8xf32, #tpu.memory_space<hbm>> -> memref<640x8xf32, #tpu.memory_space<hbm>>
      tpu.wait_dma2 semaphore(%run_scoped3A : memref<!tpu.dma_semaphore, #tpu.memory_space<semaphore_mem>>) src(%dma_wait3A_268 : memref<640x8xf32, #tpu.memory_space<hbm>>) dst(%dma_wait3A_265 : memref<640x8xf32, #tpu.memory_space<vmem_shared>>)
      tpu.yield
    }) : () -> ()
    %mul3A_7 = arith.constant 80 : i32
    %mul3A_8 = arith.muli %arg1, %mul3A_7 : i32
    "tpu.region"() ({
      %run_scoped3A = tpu.sem_alloc : memref<!tpu.dma_semaphore, #tpu.memory_space<semaphore_mem>>
      %dma_start3A_259 = arith.constant 0 : i32
      %dma_start3A_260 = tpu.memref_slice %arg3[%mul3A_8, %dma_start3A_259] : memref<1280x128xi32, #tpu.memory_space<hbm>> -> memref<80x128xi32, #tpu.memory_space<hbm>>
      %dma_start3A_261 = arith.constant 0 : i32
      %dma_start3A_262 = tpu.memref_slice %arg3[%mul3A_8, %dma_start3A_261] : memref<1280x128xi32, #tpu.memory_space<hbm>> -> memref<80x128xi32, #tpu.memory_space<hbm>>
      tpu.enqueue_dma source(%dma_start3A_262 : memref<80x128xi32, #tpu.memory_space<hbm>>) target(%arg6 : memref<80x128xi32, #tpu.memory_space<vmem>>) target_semaphore(%run_scoped3A : memref<!tpu.dma_semaphore, #tpu.memory_space<semaphore_mem>>)
      %dma_wait3A_263 = arith.constant 0 : i32
      %dma_wait3A_264 = tpu.memref_slice %arg3[%mul3A_8, %dma_wait3A_263] : memref<1280x128xi32, #tpu.memory_space<hbm>> -> memref<80x128xi32, #tpu.memory_space<hbm>>
      %dma_wait3A_265 = arith.constant 0 : i32
      %dma_wait3A_266 = tpu.memref_slice %arg3[%mul3A_8, %dma_wait3A_265] : memref<1280x128xi32, #tpu.memory_space<hbm>> -> memref<80x128xi32, #tpu.memory_space<hbm>>
      tpu.wait_dma2 semaphore(%run_scoped3A : memref<!tpu.dma_semaphore, #tpu.memory_space<semaphore_mem>>) src(%dma_wait3A_266 : memref<80x128xi32, #tpu.memory_space<hbm>>) dst(%arg6 : memref<80x128xi32, #tpu.memory_space<vmem>>)
      tpu.yield
    }) : () -> ()
    %mul3A_9 = arith.constant 80 : i32
    %mul3A_10 = arith.muli %arg1, %mul3A_9 : i32
    "tpu.region"() ({
      %run_scoped3A = tpu.sem_alloc : memref<!tpu.dma_semaphore, #tpu.memory_space<semaphore_mem>>
      %dma_start3A_259 = arith.constant 0 : i32
      %dma_start3A_260 = tpu.memref_slice %arg4[%mul3A_10, %dma_start3A_259] : memref<1280x128xi32, #tpu.memory_space<hbm>> -> memref<80x128xi32, #tpu.memory_space<hbm>>
      %dma_start3A_261 = arith.constant 0 : i32
      %dma_start3A_262 = tpu.memref_slice %arg4[%mul3A_10, %dma_start3A_261] : memref<1280x128xi32, #tpu.memory_space<hbm>> -> memref<80x128xi32, #tpu.memory_space<hbm>>
      tpu.enqueue_dma source(%dma_start3A_262 : memref<80x128xi32, #tpu.memory_space<hbm>>) target(%arg7 : memref<80x128xi32, #tpu.memory_space<vmem>>) target_semaphore(%run_scoped3A : memref<!tpu.dma_semaphore, #tpu.memory_space<semaphore_mem>>)
      %dma_wait3A_263 = arith.constant 0 : i32
      %dma_wait3A_264 = tpu.memref_slice %arg4[%mul3A_10, %dma_wait3A_263] : memref<1280x128xi32, #tpu.memory_space<hbm>> -> memref<80x128xi32, #tpu.memory_space<hbm>>
      %dma_wait3A_265 = arith.constant 0 : i32
      %dma_wait3A_266 = tpu.memref_slice %arg4[%mul3A_10, %dma_wait3A_265] : memref<1280x128xi32, #tpu.memory_space<hbm>> -> memref<80x128xi32, #tpu.memory_space<hbm>>
      tpu.wait_dma2 semaphore(%run_scoped3A : memref<!tpu.dma_semaphore, #tpu.memory_space<semaphore_mem>>) src(%dma_wait3A_266 : memref<80x128xi32, #tpu.memory_space<hbm>>) dst(%arg7 : memref<80x128xi32, #tpu.memory_space<vmem>>)
      tpu.yield
    }) : () -> ()
    %barrier3A = arith.constant 0 : index
    tpu.barrier barrier_id(%barrier3A)
    %dma_start3A = arith.constant 0 : i32
    %dma_start3A_11 = arith.constant 0 : i32
    %dma_start3A_12 = arith.constant 0 : i32
    %dma_start3A_13 = arith.constant 0 : i32
    %dma_start3A_14 = arith.constant 0 : i32
    %dma_start3A_15 = tpu.memref_slice %arg8[%dma_start3A_11, %dma_start3A_13, %dma_start3A_14] : memref<8x128x8xf32, #tpu.memory_space<vmem>> -> memref<1x128x8xf32, #tpu.memory_space<vmem>>
    %dma_start3A_16 = tpu.memref_squeeze %dma_start3A_15 : memref<1x128x8xf32, #tpu.memory_space<vmem>> -> memref<128x8xf32, #tpu.memory_space<vmem>>
    %dma_start3A_17 = arith.constant 0 : i32
    %dma_start3A_18 = tpu.memref_slice %arg6[%dma_start3A, %dma_start3A_17] : memref<80x128xi32, #tpu.memory_space<vmem>> -> memref<1x128xi32, #tpu.memory_space<vmem>>
    %dma_start3A_19 = tpu.memref_squeeze %dma_start3A_18 : memref<1x128xi32, #tpu.memory_space<vmem>> -> memref<128xi32, #tpu.memory_space<vmem>>
    %dma_start3A_20 = arith.constant 0 : i32
    %dma_start3A_21 = arith.constant 0 : i32
    %dma_start3A_22 = tpu.memref_slice %arg10[%dma_start3A_20, %dma_start3A_21] : memref<10240x8xf32, #tpu.memory_space<vmem_shared>> -> memref<10240x8xf32, #tpu.memory_space<vmem_shared>>
    %dma_start3A_23 = tpu.memref_slice %arg11[%dma_start3A_12] : memref<8x!tpu.dma_semaphore, #tpu.memory_space<semaphore_mem>> -> memref<1x!tpu.dma_semaphore, #tpu.memory_space<semaphore_mem>>
    %dma_start3A_24 = tpu.memref_squeeze %dma_start3A_23 : memref<1x!tpu.dma_semaphore, #tpu.memory_space<semaphore_mem>> -> memref<!tpu.dma_semaphore, #tpu.memory_space<semaphore_mem>>
    tpu.enqueue_indirect_dma source(%dma_start3A_22 : memref<10240x8xf32, #tpu.memory_space<vmem_shared>>) target(%dma_start3A_16 : memref<128x8xf32, #tpu.memory_space<vmem>>) offsets(%dma_start3A_19 : memref<128xi32, #tpu.memory_space<vmem>>) semaphore(%dma_start3A_24 : memref<!tpu.dma_semaphore, #tpu.memory_space<semaphore_mem>>)
    %dma_start3A_25 = arith.constant 1 : i32
    %dma_start3A_26 = arith.constant 1 : i32
    %dma_start3A_27 = arith.constant 1 : i32
    %dma_start3A_28 = arith.constant 0 : i32
    %dma_start3A_29 = arith.constant 0 : i32
    %dma_start3A_30 = tpu.memref_slice %arg8[%dma_start3A_26, %dma_start3A_28, %dma_start3A_29] : memref<8x128x8xf32, #tpu.memory_space<vmem>> -> memref<1x128x8xf32, #tpu.memory_space<vmem>>
    %dma_start3A_31 = tpu.memref_squeeze %dma_start3A_30 : memref<1x128x8xf32, #tpu.memory_space<vmem>> -> memref<128x8xf32, #tpu.memory_space<vmem>>
    %dma_start3A_32 = arith.constant 0 : i32
    %dma_start3A_33 = tpu.memref_slice %arg6[%dma_start3A_25, %dma_start3A_32] : memref<80x128xi32, #tpu.memory_space<vmem>> -> memref<1x128xi32, #tpu.memory_space<vmem>>
    %dma_start3A_34 = tpu.memref_squeeze %dma_start3A_33 : memref<1x128xi32, #tpu.memory_space<vmem>> -> memref<128xi32, #tpu.memory_space<vmem>>
    %dma_start3A_35 = arith.constant 0 : i32
    %dma_start3A_36 = arith.constant 0 : i32
    %dma_start3A_37 = tpu.memref_slice %arg10[%dma_start3A_35, %dma_start3A_36] : memref<10240x8xf32, #tpu.memory_space<vmem_shared>> -> memref<10240x8xf32, #tpu.memory_space<vmem_shared>>
    %dma_start3A_38 = tpu.memref_slice %arg11[%dma_start3A_27] : memref<8x!tpu.dma_semaphore, #tpu.memory_space<semaphore_mem>> -> memref<1x!tpu.dma_semaphore, #tpu.memory_space<semaphore_mem>>
    %dma_start3A_39 = tpu.memref_squeeze %dma_start3A_38 : memref<1x!tpu.dma_semaphore, #tpu.memory_space<semaphore_mem>> -> memref<!tpu.dma_semaphore, #tpu.memory_space<semaphore_mem>>
    tpu.enqueue_indirect_dma source(%dma_start3A_37 : memref<10240x8xf32, #tpu.memory_space<vmem_shared>>) target(%dma_start3A_31 : memref<128x8xf32, #tpu.memory_space<vmem>>) offsets(%dma_start3A_34 : memref<128xi32, #tpu.memory_space<vmem>>) semaphore(%dma_start3A_39 : memref<!tpu.dma_semaphore, #tpu.memory_space<semaphore_mem>>)
    %dma_start3A_40 = arith.constant 2 : i32
    %dma_start3A_41 = arith.constant 2 : i32
    %dma_start3A_42 = arith.constant 2 : i32
    %dma_start3A_43 = arith.constant 0 : i32
    %dma_start3A_44 = arith.constant 0 : i32
    %dma_start3A_45 = tpu.memref_slice %arg8[%dma_start3A_41, %dma_start3A_43, %dma_start3A_44] : memref<8x128x8xf32, #tpu.memory_space<vmem>> -> memref<1x128x8xf32, #tpu.memory_space<vmem>>
    %dma_start3A_46 = tpu.memref_squeeze %dma_start3A_45 : memref<1x128x8xf32, #tpu.memory_space<vmem>> -> memref<128x8xf32, #tpu.memory_space<vmem>>
    %dma_start3A_47 = arith.constant 0 : i32
    %dma_start3A_48 = tpu.memref_slice %arg6[%dma_start3A_40, %dma_start3A_47] : memref<80x128xi32, #tpu.memory_space<vmem>> -> memref<1x128xi32, #tpu.memory_space<vmem>>
    %dma_start3A_49 = tpu.memref_squeeze %dma_start3A_48 : memref<1x128xi32, #tpu.memory_space<vmem>> -> memref<128xi32, #tpu.memory_space<vmem>>
    %dma_start3A_50 = arith.constant 0 : i32
    %dma_start3A_51 = arith.constant 0 : i32
    %dma_start3A_52 = tpu.memref_slice %arg10[%dma_start3A_50, %dma_start3A_51] : memref<10240x8xf32, #tpu.memory_space<vmem_shared>> -> memref<10240x8xf32, #tpu.memory_space<vmem_shared>>
    %dma_start3A_53 = tpu.memref_slice %arg11[%dma_start3A_42] : memref<8x!tpu.dma_semaphore, #tpu.memory_space<semaphore_mem>> -> memref<1x!tpu.dma_semaphore, #tpu.memory_space<semaphore_mem>>
    %dma_start3A_54 = tpu.memref_squeeze %dma_start3A_53 : memref<1x!tpu.dma_semaphore, #tpu.memory_space<semaphore_mem>> -> memref<!tpu.dma_semaphore, #tpu.memory_space<semaphore_mem>>
    tpu.enqueue_indirect_dma source(%dma_start3A_52 : memref<10240x8xf32, #tpu.memory_space<vmem_shared>>) target(%dma_start3A_46 : memref<128x8xf32, #tpu.memory_space<vmem>>) offsets(%dma_start3A_49 : memref<128xi32, #tpu.memory_space<vmem>>) semaphore(%dma_start3A_54 : memref<!tpu.dma_semaphore, #tpu.memory_space<semaphore_mem>>)
    %dma_start3A_55 = arith.constant 3 : i32
    %dma_start3A_56 = arith.constant 3 : i32
    %dma_start3A_57 = arith.constant 3 : i32
    %dma_start3A_58 = arith.constant 0 : i32
    %dma_start3A_59 = arith.constant 0 : i32
    %dma_start3A_60 = tpu.memref_slice %arg8[%dma_start3A_56, %dma_start3A_58, %dma_start3A_59] : memref<8x128x8xf32, #tpu.memory_space<vmem>> -> memref<1x128x8xf32, #tpu.memory_space<vmem>>
    %dma_start3A_61 = tpu.memref_squeeze %dma_start3A_60 : memref<1x128x8xf32, #tpu.memory_space<vmem>> -> memref<128x8xf32, #tpu.memory_space<vmem>>
    %dma_start3A_62 = arith.constant 0 : i32
    %dma_start3A_63 = tpu.memref_slice %arg6[%dma_start3A_55, %dma_start3A_62] : memref<80x128xi32, #tpu.memory_space<vmem>> -> memref<1x128xi32, #tpu.memory_space<vmem>>
    %dma_start3A_64 = tpu.memref_squeeze %dma_start3A_63 : memref<1x128xi32, #tpu.memory_space<vmem>> -> memref<128xi32, #tpu.memory_space<vmem>>
    %dma_start3A_65 = arith.constant 0 : i32
    %dma_start3A_66 = arith.constant 0 : i32
    %dma_start3A_67 = tpu.memref_slice %arg10[%dma_start3A_65, %dma_start3A_66] : memref<10240x8xf32, #tpu.memory_space<vmem_shared>> -> memref<10240x8xf32, #tpu.memory_space<vmem_shared>>
    %dma_start3A_68 = tpu.memref_slice %arg11[%dma_start3A_57] : memref<8x!tpu.dma_semaphore, #tpu.memory_space<semaphore_mem>> -> memref<1x!tpu.dma_semaphore, #tpu.memory_space<semaphore_mem>>
    %dma_start3A_69 = tpu.memref_squeeze %dma_start3A_68 : memref<1x!tpu.dma_semaphore, #tpu.memory_space<semaphore_mem>> -> memref<!tpu.dma_semaphore, #tpu.memory_space<semaphore_mem>>
    tpu.enqueue_indirect_dma source(%dma_start3A_67 : memref<10240x8xf32, #tpu.memory_space<vmem_shared>>) target(%dma_start3A_61 : memref<128x8xf32, #tpu.memory_space<vmem>>) offsets(%dma_start3A_64 : memref<128xi32, #tpu.memory_space<vmem>>) semaphore(%dma_start3A_69 : memref<!tpu.dma_semaphore, #tpu.memory_space<semaphore_mem>>)
    %dma_start3A_70 = arith.constant 4 : i32
    %dma_start3A_71 = arith.constant 4 : i32
    %dma_start3A_72 = arith.constant 4 : i32
    %dma_start3A_73 = arith.constant 0 : i32
    %dma_start3A_74 = arith.constant 0 : i32
    %dma_start3A_75 = tpu.memref_slice %arg8[%dma_start3A_71, %dma_start3A_73, %dma_start3A_74] : memref<8x128x8xf32, #tpu.memory_space<vmem>> -> memref<1x128x8xf32, #tpu.memory_space<vmem>>
    %dma_start3A_76 = tpu.memref_squeeze %dma_start3A_75 : memref<1x128x8xf32, #tpu.memory_space<vmem>> -> memref<128x8xf32, #tpu.memory_space<vmem>>
    %dma_start3A_77 = arith.constant 0 : i32
    %dma_start3A_78 = tpu.memref_slice %arg6[%dma_start3A_70, %dma_start3A_77] : memref<80x128xi32, #tpu.memory_space<vmem>> -> memref<1x128xi32, #tpu.memory_space<vmem>>
    %dma_start3A_79 = tpu.memref_squeeze %dma_start3A_78 : memref<1x128xi32, #tpu.memory_space<vmem>> -> memref<128xi32, #tpu.memory_space<vmem>>
    %dma_start3A_80 = arith.constant 0 : i32
    %dma_start3A_81 = arith.constant 0 : i32
    %dma_start3A_82 = tpu.memref_slice %arg10[%dma_start3A_80, %dma_start3A_81] : memref<10240x8xf32, #tpu.memory_space<vmem_shared>> -> memref<10240x8xf32, #tpu.memory_space<vmem_shared>>
    %dma_start3A_83 = tpu.memref_slice %arg11[%dma_start3A_72] : memref<8x!tpu.dma_semaphore, #tpu.memory_space<semaphore_mem>> -> memref<1x!tpu.dma_semaphore, #tpu.memory_space<semaphore_mem>>
    %dma_start3A_84 = tpu.memref_squeeze %dma_start3A_83 : memref<1x!tpu.dma_semaphore, #tpu.memory_space<semaphore_mem>> -> memref<!tpu.dma_semaphore, #tpu.memory_space<semaphore_mem>>
    tpu.enqueue_indirect_dma source(%dma_start3A_82 : memref<10240x8xf32, #tpu.memory_space<vmem_shared>>) target(%dma_start3A_76 : memref<128x8xf32, #tpu.memory_space<vmem>>) offsets(%dma_start3A_79 : memref<128xi32, #tpu.memory_space<vmem>>) semaphore(%dma_start3A_84 : memref<!tpu.dma_semaphore, #tpu.memory_space<semaphore_mem>>)
    %dma_start3A_85 = arith.constant 5 : i32
    %dma_start3A_86 = arith.constant 5 : i32
    %dma_start3A_87 = arith.constant 5 : i32
    %dma_start3A_88 = arith.constant 0 : i32
    %dma_start3A_89 = arith.constant 0 : i32
    %dma_start3A_90 = tpu.memref_slice %arg8[%dma_start3A_86, %dma_start3A_88, %dma_start3A_89] : memref<8x128x8xf32, #tpu.memory_space<vmem>> -> memref<1x128x8xf32, #tpu.memory_space<vmem>>
    %dma_start3A_91 = tpu.memref_squeeze %dma_start3A_90 : memref<1x128x8xf32, #tpu.memory_space<vmem>> -> memref<128x8xf32, #tpu.memory_space<vmem>>
    %dma_start3A_92 = arith.constant 0 : i32
    %dma_start3A_93 = tpu.memref_slice %arg6[%dma_start3A_85, %dma_start3A_92] : memref<80x128xi32, #tpu.memory_space<vmem>> -> memref<1x128xi32, #tpu.memory_space<vmem>>
    %dma_start3A_94 = tpu.memref_squeeze %dma_start3A_93 : memref<1x128xi32, #tpu.memory_space<vmem>> -> memref<128xi32, #tpu.memory_space<vmem>>
    %dma_start3A_95 = arith.constant 0 : i32
    %dma_start3A_96 = arith.constant 0 : i32
    %dma_start3A_97 = tpu.memref_slice %arg10[%dma_start3A_95, %dma_start3A_96] : memref<10240x8xf32, #tpu.memory_space<vmem_shared>> -> memref<10240x8xf32, #tpu.memory_space<vmem_shared>>
    %dma_start3A_98 = tpu.memref_slice %arg11[%dma_start3A_87] : memref<8x!tpu.dma_semaphore, #tpu.memory_space<semaphore_mem>> -> memref<1x!tpu.dma_semaphore, #tpu.memory_space<semaphore_mem>>
    %dma_start3A_99 = tpu.memref_squeeze %dma_start3A_98 : memref<1x!tpu.dma_semaphore, #tpu.memory_space<semaphore_mem>> -> memref<!tpu.dma_semaphore, #tpu.memory_space<semaphore_mem>>
    tpu.enqueue_indirect_dma source(%dma_start3A_97 : memref<10240x8xf32, #tpu.memory_space<vmem_shared>>) target(%dma_start3A_91 : memref<128x8xf32, #tpu.memory_space<vmem>>) offsets(%dma_start3A_94 : memref<128xi32, #tpu.memory_space<vmem>>) semaphore(%dma_start3A_99 : memref<!tpu.dma_semaphore, #tpu.memory_space<semaphore_mem>>)
    %dma_start3A_100 = arith.constant 6 : i32
    %dma_start3A_101 = arith.constant 6 : i32
    %dma_start3A_102 = arith.constant 6 : i32
    %dma_start3A_103 = arith.constant 0 : i32
    %dma_start3A_104 = arith.constant 0 : i32
    %dma_start3A_105 = tpu.memref_slice %arg8[%dma_start3A_101, %dma_start3A_103, %dma_start3A_104] : memref<8x128x8xf32, #tpu.memory_space<vmem>> -> memref<1x128x8xf32, #tpu.memory_space<vmem>>
    %dma_start3A_106 = tpu.memref_squeeze %dma_start3A_105 : memref<1x128x8xf32, #tpu.memory_space<vmem>> -> memref<128x8xf32, #tpu.memory_space<vmem>>
    %dma_start3A_107 = arith.constant 0 : i32
    %dma_start3A_108 = tpu.memref_slice %arg6[%dma_start3A_100, %dma_start3A_107] : memref<80x128xi32, #tpu.memory_space<vmem>> -> memref<1x128xi32, #tpu.memory_space<vmem>>
    %dma_start3A_109 = tpu.memref_squeeze %dma_start3A_108 : memref<1x128xi32, #tpu.memory_space<vmem>> -> memref<128xi32, #tpu.memory_space<vmem>>
    %dma_start3A_110 = arith.constant 0 : i32
    %dma_start3A_111 = arith.constant 0 : i32
    %dma_start3A_112 = tpu.memref_slice %arg10[%dma_start3A_110, %dma_start3A_111] : memref<10240x8xf32, #tpu.memory_space<vmem_shared>> -> memref<10240x8xf32, #tpu.memory_space<vmem_shared>>
    %dma_start3A_113 = tpu.memref_slice %arg11[%dma_start3A_102] : memref<8x!tpu.dma_semaphore, #tpu.memory_space<semaphore_mem>> -> memref<1x!tpu.dma_semaphore, #tpu.memory_space<semaphore_mem>>
    %dma_start3A_114 = tpu.memref_squeeze %dma_start3A_113 : memref<1x!tpu.dma_semaphore, #tpu.memory_space<semaphore_mem>> -> memref<!tpu.dma_semaphore, #tpu.memory_space<semaphore_mem>>
    tpu.enqueue_indirect_dma source(%dma_start3A_112 : memref<10240x8xf32, #tpu.memory_space<vmem_shared>>) target(%dma_start3A_106 : memref<128x8xf32, #tpu.memory_space<vmem>>) offsets(%dma_start3A_109 : memref<128xi32, #tpu.memory_space<vmem>>) semaphore(%dma_start3A_114 : memref<!tpu.dma_semaphore, #tpu.memory_space<semaphore_mem>>)
    %dma_start3A_115 = arith.constant 7 : i32
    %dma_start3A_116 = arith.constant 7 : i32
    %dma_start3A_117 = arith.constant 7 : i32
    %dma_start3A_118 = arith.constant 0 : i32
    %dma_start3A_119 = arith.constant 0 : i32
    %dma_start3A_120 = tpu.memref_slice %arg8[%dma_start3A_116, %dma_start3A_118, %dma_start3A_119] : memref<8x128x8xf32, #tpu.memory_space<vmem>> -> memref<1x128x8xf32, #tpu.memory_space<vmem>>
    %dma_start3A_121 = tpu.memref_squeeze %dma_start3A_120 : memref<1x128x8xf32, #tpu.memory_space<vmem>> -> memref<128x8xf32, #tpu.memory_space<vmem>>
    %dma_start3A_122 = arith.constant 0 : i32
    %dma_start3A_123 = tpu.memref_slice %arg6[%dma_start3A_115, %dma_start3A_122] : memref<80x128xi32, #tpu.memory_space<vmem>> -> memref<1x128xi32, #tpu.memory_space<vmem>>
    %dma_start3A_124 = tpu.memref_squeeze %dma_start3A_123 : memref<1x128xi32, #tpu.memory_space<vmem>> -> memref<128xi32, #tpu.memory_space<vmem>>
    %dma_start3A_125 = arith.constant 0 : i32
    %dma_start3A_126 = arith.constant 0 : i32
    %dma_start3A_127 = tpu.memref_slice %arg10[%dma_start3A_125, %dma_start3A_126] : memref<10240x8xf32, #tpu.memory_space<vmem_shared>> -> memref<10240x8xf32, #tpu.memory_space<vmem_shared>>
    %dma_start3A_128 = tpu.memref_slice %arg11[%dma_start3A_117] : memref<8x!tpu.dma_semaphore, #tpu.memory_space<semaphore_mem>> -> memref<1x!tpu.dma_semaphore, #tpu.memory_space<semaphore_mem>>
    %dma_start3A_129 = tpu.memref_squeeze %dma_start3A_128 : memref<1x!tpu.dma_semaphore, #tpu.memory_space<semaphore_mem>> -> memref<!tpu.dma_semaphore, #tpu.memory_space<semaphore_mem>>
    tpu.enqueue_indirect_dma source(%dma_start3A_127 : memref<10240x8xf32, #tpu.memory_space<vmem_shared>>) target(%dma_start3A_121 : memref<128x8xf32, #tpu.memory_space<vmem>>) offsets(%dma_start3A_124 : memref<128xi32, #tpu.memory_space<vmem>>) semaphore(%dma_start3A_129 : memref<!tpu.dma_semaphore, #tpu.memory_space<semaphore_mem>>)
    %scan3A = arith.constant 0 : i32
    %scan3A_130 = arith.constant 0 : i32
    %scan3A_131 = arith.constant 10 : i32
    %scan3A_132 = arith.addi %scan3A_130, %scan3A_131 : i32
    %scan3A_133 = arith.constant 1 : i32
    scf.for %scan3A_259 = %scan3A_130 to %scan3A_132 step %scan3A_133  : i32 {
      %mul3A_260 = arith.constant 8 : i32
      %mul3A_261 = arith.muli %scan3A_259, %mul3A_260 : i32
      %add3A = arith.constant 0 : i32
      %add3A_262 = arith.addi %mul3A_261, %add3A : i32
      %dma_wait3A_263 = arith.constant 0 : i32
      %dma_wait3A_264 = arith.constant 0 : i32
      %dma_wait3A_265 = arith.constant 0 : i32
      %dma_wait3A_266 = arith.constant 0 : i32
      %dma_wait3A_267 = tpu.memref_slice %arg8[%dma_wait3A_263, %dma_wait3A_265, %dma_wait3A_266] : memref<8x128x8xf32, #tpu.memory_space<vmem>> -> memref<1x128x8xf32, #tpu.memory_space<vmem>>
      %dma_wait3A_268 = tpu.memref_squeeze %dma_wait3A_267 : memref<1x128x8xf32, #tpu.memory_space<vmem>> -> memref<128x8xf32, #tpu.memory_space<vmem>>
      %dma_wait3A_269 = arith.constant 0 : i32
      %dma_wait3A_270 = tpu.memref_slice %arg6[%add3A_262, %dma_wait3A_269] : memref<80x128xi32, #tpu.memory_space<vmem>> -> memref<1x128xi32, #tpu.memory_space<vmem>>
      %dma_wait3A_271 = tpu.memref_squeeze %dma_wait3A_270 : memref<1x128xi32, #tpu.memory_space<vmem>> -> memref<128xi32, #tpu.memory_space<vmem>>
      %dma_wait3A_272 = arith.constant 0 : i32
      %dma_wait3A_273 = arith.constant 0 : i32
      %dma_wait3A_274 = tpu.memref_slice %arg10[%dma_wait3A_272, %dma_wait3A_273] : memref<10240x8xf32, #tpu.memory_space<vmem_shared>> -> memref<10240x8xf32, #tpu.memory_space<vmem_shared>>
      %dma_wait3A_275 = tpu.memref_slice %arg11[%dma_wait3A_264] : memref<8x!tpu.dma_semaphore, #tpu.memory_space<semaphore_mem>> -> memref<1x!tpu.dma_semaphore, #tpu.memory_space<semaphore_mem>>
      %dma_wait3A_276 = tpu.memref_squeeze %dma_wait3A_275 : memref<1x!tpu.dma_semaphore, #tpu.memory_space<semaphore_mem>> -> memref<!tpu.dma_semaphore, #tpu.memory_space<semaphore_mem>>
      tpu.wait_indirect_dma semaphore(%dma_wait3A_276 : memref<!tpu.dma_semaphore, #tpu.memory_space<semaphore_mem>>) src(%dma_wait3A_274 : memref<10240x8xf32, #tpu.memory_space<vmem_shared>>) dst(%dma_wait3A_268 : memref<128x8xf32, #tpu.memory_space<vmem>>)
      %dma_start3A_277 = arith.constant 0 : i32
      %dma_start3A_278 = arith.constant 0 : i32
      %dma_start3A_279 = arith.constant 0 : i32
      %dma_start3A_280 = arith.constant 0 : i32
      %dma_start3A_281 = tpu.memref_slice %arg8[%dma_start3A_277, %dma_start3A_279, %dma_start3A_280] : memref<8x128x8xf32, #tpu.memory_space<vmem>> -> memref<1x128x8xf32, #tpu.memory_space<vmem>>
      %dma_start3A_282 = tpu.memref_squeeze %dma_start3A_281 : memref<1x128x8xf32, #tpu.memory_space<vmem>> -> memref<128x8xf32, #tpu.memory_space<vmem>>
      %dma_start3A_283 = arith.constant 0 : i32
      %dma_start3A_284 = tpu.memref_slice %arg7[%add3A_262, %dma_start3A_283] : memref<80x128xi32, #tpu.memory_space<vmem>> -> memref<1x128xi32, #tpu.memory_space<vmem>>
      %dma_start3A_285 = tpu.memref_squeeze %dma_start3A_284 : memref<1x128xi32, #tpu.memory_space<vmem>> -> memref<128xi32, #tpu.memory_space<vmem>>
      %dma_start3A_286 = arith.constant 0 : i32
      %dma_start3A_287 = arith.constant 0 : i32
      %dma_start3A_288 = tpu.memref_slice %arg9[%dma_start3A_286, %dma_start3A_287] : memref<10240x8xf32, #tpu.memory_space<vmem_shared>> -> memref<10240x8xf32, #tpu.memory_space<vmem_shared>>
      %dma_start3A_289 = tpu.memref_slice %arg12[%dma_start3A_278] : memref<8x!tpu.dma_semaphore, #tpu.memory_space<semaphore_mem>> -> memref<1x!tpu.dma_semaphore, #tpu.memory_space<semaphore_mem>>
      %dma_start3A_290 = tpu.memref_squeeze %dma_start3A_289 : memref<1x!tpu.dma_semaphore, #tpu.memory_space<semaphore_mem>> -> memref<!tpu.dma_semaphore, #tpu.memory_space<semaphore_mem>>
      tpu.enqueue_indirect_dma source(%dma_start3A_282 : memref<128x8xf32, #tpu.memory_space<vmem>>) target(%dma_start3A_288 : memref<10240x8xf32, #tpu.memory_space<vmem_shared>>) offsets(%dma_start3A_285 : memref<128xi32, #tpu.memory_space<vmem>>) semaphore(%dma_start3A_290 : memref<!tpu.dma_semaphore, #tpu.memory_space<semaphore_mem>>) {add = true}
      %sub3A = arith.constant 1 : i32
      %sub3A_291 = arith.subi %add3A_262, %sub3A : i32
      %ge3A = arith.constant 0 : i32
      %ge3A_292 = arith.cmpi sge, %sub3A_291, %ge3A : i32
      %add3A_293 = arith.constant 8 : i32
      %add3A_294 = arith.addi %sub3A_291, %add3A_293 : i32
      %lt3A = arith.constant 80 : i32
      %lt3A_295 = arith.cmpi slt, %add3A_294, %lt3A : i32
      %and3A = arith.andi %ge3A_292, %lt3A_295 : i1
      %convert_element_type3A = arith.extui %and3A : i1 to i32
      %cond3A = arith.constant 0 : i32
      %cond3A_296 = arith.cmpi ne, %convert_element_type3A, %cond3A : i32
      scf.if %cond3A_296 {
        %dma_wait3A_605 = arith.constant 7 : i32
        %dma_wait3A_606 = arith.constant 7 : i32
        %dma_wait3A_607 = arith.constant 0 : i32
        %dma_wait3A_608 = arith.constant 0 : i32
        %dma_wait3A_609 = tpu.memref_slice %arg8[%dma_wait3A_605, %dma_wait3A_607, %dma_wait3A_608] : memref<8x128x8xf32, #tpu.memory_space<vmem>> -> memref<1x128x8xf32, #tpu.memory_space<vmem>>
        %dma_wait3A_610 = tpu.memref_squeeze %dma_wait3A_609 : memref<1x128x8xf32, #tpu.memory_space<vmem>> -> memref<128x8xf32, #tpu.memory_space<vmem>>
        %dma_wait3A_611 = arith.constant 0 : i32
        %dma_wait3A_612 = tpu.memref_slice %arg7[%sub3A_291, %dma_wait3A_611] : memref<80x128xi32, #tpu.memory_space<vmem>> -> memref<1x128xi32, #tpu.memory_space<vmem>>
        %dma_wait3A_613 = tpu.memref_squeeze %dma_wait3A_612 : memref<1x128xi32, #tpu.memory_space<vmem>> -> memref<128xi32, #tpu.memory_space<vmem>>
        %dma_wait3A_614 = arith.constant 0 : i32
        %dma_wait3A_615 = arith.constant 0 : i32
        %dma_wait3A_616 = tpu.memref_slice %arg9[%dma_wait3A_614, %dma_wait3A_615] : memref<10240x8xf32, #tpu.memory_space<vmem_shared>> -> memref<10240x8xf32, #tpu.memory_space<vmem_shared>>
        %dma_wait3A_617 = tpu.memref_slice %arg12[%dma_wait3A_606] : memref<8x!tpu.dma_semaphore, #tpu.memory_space<semaphore_mem>> -> memref<1x!tpu.dma_semaphore, #tpu.memory_space<semaphore_mem>>
        %dma_wait3A_618 = tpu.memref_squeeze %dma_wait3A_617 : memref<1x!tpu.dma_semaphore, #tpu.memory_space<semaphore_mem>> -> memref<!tpu.dma_semaphore, #tpu.memory_space<semaphore_mem>>
        tpu.wait_indirect_dma semaphore(%dma_wait3A_618 : memref<!tpu.dma_semaphore, #tpu.memory_space<semaphore_mem>>) src(%dma_wait3A_610 : memref<128x8xf32, #tpu.memory_space<vmem>>) dst(%dma_wait3A_616 : memref<10240x8xf32, #tpu.memory_space<vmem_shared>>)
        %add3A_619 = arith.constant 8 : i32
        %add3A_620 = arith.addi %sub3A_291, %add3A_619 : i32
        %dma_start3A_621 = arith.constant 7 : i32
        %dma_start3A_622 = arith.constant 7 : i32
        %dma_start3A_623 = arith.constant 0 : i32
        %dma_start3A_624 = arith.constant 0 : i32
        %dma_start3A_625 = tpu.memref_slice %arg8[%dma_start3A_621, %dma_start3A_623, %dma_start3A_624] : memref<8x128x8xf32, #tpu.memory_space<vmem>> -> memref<1x128x8xf32, #tpu.memory_space<vmem>>
        %dma_start3A_626 = tpu.memref_squeeze %dma_start3A_625 : memref<1x128x8xf32, #tpu.memory_space<vmem>> -> memref<128x8xf32, #tpu.memory_space<vmem>>
        %dma_start3A_627 = arith.constant 0 : i32
        %dma_start3A_628 = tpu.memref_slice %arg6[%add3A_620, %dma_start3A_627] : memref<80x128xi32, #tpu.memory_space<vmem>> -> memref<1x128xi32, #tpu.memory_space<vmem>>
        %dma_start3A_629 = tpu.memref_squeeze %dma_start3A_628 : memref<1x128xi32, #tpu.memory_space<vmem>> -> memref<128xi32, #tpu.memory_space<vmem>>
        %dma_start3A_630 = arith.constant 0 : i32
        %dma_start3A_631 = arith.constant 0 : i32
        %dma_start3A_632 = tpu.memref_slice %arg10[%dma_start3A_630, %dma_start3A_631] : memref<10240x8xf32, #tpu.memory_space<vmem_shared>> -> memref<10240x8xf32, #tpu.memory_space<vmem_shared>>
        %dma_start3A_633 = tpu.memref_slice %arg11[%dma_start3A_622] : memref<8x!tpu.dma_semaphore, #tpu.memory_space<semaphore_mem>> -> memref<1x!tpu.dma_semaphore, #tpu.memory_space<semaphore_mem>>
        %dma_start3A_634 = tpu.memref_squeeze %dma_start3A_633 : memref<1x!tpu.dma_semaphore, #tpu.memory_space<semaphore_mem>> -> memref<!tpu.dma_semaphore, #tpu.memory_space<semaphore_mem>>
        tpu.enqueue_indirect_dma source(%dma_start3A_632 : memref<10240x8xf32, #tpu.memory_space<vmem_shared>>) target(%dma_start3A_626 : memref<128x8xf32, #tpu.memory_space<vmem>>) offsets(%dma_start3A_629 : memref<128xi32, #tpu.memory_space<vmem>>) semaphore(%dma_start3A_634 : memref<!tpu.dma_semaphore, #tpu.memory_space<semaphore_mem>>)
      } else {
      }
      %mul3A_297 = arith.constant 8 : i32
      %mul3A_298 = arith.muli %scan3A_259, %mul3A_297 : i32
      %add3A_299 = arith.constant 1 : i32
      %add3A_300 = arith.addi %mul3A_298, %add3A_299 : i32
      %dma_wait3A_301 = arith.constant 1 : i32
      %dma_wait3A_302 = arith.constant 1 : i32
      %dma_wait3A_303 = arith.constant 0 : i32
      %dma_wait3A_304 = arith.constant 0 : i32
      %dma_wait3A_305 = tpu.memref_slice %arg8[%dma_wait3A_301, %dma_wait3A_303, %dma_wait3A_304] : memref<8x128x8xf32, #tpu.memory_space<vmem>> -> memref<1x128x8xf32, #tpu.memory_space<vmem>>
      %dma_wait3A_306 = tpu.memref_squeeze %dma_wait3A_305 : memref<1x128x8xf32, #tpu.memory_space<vmem>> -> memref<128x8xf32, #tpu.memory_space<vmem>>
      %dma_wait3A_307 = arith.constant 0 : i32
      %dma_wait3A_308 = tpu.memref_slice %arg6[%add3A_300, %dma_wait3A_307] : memref<80x128xi32, #tpu.memory_space<vmem>> -> memref<1x128xi32, #tpu.memory_space<vmem>>
      %dma_wait3A_309 = tpu.memref_squeeze %dma_wait3A_308 : memref<1x128xi32, #tpu.memory_space<vmem>> -> memref<128xi32, #tpu.memory_space<vmem>>
      %dma_wait3A_310 = arith.constant 0 : i32
      %dma_wait3A_311 = arith.constant 0 : i32
      %dma_wait3A_312 = tpu.memref_slice %arg10[%dma_wait3A_310, %dma_wait3A_311] : memref<10240x8xf32, #tpu.memory_space<vmem_shared>> -> memref<10240x8xf32, #tpu.memory_space<vmem_shared>>
      %dma_wait3A_313 = tpu.memref_slice %arg11[%dma_wait3A_302] : memref<8x!tpu.dma_semaphore, #tpu.memory_space<semaphore_mem>> -> memref<1x!tpu.dma_semaphore, #tpu.memory_space<semaphore_mem>>
      %dma_wait3A_314 = tpu.memref_squeeze %dma_wait3A_313 : memref<1x!tpu.dma_semaphore, #tpu.memory_space<semaphore_mem>> -> memref<!tpu.dma_semaphore, #tpu.memory_space<semaphore_mem>>
      tpu.wait_indirect_dma semaphore(%dma_wait3A_314 : memref<!tpu.dma_semaphore, #tpu.memory_space<semaphore_mem>>) src(%dma_wait3A_312 : memref<10240x8xf32, #tpu.memory_space<vmem_shared>>) dst(%dma_wait3A_306 : memref<128x8xf32, #tpu.memory_space<vmem>>)
      %dma_start3A_315 = arith.constant 1 : i32
      %dma_start3A_316 = arith.constant 1 : i32
      %dma_start3A_317 = arith.constant 0 : i32
      %dma_start3A_318 = arith.constant 0 : i32
      %dma_start3A_319 = tpu.memref_slice %arg8[%dma_start3A_315, %dma_start3A_317, %dma_start3A_318] : memref<8x128x8xf32, #tpu.memory_space<vmem>> -> memref<1x128x8xf32, #tpu.memory_space<vmem>>
      %dma_start3A_320 = tpu.memref_squeeze %dma_start3A_319 : memref<1x128x8xf32, #tpu.memory_space<vmem>> -> memref<128x8xf32, #tpu.memory_space<vmem>>
      %dma_start3A_321 = arith.constant 0 : i32
      %dma_start3A_322 = tpu.memref_slice %arg7[%add3A_300, %dma_start3A_321] : memref<80x128xi32, #tpu.memory_space<vmem>> -> memref<1x128xi32, #tpu.memory_space<vmem>>
      %dma_start3A_323 = tpu.memref_squeeze %dma_start3A_322 : memref<1x128xi32, #tpu.memory_space<vmem>> -> memref<128xi32, #tpu.memory_space<vmem>>
      %dma_start3A_324 = arith.constant 0 : i32
      %dma_start3A_325 = arith.constant 0 : i32
      %dma_start3A_326 = tpu.memref_slice %arg9[%dma_start3A_324, %dma_start3A_325] : memref<10240x8xf32, #tpu.memory_space<vmem_shared>> -> memref<10240x8xf32, #tpu.memory_space<vmem_shared>>
      %dma_start3A_327 = tpu.memref_slice %arg12[%dma_start3A_316] : memref<8x!tpu.dma_semaphore, #tpu.memory_space<semaphore_mem>> -> memref<1x!tpu.dma_semaphore, #tpu.memory_space<semaphore_mem>>
      %dma_start3A_328 = tpu.memref_squeeze %dma_start3A_327 : memref<1x!tpu.dma_semaphore, #tpu.memory_space<semaphore_mem>> -> memref<!tpu.dma_semaphore, #tpu.memory_space<semaphore_mem>>
      tpu.enqueue_indirect_dma source(%dma_start3A_320 : memref<128x8xf32, #tpu.memory_space<vmem>>) target(%dma_start3A_326 : memref<10240x8xf32, #tpu.memory_space<vmem_shared>>) offsets(%dma_start3A_323 : memref<128xi32, #tpu.memory_space<vmem>>) semaphore(%dma_start3A_328 : memref<!tpu.dma_semaphore, #tpu.memory_space<semaphore_mem>>) {add = true}
      %sub3A_329 = arith.constant 1 : i32
      %sub3A_330 = arith.subi %add3A_300, %sub3A_329 : i32
      %ge3A_331 = arith.constant 0 : i32
      %ge3A_332 = arith.cmpi sge, %sub3A_330, %ge3A_331 : i32
      %add3A_333 = arith.constant 8 : i32
      %add3A_334 = arith.addi %sub3A_330, %add3A_333 : i32
      %lt3A_335 = arith.constant 80 : i32
      %lt3A_336 = arith.cmpi slt, %add3A_334, %lt3A_335 : i32
      %and3A_337 = arith.andi %ge3A_332, %lt3A_336 : i1
      %convert_element_type3A_338 = arith.extui %and3A_337 : i1 to i32
      %cond3A_339 = arith.constant 0 : i32
      %cond3A_340 = arith.cmpi ne, %convert_element_type3A_338, %cond3A_339 : i32
      scf.if %cond3A_340 {
        %dma_wait3A_605 = arith.constant 0 : i32
        %dma_wait3A_606 = arith.constant 0 : i32
        %dma_wait3A_607 = arith.constant 0 : i32
        %dma_wait3A_608 = arith.constant 0 : i32
        %dma_wait3A_609 = tpu.memref_slice %arg8[%dma_wait3A_605, %dma_wait3A_607, %dma_wait3A_608] : memref<8x128x8xf32, #tpu.memory_space<vmem>> -> memref<1x128x8xf32, #tpu.memory_space<vmem>>
        %dma_wait3A_610 = tpu.memref_squeeze %dma_wait3A_609 : memref<1x128x8xf32, #tpu.memory_space<vmem>> -> memref<128x8xf32, #tpu.memory_space<vmem>>
        %dma_wait3A_611 = arith.constant 0 : i32
        %dma_wait3A_612 = tpu.memref_slice %arg7[%sub3A_330, %dma_wait3A_611] : memref<80x128xi32, #tpu.memory_space<vmem>> -> memref<1x128xi32, #tpu.memory_space<vmem>>
        %dma_wait3A_613 = tpu.memref_squeeze %dma_wait3A_612 : memref<1x128xi32, #tpu.memory_space<vmem>> -> memref<128xi32, #tpu.memory_space<vmem>>
        %dma_wait3A_614 = arith.constant 0 : i32
        %dma_wait3A_615 = arith.constant 0 : i32
        %dma_wait3A_616 = tpu.memref_slice %arg9[%dma_wait3A_614, %dma_wait3A_615] : memref<10240x8xf32, #tpu.memory_space<vmem_shared>> -> memref<10240x8xf32, #tpu.memory_space<vmem_shared>>
        %dma_wait3A_617 = tpu.memref_slice %arg12[%dma_wait3A_606] : memref<8x!tpu.dma_semaphore, #tpu.memory_space<semaphore_mem>> -> memref<1x!tpu.dma_semaphore, #tpu.memory_space<semaphore_mem>>
        %dma_wait3A_618 = tpu.memref_squeeze %dma_wait3A_617 : memref<1x!tpu.dma_semaphore, #tpu.memory_space<semaphore_mem>> -> memref<!tpu.dma_semaphore, #tpu.memory_space<semaphore_mem>>
        tpu.wait_indirect_dma semaphore(%dma_wait3A_618 : memref<!tpu.dma_semaphore, #tpu.memory_space<semaphore_mem>>) src(%dma_wait3A_610 : memref<128x8xf32, #tpu.memory_space<vmem>>) dst(%dma_wait3A_616 : memref<10240x8xf32, #tpu.memory_space<vmem_shared>>)
        %add3A_619 = arith.constant 8 : i32
        %add3A_620 = arith.addi %sub3A_330, %add3A_619 : i32
        %dma_start3A_621 = arith.constant 0 : i32
        %dma_start3A_622 = arith.constant 0 : i32
        %dma_start3A_623 = arith.constant 0 : i32
        %dma_start3A_624 = arith.constant 0 : i32
        %dma_start3A_625 = tpu.memref_slice %arg8[%dma_start3A_621, %dma_start3A_623, %dma_start3A_624] : memref<8x128x8xf32, #tpu.memory_space<vmem>> -> memref<1x128x8xf32, #tpu.memory_space<vmem>>
        %dma_start3A_626 = tpu.memref_squeeze %dma_start3A_625 : memref<1x128x8xf32, #tpu.memory_space<vmem>> -> memref<128x8xf32, #tpu.memory_space<vmem>>
        %dma_start3A_627 = arith.constant 0 : i32
        %dma_start3A_628 = tpu.memref_slice %arg6[%add3A_620, %dma_start3A_627] : memref<80x128xi32, #tpu.memory_space<vmem>> -> memref<1x128xi32, #tpu.memory_space<vmem>>
        %dma_start3A_629 = tpu.memref_squeeze %dma_start3A_628 : memref<1x128xi32, #tpu.memory_space<vmem>> -> memref<128xi32, #tpu.memory_space<vmem>>
        %dma_start3A_630 = arith.constant 0 : i32
        %dma_start3A_631 = arith.constant 0 : i32
        %dma_start3A_632 = tpu.memref_slice %arg10[%dma_start3A_630, %dma_start3A_631] : memref<10240x8xf32, #tpu.memory_space<vmem_shared>> -> memref<10240x8xf32, #tpu.memory_space<vmem_shared>>
        %dma_start3A_633 = tpu.memref_slice %arg11[%dma_start3A_622] : memref<8x!tpu.dma_semaphore, #tpu.memory_space<semaphore_mem>> -> memref<1x!tpu.dma_semaphore, #tpu.memory_space<semaphore_mem>>
        %dma_start3A_634 = tpu.memref_squeeze %dma_start3A_633 : memref<1x!tpu.dma_semaphore, #tpu.memory_space<semaphore_mem>> -> memref<!tpu.dma_semaphore, #tpu.memory_space<semaphore_mem>>
        tpu.enqueue_indirect_dma source(%dma_start3A_632 : memref<10240x8xf32, #tpu.memory_space<vmem_shared>>) target(%dma_start3A_626 : memref<128x8xf32, #tpu.memory_space<vmem>>) offsets(%dma_start3A_629 : memref<128xi32, #tpu.memory_space<vmem>>) semaphore(%dma_start3A_634 : memref<!tpu.dma_semaphore, #tpu.memory_space<semaphore_mem>>)
      } else {
      }
      %mul3A_341 = arith.constant 8 : i32
      %mul3A_342 = arith.muli %scan3A_259, %mul3A_341 : i32
      %add3A_343 = arith.constant 2 : i32
      %add3A_344 = arith.addi %mul3A_342, %add3A_343 : i32
      %dma_wait3A_345 = arith.constant 2 : i32
      %dma_wait3A_346 = arith.constant 2 : i32
      %dma_wait3A_347 = arith.constant 0 : i32
      %dma_wait3A_348 = arith.constant 0 : i32
      %dma_wait3A_349 = tpu.memref_slice %arg8[%dma_wait3A_345, %dma_wait3A_347, %dma_wait3A_348] : memref<8x128x8xf32, #tpu.memory_space<vmem>> -> memref<1x128x8xf32, #tpu.memory_space<vmem>>
      %dma_wait3A_350 = tpu.memref_squeeze %dma_wait3A_349 : memref<1x128x8xf32, #tpu.memory_space<vmem>> -> memref<128x8xf32, #tpu.memory_space<vmem>>
      %dma_wait3A_351 = arith.constant 0 : i32
      %dma_wait3A_352 = tpu.memref_slice %arg6[%add3A_344, %dma_wait3A_351] : memref<80x128xi32, #tpu.memory_space<vmem>> -> memref<1x128xi32, #tpu.memory_space<vmem>>
      %dma_wait3A_353 = tpu.memref_squeeze %dma_wait3A_352 : memref<1x128xi32, #tpu.memory_space<vmem>> -> memref<128xi32, #tpu.memory_space<vmem>>
      %dma_wait3A_354 = arith.constant 0 : i32
      %dma_wait3A_355 = arith.constant 0 : i32
      %dma_wait3A_356 = tpu.memref_slice %arg10[%dma_wait3A_354, %dma_wait3A_355] : memref<10240x8xf32, #tpu.memory_space<vmem_shared>> -> memref<10240x8xf32, #tpu.memory_space<vmem_shared>>
      %dma_wait3A_357 = tpu.memref_slice %arg11[%dma_wait3A_346] : memref<8x!tpu.dma_semaphore, #tpu.memory_space<semaphore_mem>> -> memref<1x!tpu.dma_semaphore, #tpu.memory_space<semaphore_mem>>
      %dma_wait3A_358 = tpu.memref_squeeze %dma_wait3A_357 : memref<1x!tpu.dma_semaphore, #tpu.memory_space<semaphore_mem>> -> memref<!tpu.dma_semaphore, #tpu.memory_space<semaphore_mem>>
      tpu.wait_indirect_dma semaphore(%dma_wait3A_358 : memref<!tpu.dma_semaphore, #tpu.memory_space<semaphore_mem>>) src(%dma_wait3A_356 : memref<10240x8xf32, #tpu.memory_space<vmem_shared>>) dst(%dma_wait3A_350 : memref<128x8xf32, #tpu.memory_space<vmem>>)
      %dma_start3A_359 = arith.constant 2 : i32
      %dma_start3A_360 = arith.constant 2 : i32
      %dma_start3A_361 = arith.constant 0 : i32
      %dma_start3A_362 = arith.constant 0 : i32
      %dma_start3A_363 = tpu.memref_slice %arg8[%dma_start3A_359, %dma_start3A_361, %dma_start3A_362] : memref<8x128x8xf32, #tpu.memory_space<vmem>> -> memref<1x128x8xf32, #tpu.memory_space<vmem>>
      %dma_start3A_364 = tpu.memref_squeeze %dma_start3A_363 : memref<1x128x8xf32, #tpu.memory_space<vmem>> -> memref<128x8xf32, #tpu.memory_space<vmem>>
      %dma_start3A_365 = arith.constant 0 : i32
      %dma_start3A_366 = tpu.memref_slice %arg7[%add3A_344, %dma_start3A_365] : memref<80x128xi32, #tpu.memory_space<vmem>> -> memref<1x128xi32, #tpu.memory_space<vmem>>
      %dma_start3A_367 = tpu.memref_squeeze %dma_start3A_366 : memref<1x128xi32, #tpu.memory_space<vmem>> -> memref<128xi32, #tpu.memory_space<vmem>>
      %dma_start3A_368 = arith.constant 0 : i32
      %dma_start3A_369 = arith.constant 0 : i32
      %dma_start3A_370 = tpu.memref_slice %arg9[%dma_start3A_368, %dma_start3A_369] : memref<10240x8xf32, #tpu.memory_space<vmem_shared>> -> memref<10240x8xf32, #tpu.memory_space<vmem_shared>>
      %dma_start3A_371 = tpu.memref_slice %arg12[%dma_start3A_360] : memref<8x!tpu.dma_semaphore, #tpu.memory_space<semaphore_mem>> -> memref<1x!tpu.dma_semaphore, #tpu.memory_space<semaphore_mem>>
      %dma_start3A_372 = tpu.memref_squeeze %dma_start3A_371 : memref<1x!tpu.dma_semaphore, #tpu.memory_space<semaphore_mem>> -> memref<!tpu.dma_semaphore, #tpu.memory_space<semaphore_mem>>
      tpu.enqueue_indirect_dma source(%dma_start3A_364 : memref<128x8xf32, #tpu.memory_space<vmem>>) target(%dma_start3A_370 : memref<10240x8xf32, #tpu.memory_space<vmem_shared>>) offsets(%dma_start3A_367 : memref<128xi32, #tpu.memory_space<vmem>>) semaphore(%dma_start3A_372 : memref<!tpu.dma_semaphore, #tpu.memory_space<semaphore_mem>>) {add = true}
      %sub3A_373 = arith.constant 1 : i32
      %sub3A_374 = arith.subi %add3A_344, %sub3A_373 : i32
      %ge3A_375 = arith.constant 0 : i32
      %ge3A_376 = arith.cmpi sge, %sub3A_374, %ge3A_375 : i32
      %add3A_377 = arith.constant 8 : i32
      %add3A_378 = arith.addi %sub3A_374, %add3A_377 : i32
      %lt3A_379 = arith.constant 80 : i32
      %lt3A_380 = arith.cmpi slt, %add3A_378, %lt3A_379 : i32
      %and3A_381 = arith.andi %ge3A_376, %lt3A_380 : i1
      %convert_element_type3A_382 = arith.extui %and3A_381 : i1 to i32
      %cond3A_383 = arith.constant 0 : i32
      %cond3A_384 = arith.cmpi ne, %convert_element_type3A_382, %cond3A_383 : i32
      scf.if %cond3A_384 {
        %dma_wait3A_605 = arith.constant 1 : i32
        %dma_wait3A_606 = arith.constant 1 : i32
        %dma_wait3A_607 = arith.constant 0 : i32
        %dma_wait3A_608 = arith.constant 0 : i32
        %dma_wait3A_609 = tpu.memref_slice %arg8[%dma_wait3A_605, %dma_wait3A_607, %dma_wait3A_608] : memref<8x128x8xf32, #tpu.memory_space<vmem>> -> memref<1x128x8xf32, #tpu.memory_space<vmem>>
        %dma_wait3A_610 = tpu.memref_squeeze %dma_wait3A_609 : memref<1x128x8xf32, #tpu.memory_space<vmem>> -> memref<128x8xf32, #tpu.memory_space<vmem>>
        %dma_wait3A_611 = arith.constant 0 : i32
        %dma_wait3A_612 = tpu.memref_slice %arg7[%sub3A_374, %dma_wait3A_611] : memref<80x128xi32, #tpu.memory_space<vmem>> -> memref<1x128xi32, #tpu.memory_space<vmem>>
        %dma_wait3A_613 = tpu.memref_squeeze %dma_wait3A_612 : memref<1x128xi32, #tpu.memory_space<vmem>> -> memref<128xi32, #tpu.memory_space<vmem>>
        %dma_wait3A_614 = arith.constant 0 : i32
        %dma_wait3A_615 = arith.constant 0 : i32
        %dma_wait3A_616 = tpu.memref_slice %arg9[%dma_wait3A_614, %dma_wait3A_615] : memref<10240x8xf32, #tpu.memory_space<vmem_shared>> -> memref<10240x8xf32, #tpu.memory_space<vmem_shared>>
        %dma_wait3A_617 = tpu.memref_slice %arg12[%dma_wait3A_606] : memref<8x!tpu.dma_semaphore, #tpu.memory_space<semaphore_mem>> -> memref<1x!tpu.dma_semaphore, #tpu.memory_space<semaphore_mem>>
        %dma_wait3A_618 = tpu.memref_squeeze %dma_wait3A_617 : memref<1x!tpu.dma_semaphore, #tpu.memory_space<semaphore_mem>> -> memref<!tpu.dma_semaphore, #tpu.memory_space<semaphore_mem>>
        tpu.wait_indirect_dma semaphore(%dma_wait3A_618 : memref<!tpu.dma_semaphore, #tpu.memory_space<semaphore_mem>>) src(%dma_wait3A_610 : memref<128x8xf32, #tpu.memory_space<vmem>>) dst(%dma_wait3A_616 : memref<10240x8xf32, #tpu.memory_space<vmem_shared>>)
        %add3A_619 = arith.constant 8 : i32
        %add3A_620 = arith.addi %sub3A_374, %add3A_619 : i32
        %dma_start3A_621 = arith.constant 1 : i32
        %dma_start3A_622 = arith.constant 1 : i32
        %dma_start3A_623 = arith.constant 0 : i32
        %dma_start3A_624 = arith.constant 0 : i32
        %dma_start3A_625 = tpu.memref_slice %arg8[%dma_start3A_621, %dma_start3A_623, %dma_start3A_624] : memref<8x128x8xf32, #tpu.memory_space<vmem>> -> memref<1x128x8xf32, #tpu.memory_space<vmem>>
        %dma_start3A_626 = tpu.memref_squeeze %dma_start3A_625 : memref<1x128x8xf32, #tpu.memory_space<vmem>> -> memref<128x8xf32, #tpu.memory_space<vmem>>
        %dma_start3A_627 = arith.constant 0 : i32
        %dma_start3A_628 = tpu.memref_slice %arg6[%add3A_620, %dma_start3A_627] : memref<80x128xi32, #tpu.memory_space<vmem>> -> memref<1x128xi32, #tpu.memory_space<vmem>>
        %dma_start3A_629 = tpu.memref_squeeze %dma_start3A_628 : memref<1x128xi32, #tpu.memory_space<vmem>> -> memref<128xi32, #tpu.memory_space<vmem>>
        %dma_start3A_630 = arith.constant 0 : i32
        %dma_start3A_631 = arith.constant 0 : i32
        %dma_start3A_632 = tpu.memref_slice %arg10[%dma_start3A_630, %dma_start3A_631] : memref<10240x8xf32, #tpu.memory_space<vmem_shared>> -> memref<10240x8xf32, #tpu.memory_space<vmem_shared>>
        %dma_start3A_633 = tpu.memref_slice %arg11[%dma_start3A_622] : memref<8x!tpu.dma_semaphore, #tpu.memory_space<semaphore_mem>> -> memref<1x!tpu.dma_semaphore, #tpu.memory_space<semaphore_mem>>
        %dma_start3A_634 = tpu.memref_squeeze %dma_start3A_633 : memref<1x!tpu.dma_semaphore, #tpu.memory_space<semaphore_mem>> -> memref<!tpu.dma_semaphore, #tpu.memory_space<semaphore_mem>>
        tpu.enqueue_indirect_dma source(%dma_start3A_632 : memref<10240x8xf32, #tpu.memory_space<vmem_shared>>) target(%dma_start3A_626 : memref<128x8xf32, #tpu.memory_space<vmem>>) offsets(%dma_start3A_629 : memref<128xi32, #tpu.memory_space<vmem>>) semaphore(%dma_start3A_634 : memref<!tpu.dma_semaphore, #tpu.memory_space<semaphore_mem>>)
      } else {
      }
      %mul3A_385 = arith.constant 8 : i32
      %mul3A_386 = arith.muli %scan3A_259, %mul3A_385 : i32
      %add3A_387 = arith.constant 3 : i32
      %add3A_388 = arith.addi %mul3A_386, %add3A_387 : i32
      %dma_wait3A_389 = arith.constant 3 : i32
      %dma_wait3A_390 = arith.constant 3 : i32
      %dma_wait3A_391 = arith.constant 0 : i32
      %dma_wait3A_392 = arith.constant 0 : i32
      %dma_wait3A_393 = tpu.memref_slice %arg8[%dma_wait3A_389, %dma_wait3A_391, %dma_wait3A_392] : memref<8x128x8xf32, #tpu.memory_space<vmem>> -> memref<1x128x8xf32, #tpu.memory_space<vmem>>
      %dma_wait3A_394 = tpu.memref_squeeze %dma_wait3A_393 : memref<1x128x8xf32, #tpu.memory_space<vmem>> -> memref<128x8xf32, #tpu.memory_space<vmem>>
      %dma_wait3A_395 = arith.constant 0 : i32
      %dma_wait3A_396 = tpu.memref_slice %arg6[%add3A_388, %dma_wait3A_395] : memref<80x128xi32, #tpu.memory_space<vmem>> -> memref<1x128xi32, #tpu.memory_space<vmem>>
      %dma_wait3A_397 = tpu.memref_squeeze %dma_wait3A_396 : memref<1x128xi32, #tpu.memory_space<vmem>> -> memref<128xi32, #tpu.memory_space<vmem>>
      %dma_wait3A_398 = arith.constant 0 : i32
      %dma_wait3A_399 = arith.constant 0 : i32
      %dma_wait3A_400 = tpu.memref_slice %arg10[%dma_wait3A_398, %dma_wait3A_399] : memref<10240x8xf32, #tpu.memory_space<vmem_shared>> -> memref<10240x8xf32, #tpu.memory_space<vmem_shared>>
      %dma_wait3A_401 = tpu.memref_slice %arg11[%dma_wait3A_390] : memref<8x!tpu.dma_semaphore, #tpu.memory_space<semaphore_mem>> -> memref<1x!tpu.dma_semaphore, #tpu.memory_space<semaphore_mem>>
      %dma_wait3A_402 = tpu.memref_squeeze %dma_wait3A_401 : memref<1x!tpu.dma_semaphore, #tpu.memory_space<semaphore_mem>> -> memref<!tpu.dma_semaphore, #tpu.memory_space<semaphore_mem>>
      tpu.wait_indirect_dma semaphore(%dma_wait3A_402 : memref<!tpu.dma_semaphore, #tpu.memory_space<semaphore_mem>>) src(%dma_wait3A_400 : memref<10240x8xf32, #tpu.memory_space<vmem_shared>>) dst(%dma_wait3A_394 : memref<128x8xf32, #tpu.memory_space<vmem>>)
      %dma_start3A_403 = arith.constant 3 : i32
      %dma_start3A_404 = arith.constant 3 : i32
      %dma_start3A_405 = arith.constant 0 : i32
      %dma_start3A_406 = arith.constant 0 : i32
      %dma_start3A_407 = tpu.memref_slice %arg8[%dma_start3A_403, %dma_start3A_405, %dma_start3A_406] : memref<8x128x8xf32, #tpu.memory_space<vmem>> -> memref<1x128x8xf32, #tpu.memory_space<vmem>>
      %dma_start3A_408 = tpu.memref_squeeze %dma_start3A_407 : memref<1x128x8xf32, #tpu.memory_space<vmem>> -> memref<128x8xf32, #tpu.memory_space<vmem>>
      %dma_start3A_409 = arith.constant 0 : i32
      %dma_start3A_410 = tpu.memref_slice %arg7[%add3A_388, %dma_start3A_409] : memref<80x128xi32, #tpu.memory_space<vmem>> -> memref<1x128xi32, #tpu.memory_space<vmem>>
      %dma_start3A_411 = tpu.memref_squeeze %dma_start3A_410 : memref<1x128xi32, #tpu.memory_space<vmem>> -> memref<128xi32, #tpu.memory_space<vmem>>
      %dma_start3A_412 = arith.constant 0 : i32
      %dma_start3A_413 = arith.constant 0 : i32
      %dma_start3A_414 = tpu.memref_slice %arg9[%dma_start3A_412, %dma_start3A_413] : memref<10240x8xf32, #tpu.memory_space<vmem_shared>> -> memref<10240x8xf32, #tpu.memory_space<vmem_shared>>
      %dma_start3A_415 = tpu.memref_slice %arg12[%dma_start3A_404] : memref<8x!tpu.dma_semaphore, #tpu.memory_space<semaphore_mem>> -> memref<1x!tpu.dma_semaphore, #tpu.memory_space<semaphore_mem>>
      %dma_start3A_416 = tpu.memref_squeeze %dma_start3A_415 : memref<1x!tpu.dma_semaphore, #tpu.memory_space<semaphore_mem>> -> memref<!tpu.dma_semaphore, #tpu.memory_space<semaphore_mem>>
      tpu.enqueue_indirect_dma source(%dma_start3A_408 : memref<128x8xf32, #tpu.memory_space<vmem>>) target(%dma_start3A_414 : memref<10240x8xf32, #tpu.memory_space<vmem_shared>>) offsets(%dma_start3A_411 : memref<128xi32, #tpu.memory_space<vmem>>) semaphore(%dma_start3A_416 : memref<!tpu.dma_semaphore, #tpu.memory_space<semaphore_mem>>) {add = true}
      %sub3A_417 = arith.constant 1 : i32
      %sub3A_418 = arith.subi %add3A_388, %sub3A_417 : i32
      %ge3A_419 = arith.constant 0 : i32
      %ge3A_420 = arith.cmpi sge, %sub3A_418, %ge3A_419 : i32
      %add3A_421 = arith.constant 8 : i32
      %add3A_422 = arith.addi %sub3A_418, %add3A_421 : i32
      %lt3A_423 = arith.constant 80 : i32
      %lt3A_424 = arith.cmpi slt, %add3A_422, %lt3A_423 : i32
      %and3A_425 = arith.andi %ge3A_420, %lt3A_424 : i1
      %convert_element_type3A_426 = arith.extui %and3A_425 : i1 to i32
      %cond3A_427 = arith.constant 0 : i32
      %cond3A_428 = arith.cmpi ne, %convert_element_type3A_426, %cond3A_427 : i32
      scf.if %cond3A_428 {
        %dma_wait3A_605 = arith.constant 2 : i32
        %dma_wait3A_606 = arith.constant 2 : i32
        %dma_wait3A_607 = arith.constant 0 : i32
        %dma_wait3A_608 = arith.constant 0 : i32
        %dma_wait3A_609 = tpu.memref_slice %arg8[%dma_wait3A_605, %dma_wait3A_607, %dma_wait3A_608] : memref<8x128x8xf32, #tpu.memory_space<vmem>> -> memref<1x128x8xf32, #tpu.memory_space<vmem>>
        %dma_wait3A_610 = tpu.memref_squeeze %dma_wait3A_609 : memref<1x128x8xf32, #tpu.memory_space<vmem>> -> memref<128x8xf32, #tpu.memory_space<vmem>>
        %dma_wait3A_611 = arith.constant 0 : i32
        %dma_wait3A_612 = tpu.memref_slice %arg7[%sub3A_418, %dma_wait3A_611] : memref<80x128xi32, #tpu.memory_space<vmem>> -> memref<1x128xi32, #tpu.memory_space<vmem>>
        %dma_wait3A_613 = tpu.memref_squeeze %dma_wait3A_612 : memref<1x128xi32, #tpu.memory_space<vmem>> -> memref<128xi32, #tpu.memory_space<vmem>>
        %dma_wait3A_614 = arith.constant 0 : i32
        %dma_wait3A_615 = arith.constant 0 : i32
        %dma_wait3A_616 = tpu.memref_slice %arg9[%dma_wait3A_614, %dma_wait3A_615] : memref<10240x8xf32, #tpu.memory_space<vmem_shared>> -> memref<10240x8xf32, #tpu.memory_space<vmem_shared>>
        %dma_wait3A_617 = tpu.memref_slice %arg12[%dma_wait3A_606] : memref<8x!tpu.dma_semaphore, #tpu.memory_space<semaphore_mem>> -> memref<1x!tpu.dma_semaphore, #tpu.memory_space<semaphore_mem>>
        %dma_wait3A_618 = tpu.memref_squeeze %dma_wait3A_617 : memref<1x!tpu.dma_semaphore, #tpu.memory_space<semaphore_mem>> -> memref<!tpu.dma_semaphore, #tpu.memory_space<semaphore_mem>>
        tpu.wait_indirect_dma semaphore(%dma_wait3A_618 : memref<!tpu.dma_semaphore, #tpu.memory_space<semaphore_mem>>) src(%dma_wait3A_610 : memref<128x8xf32, #tpu.memory_space<vmem>>) dst(%dma_wait3A_616 : memref<10240x8xf32, #tpu.memory_space<vmem_shared>>)
        %add3A_619 = arith.constant 8 : i32
        %add3A_620 = arith.addi %sub3A_418, %add3A_619 : i32
        %dma_start3A_621 = arith.constant 2 : i32
        %dma_start3A_622 = arith.constant 2 : i32
        %dma_start3A_623 = arith.constant 0 : i32
        %dma_start3A_624 = arith.constant 0 : i32
        %dma_start3A_625 = tpu.memref_slice %arg8[%dma_start3A_621, %dma_start3A_623, %dma_start3A_624] : memref<8x128x8xf32, #tpu.memory_space<vmem>> -> memref<1x128x8xf32, #tpu.memory_space<vmem>>
        %dma_start3A_626 = tpu.memref_squeeze %dma_start3A_625 : memref<1x128x8xf32, #tpu.memory_space<vmem>> -> memref<128x8xf32, #tpu.memory_space<vmem>>
        %dma_start3A_627 = arith.constant 0 : i32
        %dma_start3A_628 = tpu.memref_slice %arg6[%add3A_620, %dma_start3A_627] : memref<80x128xi32, #tpu.memory_space<vmem>> -> memref<1x128xi32, #tpu.memory_space<vmem>>
        %dma_start3A_629 = tpu.memref_squeeze %dma_start3A_628 : memref<1x128xi32, #tpu.memory_space<vmem>> -> memref<128xi32, #tpu.memory_space<vmem>>
        %dma_start3A_630 = arith.constant 0 : i32
        %dma_start3A_631 = arith.constant 0 : i32
        %dma_start3A_632 = tpu.memref_slice %arg10[%dma_start3A_630, %dma_start3A_631] : memref<10240x8xf32, #tpu.memory_space<vmem_shared>> -> memref<10240x8xf32, #tpu.memory_space<vmem_shared>>
        %dma_start3A_633 = tpu.memref_slice %arg11[%dma_start3A_622] : memref<8x!tpu.dma_semaphore, #tpu.memory_space<semaphore_mem>> -> memref<1x!tpu.dma_semaphore, #tpu.memory_space<semaphore_mem>>
        %dma_start3A_634 = tpu.memref_squeeze %dma_start3A_633 : memref<1x!tpu.dma_semaphore, #tpu.memory_space<semaphore_mem>> -> memref<!tpu.dma_semaphore, #tpu.memory_space<semaphore_mem>>
        tpu.enqueue_indirect_dma source(%dma_start3A_632 : memref<10240x8xf32, #tpu.memory_space<vmem_shared>>) target(%dma_start3A_626 : memref<128x8xf32, #tpu.memory_space<vmem>>) offsets(%dma_start3A_629 : memref<128xi32, #tpu.memory_space<vmem>>) semaphore(%dma_start3A_634 : memref<!tpu.dma_semaphore, #tpu.memory_space<semaphore_mem>>)
      } else {
      }
      %mul3A_429 = arith.constant 8 : i32
      %mul3A_430 = arith.muli %scan3A_259, %mul3A_429 : i32
      %add3A_431 = arith.constant 4 : i32
      %add3A_432 = arith.addi %mul3A_430, %add3A_431 : i32
      %dma_wait3A_433 = arith.constant 4 : i32
      %dma_wait3A_434 = arith.constant 4 : i32
      %dma_wait3A_435 = arith.constant 0 : i32
      %dma_wait3A_436 = arith.constant 0 : i32
      %dma_wait3A_437 = tpu.memref_slice %arg8[%dma_wait3A_433, %dma_wait3A_435, %dma_wait3A_436] : memref<8x128x8xf32, #tpu.memory_space<vmem>> -> memref<1x128x8xf32, #tpu.memory_space<vmem>>
      %dma_wait3A_438 = tpu.memref_squeeze %dma_wait3A_437 : memref<1x128x8xf32, #tpu.memory_space<vmem>> -> memref<128x8xf32, #tpu.memory_space<vmem>>
      %dma_wait3A_439 = arith.constant 0 : i32
      %dma_wait3A_440 = tpu.memref_slice %arg6[%add3A_432, %dma_wait3A_439] : memref<80x128xi32, #tpu.memory_space<vmem>> -> memref<1x128xi32, #tpu.memory_space<vmem>>
      %dma_wait3A_441 = tpu.memref_squeeze %dma_wait3A_440 : memref<1x128xi32, #tpu.memory_space<vmem>> -> memref<128xi32, #tpu.memory_space<vmem>>
      %dma_wait3A_442 = arith.constant 0 : i32
      %dma_wait3A_443 = arith.constant 0 : i32
      %dma_wait3A_444 = tpu.memref_slice %arg10[%dma_wait3A_442, %dma_wait3A_443] : memref<10240x8xf32, #tpu.memory_space<vmem_shared>> -> memref<10240x8xf32, #tpu.memory_space<vmem_shared>>
      %dma_wait3A_445 = tpu.memref_slice %arg11[%dma_wait3A_434] : memref<8x!tpu.dma_semaphore, #tpu.memory_space<semaphore_mem>> -> memref<1x!tpu.dma_semaphore, #tpu.memory_space<semaphore_mem>>
      %dma_wait3A_446 = tpu.memref_squeeze %dma_wait3A_445 : memref<1x!tpu.dma_semaphore, #tpu.memory_space<semaphore_mem>> -> memref<!tpu.dma_semaphore, #tpu.memory_space<semaphore_mem>>
      tpu.wait_indirect_dma semaphore(%dma_wait3A_446 : memref<!tpu.dma_semaphore, #tpu.memory_space<semaphore_mem>>) src(%dma_wait3A_444 : memref<10240x8xf32, #tpu.memory_space<vmem_shared>>) dst(%dma_wait3A_438 : memref<128x8xf32, #tpu.memory_space<vmem>>)
      %dma_start3A_447 = arith.constant 4 : i32
      %dma_start3A_448 = arith.constant 4 : i32
      %dma_start3A_449 = arith.constant 0 : i32
      %dma_start3A_450 = arith.constant 0 : i32
      %dma_start3A_451 = tpu.memref_slice %arg8[%dma_start3A_447, %dma_start3A_449, %dma_start3A_450] : memref<8x128x8xf32, #tpu.memory_space<vmem>> -> memref<1x128x8xf32, #tpu.memory_space<vmem>>
      %dma_start3A_452 = tpu.memref_squeeze %dma_start3A_451 : memref<1x128x8xf32, #tpu.memory_space<vmem>> -> memref<128x8xf32, #tpu.memory_space<vmem>>
      %dma_start3A_453 = arith.constant 0 : i32
      %dma_start3A_454 = tpu.memref_slice %arg7[%add3A_432, %dma_start3A_453] : memref<80x128xi32, #tpu.memory_space<vmem>> -> memref<1x128xi32, #tpu.memory_space<vmem>>
      %dma_start3A_455 = tpu.memref_squeeze %dma_start3A_454 : memref<1x128xi32, #tpu.memory_space<vmem>> -> memref<128xi32, #tpu.memory_space<vmem>>
      %dma_start3A_456 = arith.constant 0 : i32
      %dma_start3A_457 = arith.constant 0 : i32
      %dma_start3A_458 = tpu.memref_slice %arg9[%dma_start3A_456, %dma_start3A_457] : memref<10240x8xf32, #tpu.memory_space<vmem_shared>> -> memref<10240x8xf32, #tpu.memory_space<vmem_shared>>
      %dma_start3A_459 = tpu.memref_slice %arg12[%dma_start3A_448] : memref<8x!tpu.dma_semaphore, #tpu.memory_space<semaphore_mem>> -> memref<1x!tpu.dma_semaphore, #tpu.memory_space<semaphore_mem>>
      %dma_start3A_460 = tpu.memref_squeeze %dma_start3A_459 : memref<1x!tpu.dma_semaphore, #tpu.memory_space<semaphore_mem>> -> memref<!tpu.dma_semaphore, #tpu.memory_space<semaphore_mem>>
      tpu.enqueue_indirect_dma source(%dma_start3A_452 : memref<128x8xf32, #tpu.memory_space<vmem>>) target(%dma_start3A_458 : memref<10240x8xf32, #tpu.memory_space<vmem_shared>>) offsets(%dma_start3A_455 : memref<128xi32, #tpu.memory_space<vmem>>) semaphore(%dma_start3A_460 : memref<!tpu.dma_semaphore, #tpu.memory_space<semaphore_mem>>) {add = true}
      %sub3A_461 = arith.constant 1 : i32
      %sub3A_462 = arith.subi %add3A_432, %sub3A_461 : i32
      %ge3A_463 = arith.constant 0 : i32
      %ge3A_464 = arith.cmpi sge, %sub3A_462, %ge3A_463 : i32
      %add3A_465 = arith.constant 8 : i32
      %add3A_466 = arith.addi %sub3A_462, %add3A_465 : i32
      %lt3A_467 = arith.constant 80 : i32
      %lt3A_468 = arith.cmpi slt, %add3A_466, %lt3A_467 : i32
      %and3A_469 = arith.andi %ge3A_464, %lt3A_468 : i1
      %convert_element_type3A_470 = arith.extui %and3A_469 : i1 to i32
      %cond3A_471 = arith.constant 0 : i32
      %cond3A_472 = arith.cmpi ne, %convert_element_type3A_470, %cond3A_471 : i32
      scf.if %cond3A_472 {
        %dma_wait3A_605 = arith.constant 3 : i32
        %dma_wait3A_606 = arith.constant 3 : i32
        %dma_wait3A_607 = arith.constant 0 : i32
        %dma_wait3A_608 = arith.constant 0 : i32
        %dma_wait3A_609 = tpu.memref_slice %arg8[%dma_wait3A_605, %dma_wait3A_607, %dma_wait3A_608] : memref<8x128x8xf32, #tpu.memory_space<vmem>> -> memref<1x128x8xf32, #tpu.memory_space<vmem>>
        %dma_wait3A_610 = tpu.memref_squeeze %dma_wait3A_609 : memref<1x128x8xf32, #tpu.memory_space<vmem>> -> memref<128x8xf32, #tpu.memory_space<vmem>>
        %dma_wait3A_611 = arith.constant 0 : i32
        %dma_wait3A_612 = tpu.memref_slice %arg7[%sub3A_462, %dma_wait3A_611] : memref<80x128xi32, #tpu.memory_space<vmem>> -> memref<1x128xi32, #tpu.memory_space<vmem>>
        %dma_wait3A_613 = tpu.memref_squeeze %dma_wait3A_612 : memref<1x128xi32, #tpu.memory_space<vmem>> -> memref<128xi32, #tpu.memory_space<vmem>>
        %dma_wait3A_614 = arith.constant 0 : i32
        %dma_wait3A_615 = arith.constant 0 : i32
        %dma_wait3A_616 = tpu.memref_slice %arg9[%dma_wait3A_614, %dma_wait3A_615] : memref<10240x8xf32, #tpu.memory_space<vmem_shared>> -> memref<10240x8xf32, #tpu.memory_space<vmem_shared>>
        %dma_wait3A_617 = tpu.memref_slice %arg12[%dma_wait3A_606] : memref<8x!tpu.dma_semaphore, #tpu.memory_space<semaphore_mem>> -> memref<1x!tpu.dma_semaphore, #tpu.memory_space<semaphore_mem>>
        %dma_wait3A_618 = tpu.memref_squeeze %dma_wait3A_617 : memref<1x!tpu.dma_semaphore, #tpu.memory_space<semaphore_mem>> -> memref<!tpu.dma_semaphore, #tpu.memory_space<semaphore_mem>>
        tpu.wait_indirect_dma semaphore(%dma_wait3A_618 : memref<!tpu.dma_semaphore, #tpu.memory_space<semaphore_mem>>) src(%dma_wait3A_610 : memref<128x8xf32, #tpu.memory_space<vmem>>) dst(%dma_wait3A_616 : memref<10240x8xf32, #tpu.memory_space<vmem_shared>>)
        %add3A_619 = arith.constant 8 : i32
        %add3A_620 = arith.addi %sub3A_462, %add3A_619 : i32
        %dma_start3A_621 = arith.constant 3 : i32
        %dma_start3A_622 = arith.constant 3 : i32
        %dma_start3A_623 = arith.constant 0 : i32
        %dma_start3A_624 = arith.constant 0 : i32
        %dma_start3A_625 = tpu.memref_slice %arg8[%dma_start3A_621, %dma_start3A_623, %dma_start3A_624] : memref<8x128x8xf32, #tpu.memory_space<vmem>> -> memref<1x128x8xf32, #tpu.memory_space<vmem>>
        %dma_start3A_626 = tpu.memref_squeeze %dma_start3A_625 : memref<1x128x8xf32, #tpu.memory_space<vmem>> -> memref<128x8xf32, #tpu.memory_space<vmem>>
        %dma_start3A_627 = arith.constant 0 : i32
        %dma_start3A_628 = tpu.memref_slice %arg6[%add3A_620, %dma_start3A_627] : memref<80x128xi32, #tpu.memory_space<vmem>> -> memref<1x128xi32, #tpu.memory_space<vmem>>
        %dma_start3A_629 = tpu.memref_squeeze %dma_start3A_628 : memref<1x128xi32, #tpu.memory_space<vmem>> -> memref<128xi32, #tpu.memory_space<vmem>>
        %dma_start3A_630 = arith.constant 0 : i32
        %dma_start3A_631 = arith.constant 0 : i32
        %dma_start3A_632 = tpu.memref_slice %arg10[%dma_start3A_630, %dma_start3A_631] : memref<10240x8xf32, #tpu.memory_space<vmem_shared>> -> memref<10240x8xf32, #tpu.memory_space<vmem_shared>>
        %dma_start3A_633 = tpu.memref_slice %arg11[%dma_start3A_622] : memref<8x!tpu.dma_semaphore, #tpu.memory_space<semaphore_mem>> -> memref<1x!tpu.dma_semaphore, #tpu.memory_space<semaphore_mem>>
        %dma_start3A_634 = tpu.memref_squeeze %dma_start3A_633 : memref<1x!tpu.dma_semaphore, #tpu.memory_space<semaphore_mem>> -> memref<!tpu.dma_semaphore, #tpu.memory_space<semaphore_mem>>
        tpu.enqueue_indirect_dma source(%dma_start3A_632 : memref<10240x8xf32, #tpu.memory_space<vmem_shared>>) target(%dma_start3A_626 : memref<128x8xf32, #tpu.memory_space<vmem>>) offsets(%dma_start3A_629 : memref<128xi32, #tpu.memory_space<vmem>>) semaphore(%dma_start3A_634 : memref<!tpu.dma_semaphore, #tpu.memory_space<semaphore_mem>>)
      } else {
      }
      %mul3A_473 = arith.constant 8 : i32
      %mul3A_474 = arith.muli %scan3A_259, %mul3A_473 : i32
      %add3A_475 = arith.constant 5 : i32
      %add3A_476 = arith.addi %mul3A_474, %add3A_475 : i32
      %dma_wait3A_477 = arith.constant 5 : i32
      %dma_wait3A_478 = arith.constant 5 : i32
      %dma_wait3A_479 = arith.constant 0 : i32
      %dma_wait3A_480 = arith.constant 0 : i32
      %dma_wait3A_481 = tpu.memref_slice %arg8[%dma_wait3A_477, %dma_wait3A_479, %dma_wait3A_480] : memref<8x128x8xf32, #tpu.memory_space<vmem>> -> memref<1x128x8xf32, #tpu.memory_space<vmem>>
      %dma_wait3A_482 = tpu.memref_squeeze %dma_wait3A_481 : memref<1x128x8xf32, #tpu.memory_space<vmem>> -> memref<128x8xf32, #tpu.memory_space<vmem>>
      %dma_wait3A_483 = arith.constant 0 : i32
      %dma_wait3A_484 = tpu.memref_slice %arg6[%add3A_476, %dma_wait3A_483] : memref<80x128xi32, #tpu.memory_space<vmem>> -> memref<1x128xi32, #tpu.memory_space<vmem>>
      %dma_wait3A_485 = tpu.memref_squeeze %dma_wait3A_484 : memref<1x128xi32, #tpu.memory_space<vmem>> -> memref<128xi32, #tpu.memory_space<vmem>>
      %dma_wait3A_486 = arith.constant 0 : i32
      %dma_wait3A_487 = arith.constant 0 : i32
      %dma_wait3A_488 = tpu.memref_slice %arg10[%dma_wait3A_486, %dma_wait3A_487] : memref<10240x8xf32, #tpu.memory_space<vmem_shared>> -> memref<10240x8xf32, #tpu.memory_space<vmem_shared>>
      %dma_wait3A_489 = tpu.memref_slice %arg11[%dma_wait3A_478] : memref<8x!tpu.dma_semaphore, #tpu.memory_space<semaphore_mem>> -> memref<1x!tpu.dma_semaphore, #tpu.memory_space<semaphore_mem>>
      %dma_wait3A_490 = tpu.memref_squeeze %dma_wait3A_489 : memref<1x!tpu.dma_semaphore, #tpu.memory_space<semaphore_mem>> -> memref<!tpu.dma_semaphore, #tpu.memory_space<semaphore_mem>>
      tpu.wait_indirect_dma semaphore(%dma_wait3A_490 : memref<!tpu.dma_semaphore, #tpu.memory_space<semaphore_mem>>) src(%dma_wait3A_488 : memref<10240x8xf32, #tpu.memory_space<vmem_shared>>) dst(%dma_wait3A_482 : memref<128x8xf32, #tpu.memory_space<vmem>>)
      %dma_start3A_491 = arith.constant 5 : i32
      %dma_start3A_492 = arith.constant 5 : i32
      %dma_start3A_493 = arith.constant 0 : i32
      %dma_start3A_494 = arith.constant 0 : i32
      %dma_start3A_495 = tpu.memref_slice %arg8[%dma_start3A_491, %dma_start3A_493, %dma_start3A_494] : memref<8x128x8xf32, #tpu.memory_space<vmem>> -> memref<1x128x8xf32, #tpu.memory_space<vmem>>
      %dma_start3A_496 = tpu.memref_squeeze %dma_start3A_495 : memref<1x128x8xf32, #tpu.memory_space<vmem>> -> memref<128x8xf32, #tpu.memory_space<vmem>>
      %dma_start3A_497 = arith.constant 0 : i32
      %dma_start3A_498 = tpu.memref_slice %arg7[%add3A_476, %dma_start3A_497] : memref<80x128xi32, #tpu.memory_space<vmem>> -> memref<1x128xi32, #tpu.memory_space<vmem>>
      %dma_start3A_499 = tpu.memref_squeeze %dma_start3A_498 : memref<1x128xi32, #tpu.memory_space<vmem>> -> memref<128xi32, #tpu.memory_space<vmem>>
      %dma_start3A_500 = arith.constant 0 : i32
      %dma_start3A_501 = arith.constant 0 : i32
      %dma_start3A_502 = tpu.memref_slice %arg9[%dma_start3A_500, %dma_start3A_501] : memref<10240x8xf32, #tpu.memory_space<vmem_shared>> -> memref<10240x8xf32, #tpu.memory_space<vmem_shared>>
      %dma_start3A_503 = tpu.memref_slice %arg12[%dma_start3A_492] : memref<8x!tpu.dma_semaphore, #tpu.memory_space<semaphore_mem>> -> memref<1x!tpu.dma_semaphore, #tpu.memory_space<semaphore_mem>>
      %dma_start3A_504 = tpu.memref_squeeze %dma_start3A_503 : memref<1x!tpu.dma_semaphore, #tpu.memory_space<semaphore_mem>> -> memref<!tpu.dma_semaphore, #tpu.memory_space<semaphore_mem>>
      tpu.enqueue_indirect_dma source(%dma_start3A_496 : memref<128x8xf32, #tpu.memory_space<vmem>>) target(%dma_start3A_502 : memref<10240x8xf32, #tpu.memory_space<vmem_shared>>) offsets(%dma_start3A_499 : memref<128xi32, #tpu.memory_space<vmem>>) semaphore(%dma_start3A_504 : memref<!tpu.dma_semaphore, #tpu.memory_space<semaphore_mem>>) {add = true}
      %sub3A_505 = arith.constant 1 : i32
      %sub3A_506 = arith.subi %add3A_476, %sub3A_505 : i32
      %ge3A_507 = arith.constant 0 : i32
      %ge3A_508 = arith.cmpi sge, %sub3A_506, %ge3A_507 : i32
      %add3A_509 = arith.constant 8 : i32
      %add3A_510 = arith.addi %sub3A_506, %add3A_509 : i32
      %lt3A_511 = arith.constant 80 : i32
      %lt3A_512 = arith.cmpi slt, %add3A_510, %lt3A_511 : i32
      %and3A_513 = arith.andi %ge3A_508, %lt3A_512 : i1
      %convert_element_type3A_514 = arith.extui %and3A_513 : i1 to i32
      %cond3A_515 = arith.constant 0 : i32
      %cond3A_516 = arith.cmpi ne, %convert_element_type3A_514, %cond3A_515 : i32
      scf.if %cond3A_516 {
        %dma_wait3A_605 = arith.constant 4 : i32
        %dma_wait3A_606 = arith.constant 4 : i32
        %dma_wait3A_607 = arith.constant 0 : i32
        %dma_wait3A_608 = arith.constant 0 : i32
        %dma_wait3A_609 = tpu.memref_slice %arg8[%dma_wait3A_605, %dma_wait3A_607, %dma_wait3A_608] : memref<8x128x8xf32, #tpu.memory_space<vmem>> -> memref<1x128x8xf32, #tpu.memory_space<vmem>>
        %dma_wait3A_610 = tpu.memref_squeeze %dma_wait3A_609 : memref<1x128x8xf32, #tpu.memory_space<vmem>> -> memref<128x8xf32, #tpu.memory_space<vmem>>
        %dma_wait3A_611 = arith.constant 0 : i32
        %dma_wait3A_612 = tpu.memref_slice %arg7[%sub3A_506, %dma_wait3A_611] : memref<80x128xi32, #tpu.memory_space<vmem>> -> memref<1x128xi32, #tpu.memory_space<vmem>>
        %dma_wait3A_613 = tpu.memref_squeeze %dma_wait3A_612 : memref<1x128xi32, #tpu.memory_space<vmem>> -> memref<128xi32, #tpu.memory_space<vmem>>
        %dma_wait3A_614 = arith.constant 0 : i32
        %dma_wait3A_615 = arith.constant 0 : i32
        %dma_wait3A_616 = tpu.memref_slice %arg9[%dma_wait3A_614, %dma_wait3A_615] : memref<10240x8xf32, #tpu.memory_space<vmem_shared>> -> memref<10240x8xf32, #tpu.memory_space<vmem_shared>>
        %dma_wait3A_617 = tpu.memref_slice %arg12[%dma_wait3A_606] : memref<8x!tpu.dma_semaphore, #tpu.memory_space<semaphore_mem>> -> memref<1x!tpu.dma_semaphore, #tpu.memory_space<semaphore_mem>>
        %dma_wait3A_618 = tpu.memref_squeeze %dma_wait3A_617 : memref<1x!tpu.dma_semaphore, #tpu.memory_space<semaphore_mem>> -> memref<!tpu.dma_semaphore, #tpu.memory_space<semaphore_mem>>
        tpu.wait_indirect_dma semaphore(%dma_wait3A_618 : memref<!tpu.dma_semaphore, #tpu.memory_space<semaphore_mem>>) src(%dma_wait3A_610 : memref<128x8xf32, #tpu.memory_space<vmem>>) dst(%dma_wait3A_616 : memref<10240x8xf32, #tpu.memory_space<vmem_shared>>)
        %add3A_619 = arith.constant 8 : i32
        %add3A_620 = arith.addi %sub3A_506, %add3A_619 : i32
        %dma_start3A_621 = arith.constant 4 : i32
        %dma_start3A_622 = arith.constant 4 : i32
        %dma_start3A_623 = arith.constant 0 : i32
        %dma_start3A_624 = arith.constant 0 : i32
        %dma_start3A_625 = tpu.memref_slice %arg8[%dma_start3A_621, %dma_start3A_623, %dma_start3A_624] : memref<8x128x8xf32, #tpu.memory_space<vmem>> -> memref<1x128x8xf32, #tpu.memory_space<vmem>>
        %dma_start3A_626 = tpu.memref_squeeze %dma_start3A_625 : memref<1x128x8xf32, #tpu.memory_space<vmem>> -> memref<128x8xf32, #tpu.memory_space<vmem>>
        %dma_start3A_627 = arith.constant 0 : i32
        %dma_start3A_628 = tpu.memref_slice %arg6[%add3A_620, %dma_start3A_627] : memref<80x128xi32, #tpu.memory_space<vmem>> -> memref<1x128xi32, #tpu.memory_space<vmem>>
        %dma_start3A_629 = tpu.memref_squeeze %dma_start3A_628 : memref<1x128xi32, #tpu.memory_space<vmem>> -> memref<128xi32, #tpu.memory_space<vmem>>
        %dma_start3A_630 = arith.constant 0 : i32
        %dma_start3A_631 = arith.constant 0 : i32
        %dma_start3A_632 = tpu.memref_slice %arg10[%dma_start3A_630, %dma_start3A_631] : memref<10240x8xf32, #tpu.memory_space<vmem_shared>> -> memref<10240x8xf32, #tpu.memory_space<vmem_shared>>
        %dma_start3A_633 = tpu.memref_slice %arg11[%dma_start3A_622] : memref<8x!tpu.dma_semaphore, #tpu.memory_space<semaphore_mem>> -> memref<1x!tpu.dma_semaphore, #tpu.memory_space<semaphore_mem>>
        %dma_start3A_634 = tpu.memref_squeeze %dma_start3A_633 : memref<1x!tpu.dma_semaphore, #tpu.memory_space<semaphore_mem>> -> memref<!tpu.dma_semaphore, #tpu.memory_space<semaphore_mem>>
        tpu.enqueue_indirect_dma source(%dma_start3A_632 : memref<10240x8xf32, #tpu.memory_space<vmem_shared>>) target(%dma_start3A_626 : memref<128x8xf32, #tpu.memory_space<vmem>>) offsets(%dma_start3A_629 : memref<128xi32, #tpu.memory_space<vmem>>) semaphore(%dma_start3A_634 : memref<!tpu.dma_semaphore, #tpu.memory_space<semaphore_mem>>)
      } else {
      }
      %mul3A_517 = arith.constant 8 : i32
      %mul3A_518 = arith.muli %scan3A_259, %mul3A_517 : i32
      %add3A_519 = arith.constant 6 : i32
      %add3A_520 = arith.addi %mul3A_518, %add3A_519 : i32
      %dma_wait3A_521 = arith.constant 6 : i32
      %dma_wait3A_522 = arith.constant 6 : i32
      %dma_wait3A_523 = arith.constant 0 : i32
      %dma_wait3A_524 = arith.constant 0 : i32
      %dma_wait3A_525 = tpu.memref_slice %arg8[%dma_wait3A_521, %dma_wait3A_523, %dma_wait3A_524] : memref<8x128x8xf32, #tpu.memory_space<vmem>> -> memref<1x128x8xf32, #tpu.memory_space<vmem>>
      %dma_wait3A_526 = tpu.memref_squeeze %dma_wait3A_525 : memref<1x128x8xf32, #tpu.memory_space<vmem>> -> memref<128x8xf32, #tpu.memory_space<vmem>>
      %dma_wait3A_527 = arith.constant 0 : i32
      %dma_wait3A_528 = tpu.memref_slice %arg6[%add3A_520, %dma_wait3A_527] : memref<80x128xi32, #tpu.memory_space<vmem>> -> memref<1x128xi32, #tpu.memory_space<vmem>>
      %dma_wait3A_529 = tpu.memref_squeeze %dma_wait3A_528 : memref<1x128xi32, #tpu.memory_space<vmem>> -> memref<128xi32, #tpu.memory_space<vmem>>
      %dma_wait3A_530 = arith.constant 0 : i32
      %dma_wait3A_531 = arith.constant 0 : i32
      %dma_wait3A_532 = tpu.memref_slice %arg10[%dma_wait3A_530, %dma_wait3A_531] : memref<10240x8xf32, #tpu.memory_space<vmem_shared>> -> memref<10240x8xf32, #tpu.memory_space<vmem_shared>>
      %dma_wait3A_533 = tpu.memref_slice %arg11[%dma_wait3A_522] : memref<8x!tpu.dma_semaphore, #tpu.memory_space<semaphore_mem>> -> memref<1x!tpu.dma_semaphore, #tpu.memory_space<semaphore_mem>>
      %dma_wait3A_534 = tpu.memref_squeeze %dma_wait3A_533 : memref<1x!tpu.dma_semaphore, #tpu.memory_space<semaphore_mem>> -> memref<!tpu.dma_semaphore, #tpu.memory_space<semaphore_mem>>
      tpu.wait_indirect_dma semaphore(%dma_wait3A_534 : memref<!tpu.dma_semaphore, #tpu.memory_space<semaphore_mem>>) src(%dma_wait3A_532 : memref<10240x8xf32, #tpu.memory_space<vmem_shared>>) dst(%dma_wait3A_526 : memref<128x8xf32, #tpu.memory_space<vmem>>)
      %dma_start3A_535 = arith.constant 6 : i32
      %dma_start3A_536 = arith.constant 6 : i32
      %dma_start3A_537 = arith.constant 0 : i32
      %dma_start3A_538 = arith.constant 0 : i32
      %dma_start3A_539 = tpu.memref_slice %arg8[%dma_start3A_535, %dma_start3A_537, %dma_start3A_538] : memref<8x128x8xf32, #tpu.memory_space<vmem>> -> memref<1x128x8xf32, #tpu.memory_space<vmem>>
      %dma_start3A_540 = tpu.memref_squeeze %dma_start3A_539 : memref<1x128x8xf32, #tpu.memory_space<vmem>> -> memref<128x8xf32, #tpu.memory_space<vmem>>
      %dma_start3A_541 = arith.constant 0 : i32
      %dma_start3A_542 = tpu.memref_slice %arg7[%add3A_520, %dma_start3A_541] : memref<80x128xi32, #tpu.memory_space<vmem>> -> memref<1x128xi32, #tpu.memory_space<vmem>>
      %dma_start3A_543 = tpu.memref_squeeze %dma_start3A_542 : memref<1x128xi32, #tpu.memory_space<vmem>> -> memref<128xi32, #tpu.memory_space<vmem>>
      %dma_start3A_544 = arith.constant 0 : i32
      %dma_start3A_545 = arith.constant 0 : i32
      %dma_start3A_546 = tpu.memref_slice %arg9[%dma_start3A_544, %dma_start3A_545] : memref<10240x8xf32, #tpu.memory_space<vmem_shared>> -> memref<10240x8xf32, #tpu.memory_space<vmem_shared>>
      %dma_start3A_547 = tpu.memref_slice %arg12[%dma_start3A_536] : memref<8x!tpu.dma_semaphore, #tpu.memory_space<semaphore_mem>> -> memref<1x!tpu.dma_semaphore, #tpu.memory_space<semaphore_mem>>
      %dma_start3A_548 = tpu.memref_squeeze %dma_start3A_547 : memref<1x!tpu.dma_semaphore, #tpu.memory_space<semaphore_mem>> -> memref<!tpu.dma_semaphore, #tpu.memory_space<semaphore_mem>>
      tpu.enqueue_indirect_dma source(%dma_start3A_540 : memref<128x8xf32, #tpu.memory_space<vmem>>) target(%dma_start3A_546 : memref<10240x8xf32, #tpu.memory_space<vmem_shared>>) offsets(%dma_start3A_543 : memref<128xi32, #tpu.memory_space<vmem>>) semaphore(%dma_start3A_548 : memref<!tpu.dma_semaphore, #tpu.memory_space<semaphore_mem>>) {add = true}
      %sub3A_549 = arith.constant 1 : i32
      %sub3A_550 = arith.subi %add3A_520, %sub3A_549 : i32
      %ge3A_551 = arith.constant 0 : i32
      %ge3A_552 = arith.cmpi sge, %sub3A_550, %ge3A_551 : i32
      %add3A_553 = arith.constant 8 : i32
      %add3A_554 = arith.addi %sub3A_550, %add3A_553 : i32
      %lt3A_555 = arith.constant 80 : i32
      %lt3A_556 = arith.cmpi slt, %add3A_554, %lt3A_555 : i32
      %and3A_557 = arith.andi %ge3A_552, %lt3A_556 : i1
      %convert_element_type3A_558 = arith.extui %and3A_557 : i1 to i32
      %cond3A_559 = arith.constant 0 : i32
      %cond3A_560 = arith.cmpi ne, %convert_element_type3A_558, %cond3A_559 : i32
      scf.if %cond3A_560 {
        %dma_wait3A_605 = arith.constant 5 : i32
        %dma_wait3A_606 = arith.constant 5 : i32
        %dma_wait3A_607 = arith.constant 0 : i32
        %dma_wait3A_608 = arith.constant 0 : i32
        %dma_wait3A_609 = tpu.memref_slice %arg8[%dma_wait3A_605, %dma_wait3A_607, %dma_wait3A_608] : memref<8x128x8xf32, #tpu.memory_space<vmem>> -> memref<1x128x8xf32, #tpu.memory_space<vmem>>
        %dma_wait3A_610 = tpu.memref_squeeze %dma_wait3A_609 : memref<1x128x8xf32, #tpu.memory_space<vmem>> -> memref<128x8xf32, #tpu.memory_space<vmem>>
        %dma_wait3A_611 = arith.constant 0 : i32
        %dma_wait3A_612 = tpu.memref_slice %arg7[%sub3A_550, %dma_wait3A_611] : memref<80x128xi32, #tpu.memory_space<vmem>> -> memref<1x128xi32, #tpu.memory_space<vmem>>
        %dma_wait3A_613 = tpu.memref_squeeze %dma_wait3A_612 : memref<1x128xi32, #tpu.memory_space<vmem>> -> memref<128xi32, #tpu.memory_space<vmem>>
        %dma_wait3A_614 = arith.constant 0 : i32
        %dma_wait3A_615 = arith.constant 0 : i32
        %dma_wait3A_616 = tpu.memref_slice %arg9[%dma_wait3A_614, %dma_wait3A_615] : memref<10240x8xf32, #tpu.memory_space<vmem_shared>> -> memref<10240x8xf32, #tpu.memory_space<vmem_shared>>
        %dma_wait3A_617 = tpu.memref_slice %arg12[%dma_wait3A_606] : memref<8x!tpu.dma_semaphore, #tpu.memory_space<semaphore_mem>> -> memref<1x!tpu.dma_semaphore, #tpu.memory_space<semaphore_mem>>
        %dma_wait3A_618 = tpu.memref_squeeze %dma_wait3A_617 : memref<1x!tpu.dma_semaphore, #tpu.memory_space<semaphore_mem>> -> memref<!tpu.dma_semaphore, #tpu.memory_space<semaphore_mem>>
        tpu.wait_indirect_dma semaphore(%dma_wait3A_618 : memref<!tpu.dma_semaphore, #tpu.memory_space<semaphore_mem>>) src(%dma_wait3A_610 : memref<128x8xf32, #tpu.memory_space<vmem>>) dst(%dma_wait3A_616 : memref<10240x8xf32, #tpu.memory_space<vmem_shared>>)
        %add3A_619 = arith.constant 8 : i32
        %add3A_620 = arith.addi %sub3A_550, %add3A_619 : i32
        %dma_start3A_621 = arith.constant 5 : i32
        %dma_start3A_622 = arith.constant 5 : i32
        %dma_start3A_623 = arith.constant 0 : i32
        %dma_start3A_624 = arith.constant 0 : i32
        %dma_start3A_625 = tpu.memref_slice %arg8[%dma_start3A_621, %dma_start3A_623, %dma_start3A_624] : memref<8x128x8xf32, #tpu.memory_space<vmem>> -> memref<1x128x8xf32, #tpu.memory_space<vmem>>
        %dma_start3A_626 = tpu.memref_squeeze %dma_start3A_625 : memref<1x128x8xf32, #tpu.memory_space<vmem>> -> memref<128x8xf32, #tpu.memory_space<vmem>>
        %dma_start3A_627 = arith.constant 0 : i32
        %dma_start3A_628 = tpu.memref_slice %arg6[%add3A_620, %dma_start3A_627] : memref<80x128xi32, #tpu.memory_space<vmem>> -> memref<1x128xi32, #tpu.memory_space<vmem>>
        %dma_start3A_629 = tpu.memref_squeeze %dma_start3A_628 : memref<1x128xi32, #tpu.memory_space<vmem>> -> memref<128xi32, #tpu.memory_space<vmem>>
        %dma_start3A_630 = arith.constant 0 : i32
        %dma_start3A_631 = arith.constant 0 : i32
        %dma_start3A_632 = tpu.memref_slice %arg10[%dma_start3A_630, %dma_start3A_631] : memref<10240x8xf32, #tpu.memory_space<vmem_shared>> -> memref<10240x8xf32, #tpu.memory_space<vmem_shared>>
        %dma_start3A_633 = tpu.memref_slice %arg11[%dma_start3A_622] : memref<8x!tpu.dma_semaphore, #tpu.memory_space<semaphore_mem>> -> memref<1x!tpu.dma_semaphore, #tpu.memory_space<semaphore_mem>>
        %dma_start3A_634 = tpu.memref_squeeze %dma_start3A_633 : memref<1x!tpu.dma_semaphore, #tpu.memory_space<semaphore_mem>> -> memref<!tpu.dma_semaphore, #tpu.memory_space<semaphore_mem>>
        tpu.enqueue_indirect_dma source(%dma_start3A_632 : memref<10240x8xf32, #tpu.memory_space<vmem_shared>>) target(%dma_start3A_626 : memref<128x8xf32, #tpu.memory_space<vmem>>) offsets(%dma_start3A_629 : memref<128xi32, #tpu.memory_space<vmem>>) semaphore(%dma_start3A_634 : memref<!tpu.dma_semaphore, #tpu.memory_space<semaphore_mem>>)
      } else {
      }
      %mul3A_561 = arith.constant 8 : i32
      %mul3A_562 = arith.muli %scan3A_259, %mul3A_561 : i32
      %add3A_563 = arith.constant 7 : i32
      %add3A_564 = arith.addi %mul3A_562, %add3A_563 : i32
      %dma_wait3A_565 = arith.constant 7 : i32
      %dma_wait3A_566 = arith.constant 7 : i32
      %dma_wait3A_567 = arith.constant 0 : i32
      %dma_wait3A_568 = arith.constant 0 : i32
      %dma_wait3A_569 = tpu.memref_slice %arg8[%dma_wait3A_565, %dma_wait3A_567, %dma_wait3A_568] : memref<8x128x8xf32, #tpu.memory_space<vmem>> -> memref<1x128x8xf32, #tpu.memory_space<vmem>>
      %dma_wait3A_570 = tpu.memref_squeeze %dma_wait3A_569 : memref<1x128x8xf32, #tpu.memory_space<vmem>> -> memref<128x8xf32, #tpu.memory_space<vmem>>
      %dma_wait3A_571 = arith.constant 0 : i32
      %dma_wait3A_572 = tpu.memref_slice %arg6[%add3A_564, %dma_wait3A_571] : memref<80x128xi32, #tpu.memory_space<vmem>> -> memref<1x128xi32, #tpu.memory_space<vmem>>
      %dma_wait3A_573 = tpu.memref_squeeze %dma_wait3A_572 : memref<1x128xi32, #tpu.memory_space<vmem>> -> memref<128xi32, #tpu.memory_space<vmem>>
      %dma_wait3A_574 = arith.constant 0 : i32
      %dma_wait3A_575 = arith.constant 0 : i32
      %dma_wait3A_576 = tpu.memref_slice %arg10[%dma_wait3A_574, %dma_wait3A_575] : memref<10240x8xf32, #tpu.memory_space<vmem_shared>> -> memref<10240x8xf32, #tpu.memory_space<vmem_shared>>
      %dma_wait3A_577 = tpu.memref_slice %arg11[%dma_wait3A_566] : memref<8x!tpu.dma_semaphore, #tpu.memory_space<semaphore_mem>> -> memref<1x!tpu.dma_semaphore, #tpu.memory_space<semaphore_mem>>
      %dma_wait3A_578 = tpu.memref_squeeze %dma_wait3A_577 : memref<1x!tpu.dma_semaphore, #tpu.memory_space<semaphore_mem>> -> memref<!tpu.dma_semaphore, #tpu.memory_space<semaphore_mem>>
      tpu.wait_indirect_dma semaphore(%dma_wait3A_578 : memref<!tpu.dma_semaphore, #tpu.memory_space<semaphore_mem>>) src(%dma_wait3A_576 : memref<10240x8xf32, #tpu.memory_space<vmem_shared>>) dst(%dma_wait3A_570 : memref<128x8xf32, #tpu.memory_space<vmem>>)
      %dma_start3A_579 = arith.constant 7 : i32
      %dma_start3A_580 = arith.constant 7 : i32
      %dma_start3A_581 = arith.constant 0 : i32
      %dma_start3A_582 = arith.constant 0 : i32
      %dma_start3A_583 = tpu.memref_slice %arg8[%dma_start3A_579, %dma_start3A_581, %dma_start3A_582] : memref<8x128x8xf32, #tpu.memory_space<vmem>> -> memref<1x128x8xf32, #tpu.memory_space<vmem>>
      %dma_start3A_584 = tpu.memref_squeeze %dma_start3A_583 : memref<1x128x8xf32, #tpu.memory_space<vmem>> -> memref<128x8xf32, #tpu.memory_space<vmem>>
      %dma_start3A_585 = arith.constant 0 : i32
      %dma_start3A_586 = tpu.memref_slice %arg7[%add3A_564, %dma_start3A_585] : memref<80x128xi32, #tpu.memory_space<vmem>> -> memref<1x128xi32, #tpu.memory_space<vmem>>
      %dma_start3A_587 = tpu.memref_squeeze %dma_start3A_586 : memref<1x128xi32, #tpu.memory_space<vmem>> -> memref<128xi32, #tpu.memory_space<vmem>>
      %dma_start3A_588 = arith.constant 0 : i32
      %dma_start3A_589 = arith.constant 0 : i32
      %dma_start3A_590 = tpu.memref_slice %arg9[%dma_start3A_588, %dma_start3A_589] : memref<10240x8xf32, #tpu.memory_space<vmem_shared>> -> memref<10240x8xf32, #tpu.memory_space<vmem_shared>>
      %dma_start3A_591 = tpu.memref_slice %arg12[%dma_start3A_580] : memref<8x!tpu.dma_semaphore, #tpu.memory_space<semaphore_mem>> -> memref<1x!tpu.dma_semaphore, #tpu.memory_space<semaphore_mem>>
      %dma_start3A_592 = tpu.memref_squeeze %dma_start3A_591 : memref<1x!tpu.dma_semaphore, #tpu.memory_space<semaphore_mem>> -> memref<!tpu.dma_semaphore, #tpu.memory_space<semaphore_mem>>
      tpu.enqueue_indirect_dma source(%dma_start3A_584 : memref<128x8xf32, #tpu.memory_space<vmem>>) target(%dma_start3A_590 : memref<10240x8xf32, #tpu.memory_space<vmem_shared>>) offsets(%dma_start3A_587 : memref<128xi32, #tpu.memory_space<vmem>>) semaphore(%dma_start3A_592 : memref<!tpu.dma_semaphore, #tpu.memory_space<semaphore_mem>>) {add = true}
      %sub3A_593 = arith.constant 1 : i32
      %sub3A_594 = arith.subi %add3A_564, %sub3A_593 : i32
      %ge3A_595 = arith.constant 0 : i32
      %ge3A_596 = arith.cmpi sge, %sub3A_594, %ge3A_595 : i32
      %add3A_597 = arith.constant 8 : i32
      %add3A_598 = arith.addi %sub3A_594, %add3A_597 : i32
      %lt3A_599 = arith.constant 80 : i32
      %lt3A_600 = arith.cmpi slt, %add3A_598, %lt3A_599 : i32
      %and3A_601 = arith.andi %ge3A_596, %lt3A_600 : i1
      %convert_element_type3A_602 = arith.extui %and3A_601 : i1 to i32
      %cond3A_603 = arith.constant 0 : i32
      %cond3A_604 = arith.cmpi ne, %convert_element_type3A_602, %cond3A_603 : i32
      scf.if %cond3A_604 {
        %dma_wait3A_605 = arith.constant 6 : i32
        %dma_wait3A_606 = arith.constant 6 : i32
        %dma_wait3A_607 = arith.constant 0 : i32
        %dma_wait3A_608 = arith.constant 0 : i32
        %dma_wait3A_609 = tpu.memref_slice %arg8[%dma_wait3A_605, %dma_wait3A_607, %dma_wait3A_608] : memref<8x128x8xf32, #tpu.memory_space<vmem>> -> memref<1x128x8xf32, #tpu.memory_space<vmem>>
        %dma_wait3A_610 = tpu.memref_squeeze %dma_wait3A_609 : memref<1x128x8xf32, #tpu.memory_space<vmem>> -> memref<128x8xf32, #tpu.memory_space<vmem>>
        %dma_wait3A_611 = arith.constant 0 : i32
        %dma_wait3A_612 = tpu.memref_slice %arg7[%sub3A_594, %dma_wait3A_611] : memref<80x128xi32, #tpu.memory_space<vmem>> -> memref<1x128xi32, #tpu.memory_space<vmem>>
        %dma_wait3A_613 = tpu.memref_squeeze %dma_wait3A_612 : memref<1x128xi32, #tpu.memory_space<vmem>> -> memref<128xi32, #tpu.memory_space<vmem>>
        %dma_wait3A_614 = arith.constant 0 : i32
        %dma_wait3A_615 = arith.constant 0 : i32
        %dma_wait3A_616 = tpu.memref_slice %arg9[%dma_wait3A_614, %dma_wait3A_615] : memref<10240x8xf32, #tpu.memory_space<vmem_shared>> -> memref<10240x8xf32, #tpu.memory_space<vmem_shared>>
        %dma_wait3A_617 = tpu.memref_slice %arg12[%dma_wait3A_606] : memref<8x!tpu.dma_semaphore, #tpu.memory_space<semaphore_mem>> -> memref<1x!tpu.dma_semaphore, #tpu.memory_space<semaphore_mem>>
        %dma_wait3A_618 = tpu.memref_squeeze %dma_wait3A_617 : memref<1x!tpu.dma_semaphore, #tpu.memory_space<semaphore_mem>> -> memref<!tpu.dma_semaphore, #tpu.memory_space<semaphore_mem>>
        tpu.wait_indirect_dma semaphore(%dma_wait3A_618 : memref<!tpu.dma_semaphore, #tpu.memory_space<semaphore_mem>>) src(%dma_wait3A_610 : memref<128x8xf32, #tpu.memory_space<vmem>>) dst(%dma_wait3A_616 : memref<10240x8xf32, #tpu.memory_space<vmem_shared>>)
        %add3A_619 = arith.constant 8 : i32
        %add3A_620 = arith.addi %sub3A_594, %add3A_619 : i32
        %dma_start3A_621 = arith.constant 6 : i32
        %dma_start3A_622 = arith.constant 6 : i32
        %dma_start3A_623 = arith.constant 0 : i32
        %dma_start3A_624 = arith.constant 0 : i32
        %dma_start3A_625 = tpu.memref_slice %arg8[%dma_start3A_621, %dma_start3A_623, %dma_start3A_624] : memref<8x128x8xf32, #tpu.memory_space<vmem>> -> memref<1x128x8xf32, #tpu.memory_space<vmem>>
        %dma_start3A_626 = tpu.memref_squeeze %dma_start3A_625 : memref<1x128x8xf32, #tpu.memory_space<vmem>> -> memref<128x8xf32, #tpu.memory_space<vmem>>
        %dma_start3A_627 = arith.constant 0 : i32
        %dma_start3A_628 = tpu.memref_slice %arg6[%add3A_620, %dma_start3A_627] : memref<80x128xi32, #tpu.memory_space<vmem>> -> memref<1x128xi32, #tpu.memory_space<vmem>>
        %dma_start3A_629 = tpu.memref_squeeze %dma_start3A_628 : memref<1x128xi32, #tpu.memory_space<vmem>> -> memref<128xi32, #tpu.memory_space<vmem>>
        %dma_start3A_630 = arith.constant 0 : i32
        %dma_start3A_631 = arith.constant 0 : i32
        %dma_start3A_632 = tpu.memref_slice %arg10[%dma_start3A_630, %dma_start3A_631] : memref<10240x8xf32, #tpu.memory_space<vmem_shared>> -> memref<10240x8xf32, #tpu.memory_space<vmem_shared>>
        %dma_start3A_633 = tpu.memref_slice %arg11[%dma_start3A_622] : memref<8x!tpu.dma_semaphore, #tpu.memory_space<semaphore_mem>> -> memref<1x!tpu.dma_semaphore, #tpu.memory_space<semaphore_mem>>
        %dma_start3A_634 = tpu.memref_squeeze %dma_start3A_633 : memref<1x!tpu.dma_semaphore, #tpu.memory_space<semaphore_mem>> -> memref<!tpu.dma_semaphore, #tpu.memory_space<semaphore_mem>>
        tpu.enqueue_indirect_dma source(%dma_start3A_632 : memref<10240x8xf32, #tpu.memory_space<vmem_shared>>) target(%dma_start3A_626 : memref<128x8xf32, #tpu.memory_space<vmem>>) offsets(%dma_start3A_629 : memref<128xi32, #tpu.memory_space<vmem>>) semaphore(%dma_start3A_634 : memref<!tpu.dma_semaphore, #tpu.memory_space<semaphore_mem>>)
      } else {
      }
    }
    %scan3A_134 = arith.constant 10 : i32
    %dma_wait3A = arith.constant 0 : i32
    %dma_wait3A_135 = arith.constant 72 : i32
    %dma_wait3A_136 = arith.constant 0 : i32
    %dma_wait3A_137 = arith.constant 0 : i32
    %dma_wait3A_138 = arith.constant 0 : i32
    %dma_wait3A_139 = tpu.memref_slice %arg8[%dma_wait3A, %dma_wait3A_137, %dma_wait3A_138] : memref<8x128x8xf32, #tpu.memory_space<vmem>> -> memref<1x128x8xf32, #tpu.memory_space<vmem>>
    %dma_wait3A_140 = tpu.memref_squeeze %dma_wait3A_139 : memref<1x128x8xf32, #tpu.memory_space<vmem>> -> memref<128x8xf32, #tpu.memory_space<vmem>>
    %dma_wait3A_141 = arith.constant 0 : i32
    %dma_wait3A_142 = tpu.memref_slice %arg7[%dma_wait3A_135, %dma_wait3A_141] : memref<80x128xi32, #tpu.memory_space<vmem>> -> memref<1x128xi32, #tpu.memory_space<vmem>>
    %dma_wait3A_143 = tpu.memref_squeeze %dma_wait3A_142 : memref<1x128xi32, #tpu.memory_space<vmem>> -> memref<128xi32, #tpu.memory_space<vmem>>
    %dma_wait3A_144 = arith.constant 0 : i32
    %dma_wait3A_145 = arith.constant 0 : i32
    %dma_wait3A_146 = tpu.memref_slice %arg9[%dma_wait3A_144, %dma_wait3A_145] : memref<10240x8xf32, #tpu.memory_space<vmem_shared>> -> memref<10240x8xf32, #tpu.memory_space<vmem_shared>>
    %dma_wait3A_147 = tpu.memref_slice %arg12[%dma_wait3A_136] : memref<8x!tpu.dma_semaphore, #tpu.memory_space<semaphore_mem>> -> memref<1x!tpu.dma_semaphore, #tpu.memory_space<semaphore_mem>>
    %dma_wait3A_148 = tpu.memref_squeeze %dma_wait3A_147 : memref<1x!tpu.dma_semaphore, #tpu.memory_space<semaphore_mem>> -> memref<!tpu.dma_semaphore, #tpu.memory_space<semaphore_mem>>
    tpu.wait_indirect_dma semaphore(%dma_wait3A_148 : memref<!tpu.dma_semaphore, #tpu.memory_space<semaphore_mem>>) src(%dma_wait3A_140 : memref<128x8xf32, #tpu.memory_space<vmem>>) dst(%dma_wait3A_146 : memref<10240x8xf32, #tpu.memory_space<vmem_shared>>)
    %dma_wait3A_149 = arith.constant 1 : i32
    %dma_wait3A_150 = arith.constant 73 : i32
    %dma_wait3A_151 = arith.constant 1 : i32
    %dma_wait3A_152 = arith.constant 0 : i32
    %dma_wait3A_153 = arith.constant 0 : i32
    %dma_wait3A_154 = tpu.memref_slice %arg8[%dma_wait3A_149, %dma_wait3A_152, %dma_wait3A_153] : memref<8x128x8xf32, #tpu.memory_space<vmem>> -> memref<1x128x8xf32, #tpu.memory_space<vmem>>
    %dma_wait3A_155 = tpu.memref_squeeze %dma_wait3A_154 : memref<1x128x8xf32, #tpu.memory_space<vmem>> -> memref<128x8xf32, #tpu.memory_space<vmem>>
    %dma_wait3A_156 = arith.constant 0 : i32
    %dma_wait3A_157 = tpu.memref_slice %arg7[%dma_wait3A_150, %dma_wait3A_156] : memref<80x128xi32, #tpu.memory_space<vmem>> -> memref<1x128xi32, #tpu.memory_space<vmem>>
    %dma_wait3A_158 = tpu.memref_squeeze %dma_wait3A_157 : memref<1x128xi32, #tpu.memory_space<vmem>> -> memref<128xi32, #tpu.memory_space<vmem>>
    %dma_wait3A_159 = arith.constant 0 : i32
    %dma_wait3A_160 = arith.constant 0 : i32
    %dma_wait3A_161 = tpu.memref_slice %arg9[%dma_wait3A_159, %dma_wait3A_160] : memref<10240x8xf32, #tpu.memory_space<vmem_shared>> -> memref<10240x8xf32, #tpu.memory_space<vmem_shared>>
    %dma_wait3A_162 = tpu.memref_slice %arg12[%dma_wait3A_151] : memref<8x!tpu.dma_semaphore, #tpu.memory_space<semaphore_mem>> -> memref<1x!tpu.dma_semaphore, #tpu.memory_space<semaphore_mem>>
    %dma_wait3A_163 = tpu.memref_squeeze %dma_wait3A_162 : memref<1x!tpu.dma_semaphore, #tpu.memory_space<semaphore_mem>> -> memref<!tpu.dma_semaphore, #tpu.memory_space<semaphore_mem>>
    tpu.wait_indirect_dma semaphore(%dma_wait3A_163 : memref<!tpu.dma_semaphore, #tpu.memory_space<semaphore_mem>>) src(%dma_wait3A_155 : memref<128x8xf32, #tpu.memory_space<vmem>>) dst(%dma_wait3A_161 : memref<10240x8xf32, #tpu.memory_space<vmem_shared>>)
    %dma_wait3A_164 = arith.constant 2 : i32
    %dma_wait3A_165 = arith.constant 74 : i32
    %dma_wait3A_166 = arith.constant 2 : i32
    %dma_wait3A_167 = arith.constant 0 : i32
    %dma_wait3A_168 = arith.constant 0 : i32
    %dma_wait3A_169 = tpu.memref_slice %arg8[%dma_wait3A_164, %dma_wait3A_167, %dma_wait3A_168] : memref<8x128x8xf32, #tpu.memory_space<vmem>> -> memref<1x128x8xf32, #tpu.memory_space<vmem>>
    %dma_wait3A_170 = tpu.memref_squeeze %dma_wait3A_169 : memref<1x128x8xf32, #tpu.memory_space<vmem>> -> memref<128x8xf32, #tpu.memory_space<vmem>>
    %dma_wait3A_171 = arith.constant 0 : i32
    %dma_wait3A_172 = tpu.memref_slice %arg7[%dma_wait3A_165, %dma_wait3A_171] : memref<80x128xi32, #tpu.memory_space<vmem>> -> memref<1x128xi32, #tpu.memory_space<vmem>>
    %dma_wait3A_173 = tpu.memref_squeeze %dma_wait3A_172 : memref<1x128xi32, #tpu.memory_space<vmem>> -> memref<128xi32, #tpu.memory_space<vmem>>
    %dma_wait3A_174 = arith.constant 0 : i32
    %dma_wait3A_175 = arith.constant 0 : i32
    %dma_wait3A_176 = tpu.memref_slice %arg9[%dma_wait3A_174, %dma_wait3A_175] : memref<10240x8xf32, #tpu.memory_space<vmem_shared>> -> memref<10240x8xf32, #tpu.memory_space<vmem_shared>>
    %dma_wait3A_177 = tpu.memref_slice %arg12[%dma_wait3A_166] : memref<8x!tpu.dma_semaphore, #tpu.memory_space<semaphore_mem>> -> memref<1x!tpu.dma_semaphore, #tpu.memory_space<semaphore_mem>>
    %dma_wait3A_178 = tpu.memref_squeeze %dma_wait3A_177 : memref<1x!tpu.dma_semaphore, #tpu.memory_space<semaphore_mem>> -> memref<!tpu.dma_semaphore, #tpu.memory_space<semaphore_mem>>
    tpu.wait_indirect_dma semaphore(%dma_wait3A_178 : memref<!tpu.dma_semaphore, #tpu.memory_space<semaphore_mem>>) src(%dma_wait3A_170 : memref<128x8xf32, #tpu.memory_space<vmem>>) dst(%dma_wait3A_176 : memref<10240x8xf32, #tpu.memory_space<vmem_shared>>)
    %dma_wait3A_179 = arith.constant 3 : i32
    %dma_wait3A_180 = arith.constant 75 : i32
    %dma_wait3A_181 = arith.constant 3 : i32
    %dma_wait3A_182 = arith.constant 0 : i32
    %dma_wait3A_183 = arith.constant 0 : i32
    %dma_wait3A_184 = tpu.memref_slice %arg8[%dma_wait3A_179, %dma_wait3A_182, %dma_wait3A_183] : memref<8x128x8xf32, #tpu.memory_space<vmem>> -> memref<1x128x8xf32, #tpu.memory_space<vmem>>
    %dma_wait3A_185 = tpu.memref_squeeze %dma_wait3A_184 : memref<1x128x8xf32, #tpu.memory_space<vmem>> -> memref<128x8xf32, #tpu.memory_space<vmem>>
    %dma_wait3A_186 = arith.constant 0 : i32
    %dma_wait3A_187 = tpu.memref_slice %arg7[%dma_wait3A_180, %dma_wait3A_186] : memref<80x128xi32, #tpu.memory_space<vmem>> -> memref<1x128xi32, #tpu.memory_space<vmem>>
    %dma_wait3A_188 = tpu.memref_squeeze %dma_wait3A_187 : memref<1x128xi32, #tpu.memory_space<vmem>> -> memref<128xi32, #tpu.memory_space<vmem>>
    %dma_wait3A_189 = arith.constant 0 : i32
    %dma_wait3A_190 = arith.constant 0 : i32
    %dma_wait3A_191 = tpu.memref_slice %arg9[%dma_wait3A_189, %dma_wait3A_190] : memref<10240x8xf32, #tpu.memory_space<vmem_shared>> -> memref<10240x8xf32, #tpu.memory_space<vmem_shared>>
    %dma_wait3A_192 = tpu.memref_slice %arg12[%dma_wait3A_181] : memref<8x!tpu.dma_semaphore, #tpu.memory_space<semaphore_mem>> -> memref<1x!tpu.dma_semaphore, #tpu.memory_space<semaphore_mem>>
    %dma_wait3A_193 = tpu.memref_squeeze %dma_wait3A_192 : memref<1x!tpu.dma_semaphore, #tpu.memory_space<semaphore_mem>> -> memref<!tpu.dma_semaphore, #tpu.memory_space<semaphore_mem>>
    tpu.wait_indirect_dma semaphore(%dma_wait3A_193 : memref<!tpu.dma_semaphore, #tpu.memory_space<semaphore_mem>>) src(%dma_wait3A_185 : memref<128x8xf32, #tpu.memory_space<vmem>>) dst(%dma_wait3A_191 : memref<10240x8xf32, #tpu.memory_space<vmem_shared>>)
    %dma_wait3A_194 = arith.constant 4 : i32
    %dma_wait3A_195 = arith.constant 76 : i32
    %dma_wait3A_196 = arith.constant 4 : i32
    %dma_wait3A_197 = arith.constant 0 : i32
    %dma_wait3A_198 = arith.constant 0 : i32
    %dma_wait3A_199 = tpu.memref_slice %arg8[%dma_wait3A_194, %dma_wait3A_197, %dma_wait3A_198] : memref<8x128x8xf32, #tpu.memory_space<vmem>> -> memref<1x128x8xf32, #tpu.memory_space<vmem>>
    %dma_wait3A_200 = tpu.memref_squeeze %dma_wait3A_199 : memref<1x128x8xf32, #tpu.memory_space<vmem>> -> memref<128x8xf32, #tpu.memory_space<vmem>>
    %dma_wait3A_201 = arith.constant 0 : i32
    %dma_wait3A_202 = tpu.memref_slice %arg7[%dma_wait3A_195, %dma_wait3A_201] : memref<80x128xi32, #tpu.memory_space<vmem>> -> memref<1x128xi32, #tpu.memory_space<vmem>>
    %dma_wait3A_203 = tpu.memref_squeeze %dma_wait3A_202 : memref<1x128xi32, #tpu.memory_space<vmem>> -> memref<128xi32, #tpu.memory_space<vmem>>
    %dma_wait3A_204 = arith.constant 0 : i32
    %dma_wait3A_205 = arith.constant 0 : i32
    %dma_wait3A_206 = tpu.memref_slice %arg9[%dma_wait3A_204, %dma_wait3A_205] : memref<10240x8xf32, #tpu.memory_space<vmem_shared>> -> memref<10240x8xf32, #tpu.memory_space<vmem_shared>>
    %dma_wait3A_207 = tpu.memref_slice %arg12[%dma_wait3A_196] : memref<8x!tpu.dma_semaphore, #tpu.memory_space<semaphore_mem>> -> memref<1x!tpu.dma_semaphore, #tpu.memory_space<semaphore_mem>>
    %dma_wait3A_208 = tpu.memref_squeeze %dma_wait3A_207 : memref<1x!tpu.dma_semaphore, #tpu.memory_space<semaphore_mem>> -> memref<!tpu.dma_semaphore, #tpu.memory_space<semaphore_mem>>
    tpu.wait_indirect_dma semaphore(%dma_wait3A_208 : memref<!tpu.dma_semaphore, #tpu.memory_space<semaphore_mem>>) src(%dma_wait3A_200 : memref<128x8xf32, #tpu.memory_space<vmem>>) dst(%dma_wait3A_206 : memref<10240x8xf32, #tpu.memory_space<vmem_shared>>)
    %dma_wait3A_209 = arith.constant 5 : i32
    %dma_wait3A_210 = arith.constant 77 : i32
    %dma_wait3A_211 = arith.constant 5 : i32
    %dma_wait3A_212 = arith.constant 0 : i32
    %dma_wait3A_213 = arith.constant 0 : i32
    %dma_wait3A_214 = tpu.memref_slice %arg8[%dma_wait3A_209, %dma_wait3A_212, %dma_wait3A_213] : memref<8x128x8xf32, #tpu.memory_space<vmem>> -> memref<1x128x8xf32, #tpu.memory_space<vmem>>
    %dma_wait3A_215 = tpu.memref_squeeze %dma_wait3A_214 : memref<1x128x8xf32, #tpu.memory_space<vmem>> -> memref<128x8xf32, #tpu.memory_space<vmem>>
    %dma_wait3A_216 = arith.constant 0 : i32
    %dma_wait3A_217 = tpu.memref_slice %arg7[%dma_wait3A_210, %dma_wait3A_216] : memref<80x128xi32, #tpu.memory_space<vmem>> -> memref<1x128xi32, #tpu.memory_space<vmem>>
    %dma_wait3A_218 = tpu.memref_squeeze %dma_wait3A_217 : memref<1x128xi32, #tpu.memory_space<vmem>> -> memref<128xi32, #tpu.memory_space<vmem>>
    %dma_wait3A_219 = arith.constant 0 : i32
    %dma_wait3A_220 = arith.constant 0 : i32
    %dma_wait3A_221 = tpu.memref_slice %arg9[%dma_wait3A_219, %dma_wait3A_220] : memref<10240x8xf32, #tpu.memory_space<vmem_shared>> -> memref<10240x8xf32, #tpu.memory_space<vmem_shared>>
    %dma_wait3A_222 = tpu.memref_slice %arg12[%dma_wait3A_211] : memref<8x!tpu.dma_semaphore, #tpu.memory_space<semaphore_mem>> -> memref<1x!tpu.dma_semaphore, #tpu.memory_space<semaphore_mem>>
    %dma_wait3A_223 = tpu.memref_squeeze %dma_wait3A_222 : memref<1x!tpu.dma_semaphore, #tpu.memory_space<semaphore_mem>> -> memref<!tpu.dma_semaphore, #tpu.memory_space<semaphore_mem>>
    tpu.wait_indirect_dma semaphore(%dma_wait3A_223 : memref<!tpu.dma_semaphore, #tpu.memory_space<semaphore_mem>>) src(%dma_wait3A_215 : memref<128x8xf32, #tpu.memory_space<vmem>>) dst(%dma_wait3A_221 : memref<10240x8xf32, #tpu.memory_space<vmem_shared>>)
    %dma_wait3A_224 = arith.constant 6 : i32
    %dma_wait3A_225 = arith.constant 78 : i32
    %dma_wait3A_226 = arith.constant 6 : i32
    %dma_wait3A_227 = arith.constant 0 : i32
    %dma_wait3A_228 = arith.constant 0 : i32
    %dma_wait3A_229 = tpu.memref_slice %arg8[%dma_wait3A_224, %dma_wait3A_227, %dma_wait3A_228] : memref<8x128x8xf32, #tpu.memory_space<vmem>> -> memref<1x128x8xf32, #tpu.memory_space<vmem>>
    %dma_wait3A_230 = tpu.memref_squeeze %dma_wait3A_229 : memref<1x128x8xf32, #tpu.memory_space<vmem>> -> memref<128x8xf32, #tpu.memory_space<vmem>>
    %dma_wait3A_231 = arith.constant 0 : i32
    %dma_wait3A_232 = tpu.memref_slice %arg7[%dma_wait3A_225, %dma_wait3A_231] : memref<80x128xi32, #tpu.memory_space<vmem>> -> memref<1x128xi32, #tpu.memory_space<vmem>>
    %dma_wait3A_233 = tpu.memref_squeeze %dma_wait3A_232 : memref<1x128xi32, #tpu.memory_space<vmem>> -> memref<128xi32, #tpu.memory_space<vmem>>
    %dma_wait3A_234 = arith.constant 0 : i32
    %dma_wait3A_235 = arith.constant 0 : i32
    %dma_wait3A_236 = tpu.memref_slice %arg9[%dma_wait3A_234, %dma_wait3A_235] : memref<10240x8xf32, #tpu.memory_space<vmem_shared>> -> memref<10240x8xf32, #tpu.memory_space<vmem_shared>>
    %dma_wait3A_237 = tpu.memref_slice %arg12[%dma_wait3A_226] : memref<8x!tpu.dma_semaphore, #tpu.memory_space<semaphore_mem>> -> memref<1x!tpu.dma_semaphore, #tpu.memory_space<semaphore_mem>>
    %dma_wait3A_238 = tpu.memref_squeeze %dma_wait3A_237 : memref<1x!tpu.dma_semaphore, #tpu.memory_space<semaphore_mem>> -> memref<!tpu.dma_semaphore, #tpu.memory_space<semaphore_mem>>
    tpu.wait_indirect_dma semaphore(%dma_wait3A_238 : memref<!tpu.dma_semaphore, #tpu.memory_space<semaphore_mem>>) src(%dma_wait3A_230 : memref<128x8xf32, #tpu.memory_space<vmem>>) dst(%dma_wait3A_236 : memref<10240x8xf32, #tpu.memory_space<vmem_shared>>)
    %dma_wait3A_239 = arith.constant 7 : i32
    %dma_wait3A_240 = arith.constant 79 : i32
    %dma_wait3A_241 = arith.constant 7 : i32
    %dma_wait3A_242 = arith.constant 0 : i32
    %dma_wait3A_243 = arith.constant 0 : i32
    %dma_wait3A_244 = tpu.memref_slice %arg8[%dma_wait3A_239, %dma_wait3A_242, %dma_wait3A_243] : memref<8x128x8xf32, #tpu.memory_space<vmem>> -> memref<1x128x8xf32, #tpu.memory_space<vmem>>
    %dma_wait3A_245 = tpu.memref_squeeze %dma_wait3A_244 : memref<1x128x8xf32, #tpu.memory_space<vmem>> -> memref<128x8xf32, #tpu.memory_space<vmem>>
    %dma_wait3A_246 = arith.constant 0 : i32
    %dma_wait3A_247 = tpu.memref_slice %arg7[%dma_wait3A_240, %dma_wait3A_246] : memref<80x128xi32, #tpu.memory_space<vmem>> -> memref<1x128xi32, #tpu.memory_space<vmem>>
    %dma_wait3A_248 = tpu.memref_squeeze %dma_wait3A_247 : memref<1x128xi32, #tpu.memory_space<vmem>> -> memref<128xi32, #tpu.memory_space<vmem>>
    %dma_wait3A_249 = arith.constant 0 : i32
    %dma_wait3A_250 = arith.constant 0 : i32
    %dma_wait3A_251 = tpu.memref_slice %arg9[%dma_wait3A_249, %dma_wait3A_250] : memref<10240x8xf32, #tpu.memory_space<vmem_shared>> -> memref<10240x8xf32, #tpu.memory_space<vmem_shared>>
    %dma_wait3A_252 = tpu.memref_slice %arg12[%dma_wait3A_241] : memref<8x!tpu.dma_semaphore, #tpu.memory_space<semaphore_mem>> -> memref<1x!tpu.dma_semaphore, #tpu.memory_space<semaphore_mem>>
    %dma_wait3A_253 = tpu.memref_squeeze %dma_wait3A_252 : memref<1x!tpu.dma_semaphore, #tpu.memory_space<semaphore_mem>> -> memref<!tpu.dma_semaphore, #tpu.memory_space<semaphore_mem>>
    tpu.wait_indirect_dma semaphore(%dma_wait3A_253 : memref<!tpu.dma_semaphore, #tpu.memory_space<semaphore_mem>>) src(%dma_wait3A_245 : memref<128x8xf32, #tpu.memory_space<vmem>>) dst(%dma_wait3A_251 : memref<10240x8xf32, #tpu.memory_space<vmem_shared>>)
    %barrier3A_254 = arith.constant 0 : index
    tpu.barrier barrier_id(%barrier3A_254)
    %mul3A_255 = arith.constant 640 : i32
    %mul3A_256 = arith.muli %arg1, %mul3A_255 : i32
    %mul3A_257 = arith.constant 640 : i32
    %mul3A_258 = arith.muli %arg1, %mul3A_257 : i32
    "tpu.region"() ({
      %run_scoped3A = tpu.sem_alloc : memref<!tpu.dma_semaphore, #tpu.memory_space<semaphore_mem>>
      %dma_start3A_259 = arith.constant 0 : i32
      %dma_start3A_260 = tpu.memref_slice %arg5[%arg0, %mul3A_258, %dma_start3A_259] : memref<2x10240x128xf32, #tpu.memory_space<hbm>> -> memref<1x640x8xf32, #tpu.memory_space<hbm>>
      %dma_start3A_261 = tpu.memref_squeeze %dma_start3A_260 : memref<1x640x8xf32, #tpu.memory_space<hbm>> -> memref<640x8xf32, #tpu.memory_space<hbm>>
      %dma_start3A_262 = arith.constant 0 : i32
      %dma_start3A_263 = tpu.memref_slice %arg9[%mul3A_256, %dma_start3A_262] : memref<10240x8xf32, #tpu.memory_space<vmem_shared>> -> memref<640x8xf32, #tpu.memory_space<vmem_shared>>
      tpu.enqueue_dma source(%dma_start3A_263 : memref<640x8xf32, #tpu.memory_space<vmem_shared>>) target(%dma_start3A_261 : memref<640x8xf32, #tpu.memory_space<hbm>>) target_semaphore(%run_scoped3A : memref<!tpu.dma_semaphore, #tpu.memory_space<semaphore_mem>>)
      %dma_wait3A_264 = arith.constant 0 : i32
      %dma_wait3A_265 = tpu.memref_slice %arg5[%arg0, %mul3A_258, %dma_wait3A_264] : memref<2x10240x128xf32, #tpu.memory_space<hbm>> -> memref<1x640x8xf32, #tpu.memory_space<hbm>>
      %dma_wait3A_266 = tpu.memref_squeeze %dma_wait3A_265 : memref<1x640x8xf32, #tpu.memory_space<hbm>> -> memref<640x8xf32, #tpu.memory_space<hbm>>
      %dma_wait3A_267 = arith.constant 0 : i32
      %dma_wait3A_268 = tpu.memref_slice %arg9[%mul3A_256, %dma_wait3A_267] : memref<10240x8xf32, #tpu.memory_space<vmem_shared>> -> memref<640x8xf32, #tpu.memory_space<vmem_shared>>
      tpu.wait_dma2 semaphore(%run_scoped3A : memref<!tpu.dma_semaphore, #tpu.memory_space<semaphore_mem>>) src(%dma_wait3A_268 : memref<640x8xf32, #tpu.memory_space<vmem_shared>>) dst(%dma_wait3A_266 : memref<640x8xf32, #tpu.memory_space<hbm>>)
      tpu.yield
    }) : () -> ()
    return
  }
}

#map = affine_map<(d0, d1) -> (0, 0, 0)>
#map1 = affine_map<(d0, d1) -> (0, 0)>
module attributes {stable_mosaic.version = 14 : i64} {
  func.func @scatter_kernel(%arg0: i32, %arg1: i32, %arg2: memref<2x10240x128xf32, #tpu.memory_space<hbm>>, %arg3: memref<1280x128xi32, #tpu.memory_space<hbm>>, %arg4: memref<1280x128xi32, #tpu.memory_space<hbm>>, %arg5: memref<2x10240x128xf32, #tpu.memory_space<hbm>>, %arg6: memref<80x128xi32, #tpu.memory_space<vmem>>, %arg7: memref<80x128xi32, #tpu.memory_space<vmem>>, %arg8: memref<8x128x32xf32, #tpu.memory_space<vmem>>, %arg9: memref<10240x32xf32, #tpu.memory_space<vmem_shared>>, %arg10: memref<10240x32xf32, #tpu.memory_space<vmem_shared>>, %arg11: memref<8x!tpu.dma_semaphore, #tpu.memory_space<semaphore_mem>>, %arg12: memref<8x!tpu.dma_semaphore, #tpu.memory_space<semaphore_mem>>) attributes {dimension_semantics = [#tpu.dimension_semantics<core_parallel>, #tpu.dimension_semantics<subcore_parallel>], iteration_bounds = array<i64: 2, 16>, scalar_prefetch = 0 : i64, scratch_operands = 7 : i64, tpu.core_type = #tpu.core_type<sc_vector_subcore>, window_params = [{transform_indices = #map}, {transform_indices = #map1}, {transform_indices = #map1}, {transform_indices = #map}]} {
    %mul3A = arith.constant 640 : i32
    %mul3A_0 = arith.muli %arg1, %mul3A : i32
    %mul3A_1 = arith.constant 640 : i32
    %mul3A_2 = arith.muli %arg1, %mul3A_1 : i32
    "tpu.region"() ({
      %run_scoped3A = tpu.sem_alloc : memref<!tpu.dma_semaphore, #tpu.memory_space<semaphore_mem>>
      %dma_start3A_259 = arith.constant 0 : i32
      %dma_start3A_260 = tpu.memref_slice %arg9[%mul3A_2, %dma_start3A_259] : memref<10240x32xf32, #tpu.memory_space<vmem_shared>> -> memref<640x32xf32, #tpu.memory_space<vmem_shared>>
      %dma_start3A_261 = arith.constant 0 : i32
      %dma_start3A_262 = tpu.memref_slice %arg2[%arg0, %mul3A_0, %dma_start3A_261] : memref<2x10240x128xf32, #tpu.memory_space<hbm>> -> memref<1x640x32xf32, #tpu.memory_space<hbm>>
      %dma_start3A_263 = tpu.memref_squeeze %dma_start3A_262 : memref<1x640x32xf32, #tpu.memory_space<hbm>> -> memref<640x32xf32, #tpu.memory_space<hbm>>
      tpu.enqueue_dma source(%dma_start3A_263 : memref<640x32xf32, #tpu.memory_space<hbm>>) target(%dma_start3A_260 : memref<640x32xf32, #tpu.memory_space<vmem_shared>>) target_semaphore(%run_scoped3A : memref<!tpu.dma_semaphore, #tpu.memory_space<semaphore_mem>>)
      %dma_wait3A_264 = arith.constant 0 : i32
      %dma_wait3A_265 = tpu.memref_slice %arg9[%mul3A_2, %dma_wait3A_264] : memref<10240x32xf32, #tpu.memory_space<vmem_shared>> -> memref<640x32xf32, #tpu.memory_space<vmem_shared>>
      %dma_wait3A_266 = arith.constant 0 : i32
      %dma_wait3A_267 = tpu.memref_slice %arg2[%arg0, %mul3A_0, %dma_wait3A_266] : memref<2x10240x128xf32, #tpu.memory_space<hbm>> -> memref<1x640x32xf32, #tpu.memory_space<hbm>>
      %dma_wait3A_268 = tpu.memref_squeeze %dma_wait3A_267 : memref<1x640x32xf32, #tpu.memory_space<hbm>> -> memref<640x32xf32, #tpu.memory_space<hbm>>
      tpu.wait_dma2 semaphore(%run_scoped3A : memref<!tpu.dma_semaphore, #tpu.memory_space<semaphore_mem>>) src(%dma_wait3A_268 : memref<640x32xf32, #tpu.memory_space<hbm>>) dst(%dma_wait3A_265 : memref<640x32xf32, #tpu.memory_space<vmem_shared>>)
      tpu.yield
    }) : () -> ()
    %mul3A_3 = arith.constant 640 : i32
    %mul3A_4 = arith.muli %arg1, %mul3A_3 : i32
    %mul3A_5 = arith.constant 640 : i32
    %mul3A_6 = arith.muli %arg1, %mul3A_5 : i32
    "tpu.region"() ({
      %run_scoped3A = tpu.sem_alloc : memref<!tpu.dma_semaphore, #tpu.memory_space<semaphore_mem>>
      %dma_start3A_259 = arith.constant 0 : i32
      %dma_start3A_260 = tpu.memref_slice %arg10[%mul3A_6, %dma_start3A_259] : memref<10240x32xf32, #tpu.memory_space<vmem_shared>> -> memref<640x32xf32, #tpu.memory_space<vmem_shared>>
      %dma_start3A_261 = arith.constant 0 : i32
      %dma_start3A_262 = tpu.memref_slice %arg2[%arg0, %mul3A_4, %dma_start3A_261] : memref<2x10240x128xf32, #tpu.memory_space<hbm>> -> memref<1x640x32xf32, #tpu.memory_space<hbm>>
      %dma_start3A_263 = tpu.memref_squeeze %dma_start3A_262 : memref<1x640x32xf32, #tpu.memory_space<hbm>> -> memref<640x32xf32, #tpu.memory_space<hbm>>
      tpu.enqueue_dma source(%dma_start3A_263 : memref<640x32xf32, #tpu.memory_space<hbm>>) target(%dma_start3A_260 : memref<640x32xf32, #tpu.memory_space<vmem_shared>>) target_semaphore(%run_scoped3A : memref<!tpu.dma_semaphore, #tpu.memory_space<semaphore_mem>>)
      %dma_wait3A_264 = arith.constant 0 : i32
      %dma_wait3A_265 = tpu.memref_slice %arg10[%mul3A_6, %dma_wait3A_264] : memref<10240x32xf32, #tpu.memory_space<vmem_shared>> -> memref<640x32xf32, #tpu.memory_space<vmem_shared>>
      %dma_wait3A_266 = arith.constant 0 : i32
      %dma_wait3A_267 = tpu.memref_slice %arg2[%arg0, %mul3A_4, %dma_wait3A_266] : memref<2x10240x128xf32, #tpu.memory_space<hbm>> -> memref<1x640x32xf32, #tpu.memory_space<hbm>>
      %dma_wait3A_268 = tpu.memref_squeeze %dma_wait3A_267 : memref<1x640x32xf32, #tpu.memory_space<hbm>> -> memref<640x32xf32, #tpu.memory_space<hbm>>
      tpu.wait_dma2 semaphore(%run_scoped3A : memref<!tpu.dma_semaphore, #tpu.memory_space<semaphore_mem>>) src(%dma_wait3A_268 : memref<640x32xf32, #tpu.memory_space<hbm>>) dst(%dma_wait3A_265 : memref<640x32xf32, #tpu.memory_space<vmem_shared>>)
      tpu.yield
    }) : () -> ()
    %mul3A_7 = arith.constant 80 : i32
    %mul3A_8 = arith.muli %arg1, %mul3A_7 : i32
    "tpu.region"() ({
      %run_scoped3A = tpu.sem_alloc : memref<!tpu.dma_semaphore, #tpu.memory_space<semaphore_mem>>
      %dma_start3A_259 = arith.constant 0 : i32
      %dma_start3A_260 = tpu.memref_slice %arg3[%mul3A_8, %dma_start3A_259] : memref<1280x128xi32, #tpu.memory_space<hbm>> -> memref<80x128xi32, #tpu.memory_space<hbm>>
      %dma_start3A_261 = arith.constant 0 : i32
      %dma_start3A_262 = tpu.memref_slice %arg3[%mul3A_8, %dma_start3A_261] : memref<1280x128xi32, #tpu.memory_space<hbm>> -> memref<80x128xi32, #tpu.memory_space<hbm>>
      tpu.enqueue_dma source(%dma_start3A_262 : memref<80x128xi32, #tpu.memory_space<hbm>>) target(%arg6 : memref<80x128xi32, #tpu.memory_space<vmem>>) target_semaphore(%run_scoped3A : memref<!tpu.dma_semaphore, #tpu.memory_space<semaphore_mem>>)
      %dma_wait3A_263 = arith.constant 0 : i32
      %dma_wait3A_264 = tpu.memref_slice %arg3[%mul3A_8, %dma_wait3A_263] : memref<1280x128xi32, #tpu.memory_space<hbm>> -> memref<80x128xi32, #tpu.memory_space<hbm>>
      %dma_wait3A_265 = arith.constant 0 : i32
      %dma_wait3A_266 = tpu.memref_slice %arg3[%mul3A_8, %dma_wait3A_265] : memref<1280x128xi32, #tpu.memory_space<hbm>> -> memref<80x128xi32, #tpu.memory_space<hbm>>
      tpu.wait_dma2 semaphore(%run_scoped3A : memref<!tpu.dma_semaphore, #tpu.memory_space<semaphore_mem>>) src(%dma_wait3A_266 : memref<80x128xi32, #tpu.memory_space<hbm>>) dst(%arg6 : memref<80x128xi32, #tpu.memory_space<vmem>>)
      tpu.yield
    }) : () -> ()
    %mul3A_9 = arith.constant 80 : i32
    %mul3A_10 = arith.muli %arg1, %mul3A_9 : i32
    "tpu.region"() ({
      %run_scoped3A = tpu.sem_alloc : memref<!tpu.dma_semaphore, #tpu.memory_space<semaphore_mem>>
      %dma_start3A_259 = arith.constant 0 : i32
      %dma_start3A_260 = tpu.memref_slice %arg4[%mul3A_10, %dma_start3A_259] : memref<1280x128xi32, #tpu.memory_space<hbm>> -> memref<80x128xi32, #tpu.memory_space<hbm>>
      %dma_start3A_261 = arith.constant 0 : i32
      %dma_start3A_262 = tpu.memref_slice %arg4[%mul3A_10, %dma_start3A_261] : memref<1280x128xi32, #tpu.memory_space<hbm>> -> memref<80x128xi32, #tpu.memory_space<hbm>>
      tpu.enqueue_dma source(%dma_start3A_262 : memref<80x128xi32, #tpu.memory_space<hbm>>) target(%arg7 : memref<80x128xi32, #tpu.memory_space<vmem>>) target_semaphore(%run_scoped3A : memref<!tpu.dma_semaphore, #tpu.memory_space<semaphore_mem>>)
      %dma_wait3A_263 = arith.constant 0 : i32
      %dma_wait3A_264 = tpu.memref_slice %arg4[%mul3A_10, %dma_wait3A_263] : memref<1280x128xi32, #tpu.memory_space<hbm>> -> memref<80x128xi32, #tpu.memory_space<hbm>>
      %dma_wait3A_265 = arith.constant 0 : i32
      %dma_wait3A_266 = tpu.memref_slice %arg4[%mul3A_10, %dma_wait3A_265] : memref<1280x128xi32, #tpu.memory_space<hbm>> -> memref<80x128xi32, #tpu.memory_space<hbm>>
      tpu.wait_dma2 semaphore(%run_scoped3A : memref<!tpu.dma_semaphore, #tpu.memory_space<semaphore_mem>>) src(%dma_wait3A_266 : memref<80x128xi32, #tpu.memory_space<hbm>>) dst(%arg7 : memref<80x128xi32, #tpu.memory_space<vmem>>)
      tpu.yield
    }) : () -> ()
    %barrier3A = arith.constant 0 : index
    tpu.barrier barrier_id(%barrier3A)
    %dma_start3A = arith.constant 0 : i32
    %dma_start3A_11 = arith.constant 0 : i32
    %dma_start3A_12 = arith.constant 0 : i32
    %dma_start3A_13 = arith.constant 0 : i32
    %dma_start3A_14 = arith.constant 0 : i32
    %dma_start3A_15 = tpu.memref_slice %arg8[%dma_start3A_11, %dma_start3A_13, %dma_start3A_14] : memref<8x128x32xf32, #tpu.memory_space<vmem>> -> memref<1x128x32xf32, #tpu.memory_space<vmem>>
    %dma_start3A_16 = tpu.memref_squeeze %dma_start3A_15 : memref<1x128x32xf32, #tpu.memory_space<vmem>> -> memref<128x32xf32, #tpu.memory_space<vmem>>
    %dma_start3A_17 = arith.constant 0 : i32
    %dma_start3A_18 = tpu.memref_slice %arg6[%dma_start3A, %dma_start3A_17] : memref<80x128xi32, #tpu.memory_space<vmem>> -> memref<1x128xi32, #tpu.memory_space<vmem>>
    %dma_start3A_19 = tpu.memref_squeeze %dma_start3A_18 : memref<1x128xi32, #tpu.memory_space<vmem>> -> memref<128xi32, #tpu.memory_space<vmem>>
    %dma_start3A_20 = arith.constant 0 : i32
    %dma_start3A_21 = arith.constant 0 : i32
    %dma_start3A_22 = tpu.memref_slice %arg10[%dma_start3A_20, %dma_start3A_21] : memref<10240x32xf32, #tpu.memory_space<vmem_shared>> -> memref<10240x32xf32, #tpu.memory_space<vmem_shared>>
    %dma_start3A_23 = tpu.memref_slice %arg11[%dma_start3A_12] : memref<8x!tpu.dma_semaphore, #tpu.memory_space<semaphore_mem>> -> memref<1x!tpu.dma_semaphore, #tpu.memory_space<semaphore_mem>>
    %dma_start3A_24 = tpu.memref_squeeze %dma_start3A_23 : memref<1x!tpu.dma_semaphore, #tpu.memory_space<semaphore_mem>> -> memref<!tpu.dma_semaphore, #tpu.memory_space<semaphore_mem>>
    tpu.enqueue_indirect_dma source(%dma_start3A_22 : memref<10240x32xf32, #tpu.memory_space<vmem_shared>>) target(%dma_start3A_16 : memref<128x32xf32, #tpu.memory_space<vmem>>) offsets(%dma_start3A_19 : memref<128xi32, #tpu.memory_space<vmem>>) semaphore(%dma_start3A_24 : memref<!tpu.dma_semaphore, #tpu.memory_space<semaphore_mem>>)
    %dma_start3A_25 = arith.constant 1 : i32
    %dma_start3A_26 = arith.constant 1 : i32
    %dma_start3A_27 = arith.constant 1 : i32
    %dma_start3A_28 = arith.constant 0 : i32
    %dma_start3A_29 = arith.constant 0 : i32
    %dma_start3A_30 = tpu.memref_slice %arg8[%dma_start3A_26, %dma_start3A_28, %dma_start3A_29] : memref<8x128x32xf32, #tpu.memory_space<vmem>> -> memref<1x128x32xf32, #tpu.memory_space<vmem>>
    %dma_start3A_31 = tpu.memref_squeeze %dma_start3A_30 : memref<1x128x32xf32, #tpu.memory_space<vmem>> -> memref<128x32xf32, #tpu.memory_space<vmem>>
    %dma_start3A_32 = arith.constant 0 : i32
    %dma_start3A_33 = tpu.memref_slice %arg6[%dma_start3A_25, %dma_start3A_32] : memref<80x128xi32, #tpu.memory_space<vmem>> -> memref<1x128xi32, #tpu.memory_space<vmem>>
    %dma_start3A_34 = tpu.memref_squeeze %dma_start3A_33 : memref<1x128xi32, #tpu.memory_space<vmem>> -> memref<128xi32, #tpu.memory_space<vmem>>
    %dma_start3A_35 = arith.constant 0 : i32
    %dma_start3A_36 = arith.constant 0 : i32
    %dma_start3A_37 = tpu.memref_slice %arg10[%dma_start3A_35, %dma_start3A_36] : memref<10240x32xf32, #tpu.memory_space<vmem_shared>> -> memref<10240x32xf32, #tpu.memory_space<vmem_shared>>
    %dma_start3A_38 = tpu.memref_slice %arg11[%dma_start3A_27] : memref<8x!tpu.dma_semaphore, #tpu.memory_space<semaphore_mem>> -> memref<1x!tpu.dma_semaphore, #tpu.memory_space<semaphore_mem>>
    %dma_start3A_39 = tpu.memref_squeeze %dma_start3A_38 : memref<1x!tpu.dma_semaphore, #tpu.memory_space<semaphore_mem>> -> memref<!tpu.dma_semaphore, #tpu.memory_space<semaphore_mem>>
    tpu.enqueue_indirect_dma source(%dma_start3A_37 : memref<10240x32xf32, #tpu.memory_space<vmem_shared>>) target(%dma_start3A_31 : memref<128x32xf32, #tpu.memory_space<vmem>>) offsets(%dma_start3A_34 : memref<128xi32, #tpu.memory_space<vmem>>) semaphore(%dma_start3A_39 : memref<!tpu.dma_semaphore, #tpu.memory_space<semaphore_mem>>)
    %dma_start3A_40 = arith.constant 2 : i32
    %dma_start3A_41 = arith.constant 2 : i32
    %dma_start3A_42 = arith.constant 2 : i32
    %dma_start3A_43 = arith.constant 0 : i32
    %dma_start3A_44 = arith.constant 0 : i32
    %dma_start3A_45 = tpu.memref_slice %arg8[%dma_start3A_41, %dma_start3A_43, %dma_start3A_44] : memref<8x128x32xf32, #tpu.memory_space<vmem>> -> memref<1x128x32xf32, #tpu.memory_space<vmem>>
    %dma_start3A_46 = tpu.memref_squeeze %dma_start3A_45 : memref<1x128x32xf32, #tpu.memory_space<vmem>> -> memref<128x32xf32, #tpu.memory_space<vmem>>
    %dma_start3A_47 = arith.constant 0 : i32
    %dma_start3A_48 = tpu.memref_slice %arg6[%dma_start3A_40, %dma_start3A_47] : memref<80x128xi32, #tpu.memory_space<vmem>> -> memref<1x128xi32, #tpu.memory_space<vmem>>
    %dma_start3A_49 = tpu.memref_squeeze %dma_start3A_48 : memref<1x128xi32, #tpu.memory_space<vmem>> -> memref<128xi32, #tpu.memory_space<vmem>>
    %dma_start3A_50 = arith.constant 0 : i32
    %dma_start3A_51 = arith.constant 0 : i32
    %dma_start3A_52 = tpu.memref_slice %arg10[%dma_start3A_50, %dma_start3A_51] : memref<10240x32xf32, #tpu.memory_space<vmem_shared>> -> memref<10240x32xf32, #tpu.memory_space<vmem_shared>>
    %dma_start3A_53 = tpu.memref_slice %arg11[%dma_start3A_42] : memref<8x!tpu.dma_semaphore, #tpu.memory_space<semaphore_mem>> -> memref<1x!tpu.dma_semaphore, #tpu.memory_space<semaphore_mem>>
    %dma_start3A_54 = tpu.memref_squeeze %dma_start3A_53 : memref<1x!tpu.dma_semaphore, #tpu.memory_space<semaphore_mem>> -> memref<!tpu.dma_semaphore, #tpu.memory_space<semaphore_mem>>
    tpu.enqueue_indirect_dma source(%dma_start3A_52 : memref<10240x32xf32, #tpu.memory_space<vmem_shared>>) target(%dma_start3A_46 : memref<128x32xf32, #tpu.memory_space<vmem>>) offsets(%dma_start3A_49 : memref<128xi32, #tpu.memory_space<vmem>>) semaphore(%dma_start3A_54 : memref<!tpu.dma_semaphore, #tpu.memory_space<semaphore_mem>>)
    %dma_start3A_55 = arith.constant 3 : i32
    %dma_start3A_56 = arith.constant 3 : i32
    %dma_start3A_57 = arith.constant 3 : i32
    %dma_start3A_58 = arith.constant 0 : i32
    %dma_start3A_59 = arith.constant 0 : i32
    %dma_start3A_60 = tpu.memref_slice %arg8[%dma_start3A_56, %dma_start3A_58, %dma_start3A_59] : memref<8x128x32xf32, #tpu.memory_space<vmem>> -> memref<1x128x32xf32, #tpu.memory_space<vmem>>
    %dma_start3A_61 = tpu.memref_squeeze %dma_start3A_60 : memref<1x128x32xf32, #tpu.memory_space<vmem>> -> memref<128x32xf32, #tpu.memory_space<vmem>>
    %dma_start3A_62 = arith.constant 0 : i32
    %dma_start3A_63 = tpu.memref_slice %arg6[%dma_start3A_55, %dma_start3A_62] : memref<80x128xi32, #tpu.memory_space<vmem>> -> memref<1x128xi32, #tpu.memory_space<vmem>>
    %dma_start3A_64 = tpu.memref_squeeze %dma_start3A_63 : memref<1x128xi32, #tpu.memory_space<vmem>> -> memref<128xi32, #tpu.memory_space<vmem>>
    %dma_start3A_65 = arith.constant 0 : i32
    %dma_start3A_66 = arith.constant 0 : i32
    %dma_start3A_67 = tpu.memref_slice %arg10[%dma_start3A_65, %dma_start3A_66] : memref<10240x32xf32, #tpu.memory_space<vmem_shared>> -> memref<10240x32xf32, #tpu.memory_space<vmem_shared>>
    %dma_start3A_68 = tpu.memref_slice %arg11[%dma_start3A_57] : memref<8x!tpu.dma_semaphore, #tpu.memory_space<semaphore_mem>> -> memref<1x!tpu.dma_semaphore, #tpu.memory_space<semaphore_mem>>
    %dma_start3A_69 = tpu.memref_squeeze %dma_start3A_68 : memref<1x!tpu.dma_semaphore, #tpu.memory_space<semaphore_mem>> -> memref<!tpu.dma_semaphore, #tpu.memory_space<semaphore_mem>>
    tpu.enqueue_indirect_dma source(%dma_start3A_67 : memref<10240x32xf32, #tpu.memory_space<vmem_shared>>) target(%dma_start3A_61 : memref<128x32xf32, #tpu.memory_space<vmem>>) offsets(%dma_start3A_64 : memref<128xi32, #tpu.memory_space<vmem>>) semaphore(%dma_start3A_69 : memref<!tpu.dma_semaphore, #tpu.memory_space<semaphore_mem>>)
    %dma_start3A_70 = arith.constant 4 : i32
    %dma_start3A_71 = arith.constant 4 : i32
    %dma_start3A_72 = arith.constant 4 : i32
    %dma_start3A_73 = arith.constant 0 : i32
    %dma_start3A_74 = arith.constant 0 : i32
    %dma_start3A_75 = tpu.memref_slice %arg8[%dma_start3A_71, %dma_start3A_73, %dma_start3A_74] : memref<8x128x32xf32, #tpu.memory_space<vmem>> -> memref<1x128x32xf32, #tpu.memory_space<vmem>>
    %dma_start3A_76 = tpu.memref_squeeze %dma_start3A_75 : memref<1x128x32xf32, #tpu.memory_space<vmem>> -> memref<128x32xf32, #tpu.memory_space<vmem>>
    %dma_start3A_77 = arith.constant 0 : i32
    %dma_start3A_78 = tpu.memref_slice %arg6[%dma_start3A_70, %dma_start3A_77] : memref<80x128xi32, #tpu.memory_space<vmem>> -> memref<1x128xi32, #tpu.memory_space<vmem>>
    %dma_start3A_79 = tpu.memref_squeeze %dma_start3A_78 : memref<1x128xi32, #tpu.memory_space<vmem>> -> memref<128xi32, #tpu.memory_space<vmem>>
    %dma_start3A_80 = arith.constant 0 : i32
    %dma_start3A_81 = arith.constant 0 : i32
    %dma_start3A_82 = tpu.memref_slice %arg10[%dma_start3A_80, %dma_start3A_81] : memref<10240x32xf32, #tpu.memory_space<vmem_shared>> -> memref<10240x32xf32, #tpu.memory_space<vmem_shared>>
    %dma_start3A_83 = tpu.memref_slice %arg11[%dma_start3A_72] : memref<8x!tpu.dma_semaphore, #tpu.memory_space<semaphore_mem>> -> memref<1x!tpu.dma_semaphore, #tpu.memory_space<semaphore_mem>>
    %dma_start3A_84 = tpu.memref_squeeze %dma_start3A_83 : memref<1x!tpu.dma_semaphore, #tpu.memory_space<semaphore_mem>> -> memref<!tpu.dma_semaphore, #tpu.memory_space<semaphore_mem>>
    tpu.enqueue_indirect_dma source(%dma_start3A_82 : memref<10240x32xf32, #tpu.memory_space<vmem_shared>>) target(%dma_start3A_76 : memref<128x32xf32, #tpu.memory_space<vmem>>) offsets(%dma_start3A_79 : memref<128xi32, #tpu.memory_space<vmem>>) semaphore(%dma_start3A_84 : memref<!tpu.dma_semaphore, #tpu.memory_space<semaphore_mem>>)
    %dma_start3A_85 = arith.constant 5 : i32
    %dma_start3A_86 = arith.constant 5 : i32
    %dma_start3A_87 = arith.constant 5 : i32
    %dma_start3A_88 = arith.constant 0 : i32
    %dma_start3A_89 = arith.constant 0 : i32
    %dma_start3A_90 = tpu.memref_slice %arg8[%dma_start3A_86, %dma_start3A_88, %dma_start3A_89] : memref<8x128x32xf32, #tpu.memory_space<vmem>> -> memref<1x128x32xf32, #tpu.memory_space<vmem>>
    %dma_start3A_91 = tpu.memref_squeeze %dma_start3A_90 : memref<1x128x32xf32, #tpu.memory_space<vmem>> -> memref<128x32xf32, #tpu.memory_space<vmem>>
    %dma_start3A_92 = arith.constant 0 : i32
    %dma_start3A_93 = tpu.memref_slice %arg6[%dma_start3A_85, %dma_start3A_92] : memref<80x128xi32, #tpu.memory_space<vmem>> -> memref<1x128xi32, #tpu.memory_space<vmem>>
    %dma_start3A_94 = tpu.memref_squeeze %dma_start3A_93 : memref<1x128xi32, #tpu.memory_space<vmem>> -> memref<128xi32, #tpu.memory_space<vmem>>
    %dma_start3A_95 = arith.constant 0 : i32
    %dma_start3A_96 = arith.constant 0 : i32
    %dma_start3A_97 = tpu.memref_slice %arg10[%dma_start3A_95, %dma_start3A_96] : memref<10240x32xf32, #tpu.memory_space<vmem_shared>> -> memref<10240x32xf32, #tpu.memory_space<vmem_shared>>
    %dma_start3A_98 = tpu.memref_slice %arg11[%dma_start3A_87] : memref<8x!tpu.dma_semaphore, #tpu.memory_space<semaphore_mem>> -> memref<1x!tpu.dma_semaphore, #tpu.memory_space<semaphore_mem>>
    %dma_start3A_99 = tpu.memref_squeeze %dma_start3A_98 : memref<1x!tpu.dma_semaphore, #tpu.memory_space<semaphore_mem>> -> memref<!tpu.dma_semaphore, #tpu.memory_space<semaphore_mem>>
    tpu.enqueue_indirect_dma source(%dma_start3A_97 : memref<10240x32xf32, #tpu.memory_space<vmem_shared>>) target(%dma_start3A_91 : memref<128x32xf32, #tpu.memory_space<vmem>>) offsets(%dma_start3A_94 : memref<128xi32, #tpu.memory_space<vmem>>) semaphore(%dma_start3A_99 : memref<!tpu.dma_semaphore, #tpu.memory_space<semaphore_mem>>)
    %dma_start3A_100 = arith.constant 6 : i32
    %dma_start3A_101 = arith.constant 6 : i32
    %dma_start3A_102 = arith.constant 6 : i32
    %dma_start3A_103 = arith.constant 0 : i32
    %dma_start3A_104 = arith.constant 0 : i32
    %dma_start3A_105 = tpu.memref_slice %arg8[%dma_start3A_101, %dma_start3A_103, %dma_start3A_104] : memref<8x128x32xf32, #tpu.memory_space<vmem>> -> memref<1x128x32xf32, #tpu.memory_space<vmem>>
    %dma_start3A_106 = tpu.memref_squeeze %dma_start3A_105 : memref<1x128x32xf32, #tpu.memory_space<vmem>> -> memref<128x32xf32, #tpu.memory_space<vmem>>
    %dma_start3A_107 = arith.constant 0 : i32
    %dma_start3A_108 = tpu.memref_slice %arg6[%dma_start3A_100, %dma_start3A_107] : memref<80x128xi32, #tpu.memory_space<vmem>> -> memref<1x128xi32, #tpu.memory_space<vmem>>
    %dma_start3A_109 = tpu.memref_squeeze %dma_start3A_108 : memref<1x128xi32, #tpu.memory_space<vmem>> -> memref<128xi32, #tpu.memory_space<vmem>>
    %dma_start3A_110 = arith.constant 0 : i32
    %dma_start3A_111 = arith.constant 0 : i32
    %dma_start3A_112 = tpu.memref_slice %arg10[%dma_start3A_110, %dma_start3A_111] : memref<10240x32xf32, #tpu.memory_space<vmem_shared>> -> memref<10240x32xf32, #tpu.memory_space<vmem_shared>>
    %dma_start3A_113 = tpu.memref_slice %arg11[%dma_start3A_102] : memref<8x!tpu.dma_semaphore, #tpu.memory_space<semaphore_mem>> -> memref<1x!tpu.dma_semaphore, #tpu.memory_space<semaphore_mem>>
    %dma_start3A_114 = tpu.memref_squeeze %dma_start3A_113 : memref<1x!tpu.dma_semaphore, #tpu.memory_space<semaphore_mem>> -> memref<!tpu.dma_semaphore, #tpu.memory_space<semaphore_mem>>
    tpu.enqueue_indirect_dma source(%dma_start3A_112 : memref<10240x32xf32, #tpu.memory_space<vmem_shared>>) target(%dma_start3A_106 : memref<128x32xf32, #tpu.memory_space<vmem>>) offsets(%dma_start3A_109 : memref<128xi32, #tpu.memory_space<vmem>>) semaphore(%dma_start3A_114 : memref<!tpu.dma_semaphore, #tpu.memory_space<semaphore_mem>>)
    %dma_start3A_115 = arith.constant 7 : i32
    %dma_start3A_116 = arith.constant 7 : i32
    %dma_start3A_117 = arith.constant 7 : i32
    %dma_start3A_118 = arith.constant 0 : i32
    %dma_start3A_119 = arith.constant 0 : i32
    %dma_start3A_120 = tpu.memref_slice %arg8[%dma_start3A_116, %dma_start3A_118, %dma_start3A_119] : memref<8x128x32xf32, #tpu.memory_space<vmem>> -> memref<1x128x32xf32, #tpu.memory_space<vmem>>
    %dma_start3A_121 = tpu.memref_squeeze %dma_start3A_120 : memref<1x128x32xf32, #tpu.memory_space<vmem>> -> memref<128x32xf32, #tpu.memory_space<vmem>>
    %dma_start3A_122 = arith.constant 0 : i32
    %dma_start3A_123 = tpu.memref_slice %arg6[%dma_start3A_115, %dma_start3A_122] : memref<80x128xi32, #tpu.memory_space<vmem>> -> memref<1x128xi32, #tpu.memory_space<vmem>>
    %dma_start3A_124 = tpu.memref_squeeze %dma_start3A_123 : memref<1x128xi32, #tpu.memory_space<vmem>> -> memref<128xi32, #tpu.memory_space<vmem>>
    %dma_start3A_125 = arith.constant 0 : i32
    %dma_start3A_126 = arith.constant 0 : i32
    %dma_start3A_127 = tpu.memref_slice %arg10[%dma_start3A_125, %dma_start3A_126] : memref<10240x32xf32, #tpu.memory_space<vmem_shared>> -> memref<10240x32xf32, #tpu.memory_space<vmem_shared>>
    %dma_start3A_128 = tpu.memref_slice %arg11[%dma_start3A_117] : memref<8x!tpu.dma_semaphore, #tpu.memory_space<semaphore_mem>> -> memref<1x!tpu.dma_semaphore, #tpu.memory_space<semaphore_mem>>
    %dma_start3A_129 = tpu.memref_squeeze %dma_start3A_128 : memref<1x!tpu.dma_semaphore, #tpu.memory_space<semaphore_mem>> -> memref<!tpu.dma_semaphore, #tpu.memory_space<semaphore_mem>>
    tpu.enqueue_indirect_dma source(%dma_start3A_127 : memref<10240x32xf32, #tpu.memory_space<vmem_shared>>) target(%dma_start3A_121 : memref<128x32xf32, #tpu.memory_space<vmem>>) offsets(%dma_start3A_124 : memref<128xi32, #tpu.memory_space<vmem>>) semaphore(%dma_start3A_129 : memref<!tpu.dma_semaphore, #tpu.memory_space<semaphore_mem>>)
    %scan3A = arith.constant 0 : i32
    %scan3A_130 = arith.constant 0 : i32
    %scan3A_131 = arith.constant 10 : i32
    %scan3A_132 = arith.addi %scan3A_130, %scan3A_131 : i32
    %scan3A_133 = arith.constant 1 : i32
    scf.for %scan3A_259 = %scan3A_130 to %scan3A_132 step %scan3A_133  : i32 {
      %mul3A_260 = arith.constant 8 : i32
      %mul3A_261 = arith.muli %scan3A_259, %mul3A_260 : i32
      %add3A = arith.constant 0 : i32
      %add3A_262 = arith.addi %mul3A_261, %add3A : i32
      %dma_wait3A_263 = arith.constant 0 : i32
      %dma_wait3A_264 = arith.constant 0 : i32
      %dma_wait3A_265 = arith.constant 0 : i32
      %dma_wait3A_266 = arith.constant 0 : i32
      %dma_wait3A_267 = tpu.memref_slice %arg8[%dma_wait3A_263, %dma_wait3A_265, %dma_wait3A_266] : memref<8x128x32xf32, #tpu.memory_space<vmem>> -> memref<1x128x32xf32, #tpu.memory_space<vmem>>
      %dma_wait3A_268 = tpu.memref_squeeze %dma_wait3A_267 : memref<1x128x32xf32, #tpu.memory_space<vmem>> -> memref<128x32xf32, #tpu.memory_space<vmem>>
      %dma_wait3A_269 = arith.constant 0 : i32
      %dma_wait3A_270 = tpu.memref_slice %arg6[%add3A_262, %dma_wait3A_269] : memref<80x128xi32, #tpu.memory_space<vmem>> -> memref<1x128xi32, #tpu.memory_space<vmem>>
      %dma_wait3A_271 = tpu.memref_squeeze %dma_wait3A_270 : memref<1x128xi32, #tpu.memory_space<vmem>> -> memref<128xi32, #tpu.memory_space<vmem>>
      %dma_wait3A_272 = arith.constant 0 : i32
      %dma_wait3A_273 = arith.constant 0 : i32
      %dma_wait3A_274 = tpu.memref_slice %arg10[%dma_wait3A_272, %dma_wait3A_273] : memref<10240x32xf32, #tpu.memory_space<vmem_shared>> -> memref<10240x32xf32, #tpu.memory_space<vmem_shared>>
      %dma_wait3A_275 = tpu.memref_slice %arg11[%dma_wait3A_264] : memref<8x!tpu.dma_semaphore, #tpu.memory_space<semaphore_mem>> -> memref<1x!tpu.dma_semaphore, #tpu.memory_space<semaphore_mem>>
      %dma_wait3A_276 = tpu.memref_squeeze %dma_wait3A_275 : memref<1x!tpu.dma_semaphore, #tpu.memory_space<semaphore_mem>> -> memref<!tpu.dma_semaphore, #tpu.memory_space<semaphore_mem>>
      tpu.wait_indirect_dma semaphore(%dma_wait3A_276 : memref<!tpu.dma_semaphore, #tpu.memory_space<semaphore_mem>>) src(%dma_wait3A_274 : memref<10240x32xf32, #tpu.memory_space<vmem_shared>>) dst(%dma_wait3A_268 : memref<128x32xf32, #tpu.memory_space<vmem>>)
      %dma_start3A_277 = arith.constant 0 : i32
      %dma_start3A_278 = arith.constant 0 : i32
      %dma_start3A_279 = arith.constant 0 : i32
      %dma_start3A_280 = arith.constant 0 : i32
      %dma_start3A_281 = tpu.memref_slice %arg8[%dma_start3A_277, %dma_start3A_279, %dma_start3A_280] : memref<8x128x32xf32, #tpu.memory_space<vmem>> -> memref<1x128x32xf32, #tpu.memory_space<vmem>>
      %dma_start3A_282 = tpu.memref_squeeze %dma_start3A_281 : memref<1x128x32xf32, #tpu.memory_space<vmem>> -> memref<128x32xf32, #tpu.memory_space<vmem>>
      %dma_start3A_283 = arith.constant 0 : i32
      %dma_start3A_284 = tpu.memref_slice %arg7[%add3A_262, %dma_start3A_283] : memref<80x128xi32, #tpu.memory_space<vmem>> -> memref<1x128xi32, #tpu.memory_space<vmem>>
      %dma_start3A_285 = tpu.memref_squeeze %dma_start3A_284 : memref<1x128xi32, #tpu.memory_space<vmem>> -> memref<128xi32, #tpu.memory_space<vmem>>
      %dma_start3A_286 = arith.constant 0 : i32
      %dma_start3A_287 = arith.constant 0 : i32
      %dma_start3A_288 = tpu.memref_slice %arg9[%dma_start3A_286, %dma_start3A_287] : memref<10240x32xf32, #tpu.memory_space<vmem_shared>> -> memref<10240x32xf32, #tpu.memory_space<vmem_shared>>
      %dma_start3A_289 = tpu.memref_slice %arg12[%dma_start3A_278] : memref<8x!tpu.dma_semaphore, #tpu.memory_space<semaphore_mem>> -> memref<1x!tpu.dma_semaphore, #tpu.memory_space<semaphore_mem>>
      %dma_start3A_290 = tpu.memref_squeeze %dma_start3A_289 : memref<1x!tpu.dma_semaphore, #tpu.memory_space<semaphore_mem>> -> memref<!tpu.dma_semaphore, #tpu.memory_space<semaphore_mem>>
      tpu.enqueue_indirect_dma source(%dma_start3A_282 : memref<128x32xf32, #tpu.memory_space<vmem>>) target(%dma_start3A_288 : memref<10240x32xf32, #tpu.memory_space<vmem_shared>>) offsets(%dma_start3A_285 : memref<128xi32, #tpu.memory_space<vmem>>) semaphore(%dma_start3A_290 : memref<!tpu.dma_semaphore, #tpu.memory_space<semaphore_mem>>) {add = true}
      %sub3A = arith.constant 1 : i32
      %sub3A_291 = arith.subi %add3A_262, %sub3A : i32
      %ge3A = arith.constant 0 : i32
      %ge3A_292 = arith.cmpi sge, %sub3A_291, %ge3A : i32
      %add3A_293 = arith.constant 8 : i32
      %add3A_294 = arith.addi %sub3A_291, %add3A_293 : i32
      %lt3A = arith.constant 80 : i32
      %lt3A_295 = arith.cmpi slt, %add3A_294, %lt3A : i32
      %and3A = arith.andi %ge3A_292, %lt3A_295 : i1
      %convert_element_type3A = arith.extui %and3A : i1 to i32
      %cond3A = arith.constant 0 : i32
      %cond3A_296 = arith.cmpi ne, %convert_element_type3A, %cond3A : i32
      scf.if %cond3A_296 {
        %dma_wait3A_605 = arith.constant 7 : i32
        %dma_wait3A_606 = arith.constant 7 : i32
        %dma_wait3A_607 = arith.constant 0 : i32
        %dma_wait3A_608 = arith.constant 0 : i32
        %dma_wait3A_609 = tpu.memref_slice %arg8[%dma_wait3A_605, %dma_wait3A_607, %dma_wait3A_608] : memref<8x128x32xf32, #tpu.memory_space<vmem>> -> memref<1x128x32xf32, #tpu.memory_space<vmem>>
        %dma_wait3A_610 = tpu.memref_squeeze %dma_wait3A_609 : memref<1x128x32xf32, #tpu.memory_space<vmem>> -> memref<128x32xf32, #tpu.memory_space<vmem>>
        %dma_wait3A_611 = arith.constant 0 : i32
        %dma_wait3A_612 = tpu.memref_slice %arg7[%sub3A_291, %dma_wait3A_611] : memref<80x128xi32, #tpu.memory_space<vmem>> -> memref<1x128xi32, #tpu.memory_space<vmem>>
        %dma_wait3A_613 = tpu.memref_squeeze %dma_wait3A_612 : memref<1x128xi32, #tpu.memory_space<vmem>> -> memref<128xi32, #tpu.memory_space<vmem>>
        %dma_wait3A_614 = arith.constant 0 : i32
        %dma_wait3A_615 = arith.constant 0 : i32
        %dma_wait3A_616 = tpu.memref_slice %arg9[%dma_wait3A_614, %dma_wait3A_615] : memref<10240x32xf32, #tpu.memory_space<vmem_shared>> -> memref<10240x32xf32, #tpu.memory_space<vmem_shared>>
        %dma_wait3A_617 = tpu.memref_slice %arg12[%dma_wait3A_606] : memref<8x!tpu.dma_semaphore, #tpu.memory_space<semaphore_mem>> -> memref<1x!tpu.dma_semaphore, #tpu.memory_space<semaphore_mem>>
        %dma_wait3A_618 = tpu.memref_squeeze %dma_wait3A_617 : memref<1x!tpu.dma_semaphore, #tpu.memory_space<semaphore_mem>> -> memref<!tpu.dma_semaphore, #tpu.memory_space<semaphore_mem>>
        tpu.wait_indirect_dma semaphore(%dma_wait3A_618 : memref<!tpu.dma_semaphore, #tpu.memory_space<semaphore_mem>>) src(%dma_wait3A_610 : memref<128x32xf32, #tpu.memory_space<vmem>>) dst(%dma_wait3A_616 : memref<10240x32xf32, #tpu.memory_space<vmem_shared>>)
        %add3A_619 = arith.constant 8 : i32
        %add3A_620 = arith.addi %sub3A_291, %add3A_619 : i32
        %dma_start3A_621 = arith.constant 7 : i32
        %dma_start3A_622 = arith.constant 7 : i32
        %dma_start3A_623 = arith.constant 0 : i32
        %dma_start3A_624 = arith.constant 0 : i32
        %dma_start3A_625 = tpu.memref_slice %arg8[%dma_start3A_621, %dma_start3A_623, %dma_start3A_624] : memref<8x128x32xf32, #tpu.memory_space<vmem>> -> memref<1x128x32xf32, #tpu.memory_space<vmem>>
        %dma_start3A_626 = tpu.memref_squeeze %dma_start3A_625 : memref<1x128x32xf32, #tpu.memory_space<vmem>> -> memref<128x32xf32, #tpu.memory_space<vmem>>
        %dma_start3A_627 = arith.constant 0 : i32
        %dma_start3A_628 = tpu.memref_slice %arg6[%add3A_620, %dma_start3A_627] : memref<80x128xi32, #tpu.memory_space<vmem>> -> memref<1x128xi32, #tpu.memory_space<vmem>>
        %dma_start3A_629 = tpu.memref_squeeze %dma_start3A_628 : memref<1x128xi32, #tpu.memory_space<vmem>> -> memref<128xi32, #tpu.memory_space<vmem>>
        %dma_start3A_630 = arith.constant 0 : i32
        %dma_start3A_631 = arith.constant 0 : i32
        %dma_start3A_632 = tpu.memref_slice %arg10[%dma_start3A_630, %dma_start3A_631] : memref<10240x32xf32, #tpu.memory_space<vmem_shared>> -> memref<10240x32xf32, #tpu.memory_space<vmem_shared>>
        %dma_start3A_633 = tpu.memref_slice %arg11[%dma_start3A_622] : memref<8x!tpu.dma_semaphore, #tpu.memory_space<semaphore_mem>> -> memref<1x!tpu.dma_semaphore, #tpu.memory_space<semaphore_mem>>
        %dma_start3A_634 = tpu.memref_squeeze %dma_start3A_633 : memref<1x!tpu.dma_semaphore, #tpu.memory_space<semaphore_mem>> -> memref<!tpu.dma_semaphore, #tpu.memory_space<semaphore_mem>>
        tpu.enqueue_indirect_dma source(%dma_start3A_632 : memref<10240x32xf32, #tpu.memory_space<vmem_shared>>) target(%dma_start3A_626 : memref<128x32xf32, #tpu.memory_space<vmem>>) offsets(%dma_start3A_629 : memref<128xi32, #tpu.memory_space<vmem>>) semaphore(%dma_start3A_634 : memref<!tpu.dma_semaphore, #tpu.memory_space<semaphore_mem>>)
      } else {
      }
      %mul3A_297 = arith.constant 8 : i32
      %mul3A_298 = arith.muli %scan3A_259, %mul3A_297 : i32
      %add3A_299 = arith.constant 1 : i32
      %add3A_300 = arith.addi %mul3A_298, %add3A_299 : i32
      %dma_wait3A_301 = arith.constant 1 : i32
      %dma_wait3A_302 = arith.constant 1 : i32
      %dma_wait3A_303 = arith.constant 0 : i32
      %dma_wait3A_304 = arith.constant 0 : i32
      %dma_wait3A_305 = tpu.memref_slice %arg8[%dma_wait3A_301, %dma_wait3A_303, %dma_wait3A_304] : memref<8x128x32xf32, #tpu.memory_space<vmem>> -> memref<1x128x32xf32, #tpu.memory_space<vmem>>
      %dma_wait3A_306 = tpu.memref_squeeze %dma_wait3A_305 : memref<1x128x32xf32, #tpu.memory_space<vmem>> -> memref<128x32xf32, #tpu.memory_space<vmem>>
      %dma_wait3A_307 = arith.constant 0 : i32
      %dma_wait3A_308 = tpu.memref_slice %arg6[%add3A_300, %dma_wait3A_307] : memref<80x128xi32, #tpu.memory_space<vmem>> -> memref<1x128xi32, #tpu.memory_space<vmem>>
      %dma_wait3A_309 = tpu.memref_squeeze %dma_wait3A_308 : memref<1x128xi32, #tpu.memory_space<vmem>> -> memref<128xi32, #tpu.memory_space<vmem>>
      %dma_wait3A_310 = arith.constant 0 : i32
      %dma_wait3A_311 = arith.constant 0 : i32
      %dma_wait3A_312 = tpu.memref_slice %arg10[%dma_wait3A_310, %dma_wait3A_311] : memref<10240x32xf32, #tpu.memory_space<vmem_shared>> -> memref<10240x32xf32, #tpu.memory_space<vmem_shared>>
      %dma_wait3A_313 = tpu.memref_slice %arg11[%dma_wait3A_302] : memref<8x!tpu.dma_semaphore, #tpu.memory_space<semaphore_mem>> -> memref<1x!tpu.dma_semaphore, #tpu.memory_space<semaphore_mem>>
      %dma_wait3A_314 = tpu.memref_squeeze %dma_wait3A_313 : memref<1x!tpu.dma_semaphore, #tpu.memory_space<semaphore_mem>> -> memref<!tpu.dma_semaphore, #tpu.memory_space<semaphore_mem>>
      tpu.wait_indirect_dma semaphore(%dma_wait3A_314 : memref<!tpu.dma_semaphore, #tpu.memory_space<semaphore_mem>>) src(%dma_wait3A_312 : memref<10240x32xf32, #tpu.memory_space<vmem_shared>>) dst(%dma_wait3A_306 : memref<128x32xf32, #tpu.memory_space<vmem>>)
      %dma_start3A_315 = arith.constant 1 : i32
      %dma_start3A_316 = arith.constant 1 : i32
      %dma_start3A_317 = arith.constant 0 : i32
      %dma_start3A_318 = arith.constant 0 : i32
      %dma_start3A_319 = tpu.memref_slice %arg8[%dma_start3A_315, %dma_start3A_317, %dma_start3A_318] : memref<8x128x32xf32, #tpu.memory_space<vmem>> -> memref<1x128x32xf32, #tpu.memory_space<vmem>>
      %dma_start3A_320 = tpu.memref_squeeze %dma_start3A_319 : memref<1x128x32xf32, #tpu.memory_space<vmem>> -> memref<128x32xf32, #tpu.memory_space<vmem>>
      %dma_start3A_321 = arith.constant 0 : i32
      %dma_start3A_322 = tpu.memref_slice %arg7[%add3A_300, %dma_start3A_321] : memref<80x128xi32, #tpu.memory_space<vmem>> -> memref<1x128xi32, #tpu.memory_space<vmem>>
      %dma_start3A_323 = tpu.memref_squeeze %dma_start3A_322 : memref<1x128xi32, #tpu.memory_space<vmem>> -> memref<128xi32, #tpu.memory_space<vmem>>
      %dma_start3A_324 = arith.constant 0 : i32
      %dma_start3A_325 = arith.constant 0 : i32
      %dma_start3A_326 = tpu.memref_slice %arg9[%dma_start3A_324, %dma_start3A_325] : memref<10240x32xf32, #tpu.memory_space<vmem_shared>> -> memref<10240x32xf32, #tpu.memory_space<vmem_shared>>
      %dma_start3A_327 = tpu.memref_slice %arg12[%dma_start3A_316] : memref<8x!tpu.dma_semaphore, #tpu.memory_space<semaphore_mem>> -> memref<1x!tpu.dma_semaphore, #tpu.memory_space<semaphore_mem>>
      %dma_start3A_328 = tpu.memref_squeeze %dma_start3A_327 : memref<1x!tpu.dma_semaphore, #tpu.memory_space<semaphore_mem>> -> memref<!tpu.dma_semaphore, #tpu.memory_space<semaphore_mem>>
      tpu.enqueue_indirect_dma source(%dma_start3A_320 : memref<128x32xf32, #tpu.memory_space<vmem>>) target(%dma_start3A_326 : memref<10240x32xf32, #tpu.memory_space<vmem_shared>>) offsets(%dma_start3A_323 : memref<128xi32, #tpu.memory_space<vmem>>) semaphore(%dma_start3A_328 : memref<!tpu.dma_semaphore, #tpu.memory_space<semaphore_mem>>) {add = true}
      %sub3A_329 = arith.constant 1 : i32
      %sub3A_330 = arith.subi %add3A_300, %sub3A_329 : i32
      %ge3A_331 = arith.constant 0 : i32
      %ge3A_332 = arith.cmpi sge, %sub3A_330, %ge3A_331 : i32
      %add3A_333 = arith.constant 8 : i32
      %add3A_334 = arith.addi %sub3A_330, %add3A_333 : i32
      %lt3A_335 = arith.constant 80 : i32
      %lt3A_336 = arith.cmpi slt, %add3A_334, %lt3A_335 : i32
      %and3A_337 = arith.andi %ge3A_332, %lt3A_336 : i1
      %convert_element_type3A_338 = arith.extui %and3A_337 : i1 to i32
      %cond3A_339 = arith.constant 0 : i32
      %cond3A_340 = arith.cmpi ne, %convert_element_type3A_338, %cond3A_339 : i32
      scf.if %cond3A_340 {
        %dma_wait3A_605 = arith.constant 0 : i32
        %dma_wait3A_606 = arith.constant 0 : i32
        %dma_wait3A_607 = arith.constant 0 : i32
        %dma_wait3A_608 = arith.constant 0 : i32
        %dma_wait3A_609 = tpu.memref_slice %arg8[%dma_wait3A_605, %dma_wait3A_607, %dma_wait3A_608] : memref<8x128x32xf32, #tpu.memory_space<vmem>> -> memref<1x128x32xf32, #tpu.memory_space<vmem>>
        %dma_wait3A_610 = tpu.memref_squeeze %dma_wait3A_609 : memref<1x128x32xf32, #tpu.memory_space<vmem>> -> memref<128x32xf32, #tpu.memory_space<vmem>>
        %dma_wait3A_611 = arith.constant 0 : i32
        %dma_wait3A_612 = tpu.memref_slice %arg7[%sub3A_330, %dma_wait3A_611] : memref<80x128xi32, #tpu.memory_space<vmem>> -> memref<1x128xi32, #tpu.memory_space<vmem>>
        %dma_wait3A_613 = tpu.memref_squeeze %dma_wait3A_612 : memref<1x128xi32, #tpu.memory_space<vmem>> -> memref<128xi32, #tpu.memory_space<vmem>>
        %dma_wait3A_614 = arith.constant 0 : i32
        %dma_wait3A_615 = arith.constant 0 : i32
        %dma_wait3A_616 = tpu.memref_slice %arg9[%dma_wait3A_614, %dma_wait3A_615] : memref<10240x32xf32, #tpu.memory_space<vmem_shared>> -> memref<10240x32xf32, #tpu.memory_space<vmem_shared>>
        %dma_wait3A_617 = tpu.memref_slice %arg12[%dma_wait3A_606] : memref<8x!tpu.dma_semaphore, #tpu.memory_space<semaphore_mem>> -> memref<1x!tpu.dma_semaphore, #tpu.memory_space<semaphore_mem>>
        %dma_wait3A_618 = tpu.memref_squeeze %dma_wait3A_617 : memref<1x!tpu.dma_semaphore, #tpu.memory_space<semaphore_mem>> -> memref<!tpu.dma_semaphore, #tpu.memory_space<semaphore_mem>>
        tpu.wait_indirect_dma semaphore(%dma_wait3A_618 : memref<!tpu.dma_semaphore, #tpu.memory_space<semaphore_mem>>) src(%dma_wait3A_610 : memref<128x32xf32, #tpu.memory_space<vmem>>) dst(%dma_wait3A_616 : memref<10240x32xf32, #tpu.memory_space<vmem_shared>>)
        %add3A_619 = arith.constant 8 : i32
        %add3A_620 = arith.addi %sub3A_330, %add3A_619 : i32
        %dma_start3A_621 = arith.constant 0 : i32
        %dma_start3A_622 = arith.constant 0 : i32
        %dma_start3A_623 = arith.constant 0 : i32
        %dma_start3A_624 = arith.constant 0 : i32
        %dma_start3A_625 = tpu.memref_slice %arg8[%dma_start3A_621, %dma_start3A_623, %dma_start3A_624] : memref<8x128x32xf32, #tpu.memory_space<vmem>> -> memref<1x128x32xf32, #tpu.memory_space<vmem>>
        %dma_start3A_626 = tpu.memref_squeeze %dma_start3A_625 : memref<1x128x32xf32, #tpu.memory_space<vmem>> -> memref<128x32xf32, #tpu.memory_space<vmem>>
        %dma_start3A_627 = arith.constant 0 : i32
        %dma_start3A_628 = tpu.memref_slice %arg6[%add3A_620, %dma_start3A_627] : memref<80x128xi32, #tpu.memory_space<vmem>> -> memref<1x128xi32, #tpu.memory_space<vmem>>
        %dma_start3A_629 = tpu.memref_squeeze %dma_start3A_628 : memref<1x128xi32, #tpu.memory_space<vmem>> -> memref<128xi32, #tpu.memory_space<vmem>>
        %dma_start3A_630 = arith.constant 0 : i32
        %dma_start3A_631 = arith.constant 0 : i32
        %dma_start3A_632 = tpu.memref_slice %arg10[%dma_start3A_630, %dma_start3A_631] : memref<10240x32xf32, #tpu.memory_space<vmem_shared>> -> memref<10240x32xf32, #tpu.memory_space<vmem_shared>>
        %dma_start3A_633 = tpu.memref_slice %arg11[%dma_start3A_622] : memref<8x!tpu.dma_semaphore, #tpu.memory_space<semaphore_mem>> -> memref<1x!tpu.dma_semaphore, #tpu.memory_space<semaphore_mem>>
        %dma_start3A_634 = tpu.memref_squeeze %dma_start3A_633 : memref<1x!tpu.dma_semaphore, #tpu.memory_space<semaphore_mem>> -> memref<!tpu.dma_semaphore, #tpu.memory_space<semaphore_mem>>
        tpu.enqueue_indirect_dma source(%dma_start3A_632 : memref<10240x32xf32, #tpu.memory_space<vmem_shared>>) target(%dma_start3A_626 : memref<128x32xf32, #tpu.memory_space<vmem>>) offsets(%dma_start3A_629 : memref<128xi32, #tpu.memory_space<vmem>>) semaphore(%dma_start3A_634 : memref<!tpu.dma_semaphore, #tpu.memory_space<semaphore_mem>>)
      } else {
      }
      %mul3A_341 = arith.constant 8 : i32
      %mul3A_342 = arith.muli %scan3A_259, %mul3A_341 : i32
      %add3A_343 = arith.constant 2 : i32
      %add3A_344 = arith.addi %mul3A_342, %add3A_343 : i32
      %dma_wait3A_345 = arith.constant 2 : i32
      %dma_wait3A_346 = arith.constant 2 : i32
      %dma_wait3A_347 = arith.constant 0 : i32
      %dma_wait3A_348 = arith.constant 0 : i32
      %dma_wait3A_349 = tpu.memref_slice %arg8[%dma_wait3A_345, %dma_wait3A_347, %dma_wait3A_348] : memref<8x128x32xf32, #tpu.memory_space<vmem>> -> memref<1x128x32xf32, #tpu.memory_space<vmem>>
      %dma_wait3A_350 = tpu.memref_squeeze %dma_wait3A_349 : memref<1x128x32xf32, #tpu.memory_space<vmem>> -> memref<128x32xf32, #tpu.memory_space<vmem>>
      %dma_wait3A_351 = arith.constant 0 : i32
      %dma_wait3A_352 = tpu.memref_slice %arg6[%add3A_344, %dma_wait3A_351] : memref<80x128xi32, #tpu.memory_space<vmem>> -> memref<1x128xi32, #tpu.memory_space<vmem>>
      %dma_wait3A_353 = tpu.memref_squeeze %dma_wait3A_352 : memref<1x128xi32, #tpu.memory_space<vmem>> -> memref<128xi32, #tpu.memory_space<vmem>>
      %dma_wait3A_354 = arith.constant 0 : i32
      %dma_wait3A_355 = arith.constant 0 : i32
      %dma_wait3A_356 = tpu.memref_slice %arg10[%dma_wait3A_354, %dma_wait3A_355] : memref<10240x32xf32, #tpu.memory_space<vmem_shared>> -> memref<10240x32xf32, #tpu.memory_space<vmem_shared>>
      %dma_wait3A_357 = tpu.memref_slice %arg11[%dma_wait3A_346] : memref<8x!tpu.dma_semaphore, #tpu.memory_space<semaphore_mem>> -> memref<1x!tpu.dma_semaphore, #tpu.memory_space<semaphore_mem>>
      %dma_wait3A_358 = tpu.memref_squeeze %dma_wait3A_357 : memref<1x!tpu.dma_semaphore, #tpu.memory_space<semaphore_mem>> -> memref<!tpu.dma_semaphore, #tpu.memory_space<semaphore_mem>>
      tpu.wait_indirect_dma semaphore(%dma_wait3A_358 : memref<!tpu.dma_semaphore, #tpu.memory_space<semaphore_mem>>) src(%dma_wait3A_356 : memref<10240x32xf32, #tpu.memory_space<vmem_shared>>) dst(%dma_wait3A_350 : memref<128x32xf32, #tpu.memory_space<vmem>>)
      %dma_start3A_359 = arith.constant 2 : i32
      %dma_start3A_360 = arith.constant 2 : i32
      %dma_start3A_361 = arith.constant 0 : i32
      %dma_start3A_362 = arith.constant 0 : i32
      %dma_start3A_363 = tpu.memref_slice %arg8[%dma_start3A_359, %dma_start3A_361, %dma_start3A_362] : memref<8x128x32xf32, #tpu.memory_space<vmem>> -> memref<1x128x32xf32, #tpu.memory_space<vmem>>
      %dma_start3A_364 = tpu.memref_squeeze %dma_start3A_363 : memref<1x128x32xf32, #tpu.memory_space<vmem>> -> memref<128x32xf32, #tpu.memory_space<vmem>>
      %dma_start3A_365 = arith.constant 0 : i32
      %dma_start3A_366 = tpu.memref_slice %arg7[%add3A_344, %dma_start3A_365] : memref<80x128xi32, #tpu.memory_space<vmem>> -> memref<1x128xi32, #tpu.memory_space<vmem>>
      %dma_start3A_367 = tpu.memref_squeeze %dma_start3A_366 : memref<1x128xi32, #tpu.memory_space<vmem>> -> memref<128xi32, #tpu.memory_space<vmem>>
      %dma_start3A_368 = arith.constant 0 : i32
      %dma_start3A_369 = arith.constant 0 : i32
      %dma_start3A_370 = tpu.memref_slice %arg9[%dma_start3A_368, %dma_start3A_369] : memref<10240x32xf32, #tpu.memory_space<vmem_shared>> -> memref<10240x32xf32, #tpu.memory_space<vmem_shared>>
      %dma_start3A_371 = tpu.memref_slice %arg12[%dma_start3A_360] : memref<8x!tpu.dma_semaphore, #tpu.memory_space<semaphore_mem>> -> memref<1x!tpu.dma_semaphore, #tpu.memory_space<semaphore_mem>>
      %dma_start3A_372 = tpu.memref_squeeze %dma_start3A_371 : memref<1x!tpu.dma_semaphore, #tpu.memory_space<semaphore_mem>> -> memref<!tpu.dma_semaphore, #tpu.memory_space<semaphore_mem>>
      tpu.enqueue_indirect_dma source(%dma_start3A_364 : memref<128x32xf32, #tpu.memory_space<vmem>>) target(%dma_start3A_370 : memref<10240x32xf32, #tpu.memory_space<vmem_shared>>) offsets(%dma_start3A_367 : memref<128xi32, #tpu.memory_space<vmem>>) semaphore(%dma_start3A_372 : memref<!tpu.dma_semaphore, #tpu.memory_space<semaphore_mem>>) {add = true}
      %sub3A_373 = arith.constant 1 : i32
      %sub3A_374 = arith.subi %add3A_344, %sub3A_373 : i32
      %ge3A_375 = arith.constant 0 : i32
      %ge3A_376 = arith.cmpi sge, %sub3A_374, %ge3A_375 : i32
      %add3A_377 = arith.constant 8 : i32
      %add3A_378 = arith.addi %sub3A_374, %add3A_377 : i32
      %lt3A_379 = arith.constant 80 : i32
      %lt3A_380 = arith.cmpi slt, %add3A_378, %lt3A_379 : i32
      %and3A_381 = arith.andi %ge3A_376, %lt3A_380 : i1
      %convert_element_type3A_382 = arith.extui %and3A_381 : i1 to i32
      %cond3A_383 = arith.constant 0 : i32
      %cond3A_384 = arith.cmpi ne, %convert_element_type3A_382, %cond3A_383 : i32
      scf.if %cond3A_384 {
        %dma_wait3A_605 = arith.constant 1 : i32
        %dma_wait3A_606 = arith.constant 1 : i32
        %dma_wait3A_607 = arith.constant 0 : i32
        %dma_wait3A_608 = arith.constant 0 : i32
        %dma_wait3A_609 = tpu.memref_slice %arg8[%dma_wait3A_605, %dma_wait3A_607, %dma_wait3A_608] : memref<8x128x32xf32, #tpu.memory_space<vmem>> -> memref<1x128x32xf32, #tpu.memory_space<vmem>>
        %dma_wait3A_610 = tpu.memref_squeeze %dma_wait3A_609 : memref<1x128x32xf32, #tpu.memory_space<vmem>> -> memref<128x32xf32, #tpu.memory_space<vmem>>
        %dma_wait3A_611 = arith.constant 0 : i32
        %dma_wait3A_612 = tpu.memref_slice %arg7[%sub3A_374, %dma_wait3A_611] : memref<80x128xi32, #tpu.memory_space<vmem>> -> memref<1x128xi32, #tpu.memory_space<vmem>>
        %dma_wait3A_613 = tpu.memref_squeeze %dma_wait3A_612 : memref<1x128xi32, #tpu.memory_space<vmem>> -> memref<128xi32, #tpu.memory_space<vmem>>
        %dma_wait3A_614 = arith.constant 0 : i32
        %dma_wait3A_615 = arith.constant 0 : i32
        %dma_wait3A_616 = tpu.memref_slice %arg9[%dma_wait3A_614, %dma_wait3A_615] : memref<10240x32xf32, #tpu.memory_space<vmem_shared>> -> memref<10240x32xf32, #tpu.memory_space<vmem_shared>>
        %dma_wait3A_617 = tpu.memref_slice %arg12[%dma_wait3A_606] : memref<8x!tpu.dma_semaphore, #tpu.memory_space<semaphore_mem>> -> memref<1x!tpu.dma_semaphore, #tpu.memory_space<semaphore_mem>>
        %dma_wait3A_618 = tpu.memref_squeeze %dma_wait3A_617 : memref<1x!tpu.dma_semaphore, #tpu.memory_space<semaphore_mem>> -> memref<!tpu.dma_semaphore, #tpu.memory_space<semaphore_mem>>
        tpu.wait_indirect_dma semaphore(%dma_wait3A_618 : memref<!tpu.dma_semaphore, #tpu.memory_space<semaphore_mem>>) src(%dma_wait3A_610 : memref<128x32xf32, #tpu.memory_space<vmem>>) dst(%dma_wait3A_616 : memref<10240x32xf32, #tpu.memory_space<vmem_shared>>)
        %add3A_619 = arith.constant 8 : i32
        %add3A_620 = arith.addi %sub3A_374, %add3A_619 : i32
        %dma_start3A_621 = arith.constant 1 : i32
        %dma_start3A_622 = arith.constant 1 : i32
        %dma_start3A_623 = arith.constant 0 : i32
        %dma_start3A_624 = arith.constant 0 : i32
        %dma_start3A_625 = tpu.memref_slice %arg8[%dma_start3A_621, %dma_start3A_623, %dma_start3A_624] : memref<8x128x32xf32, #tpu.memory_space<vmem>> -> memref<1x128x32xf32, #tpu.memory_space<vmem>>
        %dma_start3A_626 = tpu.memref_squeeze %dma_start3A_625 : memref<1x128x32xf32, #tpu.memory_space<vmem>> -> memref<128x32xf32, #tpu.memory_space<vmem>>
        %dma_start3A_627 = arith.constant 0 : i32
        %dma_start3A_628 = tpu.memref_slice %arg6[%add3A_620, %dma_start3A_627] : memref<80x128xi32, #tpu.memory_space<vmem>> -> memref<1x128xi32, #tpu.memory_space<vmem>>
        %dma_start3A_629 = tpu.memref_squeeze %dma_start3A_628 : memref<1x128xi32, #tpu.memory_space<vmem>> -> memref<128xi32, #tpu.memory_space<vmem>>
        %dma_start3A_630 = arith.constant 0 : i32
        %dma_start3A_631 = arith.constant 0 : i32
        %dma_start3A_632 = tpu.memref_slice %arg10[%dma_start3A_630, %dma_start3A_631] : memref<10240x32xf32, #tpu.memory_space<vmem_shared>> -> memref<10240x32xf32, #tpu.memory_space<vmem_shared>>
        %dma_start3A_633 = tpu.memref_slice %arg11[%dma_start3A_622] : memref<8x!tpu.dma_semaphore, #tpu.memory_space<semaphore_mem>> -> memref<1x!tpu.dma_semaphore, #tpu.memory_space<semaphore_mem>>
        %dma_start3A_634 = tpu.memref_squeeze %dma_start3A_633 : memref<1x!tpu.dma_semaphore, #tpu.memory_space<semaphore_mem>> -> memref<!tpu.dma_semaphore, #tpu.memory_space<semaphore_mem>>
        tpu.enqueue_indirect_dma source(%dma_start3A_632 : memref<10240x32xf32, #tpu.memory_space<vmem_shared>>) target(%dma_start3A_626 : memref<128x32xf32, #tpu.memory_space<vmem>>) offsets(%dma_start3A_629 : memref<128xi32, #tpu.memory_space<vmem>>) semaphore(%dma_start3A_634 : memref<!tpu.dma_semaphore, #tpu.memory_space<semaphore_mem>>)
      } else {
      }
      %mul3A_385 = arith.constant 8 : i32
      %mul3A_386 = arith.muli %scan3A_259, %mul3A_385 : i32
      %add3A_387 = arith.constant 3 : i32
      %add3A_388 = arith.addi %mul3A_386, %add3A_387 : i32
      %dma_wait3A_389 = arith.constant 3 : i32
      %dma_wait3A_390 = arith.constant 3 : i32
      %dma_wait3A_391 = arith.constant 0 : i32
      %dma_wait3A_392 = arith.constant 0 : i32
      %dma_wait3A_393 = tpu.memref_slice %arg8[%dma_wait3A_389, %dma_wait3A_391, %dma_wait3A_392] : memref<8x128x32xf32, #tpu.memory_space<vmem>> -> memref<1x128x32xf32, #tpu.memory_space<vmem>>
      %dma_wait3A_394 = tpu.memref_squeeze %dma_wait3A_393 : memref<1x128x32xf32, #tpu.memory_space<vmem>> -> memref<128x32xf32, #tpu.memory_space<vmem>>
      %dma_wait3A_395 = arith.constant 0 : i32
      %dma_wait3A_396 = tpu.memref_slice %arg6[%add3A_388, %dma_wait3A_395] : memref<80x128xi32, #tpu.memory_space<vmem>> -> memref<1x128xi32, #tpu.memory_space<vmem>>
      %dma_wait3A_397 = tpu.memref_squeeze %dma_wait3A_396 : memref<1x128xi32, #tpu.memory_space<vmem>> -> memref<128xi32, #tpu.memory_space<vmem>>
      %dma_wait3A_398 = arith.constant 0 : i32
      %dma_wait3A_399 = arith.constant 0 : i32
      %dma_wait3A_400 = tpu.memref_slice %arg10[%dma_wait3A_398, %dma_wait3A_399] : memref<10240x32xf32, #tpu.memory_space<vmem_shared>> -> memref<10240x32xf32, #tpu.memory_space<vmem_shared>>
      %dma_wait3A_401 = tpu.memref_slice %arg11[%dma_wait3A_390] : memref<8x!tpu.dma_semaphore, #tpu.memory_space<semaphore_mem>> -> memref<1x!tpu.dma_semaphore, #tpu.memory_space<semaphore_mem>>
      %dma_wait3A_402 = tpu.memref_squeeze %dma_wait3A_401 : memref<1x!tpu.dma_semaphore, #tpu.memory_space<semaphore_mem>> -> memref<!tpu.dma_semaphore, #tpu.memory_space<semaphore_mem>>
      tpu.wait_indirect_dma semaphore(%dma_wait3A_402 : memref<!tpu.dma_semaphore, #tpu.memory_space<semaphore_mem>>) src(%dma_wait3A_400 : memref<10240x32xf32, #tpu.memory_space<vmem_shared>>) dst(%dma_wait3A_394 : memref<128x32xf32, #tpu.memory_space<vmem>>)
      %dma_start3A_403 = arith.constant 3 : i32
      %dma_start3A_404 = arith.constant 3 : i32
      %dma_start3A_405 = arith.constant 0 : i32
      %dma_start3A_406 = arith.constant 0 : i32
      %dma_start3A_407 = tpu.memref_slice %arg8[%dma_start3A_403, %dma_start3A_405, %dma_start3A_406] : memref<8x128x32xf32, #tpu.memory_space<vmem>> -> memref<1x128x32xf32, #tpu.memory_space<vmem>>
      %dma_start3A_408 = tpu.memref_squeeze %dma_start3A_407 : memref<1x128x32xf32, #tpu.memory_space<vmem>> -> memref<128x32xf32, #tpu.memory_space<vmem>>
      %dma_start3A_409 = arith.constant 0 : i32
      %dma_start3A_410 = tpu.memref_slice %arg7[%add3A_388, %dma_start3A_409] : memref<80x128xi32, #tpu.memory_space<vmem>> -> memref<1x128xi32, #tpu.memory_space<vmem>>
      %dma_start3A_411 = tpu.memref_squeeze %dma_start3A_410 : memref<1x128xi32, #tpu.memory_space<vmem>> -> memref<128xi32, #tpu.memory_space<vmem>>
      %dma_start3A_412 = arith.constant 0 : i32
      %dma_start3A_413 = arith.constant 0 : i32
      %dma_start3A_414 = tpu.memref_slice %arg9[%dma_start3A_412, %dma_start3A_413] : memref<10240x32xf32, #tpu.memory_space<vmem_shared>> -> memref<10240x32xf32, #tpu.memory_space<vmem_shared>>
      %dma_start3A_415 = tpu.memref_slice %arg12[%dma_start3A_404] : memref<8x!tpu.dma_semaphore, #tpu.memory_space<semaphore_mem>> -> memref<1x!tpu.dma_semaphore, #tpu.memory_space<semaphore_mem>>
      %dma_start3A_416 = tpu.memref_squeeze %dma_start3A_415 : memref<1x!tpu.dma_semaphore, #tpu.memory_space<semaphore_mem>> -> memref<!tpu.dma_semaphore, #tpu.memory_space<semaphore_mem>>
      tpu.enqueue_indirect_dma source(%dma_start3A_408 : memref<128x32xf32, #tpu.memory_space<vmem>>) target(%dma_start3A_414 : memref<10240x32xf32, #tpu.memory_space<vmem_shared>>) offsets(%dma_start3A_411 : memref<128xi32, #tpu.memory_space<vmem>>) semaphore(%dma_start3A_416 : memref<!tpu.dma_semaphore, #tpu.memory_space<semaphore_mem>>) {add = true}
      %sub3A_417 = arith.constant 1 : i32
      %sub3A_418 = arith.subi %add3A_388, %sub3A_417 : i32
      %ge3A_419 = arith.constant 0 : i32
      %ge3A_420 = arith.cmpi sge, %sub3A_418, %ge3A_419 : i32
      %add3A_421 = arith.constant 8 : i32
      %add3A_422 = arith.addi %sub3A_418, %add3A_421 : i32
      %lt3A_423 = arith.constant 80 : i32
      %lt3A_424 = arith.cmpi slt, %add3A_422, %lt3A_423 : i32
      %and3A_425 = arith.andi %ge3A_420, %lt3A_424 : i1
      %convert_element_type3A_426 = arith.extui %and3A_425 : i1 to i32
      %cond3A_427 = arith.constant 0 : i32
      %cond3A_428 = arith.cmpi ne, %convert_element_type3A_426, %cond3A_427 : i32
      scf.if %cond3A_428 {
        %dma_wait3A_605 = arith.constant 2 : i32
        %dma_wait3A_606 = arith.constant 2 : i32
        %dma_wait3A_607 = arith.constant 0 : i32
        %dma_wait3A_608 = arith.constant 0 : i32
        %dma_wait3A_609 = tpu.memref_slice %arg8[%dma_wait3A_605, %dma_wait3A_607, %dma_wait3A_608] : memref<8x128x32xf32, #tpu.memory_space<vmem>> -> memref<1x128x32xf32, #tpu.memory_space<vmem>>
        %dma_wait3A_610 = tpu.memref_squeeze %dma_wait3A_609 : memref<1x128x32xf32, #tpu.memory_space<vmem>> -> memref<128x32xf32, #tpu.memory_space<vmem>>
        %dma_wait3A_611 = arith.constant 0 : i32
        %dma_wait3A_612 = tpu.memref_slice %arg7[%sub3A_418, %dma_wait3A_611] : memref<80x128xi32, #tpu.memory_space<vmem>> -> memref<1x128xi32, #tpu.memory_space<vmem>>
        %dma_wait3A_613 = tpu.memref_squeeze %dma_wait3A_612 : memref<1x128xi32, #tpu.memory_space<vmem>> -> memref<128xi32, #tpu.memory_space<vmem>>
        %dma_wait3A_614 = arith.constant 0 : i32
        %dma_wait3A_615 = arith.constant 0 : i32
        %dma_wait3A_616 = tpu.memref_slice %arg9[%dma_wait3A_614, %dma_wait3A_615] : memref<10240x32xf32, #tpu.memory_space<vmem_shared>> -> memref<10240x32xf32, #tpu.memory_space<vmem_shared>>
        %dma_wait3A_617 = tpu.memref_slice %arg12[%dma_wait3A_606] : memref<8x!tpu.dma_semaphore, #tpu.memory_space<semaphore_mem>> -> memref<1x!tpu.dma_semaphore, #tpu.memory_space<semaphore_mem>>
        %dma_wait3A_618 = tpu.memref_squeeze %dma_wait3A_617 : memref<1x!tpu.dma_semaphore, #tpu.memory_space<semaphore_mem>> -> memref<!tpu.dma_semaphore, #tpu.memory_space<semaphore_mem>>
        tpu.wait_indirect_dma semaphore(%dma_wait3A_618 : memref<!tpu.dma_semaphore, #tpu.memory_space<semaphore_mem>>) src(%dma_wait3A_610 : memref<128x32xf32, #tpu.memory_space<vmem>>) dst(%dma_wait3A_616 : memref<10240x32xf32, #tpu.memory_space<vmem_shared>>)
        %add3A_619 = arith.constant 8 : i32
        %add3A_620 = arith.addi %sub3A_418, %add3A_619 : i32
        %dma_start3A_621 = arith.constant 2 : i32
        %dma_start3A_622 = arith.constant 2 : i32
        %dma_start3A_623 = arith.constant 0 : i32
        %dma_start3A_624 = arith.constant 0 : i32
        %dma_start3A_625 = tpu.memref_slice %arg8[%dma_start3A_621, %dma_start3A_623, %dma_start3A_624] : memref<8x128x32xf32, #tpu.memory_space<vmem>> -> memref<1x128x32xf32, #tpu.memory_space<vmem>>
        %dma_start3A_626 = tpu.memref_squeeze %dma_start3A_625 : memref<1x128x32xf32, #tpu.memory_space<vmem>> -> memref<128x32xf32, #tpu.memory_space<vmem>>
        %dma_start3A_627 = arith.constant 0 : i32
        %dma_start3A_628 = tpu.memref_slice %arg6[%add3A_620, %dma_start3A_627] : memref<80x128xi32, #tpu.memory_space<vmem>> -> memref<1x128xi32, #tpu.memory_space<vmem>>
        %dma_start3A_629 = tpu.memref_squeeze %dma_start3A_628 : memref<1x128xi32, #tpu.memory_space<vmem>> -> memref<128xi32, #tpu.memory_space<vmem>>
        %dma_start3A_630 = arith.constant 0 : i32
        %dma_start3A_631 = arith.constant 0 : i32
        %dma_start3A_632 = tpu.memref_slice %arg10[%dma_start3A_630, %dma_start3A_631] : memref<10240x32xf32, #tpu.memory_space<vmem_shared>> -> memref<10240x32xf32, #tpu.memory_space<vmem_shared>>
        %dma_start3A_633 = tpu.memref_slice %arg11[%dma_start3A_622] : memref<8x!tpu.dma_semaphore, #tpu.memory_space<semaphore_mem>> -> memref<1x!tpu.dma_semaphore, #tpu.memory_space<semaphore_mem>>
        %dma_start3A_634 = tpu.memref_squeeze %dma_start3A_633 : memref<1x!tpu.dma_semaphore, #tpu.memory_space<semaphore_mem>> -> memref<!tpu.dma_semaphore, #tpu.memory_space<semaphore_mem>>
        tpu.enqueue_indirect_dma source(%dma_start3A_632 : memref<10240x32xf32, #tpu.memory_space<vmem_shared>>) target(%dma_start3A_626 : memref<128x32xf32, #tpu.memory_space<vmem>>) offsets(%dma_start3A_629 : memref<128xi32, #tpu.memory_space<vmem>>) semaphore(%dma_start3A_634 : memref<!tpu.dma_semaphore, #tpu.memory_space<semaphore_mem>>)
      } else {
      }
      %mul3A_429 = arith.constant 8 : i32
      %mul3A_430 = arith.muli %scan3A_259, %mul3A_429 : i32
      %add3A_431 = arith.constant 4 : i32
      %add3A_432 = arith.addi %mul3A_430, %add3A_431 : i32
      %dma_wait3A_433 = arith.constant 4 : i32
      %dma_wait3A_434 = arith.constant 4 : i32
      %dma_wait3A_435 = arith.constant 0 : i32
      %dma_wait3A_436 = arith.constant 0 : i32
      %dma_wait3A_437 = tpu.memref_slice %arg8[%dma_wait3A_433, %dma_wait3A_435, %dma_wait3A_436] : memref<8x128x32xf32, #tpu.memory_space<vmem>> -> memref<1x128x32xf32, #tpu.memory_space<vmem>>
      %dma_wait3A_438 = tpu.memref_squeeze %dma_wait3A_437 : memref<1x128x32xf32, #tpu.memory_space<vmem>> -> memref<128x32xf32, #tpu.memory_space<vmem>>
      %dma_wait3A_439 = arith.constant 0 : i32
      %dma_wait3A_440 = tpu.memref_slice %arg6[%add3A_432, %dma_wait3A_439] : memref<80x128xi32, #tpu.memory_space<vmem>> -> memref<1x128xi32, #tpu.memory_space<vmem>>
      %dma_wait3A_441 = tpu.memref_squeeze %dma_wait3A_440 : memref<1x128xi32, #tpu.memory_space<vmem>> -> memref<128xi32, #tpu.memory_space<vmem>>
      %dma_wait3A_442 = arith.constant 0 : i32
      %dma_wait3A_443 = arith.constant 0 : i32
      %dma_wait3A_444 = tpu.memref_slice %arg10[%dma_wait3A_442, %dma_wait3A_443] : memref<10240x32xf32, #tpu.memory_space<vmem_shared>> -> memref<10240x32xf32, #tpu.memory_space<vmem_shared>>
      %dma_wait3A_445 = tpu.memref_slice %arg11[%dma_wait3A_434] : memref<8x!tpu.dma_semaphore, #tpu.memory_space<semaphore_mem>> -> memref<1x!tpu.dma_semaphore, #tpu.memory_space<semaphore_mem>>
      %dma_wait3A_446 = tpu.memref_squeeze %dma_wait3A_445 : memref<1x!tpu.dma_semaphore, #tpu.memory_space<semaphore_mem>> -> memref<!tpu.dma_semaphore, #tpu.memory_space<semaphore_mem>>
      tpu.wait_indirect_dma semaphore(%dma_wait3A_446 : memref<!tpu.dma_semaphore, #tpu.memory_space<semaphore_mem>>) src(%dma_wait3A_444 : memref<10240x32xf32, #tpu.memory_space<vmem_shared>>) dst(%dma_wait3A_438 : memref<128x32xf32, #tpu.memory_space<vmem>>)
      %dma_start3A_447 = arith.constant 4 : i32
      %dma_start3A_448 = arith.constant 4 : i32
      %dma_start3A_449 = arith.constant 0 : i32
      %dma_start3A_450 = arith.constant 0 : i32
      %dma_start3A_451 = tpu.memref_slice %arg8[%dma_start3A_447, %dma_start3A_449, %dma_start3A_450] : memref<8x128x32xf32, #tpu.memory_space<vmem>> -> memref<1x128x32xf32, #tpu.memory_space<vmem>>
      %dma_start3A_452 = tpu.memref_squeeze %dma_start3A_451 : memref<1x128x32xf32, #tpu.memory_space<vmem>> -> memref<128x32xf32, #tpu.memory_space<vmem>>
      %dma_start3A_453 = arith.constant 0 : i32
      %dma_start3A_454 = tpu.memref_slice %arg7[%add3A_432, %dma_start3A_453] : memref<80x128xi32, #tpu.memory_space<vmem>> -> memref<1x128xi32, #tpu.memory_space<vmem>>
      %dma_start3A_455 = tpu.memref_squeeze %dma_start3A_454 : memref<1x128xi32, #tpu.memory_space<vmem>> -> memref<128xi32, #tpu.memory_space<vmem>>
      %dma_start3A_456 = arith.constant 0 : i32
      %dma_start3A_457 = arith.constant 0 : i32
      %dma_start3A_458 = tpu.memref_slice %arg9[%dma_start3A_456, %dma_start3A_457] : memref<10240x32xf32, #tpu.memory_space<vmem_shared>> -> memref<10240x32xf32, #tpu.memory_space<vmem_shared>>
      %dma_start3A_459 = tpu.memref_slice %arg12[%dma_start3A_448] : memref<8x!tpu.dma_semaphore, #tpu.memory_space<semaphore_mem>> -> memref<1x!tpu.dma_semaphore, #tpu.memory_space<semaphore_mem>>
      %dma_start3A_460 = tpu.memref_squeeze %dma_start3A_459 : memref<1x!tpu.dma_semaphore, #tpu.memory_space<semaphore_mem>> -> memref<!tpu.dma_semaphore, #tpu.memory_space<semaphore_mem>>
      tpu.enqueue_indirect_dma source(%dma_start3A_452 : memref<128x32xf32, #tpu.memory_space<vmem>>) target(%dma_start3A_458 : memref<10240x32xf32, #tpu.memory_space<vmem_shared>>) offsets(%dma_start3A_455 : memref<128xi32, #tpu.memory_space<vmem>>) semaphore(%dma_start3A_460 : memref<!tpu.dma_semaphore, #tpu.memory_space<semaphore_mem>>) {add = true}
      %sub3A_461 = arith.constant 1 : i32
      %sub3A_462 = arith.subi %add3A_432, %sub3A_461 : i32
      %ge3A_463 = arith.constant 0 : i32
      %ge3A_464 = arith.cmpi sge, %sub3A_462, %ge3A_463 : i32
      %add3A_465 = arith.constant 8 : i32
      %add3A_466 = arith.addi %sub3A_462, %add3A_465 : i32
      %lt3A_467 = arith.constant 80 : i32
      %lt3A_468 = arith.cmpi slt, %add3A_466, %lt3A_467 : i32
      %and3A_469 = arith.andi %ge3A_464, %lt3A_468 : i1
      %convert_element_type3A_470 = arith.extui %and3A_469 : i1 to i32
      %cond3A_471 = arith.constant 0 : i32
      %cond3A_472 = arith.cmpi ne, %convert_element_type3A_470, %cond3A_471 : i32
      scf.if %cond3A_472 {
        %dma_wait3A_605 = arith.constant 3 : i32
        %dma_wait3A_606 = arith.constant 3 : i32
        %dma_wait3A_607 = arith.constant 0 : i32
        %dma_wait3A_608 = arith.constant 0 : i32
        %dma_wait3A_609 = tpu.memref_slice %arg8[%dma_wait3A_605, %dma_wait3A_607, %dma_wait3A_608] : memref<8x128x32xf32, #tpu.memory_space<vmem>> -> memref<1x128x32xf32, #tpu.memory_space<vmem>>
        %dma_wait3A_610 = tpu.memref_squeeze %dma_wait3A_609 : memref<1x128x32xf32, #tpu.memory_space<vmem>> -> memref<128x32xf32, #tpu.memory_space<vmem>>
        %dma_wait3A_611 = arith.constant 0 : i32
        %dma_wait3A_612 = tpu.memref_slice %arg7[%sub3A_462, %dma_wait3A_611] : memref<80x128xi32, #tpu.memory_space<vmem>> -> memref<1x128xi32, #tpu.memory_space<vmem>>
        %dma_wait3A_613 = tpu.memref_squeeze %dma_wait3A_612 : memref<1x128xi32, #tpu.memory_space<vmem>> -> memref<128xi32, #tpu.memory_space<vmem>>
        %dma_wait3A_614 = arith.constant 0 : i32
        %dma_wait3A_615 = arith.constant 0 : i32
        %dma_wait3A_616 = tpu.memref_slice %arg9[%dma_wait3A_614, %dma_wait3A_615] : memref<10240x32xf32, #tpu.memory_space<vmem_shared>> -> memref<10240x32xf32, #tpu.memory_space<vmem_shared>>
        %dma_wait3A_617 = tpu.memref_slice %arg12[%dma_wait3A_606] : memref<8x!tpu.dma_semaphore, #tpu.memory_space<semaphore_mem>> -> memref<1x!tpu.dma_semaphore, #tpu.memory_space<semaphore_mem>>
        %dma_wait3A_618 = tpu.memref_squeeze %dma_wait3A_617 : memref<1x!tpu.dma_semaphore, #tpu.memory_space<semaphore_mem>> -> memref<!tpu.dma_semaphore, #tpu.memory_space<semaphore_mem>>
        tpu.wait_indirect_dma semaphore(%dma_wait3A_618 : memref<!tpu.dma_semaphore, #tpu.memory_space<semaphore_mem>>) src(%dma_wait3A_610 : memref<128x32xf32, #tpu.memory_space<vmem>>) dst(%dma_wait3A_616 : memref<10240x32xf32, #tpu.memory_space<vmem_shared>>)
        %add3A_619 = arith.constant 8 : i32
        %add3A_620 = arith.addi %sub3A_462, %add3A_619 : i32
        %dma_start3A_621 = arith.constant 3 : i32
        %dma_start3A_622 = arith.constant 3 : i32
        %dma_start3A_623 = arith.constant 0 : i32
        %dma_start3A_624 = arith.constant 0 : i32
        %dma_start3A_625 = tpu.memref_slice %arg8[%dma_start3A_621, %dma_start3A_623, %dma_start3A_624] : memref<8x128x32xf32, #tpu.memory_space<vmem>> -> memref<1x128x32xf32, #tpu.memory_space<vmem>>
        %dma_start3A_626 = tpu.memref_squeeze %dma_start3A_625 : memref<1x128x32xf32, #tpu.memory_space<vmem>> -> memref<128x32xf32, #tpu.memory_space<vmem>>
        %dma_start3A_627 = arith.constant 0 : i32
        %dma_start3A_628 = tpu.memref_slice %arg6[%add3A_620, %dma_start3A_627] : memref<80x128xi32, #tpu.memory_space<vmem>> -> memref<1x128xi32, #tpu.memory_space<vmem>>
        %dma_start3A_629 = tpu.memref_squeeze %dma_start3A_628 : memref<1x128xi32, #tpu.memory_space<vmem>> -> memref<128xi32, #tpu.memory_space<vmem>>
        %dma_start3A_630 = arith.constant 0 : i32
        %dma_start3A_631 = arith.constant 0 : i32
        %dma_start3A_632 = tpu.memref_slice %arg10[%dma_start3A_630, %dma_start3A_631] : memref<10240x32xf32, #tpu.memory_space<vmem_shared>> -> memref<10240x32xf32, #tpu.memory_space<vmem_shared>>
        %dma_start3A_633 = tpu.memref_slice %arg11[%dma_start3A_622] : memref<8x!tpu.dma_semaphore, #tpu.memory_space<semaphore_mem>> -> memref<1x!tpu.dma_semaphore, #tpu.memory_space<semaphore_mem>>
        %dma_start3A_634 = tpu.memref_squeeze %dma_start3A_633 : memref<1x!tpu.dma_semaphore, #tpu.memory_space<semaphore_mem>> -> memref<!tpu.dma_semaphore, #tpu.memory_space<semaphore_mem>>
        tpu.enqueue_indirect_dma source(%dma_start3A_632 : memref<10240x32xf32, #tpu.memory_space<vmem_shared>>) target(%dma_start3A_626 : memref<128x32xf32, #tpu.memory_space<vmem>>) offsets(%dma_start3A_629 : memref<128xi32, #tpu.memory_space<vmem>>) semaphore(%dma_start3A_634 : memref<!tpu.dma_semaphore, #tpu.memory_space<semaphore_mem>>)
      } else {
      }
      %mul3A_473 = arith.constant 8 : i32
      %mul3A_474 = arith.muli %scan3A_259, %mul3A_473 : i32
      %add3A_475 = arith.constant 5 : i32
      %add3A_476 = arith.addi %mul3A_474, %add3A_475 : i32
      %dma_wait3A_477 = arith.constant 5 : i32
      %dma_wait3A_478 = arith.constant 5 : i32
      %dma_wait3A_479 = arith.constant 0 : i32
      %dma_wait3A_480 = arith.constant 0 : i32
      %dma_wait3A_481 = tpu.memref_slice %arg8[%dma_wait3A_477, %dma_wait3A_479, %dma_wait3A_480] : memref<8x128x32xf32, #tpu.memory_space<vmem>> -> memref<1x128x32xf32, #tpu.memory_space<vmem>>
      %dma_wait3A_482 = tpu.memref_squeeze %dma_wait3A_481 : memref<1x128x32xf32, #tpu.memory_space<vmem>> -> memref<128x32xf32, #tpu.memory_space<vmem>>
      %dma_wait3A_483 = arith.constant 0 : i32
      %dma_wait3A_484 = tpu.memref_slice %arg6[%add3A_476, %dma_wait3A_483] : memref<80x128xi32, #tpu.memory_space<vmem>> -> memref<1x128xi32, #tpu.memory_space<vmem>>
      %dma_wait3A_485 = tpu.memref_squeeze %dma_wait3A_484 : memref<1x128xi32, #tpu.memory_space<vmem>> -> memref<128xi32, #tpu.memory_space<vmem>>
      %dma_wait3A_486 = arith.constant 0 : i32
      %dma_wait3A_487 = arith.constant 0 : i32
      %dma_wait3A_488 = tpu.memref_slice %arg10[%dma_wait3A_486, %dma_wait3A_487] : memref<10240x32xf32, #tpu.memory_space<vmem_shared>> -> memref<10240x32xf32, #tpu.memory_space<vmem_shared>>
      %dma_wait3A_489 = tpu.memref_slice %arg11[%dma_wait3A_478] : memref<8x!tpu.dma_semaphore, #tpu.memory_space<semaphore_mem>> -> memref<1x!tpu.dma_semaphore, #tpu.memory_space<semaphore_mem>>
      %dma_wait3A_490 = tpu.memref_squeeze %dma_wait3A_489 : memref<1x!tpu.dma_semaphore, #tpu.memory_space<semaphore_mem>> -> memref<!tpu.dma_semaphore, #tpu.memory_space<semaphore_mem>>
      tpu.wait_indirect_dma semaphore(%dma_wait3A_490 : memref<!tpu.dma_semaphore, #tpu.memory_space<semaphore_mem>>) src(%dma_wait3A_488 : memref<10240x32xf32, #tpu.memory_space<vmem_shared>>) dst(%dma_wait3A_482 : memref<128x32xf32, #tpu.memory_space<vmem>>)
      %dma_start3A_491 = arith.constant 5 : i32
      %dma_start3A_492 = arith.constant 5 : i32
      %dma_start3A_493 = arith.constant 0 : i32
      %dma_start3A_494 = arith.constant 0 : i32
      %dma_start3A_495 = tpu.memref_slice %arg8[%dma_start3A_491, %dma_start3A_493, %dma_start3A_494] : memref<8x128x32xf32, #tpu.memory_space<vmem>> -> memref<1x128x32xf32, #tpu.memory_space<vmem>>
      %dma_start3A_496 = tpu.memref_squeeze %dma_start3A_495 : memref<1x128x32xf32, #tpu.memory_space<vmem>> -> memref<128x32xf32, #tpu.memory_space<vmem>>
      %dma_start3A_497 = arith.constant 0 : i32
      %dma_start3A_498 = tpu.memref_slice %arg7[%add3A_476, %dma_start3A_497] : memref<80x128xi32, #tpu.memory_space<vmem>> -> memref<1x128xi32, #tpu.memory_space<vmem>>
      %dma_start3A_499 = tpu.memref_squeeze %dma_start3A_498 : memref<1x128xi32, #tpu.memory_space<vmem>> -> memref<128xi32, #tpu.memory_space<vmem>>
      %dma_start3A_500 = arith.constant 0 : i32
      %dma_start3A_501 = arith.constant 0 : i32
      %dma_start3A_502 = tpu.memref_slice %arg9[%dma_start3A_500, %dma_start3A_501] : memref<10240x32xf32, #tpu.memory_space<vmem_shared>> -> memref<10240x32xf32, #tpu.memory_space<vmem_shared>>
      %dma_start3A_503 = tpu.memref_slice %arg12[%dma_start3A_492] : memref<8x!tpu.dma_semaphore, #tpu.memory_space<semaphore_mem>> -> memref<1x!tpu.dma_semaphore, #tpu.memory_space<semaphore_mem>>
      %dma_start3A_504 = tpu.memref_squeeze %dma_start3A_503 : memref<1x!tpu.dma_semaphore, #tpu.memory_space<semaphore_mem>> -> memref<!tpu.dma_semaphore, #tpu.memory_space<semaphore_mem>>
      tpu.enqueue_indirect_dma source(%dma_start3A_496 : memref<128x32xf32, #tpu.memory_space<vmem>>) target(%dma_start3A_502 : memref<10240x32xf32, #tpu.memory_space<vmem_shared>>) offsets(%dma_start3A_499 : memref<128xi32, #tpu.memory_space<vmem>>) semaphore(%dma_start3A_504 : memref<!tpu.dma_semaphore, #tpu.memory_space<semaphore_mem>>) {add = true}
      %sub3A_505 = arith.constant 1 : i32
      %sub3A_506 = arith.subi %add3A_476, %sub3A_505 : i32
      %ge3A_507 = arith.constant 0 : i32
      %ge3A_508 = arith.cmpi sge, %sub3A_506, %ge3A_507 : i32
      %add3A_509 = arith.constant 8 : i32
      %add3A_510 = arith.addi %sub3A_506, %add3A_509 : i32
      %lt3A_511 = arith.constant 80 : i32
      %lt3A_512 = arith.cmpi slt, %add3A_510, %lt3A_511 : i32
      %and3A_513 = arith.andi %ge3A_508, %lt3A_512 : i1
      %convert_element_type3A_514 = arith.extui %and3A_513 : i1 to i32
      %cond3A_515 = arith.constant 0 : i32
      %cond3A_516 = arith.cmpi ne, %convert_element_type3A_514, %cond3A_515 : i32
      scf.if %cond3A_516 {
        %dma_wait3A_605 = arith.constant 4 : i32
        %dma_wait3A_606 = arith.constant 4 : i32
        %dma_wait3A_607 = arith.constant 0 : i32
        %dma_wait3A_608 = arith.constant 0 : i32
        %dma_wait3A_609 = tpu.memref_slice %arg8[%dma_wait3A_605, %dma_wait3A_607, %dma_wait3A_608] : memref<8x128x32xf32, #tpu.memory_space<vmem>> -> memref<1x128x32xf32, #tpu.memory_space<vmem>>
        %dma_wait3A_610 = tpu.memref_squeeze %dma_wait3A_609 : memref<1x128x32xf32, #tpu.memory_space<vmem>> -> memref<128x32xf32, #tpu.memory_space<vmem>>
        %dma_wait3A_611 = arith.constant 0 : i32
        %dma_wait3A_612 = tpu.memref_slice %arg7[%sub3A_506, %dma_wait3A_611] : memref<80x128xi32, #tpu.memory_space<vmem>> -> memref<1x128xi32, #tpu.memory_space<vmem>>
        %dma_wait3A_613 = tpu.memref_squeeze %dma_wait3A_612 : memref<1x128xi32, #tpu.memory_space<vmem>> -> memref<128xi32, #tpu.memory_space<vmem>>
        %dma_wait3A_614 = arith.constant 0 : i32
        %dma_wait3A_615 = arith.constant 0 : i32
        %dma_wait3A_616 = tpu.memref_slice %arg9[%dma_wait3A_614, %dma_wait3A_615] : memref<10240x32xf32, #tpu.memory_space<vmem_shared>> -> memref<10240x32xf32, #tpu.memory_space<vmem_shared>>
        %dma_wait3A_617 = tpu.memref_slice %arg12[%dma_wait3A_606] : memref<8x!tpu.dma_semaphore, #tpu.memory_space<semaphore_mem>> -> memref<1x!tpu.dma_semaphore, #tpu.memory_space<semaphore_mem>>
        %dma_wait3A_618 = tpu.memref_squeeze %dma_wait3A_617 : memref<1x!tpu.dma_semaphore, #tpu.memory_space<semaphore_mem>> -> memref<!tpu.dma_semaphore, #tpu.memory_space<semaphore_mem>>
        tpu.wait_indirect_dma semaphore(%dma_wait3A_618 : memref<!tpu.dma_semaphore, #tpu.memory_space<semaphore_mem>>) src(%dma_wait3A_610 : memref<128x32xf32, #tpu.memory_space<vmem>>) dst(%dma_wait3A_616 : memref<10240x32xf32, #tpu.memory_space<vmem_shared>>)
        %add3A_619 = arith.constant 8 : i32
        %add3A_620 = arith.addi %sub3A_506, %add3A_619 : i32
        %dma_start3A_621 = arith.constant 4 : i32
        %dma_start3A_622 = arith.constant 4 : i32
        %dma_start3A_623 = arith.constant 0 : i32
        %dma_start3A_624 = arith.constant 0 : i32
        %dma_start3A_625 = tpu.memref_slice %arg8[%dma_start3A_621, %dma_start3A_623, %dma_start3A_624] : memref<8x128x32xf32, #tpu.memory_space<vmem>> -> memref<1x128x32xf32, #tpu.memory_space<vmem>>
        %dma_start3A_626 = tpu.memref_squeeze %dma_start3A_625 : memref<1x128x32xf32, #tpu.memory_space<vmem>> -> memref<128x32xf32, #tpu.memory_space<vmem>>
        %dma_start3A_627 = arith.constant 0 : i32
        %dma_start3A_628 = tpu.memref_slice %arg6[%add3A_620, %dma_start3A_627] : memref<80x128xi32, #tpu.memory_space<vmem>> -> memref<1x128xi32, #tpu.memory_space<vmem>>
        %dma_start3A_629 = tpu.memref_squeeze %dma_start3A_628 : memref<1x128xi32, #tpu.memory_space<vmem>> -> memref<128xi32, #tpu.memory_space<vmem>>
        %dma_start3A_630 = arith.constant 0 : i32
        %dma_start3A_631 = arith.constant 0 : i32
        %dma_start3A_632 = tpu.memref_slice %arg10[%dma_start3A_630, %dma_start3A_631] : memref<10240x32xf32, #tpu.memory_space<vmem_shared>> -> memref<10240x32xf32, #tpu.memory_space<vmem_shared>>
        %dma_start3A_633 = tpu.memref_slice %arg11[%dma_start3A_622] : memref<8x!tpu.dma_semaphore, #tpu.memory_space<semaphore_mem>> -> memref<1x!tpu.dma_semaphore, #tpu.memory_space<semaphore_mem>>
        %dma_start3A_634 = tpu.memref_squeeze %dma_start3A_633 : memref<1x!tpu.dma_semaphore, #tpu.memory_space<semaphore_mem>> -> memref<!tpu.dma_semaphore, #tpu.memory_space<semaphore_mem>>
        tpu.enqueue_indirect_dma source(%dma_start3A_632 : memref<10240x32xf32, #tpu.memory_space<vmem_shared>>) target(%dma_start3A_626 : memref<128x32xf32, #tpu.memory_space<vmem>>) offsets(%dma_start3A_629 : memref<128xi32, #tpu.memory_space<vmem>>) semaphore(%dma_start3A_634 : memref<!tpu.dma_semaphore, #tpu.memory_space<semaphore_mem>>)
      } else {
      }
      %mul3A_517 = arith.constant 8 : i32
      %mul3A_518 = arith.muli %scan3A_259, %mul3A_517 : i32
      %add3A_519 = arith.constant 6 : i32
      %add3A_520 = arith.addi %mul3A_518, %add3A_519 : i32
      %dma_wait3A_521 = arith.constant 6 : i32
      %dma_wait3A_522 = arith.constant 6 : i32
      %dma_wait3A_523 = arith.constant 0 : i32
      %dma_wait3A_524 = arith.constant 0 : i32
      %dma_wait3A_525 = tpu.memref_slice %arg8[%dma_wait3A_521, %dma_wait3A_523, %dma_wait3A_524] : memref<8x128x32xf32, #tpu.memory_space<vmem>> -> memref<1x128x32xf32, #tpu.memory_space<vmem>>
      %dma_wait3A_526 = tpu.memref_squeeze %dma_wait3A_525 : memref<1x128x32xf32, #tpu.memory_space<vmem>> -> memref<128x32xf32, #tpu.memory_space<vmem>>
      %dma_wait3A_527 = arith.constant 0 : i32
      %dma_wait3A_528 = tpu.memref_slice %arg6[%add3A_520, %dma_wait3A_527] : memref<80x128xi32, #tpu.memory_space<vmem>> -> memref<1x128xi32, #tpu.memory_space<vmem>>
      %dma_wait3A_529 = tpu.memref_squeeze %dma_wait3A_528 : memref<1x128xi32, #tpu.memory_space<vmem>> -> memref<128xi32, #tpu.memory_space<vmem>>
      %dma_wait3A_530 = arith.constant 0 : i32
      %dma_wait3A_531 = arith.constant 0 : i32
      %dma_wait3A_532 = tpu.memref_slice %arg10[%dma_wait3A_530, %dma_wait3A_531] : memref<10240x32xf32, #tpu.memory_space<vmem_shared>> -> memref<10240x32xf32, #tpu.memory_space<vmem_shared>>
      %dma_wait3A_533 = tpu.memref_slice %arg11[%dma_wait3A_522] : memref<8x!tpu.dma_semaphore, #tpu.memory_space<semaphore_mem>> -> memref<1x!tpu.dma_semaphore, #tpu.memory_space<semaphore_mem>>
      %dma_wait3A_534 = tpu.memref_squeeze %dma_wait3A_533 : memref<1x!tpu.dma_semaphore, #tpu.memory_space<semaphore_mem>> -> memref<!tpu.dma_semaphore, #tpu.memory_space<semaphore_mem>>
      tpu.wait_indirect_dma semaphore(%dma_wait3A_534 : memref<!tpu.dma_semaphore, #tpu.memory_space<semaphore_mem>>) src(%dma_wait3A_532 : memref<10240x32xf32, #tpu.memory_space<vmem_shared>>) dst(%dma_wait3A_526 : memref<128x32xf32, #tpu.memory_space<vmem>>)
      %dma_start3A_535 = arith.constant 6 : i32
      %dma_start3A_536 = arith.constant 6 : i32
      %dma_start3A_537 = arith.constant 0 : i32
      %dma_start3A_538 = arith.constant 0 : i32
      %dma_start3A_539 = tpu.memref_slice %arg8[%dma_start3A_535, %dma_start3A_537, %dma_start3A_538] : memref<8x128x32xf32, #tpu.memory_space<vmem>> -> memref<1x128x32xf32, #tpu.memory_space<vmem>>
      %dma_start3A_540 = tpu.memref_squeeze %dma_start3A_539 : memref<1x128x32xf32, #tpu.memory_space<vmem>> -> memref<128x32xf32, #tpu.memory_space<vmem>>
      %dma_start3A_541 = arith.constant 0 : i32
      %dma_start3A_542 = tpu.memref_slice %arg7[%add3A_520, %dma_start3A_541] : memref<80x128xi32, #tpu.memory_space<vmem>> -> memref<1x128xi32, #tpu.memory_space<vmem>>
      %dma_start3A_543 = tpu.memref_squeeze %dma_start3A_542 : memref<1x128xi32, #tpu.memory_space<vmem>> -> memref<128xi32, #tpu.memory_space<vmem>>
      %dma_start3A_544 = arith.constant 0 : i32
      %dma_start3A_545 = arith.constant 0 : i32
      %dma_start3A_546 = tpu.memref_slice %arg9[%dma_start3A_544, %dma_start3A_545] : memref<10240x32xf32, #tpu.memory_space<vmem_shared>> -> memref<10240x32xf32, #tpu.memory_space<vmem_shared>>
      %dma_start3A_547 = tpu.memref_slice %arg12[%dma_start3A_536] : memref<8x!tpu.dma_semaphore, #tpu.memory_space<semaphore_mem>> -> memref<1x!tpu.dma_semaphore, #tpu.memory_space<semaphore_mem>>
      %dma_start3A_548 = tpu.memref_squeeze %dma_start3A_547 : memref<1x!tpu.dma_semaphore, #tpu.memory_space<semaphore_mem>> -> memref<!tpu.dma_semaphore, #tpu.memory_space<semaphore_mem>>
      tpu.enqueue_indirect_dma source(%dma_start3A_540 : memref<128x32xf32, #tpu.memory_space<vmem>>) target(%dma_start3A_546 : memref<10240x32xf32, #tpu.memory_space<vmem_shared>>) offsets(%dma_start3A_543 : memref<128xi32, #tpu.memory_space<vmem>>) semaphore(%dma_start3A_548 : memref<!tpu.dma_semaphore, #tpu.memory_space<semaphore_mem>>) {add = true}
      %sub3A_549 = arith.constant 1 : i32
      %sub3A_550 = arith.subi %add3A_520, %sub3A_549 : i32
      %ge3A_551 = arith.constant 0 : i32
      %ge3A_552 = arith.cmpi sge, %sub3A_550, %ge3A_551 : i32
      %add3A_553 = arith.constant 8 : i32
      %add3A_554 = arith.addi %sub3A_550, %add3A_553 : i32
      %lt3A_555 = arith.constant 80 : i32
      %lt3A_556 = arith.cmpi slt, %add3A_554, %lt3A_555 : i32
      %and3A_557 = arith.andi %ge3A_552, %lt3A_556 : i1
      %convert_element_type3A_558 = arith.extui %and3A_557 : i1 to i32
      %cond3A_559 = arith.constant 0 : i32
      %cond3A_560 = arith.cmpi ne, %convert_element_type3A_558, %cond3A_559 : i32
      scf.if %cond3A_560 {
        %dma_wait3A_605 = arith.constant 5 : i32
        %dma_wait3A_606 = arith.constant 5 : i32
        %dma_wait3A_607 = arith.constant 0 : i32
        %dma_wait3A_608 = arith.constant 0 : i32
        %dma_wait3A_609 = tpu.memref_slice %arg8[%dma_wait3A_605, %dma_wait3A_607, %dma_wait3A_608] : memref<8x128x32xf32, #tpu.memory_space<vmem>> -> memref<1x128x32xf32, #tpu.memory_space<vmem>>
        %dma_wait3A_610 = tpu.memref_squeeze %dma_wait3A_609 : memref<1x128x32xf32, #tpu.memory_space<vmem>> -> memref<128x32xf32, #tpu.memory_space<vmem>>
        %dma_wait3A_611 = arith.constant 0 : i32
        %dma_wait3A_612 = tpu.memref_slice %arg7[%sub3A_550, %dma_wait3A_611] : memref<80x128xi32, #tpu.memory_space<vmem>> -> memref<1x128xi32, #tpu.memory_space<vmem>>
        %dma_wait3A_613 = tpu.memref_squeeze %dma_wait3A_612 : memref<1x128xi32, #tpu.memory_space<vmem>> -> memref<128xi32, #tpu.memory_space<vmem>>
        %dma_wait3A_614 = arith.constant 0 : i32
        %dma_wait3A_615 = arith.constant 0 : i32
        %dma_wait3A_616 = tpu.memref_slice %arg9[%dma_wait3A_614, %dma_wait3A_615] : memref<10240x32xf32, #tpu.memory_space<vmem_shared>> -> memref<10240x32xf32, #tpu.memory_space<vmem_shared>>
        %dma_wait3A_617 = tpu.memref_slice %arg12[%dma_wait3A_606] : memref<8x!tpu.dma_semaphore, #tpu.memory_space<semaphore_mem>> -> memref<1x!tpu.dma_semaphore, #tpu.memory_space<semaphore_mem>>
        %dma_wait3A_618 = tpu.memref_squeeze %dma_wait3A_617 : memref<1x!tpu.dma_semaphore, #tpu.memory_space<semaphore_mem>> -> memref<!tpu.dma_semaphore, #tpu.memory_space<semaphore_mem>>
        tpu.wait_indirect_dma semaphore(%dma_wait3A_618 : memref<!tpu.dma_semaphore, #tpu.memory_space<semaphore_mem>>) src(%dma_wait3A_610 : memref<128x32xf32, #tpu.memory_space<vmem>>) dst(%dma_wait3A_616 : memref<10240x32xf32, #tpu.memory_space<vmem_shared>>)
        %add3A_619 = arith.constant 8 : i32
        %add3A_620 = arith.addi %sub3A_550, %add3A_619 : i32
        %dma_start3A_621 = arith.constant 5 : i32
        %dma_start3A_622 = arith.constant 5 : i32
        %dma_start3A_623 = arith.constant 0 : i32
        %dma_start3A_624 = arith.constant 0 : i32
        %dma_start3A_625 = tpu.memref_slice %arg8[%dma_start3A_621, %dma_start3A_623, %dma_start3A_624] : memref<8x128x32xf32, #tpu.memory_space<vmem>> -> memref<1x128x32xf32, #tpu.memory_space<vmem>>
        %dma_start3A_626 = tpu.memref_squeeze %dma_start3A_625 : memref<1x128x32xf32, #tpu.memory_space<vmem>> -> memref<128x32xf32, #tpu.memory_space<vmem>>
        %dma_start3A_627 = arith.constant 0 : i32
        %dma_start3A_628 = tpu.memref_slice %arg6[%add3A_620, %dma_start3A_627] : memref<80x128xi32, #tpu.memory_space<vmem>> -> memref<1x128xi32, #tpu.memory_space<vmem>>
        %dma_start3A_629 = tpu.memref_squeeze %dma_start3A_628 : memref<1x128xi32, #tpu.memory_space<vmem>> -> memref<128xi32, #tpu.memory_space<vmem>>
        %dma_start3A_630 = arith.constant 0 : i32
        %dma_start3A_631 = arith.constant 0 : i32
        %dma_start3A_632 = tpu.memref_slice %arg10[%dma_start3A_630, %dma_start3A_631] : memref<10240x32xf32, #tpu.memory_space<vmem_shared>> -> memref<10240x32xf32, #tpu.memory_space<vmem_shared>>
        %dma_start3A_633 = tpu.memref_slice %arg11[%dma_start3A_622] : memref<8x!tpu.dma_semaphore, #tpu.memory_space<semaphore_mem>> -> memref<1x!tpu.dma_semaphore, #tpu.memory_space<semaphore_mem>>
        %dma_start3A_634 = tpu.memref_squeeze %dma_start3A_633 : memref<1x!tpu.dma_semaphore, #tpu.memory_space<semaphore_mem>> -> memref<!tpu.dma_semaphore, #tpu.memory_space<semaphore_mem>>
        tpu.enqueue_indirect_dma source(%dma_start3A_632 : memref<10240x32xf32, #tpu.memory_space<vmem_shared>>) target(%dma_start3A_626 : memref<128x32xf32, #tpu.memory_space<vmem>>) offsets(%dma_start3A_629 : memref<128xi32, #tpu.memory_space<vmem>>) semaphore(%dma_start3A_634 : memref<!tpu.dma_semaphore, #tpu.memory_space<semaphore_mem>>)
      } else {
      }
      %mul3A_561 = arith.constant 8 : i32
      %mul3A_562 = arith.muli %scan3A_259, %mul3A_561 : i32
      %add3A_563 = arith.constant 7 : i32
      %add3A_564 = arith.addi %mul3A_562, %add3A_563 : i32
      %dma_wait3A_565 = arith.constant 7 : i32
      %dma_wait3A_566 = arith.constant 7 : i32
      %dma_wait3A_567 = arith.constant 0 : i32
      %dma_wait3A_568 = arith.constant 0 : i32
      %dma_wait3A_569 = tpu.memref_slice %arg8[%dma_wait3A_565, %dma_wait3A_567, %dma_wait3A_568] : memref<8x128x32xf32, #tpu.memory_space<vmem>> -> memref<1x128x32xf32, #tpu.memory_space<vmem>>
      %dma_wait3A_570 = tpu.memref_squeeze %dma_wait3A_569 : memref<1x128x32xf32, #tpu.memory_space<vmem>> -> memref<128x32xf32, #tpu.memory_space<vmem>>
      %dma_wait3A_571 = arith.constant 0 : i32
      %dma_wait3A_572 = tpu.memref_slice %arg6[%add3A_564, %dma_wait3A_571] : memref<80x128xi32, #tpu.memory_space<vmem>> -> memref<1x128xi32, #tpu.memory_space<vmem>>
      %dma_wait3A_573 = tpu.memref_squeeze %dma_wait3A_572 : memref<1x128xi32, #tpu.memory_space<vmem>> -> memref<128xi32, #tpu.memory_space<vmem>>
      %dma_wait3A_574 = arith.constant 0 : i32
      %dma_wait3A_575 = arith.constant 0 : i32
      %dma_wait3A_576 = tpu.memref_slice %arg10[%dma_wait3A_574, %dma_wait3A_575] : memref<10240x32xf32, #tpu.memory_space<vmem_shared>> -> memref<10240x32xf32, #tpu.memory_space<vmem_shared>>
      %dma_wait3A_577 = tpu.memref_slice %arg11[%dma_wait3A_566] : memref<8x!tpu.dma_semaphore, #tpu.memory_space<semaphore_mem>> -> memref<1x!tpu.dma_semaphore, #tpu.memory_space<semaphore_mem>>
      %dma_wait3A_578 = tpu.memref_squeeze %dma_wait3A_577 : memref<1x!tpu.dma_semaphore, #tpu.memory_space<semaphore_mem>> -> memref<!tpu.dma_semaphore, #tpu.memory_space<semaphore_mem>>
      tpu.wait_indirect_dma semaphore(%dma_wait3A_578 : memref<!tpu.dma_semaphore, #tpu.memory_space<semaphore_mem>>) src(%dma_wait3A_576 : memref<10240x32xf32, #tpu.memory_space<vmem_shared>>) dst(%dma_wait3A_570 : memref<128x32xf32, #tpu.memory_space<vmem>>)
      %dma_start3A_579 = arith.constant 7 : i32
      %dma_start3A_580 = arith.constant 7 : i32
      %dma_start3A_581 = arith.constant 0 : i32
      %dma_start3A_582 = arith.constant 0 : i32
      %dma_start3A_583 = tpu.memref_slice %arg8[%dma_start3A_579, %dma_start3A_581, %dma_start3A_582] : memref<8x128x32xf32, #tpu.memory_space<vmem>> -> memref<1x128x32xf32, #tpu.memory_space<vmem>>
      %dma_start3A_584 = tpu.memref_squeeze %dma_start3A_583 : memref<1x128x32xf32, #tpu.memory_space<vmem>> -> memref<128x32xf32, #tpu.memory_space<vmem>>
      %dma_start3A_585 = arith.constant 0 : i32
      %dma_start3A_586 = tpu.memref_slice %arg7[%add3A_564, %dma_start3A_585] : memref<80x128xi32, #tpu.memory_space<vmem>> -> memref<1x128xi32, #tpu.memory_space<vmem>>
      %dma_start3A_587 = tpu.memref_squeeze %dma_start3A_586 : memref<1x128xi32, #tpu.memory_space<vmem>> -> memref<128xi32, #tpu.memory_space<vmem>>
      %dma_start3A_588 = arith.constant 0 : i32
      %dma_start3A_589 = arith.constant 0 : i32
      %dma_start3A_590 = tpu.memref_slice %arg9[%dma_start3A_588, %dma_start3A_589] : memref<10240x32xf32, #tpu.memory_space<vmem_shared>> -> memref<10240x32xf32, #tpu.memory_space<vmem_shared>>
      %dma_start3A_591 = tpu.memref_slice %arg12[%dma_start3A_580] : memref<8x!tpu.dma_semaphore, #tpu.memory_space<semaphore_mem>> -> memref<1x!tpu.dma_semaphore, #tpu.memory_space<semaphore_mem>>
      %dma_start3A_592 = tpu.memref_squeeze %dma_start3A_591 : memref<1x!tpu.dma_semaphore, #tpu.memory_space<semaphore_mem>> -> memref<!tpu.dma_semaphore, #tpu.memory_space<semaphore_mem>>
      tpu.enqueue_indirect_dma source(%dma_start3A_584 : memref<128x32xf32, #tpu.memory_space<vmem>>) target(%dma_start3A_590 : memref<10240x32xf32, #tpu.memory_space<vmem_shared>>) offsets(%dma_start3A_587 : memref<128xi32, #tpu.memory_space<vmem>>) semaphore(%dma_start3A_592 : memref<!tpu.dma_semaphore, #tpu.memory_space<semaphore_mem>>) {add = true}
      %sub3A_593 = arith.constant 1 : i32
      %sub3A_594 = arith.subi %add3A_564, %sub3A_593 : i32
      %ge3A_595 = arith.constant 0 : i32
      %ge3A_596 = arith.cmpi sge, %sub3A_594, %ge3A_595 : i32
      %add3A_597 = arith.constant 8 : i32
      %add3A_598 = arith.addi %sub3A_594, %add3A_597 : i32
      %lt3A_599 = arith.constant 80 : i32
      %lt3A_600 = arith.cmpi slt, %add3A_598, %lt3A_599 : i32
      %and3A_601 = arith.andi %ge3A_596, %lt3A_600 : i1
      %convert_element_type3A_602 = arith.extui %and3A_601 : i1 to i32
      %cond3A_603 = arith.constant 0 : i32
      %cond3A_604 = arith.cmpi ne, %convert_element_type3A_602, %cond3A_603 : i32
      scf.if %cond3A_604 {
        %dma_wait3A_605 = arith.constant 6 : i32
        %dma_wait3A_606 = arith.constant 6 : i32
        %dma_wait3A_607 = arith.constant 0 : i32
        %dma_wait3A_608 = arith.constant 0 : i32
        %dma_wait3A_609 = tpu.memref_slice %arg8[%dma_wait3A_605, %dma_wait3A_607, %dma_wait3A_608] : memref<8x128x32xf32, #tpu.memory_space<vmem>> -> memref<1x128x32xf32, #tpu.memory_space<vmem>>
        %dma_wait3A_610 = tpu.memref_squeeze %dma_wait3A_609 : memref<1x128x32xf32, #tpu.memory_space<vmem>> -> memref<128x32xf32, #tpu.memory_space<vmem>>
        %dma_wait3A_611 = arith.constant 0 : i32
        %dma_wait3A_612 = tpu.memref_slice %arg7[%sub3A_594, %dma_wait3A_611] : memref<80x128xi32, #tpu.memory_space<vmem>> -> memref<1x128xi32, #tpu.memory_space<vmem>>
        %dma_wait3A_613 = tpu.memref_squeeze %dma_wait3A_612 : memref<1x128xi32, #tpu.memory_space<vmem>> -> memref<128xi32, #tpu.memory_space<vmem>>
        %dma_wait3A_614 = arith.constant 0 : i32
        %dma_wait3A_615 = arith.constant 0 : i32
        %dma_wait3A_616 = tpu.memref_slice %arg9[%dma_wait3A_614, %dma_wait3A_615] : memref<10240x32xf32, #tpu.memory_space<vmem_shared>> -> memref<10240x32xf32, #tpu.memory_space<vmem_shared>>
        %dma_wait3A_617 = tpu.memref_slice %arg12[%dma_wait3A_606] : memref<8x!tpu.dma_semaphore, #tpu.memory_space<semaphore_mem>> -> memref<1x!tpu.dma_semaphore, #tpu.memory_space<semaphore_mem>>
        %dma_wait3A_618 = tpu.memref_squeeze %dma_wait3A_617 : memref<1x!tpu.dma_semaphore, #tpu.memory_space<semaphore_mem>> -> memref<!tpu.dma_semaphore, #tpu.memory_space<semaphore_mem>>
        tpu.wait_indirect_dma semaphore(%dma_wait3A_618 : memref<!tpu.dma_semaphore, #tpu.memory_space<semaphore_mem>>) src(%dma_wait3A_610 : memref<128x32xf32, #tpu.memory_space<vmem>>) dst(%dma_wait3A_616 : memref<10240x32xf32, #tpu.memory_space<vmem_shared>>)
        %add3A_619 = arith.constant 8 : i32
        %add3A_620 = arith.addi %sub3A_594, %add3A_619 : i32
        %dma_start3A_621 = arith.constant 6 : i32
        %dma_start3A_622 = arith.constant 6 : i32
        %dma_start3A_623 = arith.constant 0 : i32
        %dma_start3A_624 = arith.constant 0 : i32
        %dma_start3A_625 = tpu.memref_slice %arg8[%dma_start3A_621, %dma_start3A_623, %dma_start3A_624] : memref<8x128x32xf32, #tpu.memory_space<vmem>> -> memref<1x128x32xf32, #tpu.memory_space<vmem>>
        %dma_start3A_626 = tpu.memref_squeeze %dma_start3A_625 : memref<1x128x32xf32, #tpu.memory_space<vmem>> -> memref<128x32xf32, #tpu.memory_space<vmem>>
        %dma_start3A_627 = arith.constant 0 : i32
        %dma_start3A_628 = tpu.memref_slice %arg6[%add3A_620, %dma_start3A_627] : memref<80x128xi32, #tpu.memory_space<vmem>> -> memref<1x128xi32, #tpu.memory_space<vmem>>
        %dma_start3A_629 = tpu.memref_squeeze %dma_start3A_628 : memref<1x128xi32, #tpu.memory_space<vmem>> -> memref<128xi32, #tpu.memory_space<vmem>>
        %dma_start3A_630 = arith.constant 0 : i32
        %dma_start3A_631 = arith.constant 0 : i32
        %dma_start3A_632 = tpu.memref_slice %arg10[%dma_start3A_630, %dma_start3A_631] : memref<10240x32xf32, #tpu.memory_space<vmem_shared>> -> memref<10240x32xf32, #tpu.memory_space<vmem_shared>>
        %dma_start3A_633 = tpu.memref_slice %arg11[%dma_start3A_622] : memref<8x!tpu.dma_semaphore, #tpu.memory_space<semaphore_mem>> -> memref<1x!tpu.dma_semaphore, #tpu.memory_space<semaphore_mem>>
        %dma_start3A_634 = tpu.memref_squeeze %dma_start3A_633 : memref<1x!tpu.dma_semaphore, #tpu.memory_space<semaphore_mem>> -> memref<!tpu.dma_semaphore, #tpu.memory_space<semaphore_mem>>
        tpu.enqueue_indirect_dma source(%dma_start3A_632 : memref<10240x32xf32, #tpu.memory_space<vmem_shared>>) target(%dma_start3A_626 : memref<128x32xf32, #tpu.memory_space<vmem>>) offsets(%dma_start3A_629 : memref<128xi32, #tpu.memory_space<vmem>>) semaphore(%dma_start3A_634 : memref<!tpu.dma_semaphore, #tpu.memory_space<semaphore_mem>>)
      } else {
      }
    }
    %scan3A_134 = arith.constant 10 : i32
    %dma_wait3A = arith.constant 0 : i32
    %dma_wait3A_135 = arith.constant 72 : i32
    %dma_wait3A_136 = arith.constant 0 : i32
    %dma_wait3A_137 = arith.constant 0 : i32
    %dma_wait3A_138 = arith.constant 0 : i32
    %dma_wait3A_139 = tpu.memref_slice %arg8[%dma_wait3A, %dma_wait3A_137, %dma_wait3A_138] : memref<8x128x32xf32, #tpu.memory_space<vmem>> -> memref<1x128x32xf32, #tpu.memory_space<vmem>>
    %dma_wait3A_140 = tpu.memref_squeeze %dma_wait3A_139 : memref<1x128x32xf32, #tpu.memory_space<vmem>> -> memref<128x32xf32, #tpu.memory_space<vmem>>
    %dma_wait3A_141 = arith.constant 0 : i32
    %dma_wait3A_142 = tpu.memref_slice %arg7[%dma_wait3A_135, %dma_wait3A_141] : memref<80x128xi32, #tpu.memory_space<vmem>> -> memref<1x128xi32, #tpu.memory_space<vmem>>
    %dma_wait3A_143 = tpu.memref_squeeze %dma_wait3A_142 : memref<1x128xi32, #tpu.memory_space<vmem>> -> memref<128xi32, #tpu.memory_space<vmem>>
    %dma_wait3A_144 = arith.constant 0 : i32
    %dma_wait3A_145 = arith.constant 0 : i32
    %dma_wait3A_146 = tpu.memref_slice %arg9[%dma_wait3A_144, %dma_wait3A_145] : memref<10240x32xf32, #tpu.memory_space<vmem_shared>> -> memref<10240x32xf32, #tpu.memory_space<vmem_shared>>
    %dma_wait3A_147 = tpu.memref_slice %arg12[%dma_wait3A_136] : memref<8x!tpu.dma_semaphore, #tpu.memory_space<semaphore_mem>> -> memref<1x!tpu.dma_semaphore, #tpu.memory_space<semaphore_mem>>
    %dma_wait3A_148 = tpu.memref_squeeze %dma_wait3A_147 : memref<1x!tpu.dma_semaphore, #tpu.memory_space<semaphore_mem>> -> memref<!tpu.dma_semaphore, #tpu.memory_space<semaphore_mem>>
    tpu.wait_indirect_dma semaphore(%dma_wait3A_148 : memref<!tpu.dma_semaphore, #tpu.memory_space<semaphore_mem>>) src(%dma_wait3A_140 : memref<128x32xf32, #tpu.memory_space<vmem>>) dst(%dma_wait3A_146 : memref<10240x32xf32, #tpu.memory_space<vmem_shared>>)
    %dma_wait3A_149 = arith.constant 1 : i32
    %dma_wait3A_150 = arith.constant 73 : i32
    %dma_wait3A_151 = arith.constant 1 : i32
    %dma_wait3A_152 = arith.constant 0 : i32
    %dma_wait3A_153 = arith.constant 0 : i32
    %dma_wait3A_154 = tpu.memref_slice %arg8[%dma_wait3A_149, %dma_wait3A_152, %dma_wait3A_153] : memref<8x128x32xf32, #tpu.memory_space<vmem>> -> memref<1x128x32xf32, #tpu.memory_space<vmem>>
    %dma_wait3A_155 = tpu.memref_squeeze %dma_wait3A_154 : memref<1x128x32xf32, #tpu.memory_space<vmem>> -> memref<128x32xf32, #tpu.memory_space<vmem>>
    %dma_wait3A_156 = arith.constant 0 : i32
    %dma_wait3A_157 = tpu.memref_slice %arg7[%dma_wait3A_150, %dma_wait3A_156] : memref<80x128xi32, #tpu.memory_space<vmem>> -> memref<1x128xi32, #tpu.memory_space<vmem>>
    %dma_wait3A_158 = tpu.memref_squeeze %dma_wait3A_157 : memref<1x128xi32, #tpu.memory_space<vmem>> -> memref<128xi32, #tpu.memory_space<vmem>>
    %dma_wait3A_159 = arith.constant 0 : i32
    %dma_wait3A_160 = arith.constant 0 : i32
    %dma_wait3A_161 = tpu.memref_slice %arg9[%dma_wait3A_159, %dma_wait3A_160] : memref<10240x32xf32, #tpu.memory_space<vmem_shared>> -> memref<10240x32xf32, #tpu.memory_space<vmem_shared>>
    %dma_wait3A_162 = tpu.memref_slice %arg12[%dma_wait3A_151] : memref<8x!tpu.dma_semaphore, #tpu.memory_space<semaphore_mem>> -> memref<1x!tpu.dma_semaphore, #tpu.memory_space<semaphore_mem>>
    %dma_wait3A_163 = tpu.memref_squeeze %dma_wait3A_162 : memref<1x!tpu.dma_semaphore, #tpu.memory_space<semaphore_mem>> -> memref<!tpu.dma_semaphore, #tpu.memory_space<semaphore_mem>>
    tpu.wait_indirect_dma semaphore(%dma_wait3A_163 : memref<!tpu.dma_semaphore, #tpu.memory_space<semaphore_mem>>) src(%dma_wait3A_155 : memref<128x32xf32, #tpu.memory_space<vmem>>) dst(%dma_wait3A_161 : memref<10240x32xf32, #tpu.memory_space<vmem_shared>>)
    %dma_wait3A_164 = arith.constant 2 : i32
    %dma_wait3A_165 = arith.constant 74 : i32
    %dma_wait3A_166 = arith.constant 2 : i32
    %dma_wait3A_167 = arith.constant 0 : i32
    %dma_wait3A_168 = arith.constant 0 : i32
    %dma_wait3A_169 = tpu.memref_slice %arg8[%dma_wait3A_164, %dma_wait3A_167, %dma_wait3A_168] : memref<8x128x32xf32, #tpu.memory_space<vmem>> -> memref<1x128x32xf32, #tpu.memory_space<vmem>>
    %dma_wait3A_170 = tpu.memref_squeeze %dma_wait3A_169 : memref<1x128x32xf32, #tpu.memory_space<vmem>> -> memref<128x32xf32, #tpu.memory_space<vmem>>
    %dma_wait3A_171 = arith.constant 0 : i32
    %dma_wait3A_172 = tpu.memref_slice %arg7[%dma_wait3A_165, %dma_wait3A_171] : memref<80x128xi32, #tpu.memory_space<vmem>> -> memref<1x128xi32, #tpu.memory_space<vmem>>
    %dma_wait3A_173 = tpu.memref_squeeze %dma_wait3A_172 : memref<1x128xi32, #tpu.memory_space<vmem>> -> memref<128xi32, #tpu.memory_space<vmem>>
    %dma_wait3A_174 = arith.constant 0 : i32
    %dma_wait3A_175 = arith.constant 0 : i32
    %dma_wait3A_176 = tpu.memref_slice %arg9[%dma_wait3A_174, %dma_wait3A_175] : memref<10240x32xf32, #tpu.memory_space<vmem_shared>> -> memref<10240x32xf32, #tpu.memory_space<vmem_shared>>
    %dma_wait3A_177 = tpu.memref_slice %arg12[%dma_wait3A_166] : memref<8x!tpu.dma_semaphore, #tpu.memory_space<semaphore_mem>> -> memref<1x!tpu.dma_semaphore, #tpu.memory_space<semaphore_mem>>
    %dma_wait3A_178 = tpu.memref_squeeze %dma_wait3A_177 : memref<1x!tpu.dma_semaphore, #tpu.memory_space<semaphore_mem>> -> memref<!tpu.dma_semaphore, #tpu.memory_space<semaphore_mem>>
    tpu.wait_indirect_dma semaphore(%dma_wait3A_178 : memref<!tpu.dma_semaphore, #tpu.memory_space<semaphore_mem>>) src(%dma_wait3A_170 : memref<128x32xf32, #tpu.memory_space<vmem>>) dst(%dma_wait3A_176 : memref<10240x32xf32, #tpu.memory_space<vmem_shared>>)
    %dma_wait3A_179 = arith.constant 3 : i32
    %dma_wait3A_180 = arith.constant 75 : i32
    %dma_wait3A_181 = arith.constant 3 : i32
    %dma_wait3A_182 = arith.constant 0 : i32
    %dma_wait3A_183 = arith.constant 0 : i32
    %dma_wait3A_184 = tpu.memref_slice %arg8[%dma_wait3A_179, %dma_wait3A_182, %dma_wait3A_183] : memref<8x128x32xf32, #tpu.memory_space<vmem>> -> memref<1x128x32xf32, #tpu.memory_space<vmem>>
    %dma_wait3A_185 = tpu.memref_squeeze %dma_wait3A_184 : memref<1x128x32xf32, #tpu.memory_space<vmem>> -> memref<128x32xf32, #tpu.memory_space<vmem>>
    %dma_wait3A_186 = arith.constant 0 : i32
    %dma_wait3A_187 = tpu.memref_slice %arg7[%dma_wait3A_180, %dma_wait3A_186] : memref<80x128xi32, #tpu.memory_space<vmem>> -> memref<1x128xi32, #tpu.memory_space<vmem>>
    %dma_wait3A_188 = tpu.memref_squeeze %dma_wait3A_187 : memref<1x128xi32, #tpu.memory_space<vmem>> -> memref<128xi32, #tpu.memory_space<vmem>>
    %dma_wait3A_189 = arith.constant 0 : i32
    %dma_wait3A_190 = arith.constant 0 : i32
    %dma_wait3A_191 = tpu.memref_slice %arg9[%dma_wait3A_189, %dma_wait3A_190] : memref<10240x32xf32, #tpu.memory_space<vmem_shared>> -> memref<10240x32xf32, #tpu.memory_space<vmem_shared>>
    %dma_wait3A_192 = tpu.memref_slice %arg12[%dma_wait3A_181] : memref<8x!tpu.dma_semaphore, #tpu.memory_space<semaphore_mem>> -> memref<1x!tpu.dma_semaphore, #tpu.memory_space<semaphore_mem>>
    %dma_wait3A_193 = tpu.memref_squeeze %dma_wait3A_192 : memref<1x!tpu.dma_semaphore, #tpu.memory_space<semaphore_mem>> -> memref<!tpu.dma_semaphore, #tpu.memory_space<semaphore_mem>>
    tpu.wait_indirect_dma semaphore(%dma_wait3A_193 : memref<!tpu.dma_semaphore, #tpu.memory_space<semaphore_mem>>) src(%dma_wait3A_185 : memref<128x32xf32, #tpu.memory_space<vmem>>) dst(%dma_wait3A_191 : memref<10240x32xf32, #tpu.memory_space<vmem_shared>>)
    %dma_wait3A_194 = arith.constant 4 : i32
    %dma_wait3A_195 = arith.constant 76 : i32
    %dma_wait3A_196 = arith.constant 4 : i32
    %dma_wait3A_197 = arith.constant 0 : i32
    %dma_wait3A_198 = arith.constant 0 : i32
    %dma_wait3A_199 = tpu.memref_slice %arg8[%dma_wait3A_194, %dma_wait3A_197, %dma_wait3A_198] : memref<8x128x32xf32, #tpu.memory_space<vmem>> -> memref<1x128x32xf32, #tpu.memory_space<vmem>>
    %dma_wait3A_200 = tpu.memref_squeeze %dma_wait3A_199 : memref<1x128x32xf32, #tpu.memory_space<vmem>> -> memref<128x32xf32, #tpu.memory_space<vmem>>
    %dma_wait3A_201 = arith.constant 0 : i32
    %dma_wait3A_202 = tpu.memref_slice %arg7[%dma_wait3A_195, %dma_wait3A_201] : memref<80x128xi32, #tpu.memory_space<vmem>> -> memref<1x128xi32, #tpu.memory_space<vmem>>
    %dma_wait3A_203 = tpu.memref_squeeze %dma_wait3A_202 : memref<1x128xi32, #tpu.memory_space<vmem>> -> memref<128xi32, #tpu.memory_space<vmem>>
    %dma_wait3A_204 = arith.constant 0 : i32
    %dma_wait3A_205 = arith.constant 0 : i32
    %dma_wait3A_206 = tpu.memref_slice %arg9[%dma_wait3A_204, %dma_wait3A_205] : memref<10240x32xf32, #tpu.memory_space<vmem_shared>> -> memref<10240x32xf32, #tpu.memory_space<vmem_shared>>
    %dma_wait3A_207 = tpu.memref_slice %arg12[%dma_wait3A_196] : memref<8x!tpu.dma_semaphore, #tpu.memory_space<semaphore_mem>> -> memref<1x!tpu.dma_semaphore, #tpu.memory_space<semaphore_mem>>
    %dma_wait3A_208 = tpu.memref_squeeze %dma_wait3A_207 : memref<1x!tpu.dma_semaphore, #tpu.memory_space<semaphore_mem>> -> memref<!tpu.dma_semaphore, #tpu.memory_space<semaphore_mem>>
    tpu.wait_indirect_dma semaphore(%dma_wait3A_208 : memref<!tpu.dma_semaphore, #tpu.memory_space<semaphore_mem>>) src(%dma_wait3A_200 : memref<128x32xf32, #tpu.memory_space<vmem>>) dst(%dma_wait3A_206 : memref<10240x32xf32, #tpu.memory_space<vmem_shared>>)
    %dma_wait3A_209 = arith.constant 5 : i32
    %dma_wait3A_210 = arith.constant 77 : i32
    %dma_wait3A_211 = arith.constant 5 : i32
    %dma_wait3A_212 = arith.constant 0 : i32
    %dma_wait3A_213 = arith.constant 0 : i32
    %dma_wait3A_214 = tpu.memref_slice %arg8[%dma_wait3A_209, %dma_wait3A_212, %dma_wait3A_213] : memref<8x128x32xf32, #tpu.memory_space<vmem>> -> memref<1x128x32xf32, #tpu.memory_space<vmem>>
    %dma_wait3A_215 = tpu.memref_squeeze %dma_wait3A_214 : memref<1x128x32xf32, #tpu.memory_space<vmem>> -> memref<128x32xf32, #tpu.memory_space<vmem>>
    %dma_wait3A_216 = arith.constant 0 : i32
    %dma_wait3A_217 = tpu.memref_slice %arg7[%dma_wait3A_210, %dma_wait3A_216] : memref<80x128xi32, #tpu.memory_space<vmem>> -> memref<1x128xi32, #tpu.memory_space<vmem>>
    %dma_wait3A_218 = tpu.memref_squeeze %dma_wait3A_217 : memref<1x128xi32, #tpu.memory_space<vmem>> -> memref<128xi32, #tpu.memory_space<vmem>>
    %dma_wait3A_219 = arith.constant 0 : i32
    %dma_wait3A_220 = arith.constant 0 : i32
    %dma_wait3A_221 = tpu.memref_slice %arg9[%dma_wait3A_219, %dma_wait3A_220] : memref<10240x32xf32, #tpu.memory_space<vmem_shared>> -> memref<10240x32xf32, #tpu.memory_space<vmem_shared>>
    %dma_wait3A_222 = tpu.memref_slice %arg12[%dma_wait3A_211] : memref<8x!tpu.dma_semaphore, #tpu.memory_space<semaphore_mem>> -> memref<1x!tpu.dma_semaphore, #tpu.memory_space<semaphore_mem>>
    %dma_wait3A_223 = tpu.memref_squeeze %dma_wait3A_222 : memref<1x!tpu.dma_semaphore, #tpu.memory_space<semaphore_mem>> -> memref<!tpu.dma_semaphore, #tpu.memory_space<semaphore_mem>>
    tpu.wait_indirect_dma semaphore(%dma_wait3A_223 : memref<!tpu.dma_semaphore, #tpu.memory_space<semaphore_mem>>) src(%dma_wait3A_215 : memref<128x32xf32, #tpu.memory_space<vmem>>) dst(%dma_wait3A_221 : memref<10240x32xf32, #tpu.memory_space<vmem_shared>>)
    %dma_wait3A_224 = arith.constant 6 : i32
    %dma_wait3A_225 = arith.constant 78 : i32
    %dma_wait3A_226 = arith.constant 6 : i32
    %dma_wait3A_227 = arith.constant 0 : i32
    %dma_wait3A_228 = arith.constant 0 : i32
    %dma_wait3A_229 = tpu.memref_slice %arg8[%dma_wait3A_224, %dma_wait3A_227, %dma_wait3A_228] : memref<8x128x32xf32, #tpu.memory_space<vmem>> -> memref<1x128x32xf32, #tpu.memory_space<vmem>>
    %dma_wait3A_230 = tpu.memref_squeeze %dma_wait3A_229 : memref<1x128x32xf32, #tpu.memory_space<vmem>> -> memref<128x32xf32, #tpu.memory_space<vmem>>
    %dma_wait3A_231 = arith.constant 0 : i32
    %dma_wait3A_232 = tpu.memref_slice %arg7[%dma_wait3A_225, %dma_wait3A_231] : memref<80x128xi32, #tpu.memory_space<vmem>> -> memref<1x128xi32, #tpu.memory_space<vmem>>
    %dma_wait3A_233 = tpu.memref_squeeze %dma_wait3A_232 : memref<1x128xi32, #tpu.memory_space<vmem>> -> memref<128xi32, #tpu.memory_space<vmem>>
    %dma_wait3A_234 = arith.constant 0 : i32
    %dma_wait3A_235 = arith.constant 0 : i32
    %dma_wait3A_236 = tpu.memref_slice %arg9[%dma_wait3A_234, %dma_wait3A_235] : memref<10240x32xf32, #tpu.memory_space<vmem_shared>> -> memref<10240x32xf32, #tpu.memory_space<vmem_shared>>
    %dma_wait3A_237 = tpu.memref_slice %arg12[%dma_wait3A_226] : memref<8x!tpu.dma_semaphore, #tpu.memory_space<semaphore_mem>> -> memref<1x!tpu.dma_semaphore, #tpu.memory_space<semaphore_mem>>
    %dma_wait3A_238 = tpu.memref_squeeze %dma_wait3A_237 : memref<1x!tpu.dma_semaphore, #tpu.memory_space<semaphore_mem>> -> memref<!tpu.dma_semaphore, #tpu.memory_space<semaphore_mem>>
    tpu.wait_indirect_dma semaphore(%dma_wait3A_238 : memref<!tpu.dma_semaphore, #tpu.memory_space<semaphore_mem>>) src(%dma_wait3A_230 : memref<128x32xf32, #tpu.memory_space<vmem>>) dst(%dma_wait3A_236 : memref<10240x32xf32, #tpu.memory_space<vmem_shared>>)
    %dma_wait3A_239 = arith.constant 7 : i32
    %dma_wait3A_240 = arith.constant 79 : i32
    %dma_wait3A_241 = arith.constant 7 : i32
    %dma_wait3A_242 = arith.constant 0 : i32
    %dma_wait3A_243 = arith.constant 0 : i32
    %dma_wait3A_244 = tpu.memref_slice %arg8[%dma_wait3A_239, %dma_wait3A_242, %dma_wait3A_243] : memref<8x128x32xf32, #tpu.memory_space<vmem>> -> memref<1x128x32xf32, #tpu.memory_space<vmem>>
    %dma_wait3A_245 = tpu.memref_squeeze %dma_wait3A_244 : memref<1x128x32xf32, #tpu.memory_space<vmem>> -> memref<128x32xf32, #tpu.memory_space<vmem>>
    %dma_wait3A_246 = arith.constant 0 : i32
    %dma_wait3A_247 = tpu.memref_slice %arg7[%dma_wait3A_240, %dma_wait3A_246] : memref<80x128xi32, #tpu.memory_space<vmem>> -> memref<1x128xi32, #tpu.memory_space<vmem>>
    %dma_wait3A_248 = tpu.memref_squeeze %dma_wait3A_247 : memref<1x128xi32, #tpu.memory_space<vmem>> -> memref<128xi32, #tpu.memory_space<vmem>>
    %dma_wait3A_249 = arith.constant 0 : i32
    %dma_wait3A_250 = arith.constant 0 : i32
    %dma_wait3A_251 = tpu.memref_slice %arg9[%dma_wait3A_249, %dma_wait3A_250] : memref<10240x32xf32, #tpu.memory_space<vmem_shared>> -> memref<10240x32xf32, #tpu.memory_space<vmem_shared>>
    %dma_wait3A_252 = tpu.memref_slice %arg12[%dma_wait3A_241] : memref<8x!tpu.dma_semaphore, #tpu.memory_space<semaphore_mem>> -> memref<1x!tpu.dma_semaphore, #tpu.memory_space<semaphore_mem>>
    %dma_wait3A_253 = tpu.memref_squeeze %dma_wait3A_252 : memref<1x!tpu.dma_semaphore, #tpu.memory_space<semaphore_mem>> -> memref<!tpu.dma_semaphore, #tpu.memory_space<semaphore_mem>>
    tpu.wait_indirect_dma semaphore(%dma_wait3A_253 : memref<!tpu.dma_semaphore, #tpu.memory_space<semaphore_mem>>) src(%dma_wait3A_245 : memref<128x32xf32, #tpu.memory_space<vmem>>) dst(%dma_wait3A_251 : memref<10240x32xf32, #tpu.memory_space<vmem_shared>>)
    %barrier3A_254 = arith.constant 0 : index
    tpu.barrier barrier_id(%barrier3A_254)
    %mul3A_255 = arith.constant 640 : i32
    %mul3A_256 = arith.muli %arg1, %mul3A_255 : i32
    %mul3A_257 = arith.constant 640 : i32
    %mul3A_258 = arith.muli %arg1, %mul3A_257 : i32
    "tpu.region"() ({
      %run_scoped3A = tpu.sem_alloc : memref<!tpu.dma_semaphore, #tpu.memory_space<semaphore_mem>>
      %dma_start3A_259 = arith.constant 0 : i32
      %dma_start3A_260 = tpu.memref_slice %arg5[%arg0, %mul3A_258, %dma_start3A_259] : memref<2x10240x128xf32, #tpu.memory_space<hbm>> -> memref<1x640x32xf32, #tpu.memory_space<hbm>>
      %dma_start3A_261 = tpu.memref_squeeze %dma_start3A_260 : memref<1x640x32xf32, #tpu.memory_space<hbm>> -> memref<640x32xf32, #tpu.memory_space<hbm>>
      %dma_start3A_262 = arith.constant 0 : i32
      %dma_start3A_263 = tpu.memref_slice %arg9[%mul3A_256, %dma_start3A_262] : memref<10240x32xf32, #tpu.memory_space<vmem_shared>> -> memref<640x32xf32, #tpu.memory_space<vmem_shared>>
      tpu.enqueue_dma source(%dma_start3A_263 : memref<640x32xf32, #tpu.memory_space<vmem_shared>>) target(%dma_start3A_261 : memref<640x32xf32, #tpu.memory_space<hbm>>) target_semaphore(%run_scoped3A : memref<!tpu.dma_semaphore, #tpu.memory_space<semaphore_mem>>)
      %dma_wait3A_264 = arith.constant 0 : i32
      %dma_wait3A_265 = tpu.memref_slice %arg5[%arg0, %mul3A_258, %dma_wait3A_264] : memref<2x10240x128xf32, #tpu.memory_space<hbm>> -> memref<1x640x32xf32, #tpu.memory_space<hbm>>
      %dma_wait3A_266 = tpu.memref_squeeze %dma_wait3A_265 : memref<1x640x32xf32, #tpu.memory_space<hbm>> -> memref<640x32xf32, #tpu.memory_space<hbm>>
      %dma_wait3A_267 = arith.constant 0 : i32
      %dma_wait3A_268 = tpu.memref_slice %arg9[%mul3A_256, %dma_wait3A_267] : memref<10240x32xf32, #tpu.memory_space<vmem_shared>> -> memref<640x32xf32, #tpu.memory_space<vmem_shared>>
      tpu.wait_dma2 semaphore(%run_scoped3A : memref<!tpu.dma_semaphore, #tpu.memory_space<semaphore_mem>>) src(%dma_wait3A_268 : memref<640x32xf32, #tpu.memory_space<vmem_shared>>) dst(%dma_wait3A_266 : memref<640x32xf32, #tpu.memory_space<hbm>>)
      tpu.yield
    }) : () -> ()
    return
  }
}

module attributes {stable_mosaic.version = 14 : i64} {
  func.func @_tc1_body(%arg0: i32, %arg1: memref<2048x256xf32, #tpu.memory_space<vmem>>, %arg2: memref<256x64xf32, #tpu.memory_space<vmem>>, %arg3: memref<2048x32xf32, #tpu.memory_space<vmem>>, %arg4: memref<2x2048x128xf32, #tpu.memory_space<vmem>>) attributes {dimension_semantics = [#tpu.dimension_semantics<arbitrary>], iteration_bounds = array<i64: 5>, scalar_prefetch = 0 : i64, scratch_operands = 0 : i64, tpu.core_type = #tpu.core_type<tc>, window_params = [{transform_indices = @transform_0, window_bounds = array<i64: 2048, 256>}, {pipeline_mode = #tpu.pipeline_mode<synchronous>, transform_indices = @transform_1, window_bounds = array<i64: 256, 64>}, {transform_indices = @transform_2, window_bounds = array<i64: 2048, 32>}, {transform_indices = @transform_3, window_bounds = array<i64: 2, 2048, 128>}]} {
    %get3A = arith.constant 0 : index
    %get3A_0 = arith.constant 0 : index
    %get3A_1 = vector.load %arg3[%get3A, %get3A_0] : memref<2048x32xf32, #tpu.memory_space<vmem>>, vector<2048x32xf32>
    %reduce_sum3A = arith.constant dense<0.000000e+00> : vector<2048xf32>
    %reduce_sum3A_2 = vector.multi_reduction <add>, %get3A_1, %reduce_sum3A [1] : vector<2048x32xf32> to vector<2048xf32>
    %broadcast_in_dim3A = vector.shape_cast %reduce_sum3A_2 : vector<2048xf32> to vector<2048x1xf32>
    %add3A = arith.constant 1.000000e+00 : f32
    %add3A_3 = vector.broadcast %add3A : f32 to vector<2048x1xf32>
    %add3A_4 = arith.addf %broadcast_in_dim3A, %add3A_3 : vector<2048x1xf32>
    %sqrt3A = math.sqrt %add3A_4 : vector<2048x1xf32>
    %div3A = arith.constant 1.000000e+00 : f32
    %div3A_5 = vector.broadcast %div3A : f32 to vector<2048x1xf32>
    %div3A_6 = arith.divf %div3A_5, %sqrt3A : vector<2048x1xf32>
    %get3A_7 = arith.constant 0 : index
    %get3A_8 = arith.constant 0 : index
    %get3A_9 = vector.load %arg1[%get3A_7, %get3A_8] : memref<2048x256xf32, #tpu.memory_space<vmem>>, vector<2048x256xf32>
    %get3A_10 = arith.constant 0 : index
    %get3A_11 = arith.constant 0 : index
    %get3A_12 = vector.load %arg2[%get3A_10, %get3A_11] : memref<256x64xf32, #tpu.memory_space<vmem>>, vector<256x64xf32>
    %dot_general3A = arith.constant dense<0.000000e+00> : vector<2048x64xf32>
    %dot_general3A_13 = tpu.matmul %get3A_9, %get3A_12, %dot_general3A {dimension_numbers = #tpu.dot_dimension_numbers<[1], [0], [0], [1], [0, 0, 1, 1], [], []>, transpose_lhs_hint = false} : vector<2048x256xf32>, vector<256x64xf32>, vector<2048x64xf32> -> vector<2048x64xf32>
    %mul3A = vector.broadcast %div3A_6 : vector<2048x1xf32> to vector<2048x64xf32>
    %mul3A_14 = arith.mulf %dot_general3A_13, %mul3A : vector<2048x64xf32>
    %broadcast_in_dim3A_15 = arith.constant 0.000000e+00 : f32
    %broadcast_in_dim3A_16 = vector.broadcast %broadcast_in_dim3A_15 : f32 to vector<2048x96xf32>
    %slice3A = vector.extract_strided_slice %mul3A_14 {offsets = [0, 0], sizes = [2048, 32], strides = [1, 1]} : vector<2048x64xf32> to vector<2048x32xf32>
    %concatenate3A = tpu.concatenate %slice3A, %broadcast_in_dim3A_16 in 1 : vector<2048x32xf32>, vector<2048x96xf32> -> vector<2048x128xf32>
    %swap3A = arith.constant 0 : index
    %swap3A_17 = arith.constant 0 : index
    %swap3A_18 = arith.constant 0 : index
    %swap3A_19 = vector.load %arg4[%swap3A, %swap3A_17, %swap3A_18] : memref<2x2048x128xf32, #tpu.memory_space<vmem>>, vector<1x2048x128xf32>
    %swap3A_20 = vector.shape_cast %swap3A_19 : vector<1x2048x128xf32> to vector<2048x128xf32>
    %swap3A_21 = vector.shape_cast %concatenate3A : vector<2048x128xf32> to vector<1x2048x128xf32>
    tpu.vector_store %arg4[%swap3A, %swap3A_17, %swap3A_18], %swap3A_21 {strides = array<i32>} : memref<2x2048x128xf32, #tpu.memory_space<vmem>>, vector<1x2048x128xf32>,
    %slice3A_22 = vector.extract_strided_slice %mul3A_14 {offsets = [0, 32], sizes = [2048, 32], strides = [1, 1]} : vector<2048x64xf32> to vector<2048x32xf32>
    %concatenate3A_23 = tpu.concatenate %slice3A_22, %broadcast_in_dim3A_16 in 1 : vector<2048x32xf32>, vector<2048x96xf32> -> vector<2048x128xf32>
    %swap3A_24 = arith.constant 1 : index
    %swap3A_25 = arith.constant 0 : index
    %swap3A_26 = arith.constant 0 : index
    %swap3A_27 = vector.load %arg4[%swap3A_24, %swap3A_25, %swap3A_26] : memref<2x2048x128xf32, #tpu.memory_space<vmem>>, vector<1x2048x128xf32>
    %swap3A_28 = vector.shape_cast %swap3A_27 : vector<1x2048x128xf32> to vector<2048x128xf32>
    %swap3A_29 = vector.shape_cast %concatenate3A_23 : vector<2048x128xf32> to vector<1x2048x128xf32>
    tpu.vector_store %arg4[%swap3A_24, %swap3A_25, %swap3A_26], %swap3A_29 {strides = array<i32>} : memref<2x2048x128xf32, #tpu.memory_space<vmem>>, vector<1x2048x128xf32>,
    return
  }
  func.func @transform_0(%arg0: i32) -> (i32, i32) {
    %c0_i32 = arith.constant 0 : i32
    %c0_i32_0 = arith.constant 0 : i32
    return %arg0, %c0_i32 : i32, i32
  }
  func.func @transform_1(%arg0: i32) -> (i32, i32) {
    %c0_i32 = arith.constant 0 : i32
    %c0_i32_0 = arith.constant 0 : i32
    %c0_i32_1 = arith.constant 0 : i32
    return %c0_i32, %c0_i32_0 : i32, i32
  }
  func.func @transform_2(%arg0: i32) -> (i32, i32) {
    %c0_i32 = arith.constant 0 : i32
    %c0_i32_0 = arith.constant 0 : i32
    return %arg0, %c0_i32 : i32, i32
  }
  func.func @transform_3(%arg0: i32) -> (i32, i32, i32) {
    %c0_i32 = arith.constant 0 : i32
    %c0_i32_0 = arith.constant 0 : i32
    %c0_i32_1 = arith.constant 0 : i32
    return %c0_i32, %arg0, %c0_i32_0 : i32, i32, i32
  }
}

module attributes {stable_mosaic.version = 14 : i64} {
  func.func @_tc2_body(%arg0: i32, %arg1: memref<2x2048x128xf32, #tpu.memory_space<vmem>>, %arg2: memref<2048x32xf32, #tpu.memory_space<vmem>>, %arg3: memref<64x16xf32, #tpu.memory_space<vmem>>, %arg4: memref<1x64xf32, #tpu.memory_space<vmem>>, %arg5: memref<2x2048x128xf32, #tpu.memory_space<vmem>>) attributes {dimension_semantics = [#tpu.dimension_semantics<arbitrary>], iteration_bounds = array<i64: 5>, scalar_prefetch = 0 : i64, scratch_operands = 0 : i64, tpu.core_type = #tpu.core_type<tc>, window_params = [{transform_indices = @transform_0, window_bounds = array<i64: 2, 2048, 128>}, {transform_indices = @transform_1, window_bounds = array<i64: 2048, 32>}, {pipeline_mode = #tpu.pipeline_mode<synchronous>, transform_indices = @transform_2, window_bounds = array<i64: 64, 16>}, {pipeline_mode = #tpu.pipeline_mode<synchronous>, transform_indices = @transform_3, window_bounds = array<i64: 1, 64>}, {transform_indices = @transform_4, window_bounds = array<i64: 2, 2048, 128>}]} {
    %get3A = arith.constant 0 : index
    %get3A_0 = arith.constant 0 : index
    %get3A_1 = vector.load %arg2[%get3A, %get3A_0] : memref<2048x32xf32, #tpu.memory_space<vmem>>, vector<2048x32xf32>
    %reduce_sum3A = arith.constant dense<0.000000e+00> : vector<2048xf32>
    %reduce_sum3A_2 = vector.multi_reduction <add>, %get3A_1, %reduce_sum3A [1] : vector<2048x32xf32> to vector<2048xf32>
    %broadcast_in_dim3A = vector.shape_cast %reduce_sum3A_2 : vector<2048xf32> to vector<2048x1xf32>
    %add3A = arith.constant 1.000000e+00 : f32
    %add3A_3 = vector.broadcast %add3A : f32 to vector<2048x1xf32>
    %add3A_4 = arith.addf %broadcast_in_dim3A, %add3A_3 : vector<2048x1xf32>
    %sqrt3A = math.sqrt %add3A_4 : vector<2048x1xf32>
    %div3A = arith.constant 1.000000e+00 : f32
    %div3A_5 = vector.broadcast %div3A : f32 to vector<2048x1xf32>
    %div3A_6 = arith.divf %div3A_5, %sqrt3A : vector<2048x1xf32>
    %get3A_7 = arith.constant 0 : index
    %get3A_8 = arith.constant 0 : index
    %get3A_9 = arith.constant 0 : index
    %get3A_10 = vector.load %arg1[%get3A_7, %get3A_8, %get3A_9] : memref<2x2048x128xf32, #tpu.memory_space<vmem>>, vector<1x2048x128xf32>
    %get3A_11 = vector.shape_cast %get3A_10 : vector<1x2048x128xf32> to vector<2048x128xf32>
    %slice3A = vector.extract_strided_slice %get3A_11 {offsets = [0, 0], sizes = [2048, 32], strides = [1, 1]} : vector<2048x128xf32> to vector<2048x32xf32>
    %get3A_12 = arith.constant 1 : index
    %get3A_13 = arith.constant 0 : index
    %get3A_14 = arith.constant 0 : index
    %get3A_15 = vector.load %arg1[%get3A_12, %get3A_13, %get3A_14] : memref<2x2048x128xf32, #tpu.memory_space<vmem>>, vector<1x2048x128xf32>
    %get3A_16 = vector.shape_cast %get3A_15 : vector<1x2048x128xf32> to vector<2048x128xf32>
    %slice3A_17 = vector.extract_strided_slice %get3A_16 {offsets = [0, 0], sizes = [2048, 32], strides = [1, 1]} : vector<2048x128xf32> to vector<2048x32xf32>
    %concatenate3A = tpu.concatenate %slice3A, %slice3A_17 in 1 : vector<2048x32xf32>, vector<2048x32xf32> -> vector<2048x64xf32>
    %mul3A = vector.broadcast %div3A_6 : vector<2048x1xf32> to vector<2048x64xf32>
    %mul3A_18 = arith.mulf %concatenate3A, %mul3A : vector<2048x64xf32>
    %get3A_19 = arith.constant 0 : index
    %get3A_20 = arith.constant 0 : index
    %get3A_21 = vector.load %arg4[%get3A_19, %get3A_20] : memref<1x64xf32, #tpu.memory_space<vmem>>, vector<1x64xf32>
    %add3A_22 = vector.broadcast %get3A_21 : vector<1x64xf32> to vector<2048x64xf32>
    %add3A_23 = arith.addf %mul3A_18, %add3A_22 : vector<2048x64xf32>
    %max3A = arith.constant 0.000000e+00 : f32
    %max3A_24 = vector.broadcast %max3A : f32 to vector<2048x64xf32>
    %max3A_25 = arith.maximumf %add3A_23, %max3A_24 : vector<2048x64xf32>
    %get3A_26 = arith.constant 0 : index
    %get3A_27 = arith.constant 0 : index
    %get3A_28 = vector.load %arg3[%get3A_26, %get3A_27] : memref<64x16xf32, #tpu.memory_space<vmem>>, vector<64x16xf32>
    %dot_general3A = arith.constant dense<0.000000e+00> : vector<2048x16xf32>
    %dot_general3A_29 = tpu.matmul %max3A_25, %get3A_28, %dot_general3A {dimension_numbers = #tpu.dot_dimension_numbers<[1], [0], [0], [1], [0, 0, 1, 1], [], []>, transpose_lhs_hint = false} : vector<2048x64xf32>, vector<64x16xf32>, vector<2048x16xf32> -> vector<2048x16xf32>
    %mul3A_30 = vector.broadcast %div3A_6 : vector<2048x1xf32> to vector<2048x16xf32>
    %mul3A_31 = arith.mulf %dot_general3A_29, %mul3A_30 : vector<2048x16xf32>
    %broadcast_in_dim3A_32 = arith.constant 0.000000e+00 : f32
    %broadcast_in_dim3A_33 = vector.broadcast %broadcast_in_dim3A_32 : f32 to vector<2048x120xf32>
    %slice3A_34 = vector.extract_strided_slice %mul3A_31 {offsets = [0, 0], sizes = [2048, 8], strides = [1, 1]} : vector<2048x16xf32> to vector<2048x8xf32>
    %concatenate3A_35 = tpu.concatenate %slice3A_34, %broadcast_in_dim3A_33 in 1 : vector<2048x8xf32>, vector<2048x120xf32> -> vector<2048x128xf32>
    %swap3A = arith.constant 0 : index
    %swap3A_36 = arith.constant 0 : index
    %swap3A_37 = arith.constant 0 : index
    %swap3A_38 = vector.load %arg5[%swap3A, %swap3A_36, %swap3A_37] : memref<2x2048x128xf32, #tpu.memory_space<vmem>>, vector<1x2048x128xf32>
    %swap3A_39 = vector.shape_cast %swap3A_38 : vector<1x2048x128xf32> to vector<2048x128xf32>
    %swap3A_40 = vector.shape_cast %concatenate3A_35 : vector<2048x128xf32> to vector<1x2048x128xf32>
    tpu.vector_store %arg5[%swap3A, %swap3A_36, %swap3A_37], %swap3A_40 {strides = array<i32>} : memref<2x2048x128xf32, #tpu.memory_space<vmem>>, vector<1x2048x128xf32>,
    %slice3A_41 = vector.extract_strided_slice %mul3A_31 {offsets = [0, 8], sizes = [2048, 8], strides = [1, 1]} : vector<2048x16xf32> to vector<2048x8xf32>
    %concatenate3A_42 = tpu.concatenate %slice3A_41, %broadcast_in_dim3A_33 in 1 : vector<2048x8xf32>, vector<2048x120xf32> -> vector<2048x128xf32>
    %swap3A_43 = arith.constant 1 : index
    %swap3A_44 = arith.constant 0 : index
    %swap3A_45 = arith.constant 0 : index
    %swap3A_46 = vector.load %arg5[%swap3A_43, %swap3A_44, %swap3A_45] : memref<2x2048x128xf32, #tpu.memory_space<vmem>>, vector<1x2048x128xf32>
    %swap3A_47 = vector.shape_cast %swap3A_46 : vector<1x2048x128xf32> to vector<2048x128xf32>
    %swap3A_48 = vector.shape_cast %concatenate3A_42 : vector<2048x128xf32> to vector<1x2048x128xf32>
    tpu.vector_store %arg5[%swap3A_43, %swap3A_44, %swap3A_45], %swap3A_48 {strides = array<i32>} : memref<2x2048x128xf32, #tpu.memory_space<vmem>>, vector<1x2048x128xf32>,
    return
  }
  func.func @transform_0(%arg0: i32) -> (i32, i32, i32) {
    %c0_i32 = arith.constant 0 : i32
    %c0_i32_0 = arith.constant 0 : i32
    %c0_i32_1 = arith.constant 0 : i32
    return %c0_i32, %arg0, %c0_i32_0 : i32, i32, i32
  }
  func.func @transform_1(%arg0: i32) -> (i32, i32) {
    %c0_i32 = arith.constant 0 : i32
    %c0_i32_0 = arith.constant 0 : i32
    return %arg0, %c0_i32 : i32, i32
  }
  func.func @transform_2(%arg0: i32) -> (i32, i32) {
    %c0_i32 = arith.constant 0 : i32
    %c0_i32_0 = arith.constant 0 : i32
    %c0_i32_1 = arith.constant 0 : i32
    return %c0_i32, %c0_i32_0 : i32, i32
  }
  func.func @transform_3(%arg0: i32) -> (i32, i32) {
    %c0_i32 = arith.constant 0 : i32
    %c0_i32_0 = arith.constant 0 : i32
    %c0_i32_1 = arith.constant 0 : i32
    return %c0_i32, %c0_i32_0 : i32, i32
  }
  func.func @transform_4(%arg0: i32) -> (i32, i32, i32) {
    %c0_i32 = arith.constant 0 : i32
    %c0_i32_0 = arith.constant 0 : i32
    %c0_i32_1 = arith.constant 0 : i32
    return %c0_i32, %arg0, %c0_i32_0 : i32, i32, i32
  }
}

module attributes {stable_mosaic.version = 14 : i64} {
  func.func @_tc3_body(%arg0: i32, %arg1: memref<1x2048x128xf32, #tpu.memory_space<vmem>>, %arg2: memref<2048x32xf32, #tpu.memory_space<vmem>>, %arg3: memref<1x8xf32, #tpu.memory_space<vmem>>, %arg4: memref<2048x2xf32, #tpu.memory_space<vmem>>) attributes {dimension_semantics = [#tpu.dimension_semantics<arbitrary>], iteration_bounds = array<i64: 5>, scalar_prefetch = 0 : i64, scratch_operands = 0 : i64, tpu.core_type = #tpu.core_type<tc>, window_params = [{transform_indices = @transform_0, window_bounds = array<i64: 1, 2048, 128>}, {transform_indices = @transform_1, window_bounds = array<i64: 2048, 32>}, {pipeline_mode = #tpu.pipeline_mode<synchronous>, transform_indices = @transform_2, window_bounds = array<i64: 1, 8>}, {transform_indices = @transform_3, window_bounds = array<i64: 2048, 2>}]} {
    %get3A = arith.constant 0 : index
    %get3A_0 = arith.constant 0 : index
    %get3A_1 = vector.load %arg2[%get3A, %get3A_0] : memref<2048x32xf32, #tpu.memory_space<vmem>>, vector<2048x32xf32>
    %reduce_sum3A = arith.constant dense<0.000000e+00> : vector<2048xf32>
    %reduce_sum3A_2 = vector.multi_reduction <add>, %get3A_1, %reduce_sum3A [1] : vector<2048x32xf32> to vector<2048xf32>
    %broadcast_in_dim3A = vector.shape_cast %reduce_sum3A_2 : vector<2048xf32> to vector<2048x1xf32>
    %add3A = arith.constant 1.000000e+00 : f32
    %add3A_3 = vector.broadcast %add3A : f32 to vector<2048x1xf32>
    %add3A_4 = arith.addf %broadcast_in_dim3A, %add3A_3 : vector<2048x1xf32>
    %sqrt3A = math.sqrt %add3A_4 : vector<2048x1xf32>
    %div3A = arith.constant 1.000000e+00 : f32
    %div3A_5 = vector.broadcast %div3A : f32 to vector<2048x1xf32>
    %div3A_6 = arith.divf %div3A_5, %sqrt3A : vector<2048x1xf32>
    %get3A_7 = arith.constant 0 : index
    %get3A_8 = arith.constant 0 : index
    %get3A_9 = arith.constant 0 : index
    %get3A_10 = vector.load %arg1[%get3A_7, %get3A_8, %get3A_9] : memref<1x2048x128xf32, #tpu.memory_space<vmem>>, vector<1x2048x128xf32>
    %get3A_11 = vector.shape_cast %get3A_10 : vector<1x2048x128xf32> to vector<2048x128xf32>
    %slice3A = vector.extract_strided_slice %get3A_11 {offsets = [0, 0], sizes = [2048, 8], strides = [1, 1]} : vector<2048x128xf32> to vector<2048x8xf32>
    %mul3A = vector.broadcast %div3A_6 : vector<2048x1xf32> to vector<2048x8xf32>
    %mul3A_12 = arith.mulf %slice3A, %mul3A : vector<2048x8xf32>
    %get3A_13 = arith.constant 0 : index
    %get3A_14 = arith.constant 0 : index
    %get3A_15 = vector.load %arg3[%get3A_13, %get3A_14] : memref<1x8xf32, #tpu.memory_space<vmem>>, vector<1x8xf32>
    %add3A_16 = vector.broadcast %get3A_15 : vector<1x8xf32> to vector<2048x8xf32>
    %add3A_17 = arith.addf %mul3A_12, %add3A_16 : vector<2048x8xf32>
    %slice3A_18 = vector.extract_strided_slice %add3A_17 {offsets = [0, 0], sizes = [2048, 2], strides = [1, 1]} : vector<2048x8xf32> to vector<2048x2xf32>
    %swap3A = arith.constant 0 : index
    %swap3A_19 = arith.constant 0 : index
    %swap3A_20 = vector.load %arg4[%swap3A, %swap3A_19] : memref<2048x2xf32, #tpu.memory_space<vmem>>, vector<2048x2xf32>
    tpu.vector_store %arg4[%swap3A, %swap3A_19], %slice3A_18 {strides = array<i32>} : memref<2048x2xf32, #tpu.memory_space<vmem>>, vector<2048x2xf32>,
    return
  }
  func.func @transform_0(%arg0: i32) -> (i32, i32, i32) {
    %c0_i32 = arith.constant 0 : i32
    %c0_i32_0 = arith.constant 0 : i32
    %c0_i32_1 = arith.constant 0 : i32
    return %c0_i32, %arg0, %c0_i32_0 : i32, i32, i32
  }
  func.func @transform_1(%arg0: i32) -> (i32, i32) {
    %c0_i32 = arith.constant 0 : i32
    %c0_i32_0 = arith.constant 0 : i32
    return %arg0, %c0_i32 : i32, i32
  }
  func.func @transform_2(%arg0: i32) -> (i32, i32) {
    %c0_i32 = arith.constant 0 : i32
    %c0_i32_0 = arith.constant 0 : i32
    %c0_i32_1 = arith.constant 0 : i32
    return %c0_i32, %c0_i32_0 : i32, i32
  }
  func.func @transform_3(%arg0: i32) -> (i32, i32) {
    %c0_i32 = arith.constant 0 : i32
    %c0_i32_0 = arith.constant 0 : i32
    return %arg0, %c0_i32 : i32, i32
  }
}

</mosaic_0001>

<sc_bundles>
// kernel: kernel.11.cloned.1.call-start
scs
__scs_entry_jumppad:
0x0: {  	(pc) =	sbr.rel $0x88, $3  }
0x1: {  	(tag) =	ssettag $0x0;
	lr =	simm.s32 $0x1  }
0x2: {  	[smem:$0x3F9B] =	sst lr;
	_ =	strace $0xD0000000  }
0x3: {  	_ = 	snop  }
0x4: {  	_ = 	snop  }
0x5: {  	_ = 	snop  }
0x6: {  	_ = 	snop  }
0x7: {  	_ = 	snop  }
__scs_overlays_trampoline_lowered:
0x8: {  	[smem:$0x3FAA] =	sst s0  }
0x9: {  	[smem:$0x3FAB] =	sst s1  }
0xa: {  	[smem:$0x3FAC] =	sst s2  }
0xb: {  	[smem:$0x3FAD] =	sst s3  }
0xc: {  	[smem:$0x3FAE] =	sst s4  }
0xd: {  	[smem:$0x3FAF] =	sst s5  }
0xe: {  	[smem:$0x3FB0] =	sst s6  }
0xf: {  	[smem:$0x3FB1] =	sst s7  }
0x10: {  	[smem:$0x3FB2] =	sst s8  }
0x11: {  	[smem:$0x3FB3] =	sst s9;
	s0 =	simm.s32 @!p0 $0x0  }
0x12: {  	s1 =	sld [smem:$0x3F99];
	s0 =	simm.s32 @p0 $0x1  }
0x13: {  	[smem:$0x3FB4] =	sst s0;
	s0 =	simm.s32 @!p1 $0x0  }
0x14: {  	s2 =	sld [smem:$0x3F98];
	s0 =	simm.s32 @p1 $0x1  }
0x15: {  	[smem:$0x3FB5] =	sst s0;
	s0 =	simm.s32 @!p2 $0x0  }
0x16: {  	s3 =	sld [smem:$0x3FDB];
	s0 =	simm.s32 @p2 $0x1  }
0x17: {  	s4 =	simm.s32 $0x1BF5;
	[smem:$0x3FB7] =	sst s0  }
0x18: {  	s0 =	sld [smem:$0x3F9A];
	_ =	swait.ge [sflag:s4], $0x0  }
0x19: {  	s7 =	sld [smem:$0x3F9B]  }
0x1a: {  	s8 =	sadd.s32 $0xFFFFE003, lr  }
0x1b: {  	s9 =	sadd.s32 $0xFFFFFEF7, lr;
	s5 =	simm.s32 $0xFFFFFFFF;
	p2 =	slt.u32 s8, $0xFFFFF086  }
0x1c: {  	p1 =	slt.u32 s9, $0xF7A;
	s5 =	simm.s32 @!p2 $0x0  }
0x1d: {  	s5 =	simm.s32 @p1 $0x1;
	p0 =	seq.s32 s7, s2  }
0x1e: {  	s7 =	smul.u32 @!p0 $0xF7A, s2;
	p2 =	seq.s32 @!p0 s5, $0x0  }
0x1f: {  	s9 =	smul.u32 $0xF7A, s1;
	s8 =	simm.s32 @!p0 $0x1BF5;
	p2 =	por !p2, p0  }
0x20: {  	[sflag:s8] =	ssyncset.s32 @!p0 $0xFFFFF086;
	s6 =	sadd.s32 @!p0 s3, s7;
	s7 =	simm.s32 @!p0 $0x108  }
0x21: {  	s3 =	sadd.s32 s3, s9;
	s6 =	sadd.s32 @!p0 $0x88, s6;
	s7 =	simm.s32 @p2 $0x1082  }
0x22: {  	[simem:s7], [sflag:s8] =	dma.local @!p0 [hbm:s6], $0xF7A  }
0x23: {  	s9 =	sor.u32 $0xD0000000, s2;
	s6 =	simm.s32 $0x108;
	_ =	swait.ge @!p0 [sflag:s8], $0x0  }
0x24: {  	s3 =	sadd.s32 $0x88, s3;
	s6 =	simm.s32 @!p1 $0x1082;
	[sflag:s4] =	ssyncset.s32 $0xFFFFF086  }
0x25: {  	[simem:s6], [sflag:s4] =	dma.local [hbm:s3], $0xF7A  }
0x26: {  	[smem:$0x3F9B] =	sst s1;
	(tag) =	ssettag s2;
	_ =	strace s9  }
0x27: {  	s1 =	sld [smem:$0x3FAB]  }
0x28: {  	s2 =	sld [smem:$0x3FAC]  }
0x29: {  	s4 =	sld [smem:$0x3FAE]  }
0x2a: {  	p0 =	seq.s32 s5, $0x0;
	s5 =	sld [smem:$0x3FAF]  }
0x2b: {  	s6 =	sld [smem:$0x3FB0]  }
0x2c: {  	s7 =	sld [smem:$0x3FB1]  }
0x2d: {  	s3 =	simm.s32 $0x108;
	s8 =	sld [smem:$0x3FB2]  }
0x2e: {  	s3 =	simm.s32 @!p0 $0x1082;
	s9 =	sld [smem:$0x3FB3]  }
0x2f: {  	lr =	sadd.s32 s0, s3;
	s0 =	sld [smem:$0x3FAA]  }
0x30: {  	s3 =	sld [smem:$0x3FAD]  }
0x31: {  	[smem:$0x3FB6] =	sst s10  }
0x32: {  	s10 =	sld [smem:$0x3FB4];
	_ =	sdelay $0x3  }
0x33: {  	p0 =	seq.s32 s10, $0x1;
	s10 =	sld [smem:$0x3FB6];
	_ =	sdelay $0x3  }
0x34: {  	[smem:$0x3FB6] =	sst s10  }
0x35: {  	s10 =	sld [smem:$0x3FB5];
	_ =	sdelay $0x3  }
0x36: {  	p1 =	seq.s32 s10, $0x1;
	s10 =	sld [smem:$0x3FB6];
	_ =	sdelay $0x3  }
0x37: {  	[smem:$0x3FB6] =	sst s10  }
0x38: {  	s10 =	sld [smem:$0x3FB7]  }
0x39: {  	_ = 	snop;
	(pc) =	sbr.ind lr, $3  }
0x3a: {  	_ = 	snop  }
0x3b: {  	_ = 	snop  }
0x3c: {  	p2 =	seq.s32 s10, $0x1;
	s10 =	sld [smem:$0x3FB6]  }
0x3d: {  	_ =	shalt  }
0x3e: {  	_ =	shalt  }
0x3f: {  	_ =	shalt  }
0x40: {  	_ =	shalt  }
0x41: {  	_ =	shalt  }
0x42: {  	_ =	shalt  }
0x43: {  	_ =	shalt  }
0x44: {  	_ =	shalt  }
0x45: {  	_ =	shalt  }
0x46: {  	_ =	shalt  }
0x47: {  	_ =	shalt  }
0x48: {  	_ =	shalt  }
0x49: {  	_ =	shalt  }
0x4a: {  	_ =	shalt  }
0x4b: {  	_ =	shalt  }
0x4c: {  	_ =	shalt  }
0x4d: {  	_ =	shalt  }
0x4e: {  	_ =	shalt  }
0x4f: {  	_ =	shalt  }
0x50: {  	_ =	shalt  }
0x51: {  	_ =	shalt  }
0x52: {  	_ =	shalt  }
0x53: {  	_ =	shalt  }
0x54: {  	_ =	shalt  }
0x55: {  	_ =	shalt  }
0x56: {  	_ =	shalt  }
0x57: {  	_ =	shalt  }
0x58: {  	_ =	shalt  }
0x59: {  	_ =	shalt  }
0x5a: {  	_ =	shalt  }
0x5b: {  	_ =	shalt  }
0x5c: {  	_ =	shalt  }
0x5d: {  	_ =	shalt  }
0x5e: {  	_ =	shalt  }
0x5f: {  	_ =	shalt  }
0x60: {  	_ =	shalt  }
0x61: {  	_ =	shalt  }
0x62: {  	_ =	shalt  }
0x63: {  	_ =	shalt  }
0x64: {  	_ =	shalt  }
0x65: {  	_ =	shalt  }
0x66: {  	_ =	shalt  }
0x67: {  	_ =	shalt  }
0x68: {  	_ =	shalt  }
0x69: {  	_ =	shalt  }
0x6a: {  	_ =	shalt  }
0x6b: {  	_ =	shalt  }
0x6c: {  	_ =	shalt  }
0x6d: {  	_ =	shalt  }
0x6e: {  	_ =	shalt  }
0x6f: {  	_ =	shalt  }
0x70: {  	_ =	shalt  }
0x71: {  	_ =	shalt  }
0x72: {  	_ =	shalt  }
0x73: {  	_ =	shalt  }
0x74: {  	_ =	shalt  }
0x75: {  	_ =	shalt  }
0x76: {  	_ =	shalt  }
0x77: {  	_ =	shalt  }
0x78: {  	_ =	shalt  }
0x79: {  	_ =	shalt  }
0x7a: {  	_ =	shalt  }
0x7b: {  	_ =	shalt  }
0x7c: {  	_ =	shalt  }
0x7d: {  	_ =	shalt  }
0x7e: {  	_ =	shalt  }
0x7f: {  	_ =	shalt  }
0x80: {  	_ =	shalt  }
0x81: {  	_ =	shalt  }
0x82: {  	_ =	shalt  }
0x83: {  	_ =	shalt  }
0x84: {  	_ =	shalt  }
0x85: {  	_ =	shalt  }
0x86: {  	_ =	shalt  }
0x87: {  	_ =	shalt  }
.Lfunc_end0:
.L_simem_size_0:
called_computation.1_lowered:
.L_overlay_start_0:
0x88: {  	s2 =	sld [smem:$0x3FD9]  }
0x89: {  	s3 =	sld [smem:$0x3FFE];
	_ =	sdelay $0x1  }
0x8a: {  	s1 =	srdreg.scid  }
0x8b: {  	s0 =	sand.u32 $0x1, s1  }
0x8c: {  	s16 =	sshll.u32 s0, $0xA;
	s2 =	sadd.s32 s3, s2  }
0x8d: {  	s2 =	sadd.s32 s2, s16  }
0x8e: {  	[smem:$0x3FC2] =	sst s2  }
0x8f: {  	_ = 	snop  }
0x90: {  	(tm) =	ssettm $0x1  }
0x91: {  	s17 =	sld [smem:$0x3FFB];
	_ =	sdelay $0x3  }
0x92: {  	_ =	strace s17  }
0x93: {  	s2 =	sld [smem:$0x3FFC];
	_ =	sdelay $0x3  }
0x94: {  	_ =	strace s2  }
0x95: {  	s2 =	sld [smem:$0x3FFD];
	_ =	sdelay $0x3  }
0x96: {  	_ =	strace s2  }
0x97: {  	_ =	strace $0x8FFFFFFF  }
0x98: {  	s18 =	sld [smem:$0x3FDB];
	_ =	sdelay $0x1  }
0x99: {  	s19 =	simm.s32 $_scs_section_size  }
0x9a: {  	s4 =	simm.s32 $_size__tile_overlayer_lowered;
	s5 =	simm.s32 $_tile_overlayer_lowered  }
0x9b: {  	s22 =	simm.s32 $0x1BFF;
	s21 =	sshll.u32 s5, $0x1;
	s2 =	sadd.s32 s19, s18  }
0x9c: {  	s6 =	simm.s32 $0x0;
	s20 =	sshll.u32 s4, $0x1;
	s4 =	sadd.s32 s21, s2  }
0x9d: {  	[timem:s6], [sflag:s22] =	dma.local [hbm:s4], s20  }
0x9e: {  	_ =	swait.ge [sflag:s22], s20  }
0x9f: {  	s3 =	ssub.s32 $0x0, s20;
	[sflag:s22] =	ssyncset.done $0x0  }
0xa0: {  	[sflag:s22] =	ssyncadd.s32 s3;
	_ =	sdelay $0x1  }
0xa1: {  	s23 =	simm.s32 $0x1B8B  }
0xa2: {  	_ =	swait.ge [sflag:s23], $0x1  }
0xa3: {  	[sflag:s23] =	ssyncset.done $0x0  }
0xa4: {  	s25 =	simm.s32 $0x1B8E;
	s24 =	sld [smem:$0x3FFE];
	[sflag:s23] =	ssyncadd.s32 $0xFFFFFFFF  }
0xa5: {  	s26 =	simm.s32 $execute0_lowered;
	[smem:$0x3FD2] =	sst s25  }
0xa6: {  	s4 =	sshll.u32 s26, $0x1;
	_ =	strace $0x80000049;
	[dreg:$0x1] =	wrdreg $0xFFFFFFFF  }
0xa7: {  	s28 =	simm.s32 $_size_execute0_lowered;
	s2 =	sadd.s32 s2, s4;
	[dreg:$0x0] =	wrdreg $0x0  }
0xa8: {  	s4 =	sshll.u32 s28, $0x1;
	[dreg:$0x2] =	wrdreg s2  }
0xa9: {  	[dreg:$0x3] =	wrdreg s4  }
0xaa: {  	[dreg:$0x4] =	wrdreg $0xC0  }
0xab: {  	_ =	task [dreg:s6], $0x5FFFF  }
0xac: {  	[dreg:$0x1] =	wrdreg $0xFFFFFFFF  }
0xad: {  	[dreg:$0x0] =	wrdreg $0x60  }
0xae: {  	[dreg:$0x2] =	wrdreg s24  }
0xaf: {  	[dreg:$0x3] =	wrdreg $0xD0000  }
0xb0: {  	[dreg:$0x4] =	wrdreg $0x120000  }
0xb1: {  	[dreg:$0x5] =	wrdreg $0x9  }
0xb2: {  	_ =	task.clear_ibuf [dreg:s6], $0x6FFFF;
	_ =	strace $0x90000049  }
0xb3: {  	s29 =	simm.s32 $0x9;
	_ =	strace $0x8000004B  }
0xb4: {  	_ =	swait.ge [sflag:s29], $0x1  }
0xb5: {  	[sflag:s29] =	ssyncadd.s32 $0xFFFFFFFF  }
0xb6: {  	_ =	strace $0x9000004B  }
0xb7: {  	_ =	sfence  }
0xb8: {  	s30 =	sld [smem:$0x0];
	_ =	sdelay $0x2  }
0xb9: {  	s31 =	sshll.u32 s1, $0xD;
	s1 =	sshrl.u32 s1, $0x2  }
0xba: {  	s3 =	sand.u32 $0x4000, s31;
	s1 =	sadd.s32 s1, s30  }
0xbb: {  	s0 =	sor.u32 s3, s0;
	s1 =	sshll.u32 s1, $0x11  }
0xbc: {  	s0 =	sor.u32 s1, s0  }
0xbd: {  	s0 =	sadd.s32 $0x8F2B, s0  }
0xbe: {  	[sflag:s0] =	ssyncadd.remote.s32 $0x1  }
0xbf: {  	_ =	sfence.sel $0xFFFF  }
0xc0: {  	[dreg:$0x0] =	wrdreg $0xFFFFFFFF;
	(pc) =	sbr.abs _section_cstart, $3  }
0xc1: {  	[dreg:$0x1] =	wrdreg $0xFFFFFFFF  }
0xc2: {  	_ =	task.clear_ibuf [dreg:s6], $0x2FFFF;
	_ =	strace $0x9FFFFFFF  }
0xc3: {  	(tm) =	ssettm $0x7FFFFFFF  }
tec
execute0_lowered:
.L_overlay_start_1:
0x0: {  	(tag) =	ssettag $0x1  }
0x1: {  	s0 =	rddreg [dreg:$0x0]  }
0x2: {  	s2 =	rddreg [dreg:$0x1];
	s8 =	stileid.u32  }
0x3: {  	s1 =	srdreg.scid;
	s3 =	rddreg [dreg:$0x2]  }
0x4: {  	s6 =	simm.s32 $0x0;
	s12 =	simm.s32 $0x1;
	s13 =	simm.s32 $0x4  }
0x5: {  	s14 =	simm.s32 $0x10;
	s15 =	simm.s32 $0x11;
	s29 =	simm.s32 $0xA000  }
0x6: {  	s31 =	simm.s32 $0xB000;
	s17 =	simm.s32 $0x2;
	s28 =	simm.s32 $0x7  }
0x7: {  	s30 =	simm.s32 $0x8;
	s9 =	simm.s32 $0xC;
	s4 =	smul.u32 $0x500, s8  }
0x8: {  	s10 =	simm.s32 $0xD;
	s16 =	simm.s32 $0xE;
	s18 =	smul.u32 $0x14000, s8  }
0x9: {  	s1 =	sand.u32 $0x1, s1;
	[smem:$0x7FF] =	sst s6;
	s7 =	smul.u32 $0x5000, s8  }
0xa: {  	s20 =	sshll.u32 s8, $0x6;
	s8 =	simm.s32 $0xB;
	s5 =	smul.u32 $0x140000, s1  }
0xb: {  	_ =	strace $0x8000004A;
	s1 =	ssub.s32 $0x2, s1;
	s11 =	sor.u32 $0x1C11, s20  }
0xc: {  	s20 =	simm.s32 $0x6000;
	s4 =	sadd.s32 s4, s0;
	s19 =	sshrl.u32 s1, $0x1  }
0xd: {  	s21 =	sadd.s32 s7, s2;
	s23 =	sadd.s32 s7, s3;
	s7 =	simm.s32 $0xA  }
0xe: {  	[dreg:$0x5] =	wrdreg s11;
	s5 =	sadd.s32 s18, s5;
	s1 =	ssub.s32 s1, s19  }
0xf: {  	s24 =	sadd.s32 $0x10200, s4;
	s4 =	sadd.s32 $0x1200, s4;
	s6 =	sshrl.u32 s21, $0x3  }
0x10: {  	s26 =	sshrl.u32 s23, $0x3;
	s18 =	simm.s32 $0x80;
	s19 =	simm.s32 $0x5000  }
0x11: {  	s21 =	simm.s32 $0x3;
	s23 =	simm.s32 $0x5;
	[dreg:$0x6] =	wrdreg s24  }
0x12: {  	s5 =	sshrl.u32 s5, $0x3;
	[dreg:$0x7] =	wrdreg s4;
	s25 =	smax.u32 s1, $0x1  }
0x13: {  	[dreg:$0xb] =	wrdreg s26;
	s24 =	simm.s32 $0x8000;
	s26 =	simm.s32 $0x9000  }
.Ltmp0:
0x14: {  	s1 =	simm.s32 $0x9;
	[dreg:$0xa] =	wrdreg s6;
	(pc) =	sbr.rel .LBB2_1-.Ltmp0, $4  }
0x15: {  	s0 =	sadd.s32 s5, s0;
	[dreg:$0x9] =	wrdreg s25;
	s5 =	simm.s32 $0x0  }
0x16: {  	s4 =	simm.s32 $0xF;
	s22 =	sadd.s32 $0x15200, s0;
	[dreg:$0xc] =	wrdreg s5  }
0x17: {  	s25 =	simm.s32 $0x6;
	s0 =	sadd.s32 $0x65200, s0;
	[dreg:$0x4] =	wrdreg s22  }
0x18: {  	[dreg:$0x8] =	wrdreg s0;
	s22 =	simm.s32 $0x7000;
	s0 =	simm.s32 $0xC000  }
.LBB2_4:
0x19: {  	_ =	swait.ge [sflag:s21], $0x1000  }
0x1a: {  	[sflag:s21] =	ssyncset.done $0x0  }
0x1b: {  	[sflag:s21] =	ssyncadd.s32 $0xFFFFF000  }
0x1c: {  	[spmem:s2] =	stream.indirect.scatter.add.f32 [tilespmem:s22], [sflag:$0xB], $0x20, s14, s18, $0xb8;
	[tilespmem:$0x17000] =	vst v63  }
0x1d: {  	_ =	swait.ge [sflag:s13], $0x1000  }
0x1e: {  	[sflag:s13] =	ssyncset.done $0x0  }
0x1f: {  	s5 =	sadd.s32 $0x2980, s11;
	[sflag:s13] =	ssyncadd.s32 $0xFFFFF000  }
0x20: {  	[spmem:s2] =	stream.indirect.scatter.add.f32 [tilespmem:s24], [sflag:$0xC], $0x20, s5, s18, $0xb8;
	[tilespmem:$0x17000] =	vst v63  }
0x21: {  	_ =	swait.ge [sflag:s23], $0x1000  }
0x22: {  	[sflag:s23] =	ssyncset.done $0x0  }
0x23: {  	s15 =	sadd.s32 $0x2A00, s11;
	[sflag:s23] =	ssyncadd.s32 $0xFFFFF000  }
0x24: {  	[spmem:s2] =	stream.indirect.scatter.add.f32 [tilespmem:s26], [sflag:$0xD], $0x20, s15, s18, $0xb8;
	[tilespmem:$0x17000] =	vst v63  }
0x25: {  	_ =	swait.ge [sflag:s25], $0x1000  }
0x26: {  	[sflag:s25] =	ssyncset.done $0x0  }
0x27: {  	s6 =	sadd.s32 $0x2A80, s11;
	[sflag:s25] =	ssyncadd.s32 $0xFFFFF000  }
0x28: {  	[spmem:s2] =	stream.indirect.scatter.add.f32 [tilespmem:s29], [sflag:$0xE], $0x20, s6, s18, $0xb8;
	[tilespmem:$0x17000] =	vst v63  }
0x29: {  	_ =	swait.ge [sflag:s28], $0x1000  }
0x2a: {  	[sflag:s28] =	ssyncset.done $0x0  }
0x2b: {  	s14 =	sadd.s32 $0x2B00, s11;
	[sflag:s28] =	ssyncadd.s32 $0xFFFFF000  }
0x2c: {  	[spmem:s2] =	stream.indirect.scatter.add.f32 [tilespmem:s31], [sflag:$0xF], $0x20, s14, s18, $0xb8;
	[tilespmem:$0x17000] =	vst v63  }
0x2d: {  	_ =	swait.ge [sflag:s30], $0x1000  }
0x2e: {  	[sflag:s30] =	ssyncset.done $0x0  }
0x2f: {  	s15 =	simm.s32 $0x4F80;
	[sflag:s30] =	ssyncadd.s32 $0xFFFFF000  }
0x30: {  	[spmem:s2] =	stream.indirect.scatter.add.f32 [tilespmem:s0], [sflag:$0x10], $0x20, s15, s18, $0xb8;
	[tilespmem:$0x17000] =	vst v63  }
0x31: {  	_ =	swait.ge [sflag:s1], $0x1000  }
0x32: {  	[sflag:s1] =	ssyncset.done $0x0  }
0x33: {  	[sflag:s1] =	ssyncadd.s32 $0xFFFFF000  }
0x34: {  	_ =	swait.ge [sflag:s7], $0x1000  }
0x35: {  	[sflag:s7] =	ssyncset.done $0x0  }
0x36: {  	[sflag:s7] =	ssyncadd.s32 $0xFFFFF000  }
0x37: {  	_ =	swait.ge [sflag:s8], $0x1000  }
0x38: {  	[sflag:s8] =	ssyncset.done $0x0  }
0x39: {  	[sflag:s8] =	ssyncadd.s32 $0xFFFFF000  }
0x3a: {  	_ =	swait.ge [sflag:s9], $0x1000  }
0x3b: {  	[sflag:s9] =	ssyncset.done $0x0  }
0x3c: {  	[sflag:s9] =	ssyncadd.s32 $0xFFFFF000  }
0x3d: {  	_ =	swait.ge [sflag:s10], $0x1000  }
0x3e: {  	[sflag:s10] =	ssyncset.done $0x0  }
0x3f: {  	[sflag:s10] =	ssyncadd.s32 $0xFFFFF000  }
0x40: {  	_ =	swait.ge [sflag:s16], $0x1000  }
0x41: {  	[sflag:s16] =	ssyncset.done $0x0  }
0x42: {  	[sflag:s16] =	ssyncadd.s32 $0xFFFFF000  }
0x43: {  	_ =	swait.ge [sflag:s4], $0x1000  }
0x44: {  	[sflag:s4] =	ssyncset.done $0x0  }
0x45: {  	s14 =	simm.s32 $0x10;
	[sflag:s4] =	ssyncadd.s32 $0xFFFFF000  }
0x46: {  	_ =	swait.ge [sflag:s14], $0x1000  }
0x47: {  	[sflag:s14] =	ssyncset.done $0x0  }
0x48: {  	[sflag:s14] =	ssyncadd.s32 $0xFFFFF000  }
0x49: {  	[bflag:$0x0] =	sbarrier.arrive $0xFFFF  }
0x4a: {  	s11 =	rddreg [dreg:$0x5]  }
0x4b: {  	s0 =	rddreg [dreg:$0x8]  }
0x4c: {  	s15 =	simm.s32 $0x11;
	s6 =	rddreg [dreg:$0xa]  }
0x4d: {  	[hbm:s0@s14], [sflag:s11] =	dma.strided [spmem:s6@s13], $0xA00, s12, $0x4   }
0x4e: {  	_ =	swait.ge [sflag:s15], $0xA00  }
0x4f: {  	s5 =	rddreg [dreg:$0xc]  }
0x50: {  	s0 =	sadd.s32 $0x1, s5;
	s5 =	rddreg [dreg:$0x9]  }
0x51: {  	p0 =	sne.s32 s0, s5  }
.Ltmp1:
0x52: {  	_ = 	snop;
	(pc) =	sbr.rel @!p0 .LBB2_5-.Ltmp1, $3  }
0x53: {  	_ =	sdelay $0x1  }
0x54: {  	[sflag:s15] =	ssyncset.done $0x0  }
0x55: {  	[sflag:s15] =	ssyncadd.s32 $0xFFFFF600;
	[dreg:$0xc] =	wrdreg s0;
	s0 =	simm.s32 $0xC000  }
.LBB2_1:
0x56: {  	s5 =	rddreg [dreg:$0x4]  }
0x57: {  	[spmem:s6@s13], [sflag:s11] =	dma.strided [hbm:s5@s14], $0xA00, s12, $0x4   }
0x58: {  	_ =	swait.ge [sflag:s15], $0xA00  }
0x59: {  	[sflag:s15] =	ssyncset.done $0x0  }
0x5a: {  	s6 =	rddreg [dreg:$0xb];
	[sflag:s15] =	ssyncadd.s32 $0xFFFFF600  }
0x5b: {  	[spmem:s6@s13], [sflag:s11] =	dma.strided [hbm:s5@s14], $0xA00, s12, $0x4   }
0x5c: {  	_ =	swait.ge [sflag:s15], $0xA00  }
0x5d: {  	[sflag:s15] =	ssyncset.done $0x0  }
0x5e: {  	s5 =	simm.s32 $0x0;
	s14 =	rddreg [dreg:$0x6];
	[sflag:s15] =	ssyncadd.s32 $0xFFFFF600  }
0x5f: {  	[tilespmem:s5], [sflag:$0x11] =	stream.linear.gather [hbm4b:s14+s5], $0x2800, $0x38;
	[tilespmem:$0x17000] =	vst v63  }
0x60: {  	_ =	swait.ge [sflag:s15], $0x2800  }
0x61: {  	[sflag:s15] =	ssyncset.done $0x0  }
0x62: {  	s14 =	simm.s32 $0x2800;
	s11 =	rddreg [dreg:$0x7];
	[sflag:s15] =	ssyncadd.s32 $0xFFFFD800  }
0x63: {  	[tilespmem:s14], [sflag:$0x11] =	stream.linear.gather [hbm4b:s11+s5], $0x2800, $0x38;
	[tilespmem:$0x17000] =	vst v63  }
0x64: {  	_ =	swait.ge [sflag:s15], $0x2800  }
0x65: {  	[sflag:s15] =	ssyncset.done $0x0  }
0x66: {  	[sflag:s15] =	ssyncadd.s32 $0xFFFFD800  }
0x67: {  	[bflag:$0x0] =	sbarrier.arrive $0xFFFF  }
0x68: {  	[tilespmem:s19], [sflag:$0x1] =	stream.indirect.gather [spmem:s3], $0x20, s5, s18, $0xb8;
	[tilespmem:$0x17000] =	vst v63  }
0x69: {  	_ = 	snop  }
0x6a: {  	[tilespmem:s20], [sflag:$0x2] =	stream.indirect.gather [spmem:s3], $0x20, s18, s18, $0xb8;
	[tilespmem:$0x17000] =	vst v63  }
0x6b: {  	s14 =	simm.s32 $0x100  }
0x6c: {  	[tilespmem:s22], [sflag:$0x3] =	stream.indirect.gather [spmem:s3], $0x20, s14, s18, $0xb8;
	[tilespmem:$0x17000] =	vst v63  }
0x6d: {  	s15 =	simm.s32 $0x180  }
0x6e: {  	[tilespmem:s24], [sflag:$0x4] =	stream.indirect.gather [spmem:s3], $0x20, s15, s18, $0xb8;
	[tilespmem:$0x17000] =	vst v63  }
0x6f: {  	s6 =	simm.s32 $0x200  }
0x70: {  	[tilespmem:s26], [sflag:$0x5] =	stream.indirect.gather [spmem:s3], $0x20, s6, s18, $0xb8;
	[tilespmem:$0x17000] =	vst v63  }
0x71: {  	s11 =	simm.s32 $0x280  }
0x72: {  	[tilespmem:s29], [sflag:$0x6] =	stream.indirect.gather [spmem:s3], $0x20, s11, s18, $0xb8;
	[tilespmem:$0x17000] =	vst v63  }
0x73: {  	s14 =	simm.s32 $0x300  }
0x74: {  	[tilespmem:s31], [sflag:$0x7] =	stream.indirect.gather [spmem:s3], $0x20, s14, s18, $0xb8;
	[tilespmem:$0x17000] =	vst v63  }
0x75: {  	s15 =	simm.s32 $0x380;
	s6 =	simm.s32 $0x0  }
0x76: {  	[tilespmem:s0], [sflag:$0x8] =	stream.indirect.gather [spmem:s3], $0x20, s15, s18, $0xb8;
	[tilespmem:$0x17000] =	vst v63  }
.LBB2_2:
0x77: {  	_ =	swait.ge [sflag:s12], $0x1000  }
0x78: {  	s11 =	sshra.s32 s6, $0x2;
	[sflag:s12] =	ssyncset.done $0x0  }
0x79: {  	p0 =	seq.s32 s6, $0x0;
	s14 =	sadd.s32 $0x2800, s11;
	[sflag:s12] =	ssyncadd.s32 $0xFFFFF000  }
0x7a: {  	[spmem:s2] =	stream.indirect.scatter.add.f32 [tilespmem:s19], [sflag:$0x9], $0x20, s14, s18, $0xb8;
	[tilespmem:$0x17000] =	vst v63  }
0x7b: {  	s14 =	simm.s32 @!p0 $0x10  }
0x7c: {  	_ =	swait.ge @!p0 [sflag:s14], $0x1000  }
0x7d: {  	[sflag:s14] =	ssyncset.done @!p0 $0x0  }
0x7e: {  	[sflag:s14] =	ssyncadd.s32 @!p0 $0xFFFFF000;
	s14 =	sshra.s32 @!p0 s6, $0x2  }
0x7f: {  	s15 =	simm.s32 @!p0 $0x80;
	s5 =	simm.s32 @!p0 $0xC000;
	s14 =	sadd.s32 @!p0 $0x380, s14  }
0x80: {  	[tilespmem:s5], [sflag:$0x8] =	stream.indirect.gather @!p0 [spmem:s3], $0x20, s14, s15, $0xb8;
	[tilespmem:$0x17000] =	vst v63  }
0x81: {  	p0 =	seq.s32 s6, $0x9000  }
.Ltmp2:
0x82: {  	_ = 	snop;
	(pc) =	sbr.rel @p0 .LBB2_4-.Ltmp2, $4  }
0x83: {  	_ =	swait.ge [sflag:s17], $0x1000  }
0x84: {  	[sflag:s17] =	ssyncset.done $0x0  }
0x85: {  	s15 =	sadd.s32 $0x2880, s11;
	s14 =	sadd.s32 $0x2900, s11;
	[sflag:s17] =	ssyncadd.s32 $0xFFFFF000  }
0x86: {  	[spmem:s2] =	stream.indirect.scatter.add.f32 [tilespmem:s20], [sflag:$0xA], $0x20, s15, s18, $0xb8;
	[tilespmem:$0x17000] =	vst v63  }
0x87: {  	_ =	swait.ge [sflag:s1], $0x1000  }
0x88: {  	[sflag:s1] =	ssyncset.done $0x0  }
0x89: {  	s5 =	sadd.s32 $0x400, s11;
	[sflag:s1] =	ssyncadd.s32 $0xFFFFF000  }
0x8a: {  	[tilespmem:s19], [sflag:$0x1] =	stream.indirect.gather [spmem:s3], $0x20, s5, s18, $0xb8;
	[tilespmem:$0x17000] =	vst v63  }
0x8b: {  	_ =	swait.ge [sflag:s21], $0x1000  }
0x8c: {  	[sflag:s21] =	ssyncset.done $0x0  }
0x8d: {  	[sflag:s21] =	ssyncadd.s32 $0xFFFFF000  }
0x8e: {  	[spmem:s2] =	stream.indirect.scatter.add.f32 [tilespmem:s22], [sflag:$0xB], $0x20, s14, s18, $0xb8;
	[tilespmem:$0x17000] =	vst v63  }
0x8f: {  	_ =	swait.ge [sflag:s7], $0x1000  }
0x90: {  	[sflag:s7] =	ssyncset.done $0x0  }
0x91: {  	s15 =	sadd.s32 $0x480, s11;
	[sflag:s7] =	ssyncadd.s32 $0xFFFFF000  }
0x92: {  	[tilespmem:s20], [sflag:$0x2] =	stream.indirect.gather [spmem:s3], $0x20, s15, s18, $0xb8;
	[tilespmem:$0x17000] =	vst v63  }
0x93: {  	_ =	swait.ge [sflag:s13], $0x1000  }
0x94: {  	[sflag:s13] =	ssyncset.done $0x0  }
0x95: {  	s14 =	sadd.s32 $0x2980, s11;
	[sflag:s13] =	ssyncadd.s32 $0xFFFFF000  }
0x96: {  	[spmem:s2] =	stream.indirect.scatter.add.f32 [tilespmem:s24], [sflag:$0xC], $0x20, s14, s18, $0xb8;
	[tilespmem:$0x17000] =	vst v63  }
0x97: {  	_ =	swait.ge [sflag:s8], $0x1000  }
0x98: {  	[sflag:s8] =	ssyncset.done $0x0  }
0x99: {  	s15 =	sadd.s32 $0x500, s11;
	[sflag:s8] =	ssyncadd.s32 $0xFFFFF000  }
0x9a: {  	[tilespmem:s22], [sflag:$0x3] =	stream.indirect.gather [spmem:s3], $0x20, s15, s18, $0xb8;
	[tilespmem:$0x17000] =	vst v63  }
0x9b: {  	_ =	swait.ge [sflag:s23], $0x1000  }
0x9c: {  	[sflag:s23] =	ssyncset.done $0x0  }
0x9d: {  	s14 =	sadd.s32 $0x2A00, s11;
	[sflag:s23] =	ssyncadd.s32 $0xFFFFF000  }
0x9e: {  	[spmem:s2] =	stream.indirect.scatter.add.f32 [tilespmem:s26], [sflag:$0xD], $0x20, s14, s18, $0xb8;
	[tilespmem:$0x17000] =	vst v63  }
0x9f: {  	_ =	swait.ge [sflag:s9], $0x1000  }
0xa0: {  	[sflag:s9] =	ssyncset.done $0x0  }
0xa1: {  	s15 =	sadd.s32 $0x580, s11;
	[sflag:s9] =	ssyncadd.s32 $0xFFFFF000  }
0xa2: {  	[tilespmem:s24], [sflag:$0x4] =	stream.indirect.gather [spmem:s3], $0x20, s15, s18, $0xb8;
	[tilespmem:$0x17000] =	vst v63  }
0xa3: {  	_ =	swait.ge [sflag:s25], $0x1000  }
0xa4: {  	[sflag:s25] =	ssyncset.done $0x0  }
0xa5: {  	s14 =	sadd.s32 $0x2A80, s11;
	[sflag:s25] =	ssyncadd.s32 $0xFFFFF000  }
0xa6: {  	[spmem:s2] =	stream.indirect.scatter.add.f32 [tilespmem:s29], [sflag:$0xE], $0x20, s14, s18, $0xb8;
	[tilespmem:$0x17000] =	vst v63  }
0xa7: {  	_ =	swait.ge [sflag:s10], $0x1000  }
0xa8: {  	[sflag:s10] =	ssyncset.done $0x0  }
0xa9: {  	s15 =	sadd.s32 $0x600, s11;
	[sflag:s10] =	ssyncadd.s32 $0xFFFFF000  }
0xaa: {  	[tilespmem:s26], [sflag:$0x5] =	stream.indirect.gather [spmem:s3], $0x20, s15, s18, $0xb8;
	[tilespmem:$0x17000] =	vst v63  }
0xab: {  	_ =	swait.ge [sflag:s28], $0x1000  }
0xac: {  	[sflag:s28] =	ssyncset.done $0x0  }
0xad: {  	s14 =	sadd.s32 $0x2B00, s11;
	[sflag:s28] =	ssyncadd.s32 $0xFFFFF000  }
0xae: {  	[spmem:s2] =	stream.indirect.scatter.add.f32 [tilespmem:s31], [sflag:$0xF], $0x20, s14, s18, $0xb8;
	[tilespmem:$0x17000] =	vst v63  }
0xaf: {  	_ =	swait.ge [sflag:s16], $0x1000  }
0xb0: {  	[sflag:s16] =	ssyncset.done $0x0  }
0xb1: {  	s15 =	sadd.s32 $0x680, s11;
	[sflag:s16] =	ssyncadd.s32 $0xFFFFF000  }
0xb2: {  	[tilespmem:s29], [sflag:$0x6] =	stream.indirect.gather [spmem:s3], $0x20, s15, s18, $0xb8;
	[tilespmem:$0x17000] =	vst v63  }
0xb3: {  	_ =	swait.ge [sflag:s30], $0x1000  }
0xb4: {  	[sflag:s30] =	ssyncset.done $0x0  }
0xb5: {  	s14 =	sadd.s32 $0x2B80, s11;
	[sflag:s30] =	ssyncadd.s32 $0xFFFFF000  }
0xb6: {  	[spmem:s2] =	stream.indirect.scatter.add.f32 [tilespmem:s0], [sflag:$0x10], $0x20, s14, s18, $0xb8;
	[tilespmem:$0x17000] =	vst v63  }
.Ltmp3:
0xb7: {  	_ = 	snop;
	(pc) =	sbr.rel .LBB2_2-.Ltmp3, $4  }
0xb8: {  	_ =	swait.ge [sflag:s4], $0x1000  }
0xb9: {  	[sflag:s4] =	ssyncset.done $0x0  }
0xba: {  	s6 =	sadd.s32 $0x1000, s6;
	s15 =	sadd.s32 $0x700, s11;
	[sflag:s4] =	ssyncadd.s32 $0xFFFFF000  }
0xbb: {  	[tilespmem:s31], [sflag:$0x7] =	stream.indirect.gather [spmem:s3], $0x20, s15, s18, $0xb8;
	[tilespmem:$0x17000] =	vst v63  }
.LBB2_5:
0xbc: {  	_ =	sfence.sel $0x180000  }
0xbd: {  	[bflag:$0x0] =	sbarrier.arrive $0xFFFF  }
0xbe: {  	_ =	strace $0x9000004A  }
0xbf: {  	s0 =	stileid.u32;
	[bflag:$0x2] =	sbarrier.arrive $0xFFFF  }
0xc0: {  	p0 =	sne.s32 s0, $0x0;
	s0 =	rddreg [dreg:$0x3]  }
0xc1: {  	s0 =	sadd.s32 @!p0 $0x100000, s0  }
0xc2: {  	[sflag:s0] =	ssyncadd.tile.s32 @!p0 $0x1;
	_ =	shalt  }
.Lfunc_end2:
_tile_overlayer_lowered:
.L_overlay_start_2:
0xc3: {  	(tag) =	ssettag $0x2  }
0xc4: {  	s0 =	rddreg [dreg:$0x0];
	s2 =	stileid.u32  }
0xc5: {  	s1 =	rddreg [dreg:$0x1];
	p0 =	sne.s32 s2, $0x0  }
0xc6: {  	s3 =	rddreg [dreg:$0x2];
	[bflag:$0x3] =	sbarrier.arrive $0xFFFF;
	s2 =	simm.s32 @!p0 $0x1C11  }
0xc7: {  	[timem:s3], [sflag:s2] =	dma.local @!p0 [hbm:s0], s1  }
0xc8: {  	s0 =	simm.s32 @!p0 $0x11  }
0xc9: {  	_ =	swait.ge @!p0 [sflag:s0], s1  }
0xca: {  	s1 =	ssub.s32 @!p0 $0x0, s1;
	[sflag:s0] =	ssyncset.done @!p0 $0x0  }
0xcb: {  	[sflag:s0] =	ssyncadd.s32 @!p0 s1  }
0xcc: {  	[bflag:$0x3] =	sbarrier.arrive $0xFFFF  }
0xcd: {  	_ =	shalt  }

// kernel: kernel.14.cloned.1.call-start
scs
__scs_entry_jumppad:
0x0: {  	(pc) =	sbr.rel $0x88, $3  }
0x1: {  	(tag) =	ssettag $0x0;
	lr =	simm.s32 $0x1  }
0x2: {  	[smem:$0x3F9B] =	sst lr;
	_ =	strace $0xD0000000  }
0x3: {  	_ = 	snop  }
0x4: {  	_ = 	snop  }
0x5: {  	_ = 	snop  }
0x6: {  	_ = 	snop  }
0x7: {  	_ = 	snop  }
__scs_overlays_trampoline_lowered:
0x8: {  	[smem:$0x3FAA] =	sst s0  }
0x9: {  	[smem:$0x3FAB] =	sst s1  }
0xa: {  	[smem:$0x3FAC] =	sst s2  }
0xb: {  	[smem:$0x3FAD] =	sst s3  }
0xc: {  	[smem:$0x3FAE] =	sst s4  }
0xd: {  	[smem:$0x3FAF] =	sst s5  }
0xe: {  	[smem:$0x3FB0] =	sst s6  }
0xf: {  	[smem:$0x3FB1] =	sst s7  }
0x10: {  	[smem:$0x3FB2] =	sst s8  }
0x11: {  	[smem:$0x3FB3] =	sst s9;
	s0 =	simm.s32 @!p0 $0x0  }
0x12: {  	s1 =	sld [smem:$0x3F99];
	s0 =	simm.s32 @p0 $0x1  }
0x13: {  	[smem:$0x3FB4] =	sst s0;
	s0 =	simm.s32 @!p1 $0x0  }
0x14: {  	s2 =	sld [smem:$0x3F98];
	s0 =	simm.s32 @p1 $0x1  }
0x15: {  	[smem:$0x3FB5] =	sst s0;
	s0 =	simm.s32 @!p2 $0x0  }
0x16: {  	s3 =	sld [smem:$0x3FDB];
	s0 =	simm.s32 @p2 $0x1  }
0x17: {  	s4 =	simm.s32 $0x1BF5;
	[smem:$0x3FB7] =	sst s0  }
0x18: {  	s0 =	sld [smem:$0x3F9A];
	_ =	swait.ge [sflag:s4], $0x0  }
0x19: {  	s7 =	sld [smem:$0x3F9B]  }
0x1a: {  	s8 =	sadd.s32 $0xFFFFE003, lr  }
0x1b: {  	s9 =	sadd.s32 $0xFFFFFEF7, lr;
	s5 =	simm.s32 $0xFFFFFFFF;
	p2 =	slt.u32 s8, $0xFFFFF086  }
0x1c: {  	p1 =	slt.u32 s9, $0xF7A;
	s5 =	simm.s32 @!p2 $0x0  }
0x1d: {  	s5 =	simm.s32 @p1 $0x1;
	p0 =	seq.s32 s7, s2  }
0x1e: {  	s7 =	smul.u32 @!p0 $0xF7A, s2;
	p2 =	seq.s32 @!p0 s5, $0x0  }
0x1f: {  	s9 =	smul.u32 $0xF7A, s1;
	s8 =	simm.s32 @!p0 $0x1BF5;
	p2 =	por !p2, p0  }
0x20: {  	[sflag:s8] =	ssyncset.s32 @!p0 $0xFFFFF086;
	s6 =	sadd.s32 @!p0 s3, s7;
	s7 =	simm.s32 @!p0 $0x108  }
0x21: {  	s3 =	sadd.s32 s3, s9;
	s6 =	sadd.s32 @!p0 $0x88, s6;
	s7 =	simm.s32 @p2 $0x1082  }
0x22: {  	[simem:s7], [sflag:s8] =	dma.local @!p0 [hbm:s6], $0xF7A  }
0x23: {  	s9 =	sor.u32 $0xD0000000, s2;
	s6 =	simm.s32 $0x108;
	_ =	swait.ge @!p0 [sflag:s8], $0x0  }
0x24: {  	s3 =	sadd.s32 $0x88, s3;
	s6 =	simm.s32 @!p1 $0x1082;
	[sflag:s4] =	ssyncset.s32 $0xFFFFF086  }
0x25: {  	[simem:s6], [sflag:s4] =	dma.local [hbm:s3], $0xF7A  }
0x26: {  	[smem:$0x3F9B] =	sst s1;
	(tag) =	ssettag s2;
	_ =	strace s9  }
0x27: {  	s1 =	sld [smem:$0x3FAB]  }
0x28: {  	s2 =	sld [smem:$0x3FAC]  }
0x29: {  	s4 =	sld [smem:$0x3FAE]  }
0x2a: {  	p0 =	seq.s32 s5, $0x0;
	s5 =	sld [smem:$0x3FAF]  }
0x2b: {  	s6 =	sld [smem:$0x3FB0]  }
0x2c: {  	s7 =	sld [smem:$0x3FB1]  }
0x2d: {  	s3 =	simm.s32 $0x108;
	s8 =	sld [smem:$0x3FB2]  }
0x2e: {  	s3 =	simm.s32 @!p0 $0x1082;
	s9 =	sld [smem:$0x3FB3]  }
0x2f: {  	lr =	sadd.s32 s0, s3;
	s0 =	sld [smem:$0x3FAA]  }
0x30: {  	s3 =	sld [smem:$0x3FAD]  }
0x31: {  	[smem:$0x3FB6] =	sst s10  }
0x32: {  	s10 =	sld [smem:$0x3FB4];
	_ =	sdelay $0x3  }
0x33: {  	p0 =	seq.s32 s10, $0x1;
	s10 =	sld [smem:$0x3FB6];
	_ =	sdelay $0x3  }
0x34: {  	[smem:$0x3FB6] =	sst s10  }
0x35: {  	s10 =	sld [smem:$0x3FB5];
	_ =	sdelay $0x3  }
0x36: {  	p1 =	seq.s32 s10, $0x1;
	s10 =	sld [smem:$0x3FB6];
	_ =	sdelay $0x3  }
0x37: {  	[smem:$0x3FB6] =	sst s10  }
0x38: {  	s10 =	sld [smem:$0x3FB7]  }
0x39: {  	_ = 	snop;
	(pc) =	sbr.ind lr, $3  }
0x3a: {  	_ = 	snop  }
0x3b: {  	_ = 	snop  }
0x3c: {  	p2 =	seq.s32 s10, $0x1;
	s10 =	sld [smem:$0x3FB6]  }
0x3d: {  	_ =	shalt  }
0x3e: {  	_ =	shalt  }
0x3f: {  	_ =	shalt  }
0x40: {  	_ =	shalt  }
0x41: {  	_ =	shalt  }
0x42: {  	_ =	shalt  }
0x43: {  	_ =	shalt  }
0x44: {  	_ =	shalt  }
0x45: {  	_ =	shalt  }
0x46: {  	_ =	shalt  }
0x47: {  	_ =	shalt  }
0x48: {  	_ =	shalt  }
0x49: {  	_ =	shalt  }
0x4a: {  	_ =	shalt  }
0x4b: {  	_ =	shalt  }
0x4c: {  	_ =	shalt  }
0x4d: {  	_ =	shalt  }
0x4e: {  	_ =	shalt  }
0x4f: {  	_ =	shalt  }
0x50: {  	_ =	shalt  }
0x51: {  	_ =	shalt  }
0x52: {  	_ =	shalt  }
0x53: {  	_ =	shalt  }
0x54: {  	_ =	shalt  }
0x55: {  	_ =	shalt  }
0x56: {  	_ =	shalt  }
0x57: {  	_ =	shalt  }
0x58: {  	_ =	shalt  }
0x59: {  	_ =	shalt  }
0x5a: {  	_ =	shalt  }
0x5b: {  	_ =	shalt  }
0x5c: {  	_ =	shalt  }
0x5d: {  	_ =	shalt  }
0x5e: {  	_ =	shalt  }
0x5f: {  	_ =	shalt  }
0x60: {  	_ =	shalt  }
0x61: {  	_ =	shalt  }
0x62: {  	_ =	shalt  }
0x63: {  	_ =	shalt  }
0x64: {  	_ =	shalt  }
0x65: {  	_ =	shalt  }
0x66: {  	_ =	shalt  }
0x67: {  	_ =	shalt  }
0x68: {  	_ =	shalt  }
0x69: {  	_ =	shalt  }
0x6a: {  	_ =	shalt  }
0x6b: {  	_ =	shalt  }
0x6c: {  	_ =	shalt  }
0x6d: {  	_ =	shalt  }
0x6e: {  	_ =	shalt  }
0x6f: {  	_ =	shalt  }
0x70: {  	_ =	shalt  }
0x71: {  	_ =	shalt  }
0x72: {  	_ =	shalt  }
0x73: {  	_ =	shalt  }
0x74: {  	_ =	shalt  }
0x75: {  	_ =	shalt  }
0x76: {  	_ =	shalt  }
0x77: {  	_ =	shalt  }
0x78: {  	_ =	shalt  }
0x79: {  	_ =	shalt  }
0x7a: {  	_ =	shalt  }
0x7b: {  	_ =	shalt  }
0x7c: {  	_ =	shalt  }
0x7d: {  	_ =	shalt  }
0x7e: {  	_ =	shalt  }
0x7f: {  	_ =	shalt  }
0x80: {  	_ =	shalt  }
0x81: {  	_ =	shalt  }
0x82: {  	_ =	shalt  }
0x83: {  	_ =	shalt  }
0x84: {  	_ =	shalt  }
0x85: {  	_ =	shalt  }
0x86: {  	_ =	shalt  }
0x87: {  	_ =	shalt  }
.Lfunc_end0:
.L_simem_size_0:
called_computation.2_lowered:
.L_overlay_start_0:
0x88: {  	s2 =	sld [smem:$0x3FD9]  }
0x89: {  	s3 =	sld [smem:$0x3FFE];
	_ =	sdelay $0x1  }
0x8a: {  	s1 =	srdreg.scid  }
0x8b: {  	s0 =	sand.u32 $0x1, s1  }
0x8c: {  	s16 =	sshll.u32 s0, $0xA;
	s2 =	sadd.s32 s3, s2  }
0x8d: {  	s2 =	sadd.s32 s2, s16  }
0x8e: {  	[smem:$0x3FC2] =	sst s2  }
0x8f: {  	_ = 	snop  }
0x90: {  	(tm) =	ssettm $0x1  }
0x91: {  	s17 =	sld [smem:$0x3FFB];
	_ =	sdelay $0x3  }
0x92: {  	_ =	strace s17  }
0x93: {  	s2 =	sld [smem:$0x3FFC];
	_ =	sdelay $0x3  }
0x94: {  	_ =	strace s2  }
0x95: {  	s2 =	sld [smem:$0x3FFD];
	_ =	sdelay $0x3  }
0x96: {  	_ =	strace s2  }
0x97: {  	_ =	strace $0x8FFFFFFF  }
0x98: {  	s18 =	sld [smem:$0x3FDB];
	_ =	sdelay $0x1  }
0x99: {  	s19 =	simm.s32 $_scs_section_size  }
0x9a: {  	s4 =	simm.s32 $_size__tile_overlayer_lowered;
	s5 =	simm.s32 $_tile_overlayer_lowered  }
0x9b: {  	s22 =	simm.s32 $0x1BFF;
	s21 =	sshll.u32 s5, $0x1;
	s2 =	sadd.s32 s19, s18  }
0x9c: {  	s6 =	simm.s32 $0x0;
	s20 =	sshll.u32 s4, $0x1;
	s4 =	sadd.s32 s21, s2  }
0x9d: {  	[timem:s6], [sflag:s22] =	dma.local [hbm:s4], s20  }
0x9e: {  	_ =	swait.ge [sflag:s22], s20  }
0x9f: {  	s3 =	ssub.s32 $0x0, s20;
	[sflag:s22] =	ssyncset.done $0x0  }
0xa0: {  	[sflag:s22] =	ssyncadd.s32 s3;
	_ =	sdelay $0x1  }
0xa1: {  	s23 =	simm.s32 $0x1B8B  }
0xa2: {  	_ =	swait.ge [sflag:s23], $0x1  }
0xa3: {  	[sflag:s23] =	ssyncset.done $0x0  }
0xa4: {  	s25 =	simm.s32 $0x1B8E;
	s24 =	sld [smem:$0x3FFE];
	[sflag:s23] =	ssyncadd.s32 $0xFFFFFFFF  }
0xa5: {  	s26 =	simm.s32 $execute0_lowered;
	[smem:$0x3FD2] =	sst s25  }
0xa6: {  	s4 =	sshll.u32 s26, $0x1;
	_ =	strace $0x8000004C;
	[dreg:$0x1] =	wrdreg $0xFFFFFFFF  }
0xa7: {  	s28 =	simm.s32 $_size_execute0_lowered;
	s2 =	sadd.s32 s2, s4;
	[dreg:$0x0] =	wrdreg $0x0  }
0xa8: {  	s4 =	sshll.u32 s28, $0x1;
	[dreg:$0x2] =	wrdreg s2  }
0xa9: {  	[dreg:$0x3] =	wrdreg s4  }
0xaa: {  	[dreg:$0x4] =	wrdreg $0xC0  }
0xab: {  	_ =	task [dreg:s6], $0x5FFFF  }
0xac: {  	[dreg:$0x1] =	wrdreg $0xFFFFFFFF  }
0xad: {  	[dreg:$0x0] =	wrdreg $0x60  }
0xae: {  	[dreg:$0x2] =	wrdreg s24  }
0xaf: {  	[dreg:$0x3] =	wrdreg $0x70000  }
0xb0: {  	[dreg:$0x4] =	wrdreg $0x84000  }
0xb1: {  	[dreg:$0x5] =	wrdreg $0x9  }
0xb2: {  	_ =	task.clear_ibuf [dreg:s6], $0x6FFFF;
	_ =	strace $0x9000004C  }
0xb3: {  	s29 =	simm.s32 $0x9;
	_ =	strace $0x8000004E  }
0xb4: {  	_ =	swait.ge [sflag:s29], $0x1  }
0xb5: {  	[sflag:s29] =	ssyncadd.s32 $0xFFFFFFFF  }
0xb6: {  	_ =	strace $0x9000004E  }
0xb7: {  	_ =	sfence  }
0xb8: {  	s30 =	sld [smem:$0x0];
	_ =	sdelay $0x2  }
0xb9: {  	s31 =	sshll.u32 s1, $0xD;
	s1 =	sshrl.u32 s1, $0x2  }
0xba: {  	s3 =	sand.u32 $0x4000, s31;
	s1 =	sadd.s32 s1, s30  }
0xbb: {  	s0 =	sor.u32 s3, s0;
	s1 =	sshll.u32 s1, $0x11  }
0xbc: {  	s0 =	sor.u32 s1, s0  }
0xbd: {  	s0 =	sadd.s32 $0x8F2B, s0  }
0xbe: {  	[sflag:s0] =	ssyncadd.remote.s32 $0x1  }
0xbf: {  	_ =	sfence.sel $0xFFFF  }
0xc0: {  	[dreg:$0x0] =	wrdreg $0xFFFFFFFF;
	(pc) =	sbr.abs _section_cstart, $3  }
0xc1: {  	[dreg:$0x1] =	wrdreg $0xFFFFFFFF  }
0xc2: {  	_ =	task.clear_ibuf [dreg:s6], $0x2FFFF;
	_ =	strace $0x9FFFFFFF  }
0xc3: {  	(tm) =	ssettm $0x7FFFFFFF  }
tec
execute0_lowered:
.L_overlay_start_1:
0x0: {  	(tag) =	ssettag $0x1  }
0x1: {  	s0 =	rddreg [dreg:$0x0]  }
0x2: {  	s2 =	rddreg [dreg:$0x1];
	s8 =	stileid.u32  }
0x3: {  	s1 =	srdreg.scid;
	s3 =	rddreg [dreg:$0x2]  }
0x4: {  	s6 =	simm.s32 $0x0;
	s12 =	simm.s32 $0x1;
	s13 =	simm.s32 $0x10  }
0x5: {  	s14 =	simm.s32 $0x11;
	s17 =	simm.s32 $0x80;
	s28 =	simm.s32 $0x6400  }
0x6: {  	s30 =	simm.s32 $0x6800;
	s16 =	simm.s32 $0x3;
	s29 =	simm.s32 $0x8  }
0x7: {  	s31 =	simm.s32 $0x9;
	s9 =	simm.s32 $0xC;
	s4 =	smul.u32 $0x500, s8  }
0x8: {  	s10 =	simm.s32 $0xD;
	s15 =	simm.s32 $0xE;
	s18 =	smul.u32 $0x14000, s8  }
0x9: {  	s1 =	sand.u32 $0x1, s1;
	[smem:$0x7FF] =	sst s6;
	s7 =	smul.u32 $0x1400, s8  }
0xa: {  	s20 =	sshll.u32 s8, $0x6;
	s8 =	simm.s32 $0xB;
	s5 =	smul.u32 $0x140000, s1  }
0xb: {  	_ =	strace $0x8000004D;
	s1 =	ssub.s32 $0x2, s1;
	s11 =	sor.u32 $0x1C11, s20  }
0xc: {  	s20 =	simm.s32 $0x4;
	s4 =	sadd.s32 s4, s0;
	s19 =	sshrl.u32 s1, $0x1  }
0xd: {  	s21 =	sadd.s32 s7, s2;
	s23 =	sadd.s32 s7, s3;
	s7 =	simm.s32 $0xA  }
0xe: {  	[dreg:$0x5] =	wrdreg s11;
	s5 =	sadd.s32 s18, s5;
	s1 =	ssub.s32 s1, s19  }
0xf: {  	s24 =	sadd.s32 $0x10200, s4;
	s4 =	sadd.s32 $0x1200, s4;
	s6 =	sshrl.u32 s21, $0x3  }
0x10: {  	s26 =	sshrl.u32 s23, $0x3;
	s18 =	simm.s32 $0x5000;
	s19 =	simm.s32 $0x5400  }
0x11: {  	s21 =	simm.s32 $0x5800;
	s23 =	simm.s32 $0x5C00;
	[dreg:$0x6] =	wrdreg s24  }
0x12: {  	s5 =	sshrl.u32 s5, $0x3;
	[dreg:$0x7] =	wrdreg s4;
	s25 =	smax.u32 s1, $0x1  }
0x13: {  	[dreg:$0xb] =	wrdreg s26;
	s1 =	simm.s32 $0x6C00;
	s24 =	simm.s32 $0x6  }
.Ltmp0:
0x14: {  	s26 =	simm.s32 $0x7;
	[dreg:$0xa] =	wrdreg s6;
	(pc) =	sbr.rel .LBB2_1-.Ltmp0, $4  }
0x15: {  	s0 =	sadd.s32 s5, s0;
	[dreg:$0x9] =	wrdreg s25;
	s5 =	simm.s32 $0x0  }
0x16: {  	s4 =	simm.s32 $0xF;
	s22 =	sadd.s32 $0x15200, s0;
	[dreg:$0xc] =	wrdreg s5  }
0x17: {  	s25 =	simm.s32 $0x6000;
	s0 =	sadd.s32 $0x65200, s0;
	[dreg:$0x4] =	wrdreg s22  }
0x18: {  	[dreg:$0x8] =	wrdreg s0;
	s0 =	simm.s32 $0x2;
	s22 =	simm.s32 $0x5  }
.LBB2_4:
0x19: {  	_ =	swait.ge [sflag:s16], $0x400  }
0x1a: {  	[sflag:s16] =	ssyncset.done $0x0  }
0x1b: {  	[sflag:s16] =	ssyncadd.s32 $0xFFFFFC00  }
0x1c: {  	[spmem:s2] =	stream.indirect.scatter.add.f32 [tilespmem:s21], [sflag:$0xB], $0x8, s13, s17, $0xb8;
	[tilespmem:$0x9800] =	vst v63  }
0x1d: {  	_ =	swait.ge [sflag:s20], $0x400  }
0x1e: {  	[sflag:s20] =	ssyncset.done $0x0  }
0x1f: {  	s5 =	sadd.s32 $0x2980, s11;
	[sflag:s20] =	ssyncadd.s32 $0xFFFFFC00  }
0x20: {  	[spmem:s2] =	stream.indirect.scatter.add.f32 [tilespmem:s23], [sflag:$0xC], $0x8, s5, s17, $0xb8;
	[tilespmem:$0x9800] =	vst v63  }
0x21: {  	_ =	swait.ge [sflag:s22], $0x400  }
0x22: {  	[sflag:s22] =	ssyncset.done $0x0  }
0x23: {  	s14 =	sadd.s32 $0x2A00, s11;
	[sflag:s22] =	ssyncadd.s32 $0xFFFFFC00  }
0x24: {  	[spmem:s2] =	stream.indirect.scatter.add.f32 [tilespmem:s25], [sflag:$0xD], $0x8, s14, s17, $0xb8;
	[tilespmem:$0x9800] =	vst v63  }
0x25: {  	_ =	swait.ge [sflag:s24], $0x400  }
0x26: {  	[sflag:s24] =	ssyncset.done $0x0  }
0x27: {  	s6 =	sadd.s32 $0x2A80, s11;
	[sflag:s24] =	ssyncadd.s32 $0xFFFFFC00  }
0x28: {  	[spmem:s2] =	stream.indirect.scatter.add.f32 [tilespmem:s28], [sflag:$0xE], $0x8, s6, s17, $0xb8;
	[tilespmem:$0x9800] =	vst v63  }
0x29: {  	_ =	swait.ge [sflag:s26], $0x400  }
0x2a: {  	[sflag:s26] =	ssyncset.done $0x0  }
0x2b: {  	s13 =	sadd.s32 $0x2B00, s11;
	[sflag:s26] =	ssyncadd.s32 $0xFFFFFC00  }
0x2c: {  	[spmem:s2] =	stream.indirect.scatter.add.f32 [tilespmem:s30], [sflag:$0xF], $0x8, s13, s17, $0xb8;
	[tilespmem:$0x9800] =	vst v63  }
0x2d: {  	_ =	swait.ge [sflag:s29], $0x400  }
0x2e: {  	[sflag:s29] =	ssyncset.done $0x0  }
0x2f: {  	s14 =	simm.s32 $0x4F80;
	[sflag:s29] =	ssyncadd.s32 $0xFFFFFC00  }
0x30: {  	[spmem:s2] =	stream.indirect.scatter.add.f32 [tilespmem:s1], [sflag:$0x10], $0x8, s14, s17, $0xb8;
	[tilespmem:$0x9800] =	vst v63  }
0x31: {  	_ =	swait.ge [sflag:s31], $0x400  }
0x32: {  	[sflag:s31] =	ssyncset.done $0x0  }
0x33: {  	[sflag:s31] =	ssyncadd.s32 $0xFFFFFC00  }
0x34: {  	_ =	swait.ge [sflag:s7], $0x400  }
0x35: {  	[sflag:s7] =	ssyncset.done $0x0  }
0x36: {  	[sflag:s7] =	ssyncadd.s32 $0xFFFFFC00  }
0x37: {  	_ =	swait.ge [sflag:s8], $0x400  }
0x38: {  	[sflag:s8] =	ssyncset.done $0x0  }
0x39: {  	[sflag:s8] =	ssyncadd.s32 $0xFFFFFC00  }
0x3a: {  	_ =	swait.ge [sflag:s9], $0x400  }
0x3b: {  	[sflag:s9] =	ssyncset.done $0x0  }
0x3c: {  	[sflag:s9] =	ssyncadd.s32 $0xFFFFFC00  }
0x3d: {  	_ =	swait.ge [sflag:s10], $0x400  }
0x3e: {  	[sflag:s10] =	ssyncset.done $0x0  }
0x3f: {  	[sflag:s10] =	ssyncadd.s32 $0xFFFFFC00  }
0x40: {  	_ =	swait.ge [sflag:s15], $0x400  }
0x41: {  	[sflag:s15] =	ssyncset.done $0x0  }
0x42: {  	[sflag:s15] =	ssyncadd.s32 $0xFFFFFC00  }
0x43: {  	_ =	swait.ge [sflag:s4], $0x400  }
0x44: {  	[sflag:s4] =	ssyncset.done $0x0  }
0x45: {  	s13 =	simm.s32 $0x10;
	[sflag:s4] =	ssyncadd.s32 $0xFFFFFC00  }
0x46: {  	_ =	swait.ge [sflag:s13], $0x400  }
0x47: {  	[sflag:s13] =	ssyncset.done $0x0  }
0x48: {  	[sflag:s13] =	ssyncadd.s32 $0xFFFFFC00  }
0x49: {  	[bflag:$0x0] =	sbarrier.arrive $0xFFFF  }
0x4a: {  	s11 =	rddreg [dreg:$0x5]  }
0x4b: {  	s1 =	rddreg [dreg:$0x8]  }
0x4c: {  	s14 =	simm.s32 $0x11;
	s6 =	rddreg [dreg:$0xa]  }
0x4d: {  	[hbm:s1@s13], [sflag:s11] =	dma.strided [spmem:s6@s12], $0x280, s12, $0x1   }
0x4e: {  	_ =	swait.ge [sflag:s14], $0x280  }
0x4f: {  	s5 =	rddreg [dreg:$0xc]  }
0x50: {  	s1 =	sadd.s32 $0x1, s5;
	s5 =	rddreg [dreg:$0x9]  }
0x51: {  	p0 =	sne.s32 s1, s5  }
.Ltmp1:
0x52: {  	_ = 	snop;
	(pc) =	sbr.rel @!p0 .LBB2_5-.Ltmp1, $3  }
0x53: {  	_ =	sdelay $0x1  }
0x54: {  	[sflag:s14] =	ssyncset.done $0x0  }
0x55: {  	[sflag:s14] =	ssyncadd.s32 $0xFFFFFD80;
	[dreg:$0xc] =	wrdreg s1;
	s1 =	simm.s32 $0x6C00  }
.LBB2_1:
0x56: {  	s5 =	rddreg [dreg:$0x4]  }
0x57: {  	[spmem:s6@s12], [sflag:s11] =	dma.strided [hbm:s5@s13], $0x280, s12, $0x1   }
0x58: {  	_ =	swait.ge [sflag:s14], $0x280  }
0x59: {  	[sflag:s14] =	ssyncset.done $0x0  }
0x5a: {  	s6 =	rddreg [dreg:$0xb];
	[sflag:s14] =	ssyncadd.s32 $0xFFFFFD80  }
0x5b: {  	[spmem:s6@s12], [sflag:s11] =	dma.strided [hbm:s5@s13], $0x280, s12, $0x1   }
0x5c: {  	_ =	swait.ge [sflag:s14], $0x280  }
0x5d: {  	[sflag:s14] =	ssyncset.done $0x0  }
0x5e: {  	s5 =	simm.s32 $0x0;
	s13 =	rddreg [dreg:$0x6];
	[sflag:s14] =	ssyncadd.s32 $0xFFFFFD80  }
0x5f: {  	[tilespmem:s5], [sflag:$0x11] =	stream.linear.gather [hbm4b:s13+s5], $0x2800, $0x38;
	[tilespmem:$0x9800] =	vst v63  }
0x60: {  	_ =	swait.ge [sflag:s14], $0x2800  }
0x61: {  	[sflag:s14] =	ssyncset.done $0x0  }
0x62: {  	s13 =	simm.s32 $0x2800;
	s11 =	rddreg [dreg:$0x7];
	[sflag:s14] =	ssyncadd.s32 $0xFFFFD800  }
0x63: {  	[tilespmem:s13], [sflag:$0x11] =	stream.linear.gather [hbm4b:s11+s5], $0x2800, $0x38;
	[tilespmem:$0x9800] =	vst v63  }
0x64: {  	_ =	swait.ge [sflag:s14], $0x2800  }
0x65: {  	[sflag:s14] =	ssyncset.done $0x0  }
0x66: {  	[sflag:s14] =	ssyncadd.s32 $0xFFFFD800  }
0x67: {  	[bflag:$0x0] =	sbarrier.arrive $0xFFFF  }
0x68: {  	[tilespmem:s18], [sflag:$0x1] =	stream.indirect.gather [spmem:s3], $0x8, s5, s17, $0xb8;
	[tilespmem:$0x9800] =	vst v63  }
0x69: {  	_ = 	snop  }
0x6a: {  	[tilespmem:s19], [sflag:$0x2] =	stream.indirect.gather [spmem:s3], $0x8, s17, s17, $0xb8;
	[tilespmem:$0x9800] =	vst v63  }
0x6b: {  	s13 =	simm.s32 $0x100  }
0x6c: {  	[tilespmem:s21], [sflag:$0x3] =	stream.indirect.gather [spmem:s3], $0x8, s13, s17, $0xb8;
	[tilespmem:$0x9800] =	vst v63  }
0x6d: {  	s14 =	simm.s32 $0x180  }
0x6e: {  	[tilespmem:s23], [sflag:$0x4] =	stream.indirect.gather [spmem:s3], $0x8, s14, s17, $0xb8;
	[tilespmem:$0x9800] =	vst v63  }
0x6f: {  	s6 =	simm.s32 $0x200  }
0x70: {  	[tilespmem:s25], [sflag:$0x5] =	stream.indirect.gather [spmem:s3], $0x8, s6, s17, $0xb8;
	[tilespmem:$0x9800] =	vst v63  }
0x71: {  	s11 =	simm.s32 $0x280  }
0x72: {  	[tilespmem:s28], [sflag:$0x6] =	stream.indirect.gather [spmem:s3], $0x8, s11, s17, $0xb8;
	[tilespmem:$0x9800] =	vst v63  }
0x73: {  	s13 =	simm.s32 $0x300  }
0x74: {  	[tilespmem:s30], [sflag:$0x7] =	stream.indirect.gather [spmem:s3], $0x8, s13, s17, $0xb8;
	[tilespmem:$0x9800] =	vst v63  }
0x75: {  	s14 =	simm.s32 $0x380;
	s6 =	simm.s32 $0x0  }
0x76: {  	[tilespmem:s1], [sflag:$0x8] =	stream.indirect.gather [spmem:s3], $0x8, s14, s17, $0xb8;
	[tilespmem:$0x9800] =	vst v63  }
.LBB2_2:
0x77: {  	_ =	swait.ge [sflag:s12], $0x400  }
0x78: {  	s11 =	sshra.s32 s6, $0x2;
	[sflag:s12] =	ssyncset.done $0x0  }
0x79: {  	p0 =	seq.s32 s6, $0x0;
	s13 =	sadd.s32 $0x2800, s11;
	[sflag:s12] =	ssyncadd.s32 $0xFFFFFC00  }
0x7a: {  	[spmem:s2] =	stream.indirect.scatter.add.f32 [tilespmem:s18], [sflag:$0x9], $0x8, s13, s17, $0xb8;
	[tilespmem:$0x9800] =	vst v63  }
0x7b: {  	s13 =	simm.s32 @!p0 $0x10  }
0x7c: {  	_ =	swait.ge @!p0 [sflag:s13], $0x400  }
0x7d: {  	[sflag:s13] =	ssyncset.done @!p0 $0x0  }
0x7e: {  	[sflag:s13] =	ssyncadd.s32 @!p0 $0xFFFFFC00;
	s13 =	sshra.s32 @!p0 s6, $0x2  }
0x7f: {  	s14 =	simm.s32 @!p0 $0x80;
	s5 =	simm.s32 @!p0 $0x6C00;
	s13 =	sadd.s32 @!p0 $0x380, s13  }
0x80: {  	[tilespmem:s5], [sflag:$0x8] =	stream.indirect.gather @!p0 [spmem:s3], $0x8, s13, s14, $0xb8;
	[tilespmem:$0x9800] =	vst v63  }
0x81: {  	p0 =	seq.s32 s6, $0x9000  }
.Ltmp2:
0x82: {  	_ = 	snop;
	(pc) =	sbr.rel @p0 .LBB2_4-.Ltmp2, $4  }
0x83: {  	_ =	swait.ge [sflag:s0], $0x400  }
0x84: {  	[sflag:s0] =	ssyncset.done $0x0  }
0x85: {  	s14 =	sadd.s32 $0x2880, s11;
	s13 =	sadd.s32 $0x2900, s11;
	[sflag:s0] =	ssyncadd.s32 $0xFFFFFC00  }
0x86: {  	[spmem:s2] =	stream.indirect.scatter.add.f32 [tilespmem:s19], [sflag:$0xA], $0x8, s14, s17, $0xb8;
	[tilespmem:$0x9800] =	vst v63  }
0x87: {  	_ =	swait.ge [sflag:s31], $0x400  }
0x88: {  	[sflag:s31] =	ssyncset.done $0x0  }
0x89: {  	s5 =	sadd.s32 $0x400, s11;
	[sflag:s31] =	ssyncadd.s32 $0xFFFFFC00  }
0x8a: {  	[tilespmem:s18], [sflag:$0x1] =	stream.indirect.gather [spmem:s3], $0x8, s5, s17, $0xb8;
	[tilespmem:$0x9800] =	vst v63  }
0x8b: {  	_ =	swait.ge [sflag:s16], $0x400  }
0x8c: {  	[sflag:s16] =	ssyncset.done $0x0  }
0x8d: {  	[sflag:s16] =	ssyncadd.s32 $0xFFFFFC00  }
0x8e: {  	[spmem:s2] =	stream.indirect.scatter.add.f32 [tilespmem:s21], [sflag:$0xB], $0x8, s13, s17, $0xb8;
	[tilespmem:$0x9800] =	vst v63  }
0x8f: {  	_ =	swait.ge [sflag:s7], $0x400  }
0x90: {  	[sflag:s7] =	ssyncset.done $0x0  }
0x91: {  	s14 =	sadd.s32 $0x480, s11;
	[sflag:s7] =	ssyncadd.s32 $0xFFFFFC00  }
0x92: {  	[tilespmem:s19], [sflag:$0x2] =	stream.indirect.gather [spmem:s3], $0x8, s14, s17, $0xb8;
	[tilespmem:$0x9800] =	vst v63  }
0x93: {  	_ =	swait.ge [sflag:s20], $0x400  }
0x94: {  	[sflag:s20] =	ssyncset.done $0x0  }
0x95: {  	s13 =	sadd.s32 $0x2980, s11;
	[sflag:s20] =	ssyncadd.s32 $0xFFFFFC00  }
0x96: {  	[spmem:s2] =	stream.indirect.scatter.add.f32 [tilespmem:s23], [sflag:$0xC], $0x8, s13, s17, $0xb8;
	[tilespmem:$0x9800] =	vst v63  }
0x97: {  	_ =	swait.ge [sflag:s8], $0x400  }
0x98: {  	[sflag:s8] =	ssyncset.done $0x0  }
0x99: {  	s14 =	sadd.s32 $0x500, s11;
	[sflag:s8] =	ssyncadd.s32 $0xFFFFFC00  }
0x9a: {  	[tilespmem:s21], [sflag:$0x3] =	stream.indirect.gather [spmem:s3], $0x8, s14, s17, $0xb8;
	[tilespmem:$0x9800] =	vst v63  }
0x9b: {  	_ =	swait.ge [sflag:s22], $0x400  }
0x9c: {  	[sflag:s22] =	ssyncset.done $0x0  }
0x9d: {  	s13 =	sadd.s32 $0x2A00, s11;
	[sflag:s22] =	ssyncadd.s32 $0xFFFFFC00  }
0x9e: {  	[spmem:s2] =	stream.indirect.scatter.add.f32 [tilespmem:s25], [sflag:$0xD], $0x8, s13, s17, $0xb8;
	[tilespmem:$0x9800] =	vst v63  }
0x9f: {  	_ =	swait.ge [sflag:s9], $0x400  }
0xa0: {  	[sflag:s9] =	ssyncset.done $0x0  }
0xa1: {  	s14 =	sadd.s32 $0x580, s11;
	[sflag:s9] =	ssyncadd.s32 $0xFFFFFC00  }
0xa2: {  	[tilespmem:s23], [sflag:$0x4] =	stream.indirect.gather [spmem:s3], $0x8, s14, s17, $0xb8;
	[tilespmem:$0x9800] =	vst v63  }
0xa3: {  	_ =	swait.ge [sflag:s24], $0x400  }
0xa4: {  	[sflag:s24] =	ssyncset.done $0x0  }
0xa5: {  	s13 =	sadd.s32 $0x2A80, s11;
	[sflag:s24] =	ssyncadd.s32 $0xFFFFFC00  }
0xa6: {  	[spmem:s2] =	stream.indirect.scatter.add.f32 [tilespmem:s28], [sflag:$0xE], $0x8, s13, s17, $0xb8;
	[tilespmem:$0x9800] =	vst v63  }
0xa7: {  	_ =	swait.ge [sflag:s10], $0x400  }
0xa8: {  	[sflag:s10] =	ssyncset.done $0x0  }
0xa9: {  	s14 =	sadd.s32 $0x600, s11;
	[sflag:s10] =	ssyncadd.s32 $0xFFFFFC00  }
0xaa: {  	[tilespmem:s25], [sflag:$0x5] =	stream.indirect.gather [spmem:s3], $0x8, s14, s17, $0xb8;
	[tilespmem:$0x9800] =	vst v63  }
0xab: {  	_ =	swait.ge [sflag:s26], $0x400  }
0xac: {  	[sflag:s26] =	ssyncset.done $0x0  }
0xad: {  	s13 =	sadd.s32 $0x2B00, s11;
	[sflag:s26] =	ssyncadd.s32 $0xFFFFFC00  }
0xae: {  	[spmem:s2] =	stream.indirect.scatter.add.f32 [tilespmem:s30], [sflag:$0xF], $0x8, s13, s17, $0xb8;
	[tilespmem:$0x9800] =	vst v63  }
0xaf: {  	_ =	swait.ge [sflag:s15], $0x400  }
0xb0: {  	[sflag:s15] =	ssyncset.done $0x0  }
0xb1: {  	s14 =	sadd.s32 $0x680, s11;
	[sflag:s15] =	ssyncadd.s32 $0xFFFFFC00  }
0xb2: {  	[tilespmem:s28], [sflag:$0x6] =	stream.indirect.gather [spmem:s3], $0x8, s14, s17, $0xb8;
	[tilespmem:$0x9800] =	vst v63  }
0xb3: {  	_ =	swait.ge [sflag:s29], $0x400  }
0xb4: {  	[sflag:s29] =	ssyncset.done $0x0  }
0xb5: {  	s13 =	sadd.s32 $0x2B80, s11;
	[sflag:s29] =	ssyncadd.s32 $0xFFFFFC00  }
0xb6: {  	[spmem:s2] =	stream.indirect.scatter.add.f32 [tilespmem:s1], [sflag:$0x10], $0x8, s13, s17, $0xb8;
	[tilespmem:$0x9800] =	vst v63  }
.Ltmp3:
0xb7: {  	_ = 	snop;
	(pc) =	sbr.rel .LBB2_2-.Ltmp3, $4  }
0xb8: {  	_ =	swait.ge [sflag:s4], $0x400  }
0xb9: {  	[sflag:s4] =	ssyncset.done $0x0  }
0xba: {  	s6 =	sadd.s32 $0x1000, s6;
	s14 =	sadd.s32 $0x700, s11;
	[sflag:s4] =	ssyncadd.s32 $0xFFFFFC00  }
0xbb: {  	[tilespmem:s30], [sflag:$0x7] =	stream.indirect.gather [spmem:s3], $0x8, s14, s17, $0xb8;
	[tilespmem:$0x9800] =	vst v63  }
.LBB2_5:
0xbc: {  	_ =	sfence.sel $0x180000  }
0xbd: {  	[bflag:$0x0] =	sbarrier.arrive $0xFFFF  }
0xbe: {  	_ =	strace $0x9000004D  }
0xbf: {  	s0 =	stileid.u32;
	[bflag:$0x2] =	sbarrier.arrive $0xFFFF  }
0xc0: {  	p0 =	sne.s32 s0, $0x0;
	s0 =	rddreg [dreg:$0x3]  }
0xc1: {  	s0 =	sadd.s32 @!p0 $0x100000, s0  }
0xc2: {  	[sflag:s0] =	ssyncadd.tile.s32 @!p0 $0x1;
	_ =	shalt  }
.Lfunc_end2:
_tile_overlayer_lowered:
.L_overlay_start_2:
0xc3: {  	(tag) =	ssettag $0x2  }
0xc4: {  	s0 =	rddreg [dreg:$0x0];
	s2 =	stileid.u32  }
0xc5: {  	s1 =	rddreg [dreg:$0x1];
	p0 =	sne.s32 s2, $0x0  }
0xc6: {  	s3 =	rddreg [dreg:$0x2];
	[bflag:$0x3] =	sbarrier.arrive $0xFFFF;
	s2 =	simm.s32 @!p0 $0x1C11  }
0xc7: {  	[timem:s3], [sflag:s2] =	dma.local @!p0 [hbm:s0], s1  }
0xc8: {  	s0 =	simm.s32 @!p0 $0x11  }
0xc9: {  	_ =	swait.ge @!p0 [sflag:s0], s1  }
0xca: {  	s1 =	ssub.s32 @!p0 $0x0, s1;
	[sflag:s0] =	ssyncset.done @!p0 $0x0  }
0xcb: {  	[sflag:s0] =	ssyncadd.s32 @!p0 s1  }
0xcc: {  	[bflag:$0x3] =	sbarrier.arrive $0xFFFF  }
0xcd: {  	_ =	shalt  }

// kernel: kernel.8.cloned.1.call-start
scs
__scs_entry_jumppad:
0x0: {  	(pc) =	sbr.rel $0x88, $3  }
0x1: {  	(tag) =	ssettag $0x0;
	lr =	simm.s32 $0x1  }
0x2: {  	[smem:$0x3F9B] =	sst lr;
	_ =	strace $0xD0000000  }
0x3: {  	_ = 	snop  }
0x4: {  	_ = 	snop  }
0x5: {  	_ = 	snop  }
0x6: {  	_ = 	snop  }
0x7: {  	_ = 	snop  }
__scs_overlays_trampoline_lowered:
0x8: {  	[smem:$0x3FAA] =	sst s0  }
0x9: {  	[smem:$0x3FAB] =	sst s1  }
0xa: {  	[smem:$0x3FAC] =	sst s2  }
0xb: {  	[smem:$0x3FAD] =	sst s3  }
0xc: {  	[smem:$0x3FAE] =	sst s4  }
0xd: {  	[smem:$0x3FAF] =	sst s5  }
0xe: {  	[smem:$0x3FB0] =	sst s6  }
0xf: {  	[smem:$0x3FB1] =	sst s7  }
0x10: {  	[smem:$0x3FB2] =	sst s8  }
0x11: {  	[smem:$0x3FB3] =	sst s9;
	s0 =	simm.s32 @!p0 $0x0  }
0x12: {  	s1 =	sld [smem:$0x3F99];
	s0 =	simm.s32 @p0 $0x1  }
0x13: {  	[smem:$0x3FB4] =	sst s0;
	s0 =	simm.s32 @!p1 $0x0  }
0x14: {  	s2 =	sld [smem:$0x3F98];
	s0 =	simm.s32 @p1 $0x1  }
0x15: {  	[smem:$0x3FB5] =	sst s0;
	s0 =	simm.s32 @!p2 $0x0  }
0x16: {  	s3 =	sld [smem:$0x3FDB];
	s0 =	simm.s32 @p2 $0x1  }
0x17: {  	s4 =	simm.s32 $0x1BF5;
	[smem:$0x3FB7] =	sst s0  }
0x18: {  	s0 =	sld [smem:$0x3F9A];
	_ =	swait.ge [sflag:s4], $0x0  }
0x19: {  	s7 =	sld [smem:$0x3F9B]  }
0x1a: {  	s8 =	sadd.s32 $0xFFFFE003, lr  }
0x1b: {  	s9 =	sadd.s32 $0xFFFFFEF7, lr;
	s5 =	simm.s32 $0xFFFFFFFF;
	p2 =	slt.u32 s8, $0xFFFFF086  }
0x1c: {  	p1 =	slt.u32 s9, $0xF7A;
	s5 =	simm.s32 @!p2 $0x0  }
0x1d: {  	s5 =	simm.s32 @p1 $0x1;
	p0 =	seq.s32 s7, s2  }
0x1e: {  	s7 =	smul.u32 @!p0 $0xF7A, s2;
	p2 =	seq.s32 @!p0 s5, $0x0  }
0x1f: {  	s9 =	smul.u32 $0xF7A, s1;
	s8 =	simm.s32 @!p0 $0x1BF5;
	p2 =	por !p2, p0  }
0x20: {  	[sflag:s8] =	ssyncset.s32 @!p0 $0xFFFFF086;
	s6 =	sadd.s32 @!p0 s3, s7;
	s7 =	simm.s32 @!p0 $0x108  }
0x21: {  	s3 =	sadd.s32 s3, s9;
	s6 =	sadd.s32 @!p0 $0x88, s6;
	s7 =	simm.s32 @p2 $0x1082  }
0x22: {  	[simem:s7], [sflag:s8] =	dma.local @!p0 [hbm:s6], $0xF7A  }
0x23: {  	s9 =	sor.u32 $0xD0000000, s2;
	s6 =	simm.s32 $0x108;
	_ =	swait.ge @!p0 [sflag:s8], $0x0  }
0x24: {  	s3 =	sadd.s32 $0x88, s3;
	s6 =	simm.s32 @!p1 $0x1082;
	[sflag:s4] =	ssyncset.s32 $0xFFFFF086  }
0x25: {  	[simem:s6], [sflag:s4] =	dma.local [hbm:s3], $0xF7A  }
0x26: {  	[smem:$0x3F9B] =	sst s1;
	(tag) =	ssettag s2;
	_ =	strace s9  }
0x27: {  	s1 =	sld [smem:$0x3FAB]  }
0x28: {  	s2 =	sld [smem:$0x3FAC]  }
0x29: {  	s4 =	sld [smem:$0x3FAE]  }
0x2a: {  	p0 =	seq.s32 s5, $0x0;
	s5 =	sld [smem:$0x3FAF]  }
0x2b: {  	s6 =	sld [smem:$0x3FB0]  }
0x2c: {  	s7 =	sld [smem:$0x3FB1]  }
0x2d: {  	s3 =	simm.s32 $0x108;
	s8 =	sld [smem:$0x3FB2]  }
0x2e: {  	s3 =	simm.s32 @!p0 $0x1082;
	s9 =	sld [smem:$0x3FB3]  }
0x2f: {  	lr =	sadd.s32 s0, s3;
	s0 =	sld [smem:$0x3FAA]  }
0x30: {  	s3 =	sld [smem:$0x3FAD]  }
0x31: {  	[smem:$0x3FB6] =	sst s10  }
0x32: {  	s10 =	sld [smem:$0x3FB4];
	_ =	sdelay $0x3  }
0x33: {  	p0 =	seq.s32 s10, $0x1;
	s10 =	sld [smem:$0x3FB6];
	_ =	sdelay $0x3  }
0x34: {  	[smem:$0x3FB6] =	sst s10  }
0x35: {  	s10 =	sld [smem:$0x3FB5];
	_ =	sdelay $0x3  }
0x36: {  	p1 =	seq.s32 s10, $0x1;
	s10 =	sld [smem:$0x3FB6];
	_ =	sdelay $0x3  }
0x37: {  	[smem:$0x3FB6] =	sst s10  }
0x38: {  	s10 =	sld [smem:$0x3FB7]  }
0x39: {  	_ = 	snop;
	(pc) =	sbr.ind lr, $3  }
0x3a: {  	_ = 	snop  }
0x3b: {  	_ = 	snop  }
0x3c: {  	p2 =	seq.s32 s10, $0x1;
	s10 =	sld [smem:$0x3FB6]  }
0x3d: {  	_ =	shalt  }
0x3e: {  	_ =	shalt  }
0x3f: {  	_ =	shalt  }
0x40: {  	_ =	shalt  }
0x41: {  	_ =	shalt  }
0x42: {  	_ =	shalt  }
0x43: {  	_ =	shalt  }
0x44: {  	_ =	shalt  }
0x45: {  	_ =	shalt  }
0x46: {  	_ =	shalt  }
0x47: {  	_ =	shalt  }
0x48: {  	_ =	shalt  }
0x49: {  	_ =	shalt  }
0x4a: {  	_ =	shalt  }
0x4b: {  	_ =	shalt  }
0x4c: {  	_ =	shalt  }
0x4d: {  	_ =	shalt  }
0x4e: {  	_ =	shalt  }
0x4f: {  	_ =	shalt  }
0x50: {  	_ =	shalt  }
0x51: {  	_ =	shalt  }
0x52: {  	_ =	shalt  }
0x53: {  	_ =	shalt  }
0x54: {  	_ =	shalt  }
0x55: {  	_ =	shalt  }
0x56: {  	_ =	shalt  }
0x57: {  	_ =	shalt  }
0x58: {  	_ =	shalt  }
0x59: {  	_ =	shalt  }
0x5a: {  	_ =	shalt  }
0x5b: {  	_ =	shalt  }
0x5c: {  	_ =	shalt  }
0x5d: {  	_ =	shalt  }
0x5e: {  	_ =	shalt  }
0x5f: {  	_ =	shalt  }
0x60: {  	_ =	shalt  }
0x61: {  	_ =	shalt  }
0x62: {  	_ =	shalt  }
0x63: {  	_ =	shalt  }
0x64: {  	_ =	shalt  }
0x65: {  	_ =	shalt  }
0x66: {  	_ =	shalt  }
0x67: {  	_ =	shalt  }
0x68: {  	_ =	shalt  }
0x69: {  	_ =	shalt  }
0x6a: {  	_ =	shalt  }
0x6b: {  	_ =	shalt  }
0x6c: {  	_ =	shalt  }
0x6d: {  	_ =	shalt  }
0x6e: {  	_ =	shalt  }
0x6f: {  	_ =	shalt  }
0x70: {  	_ =	shalt  }
0x71: {  	_ =	shalt  }
0x72: {  	_ =	shalt  }
0x73: {  	_ =	shalt  }
0x74: {  	_ =	shalt  }
0x75: {  	_ =	shalt  }
0x76: {  	_ =	shalt  }
0x77: {  	_ =	shalt  }
0x78: {  	_ =	shalt  }
0x79: {  	_ =	shalt  }
0x7a: {  	_ =	shalt  }
0x7b: {  	_ =	shalt  }
0x7c: {  	_ =	shalt  }
0x7d: {  	_ =	shalt  }
0x7e: {  	_ =	shalt  }
0x7f: {  	_ =	shalt  }
0x80: {  	_ =	shalt  }
0x81: {  	_ =	shalt  }
0x82: {  	_ =	shalt  }
0x83: {  	_ =	shalt  }
0x84: {  	_ =	shalt  }
0x85: {  	_ =	shalt  }
0x86: {  	_ =	shalt  }
0x87: {  	_ =	shalt  }
.Lfunc_end0:
.L_simem_size_0:
called_computation_lowered:
.L_overlay_start_0:
0x88: {  	s2 =	sld [smem:$0x3FD9]  }
0x89: {  	s3 =	sld [smem:$0x3FFE];
	_ =	sdelay $0x1  }
0x8a: {  	s1 =	srdreg.scid  }
0x8b: {  	s0 =	sand.u32 $0x1, s1  }
0x8c: {  	s17 =	sshll.u32 s0, $0xA;
	s2 =	sadd.s32 s3, s2  }
0x8d: {  	s2 =	sadd.s32 s2, s17  }
0x8e: {  	[smem:$0x3FC2] =	sst s2  }
0x8f: {  	_ = 	snop  }
0x90: {  	s2 =	sld [smem:$0x3FD0];
	(tm) =	ssettm $0x1  }
0x91: {  	s18 =	sld [smem:$0x3FFB];
	_ =	sdelay $0x3  }
0x92: {  	_ =	strace s18  }
0x93: {  	s3 =	sld [smem:$0x3FFC];
	_ =	sdelay $0x3  }
0x94: {  	_ =	strace s3  }
0x95: {  	s3 =	sld [smem:$0x3FFD];
	_ =	sdelay $0x3  }
0x96: {  	_ =	strace s3  }
0x97: {  	_ =	strace $0x8FFFFFFF  }
0x98: {  	s19 =	sld [smem:$0x3FDB];
	_ =	sdelay $0x1  }
0x99: {  	s4 =	simm.s32 $_scs_section_size  }
0x9a: {  	s5 =	simm.s32 $_size__tile_overlayer_lowered;
	s6 =	simm.s32 $_tile_overlayer_lowered  }
0x9b: {  	s22 =	simm.s32 $0x1BFF;
	s21 =	sshll.u32 s6, $0x1;
	s3 =	sadd.s32 s4, s19  }
0x9c: {  	s7 =	simm.s32 $0x0;
	s20 =	sshll.u32 s5, $0x1;
	s5 =	sadd.s32 s21, s3  }
0x9d: {  	[timem:s7], [sflag:s22] =	dma.local [hbm:s5], s20  }
0x9e: {  	_ =	swait.ge [sflag:s22], s20  }
0x9f: {  	s4 =	ssub.s32 $0x0, s20;
	[sflag:s22] =	ssyncset.done $0x0  }
0xa0: {  	[sflag:s22] =	ssyncadd.s32 s4;
	_ =	sdelay $0x1  }
0xa1: {  	s23 =	simm.s32 $0x1B8B  }
0xa2: {  	_ =	swait.ge [sflag:s23], $0x1  }
0xa3: {  	[sflag:s23] =	ssyncset.done $0x0  }
0xa4: {  	s25 =	simm.s32 $0x1B8E;
	s24 =	sld [smem:$0x3FFE];
	[sflag:s23] =	ssyncadd.s32 $0xFFFFFFFF  }
0xa5: {  	s26 =	simm.s32 $execute0_lowered;
	[smem:$0x3FD2] =	sst s25  }
0xa6: {  	s5 =	sshll.u32 s26, $0x1;
	_ =	strace $0x80000046;
	[dreg:$0x1] =	wrdreg $0xFFFFFFFF  }
0xa7: {  	s28 =	simm.s32 $_size_execute0_lowered;
	s3 =	sadd.s32 s3, s5;
	[dreg:$0x0] =	wrdreg $0x0  }
0xa8: {  	s5 =	sshll.u32 s28, $0x1;
	[dreg:$0x2] =	wrdreg s3  }
0xa9: {  	[dreg:$0x3] =	wrdreg s5  }
0xaa: {  	[dreg:$0x4] =	wrdreg $0xC0  }
0xab: {  	_ =	task [dreg:s7], $0x5FFFF  }
0xac: {  	[dreg:$0x1] =	wrdreg $0xFFFFFFFF  }
0xad: {  	[dreg:$0x0] =	wrdreg $0x60  }
0xae: {  	[dreg:$0x2] =	wrdreg s24  }
0xaf: {  	[dreg:$0x3] =	wrdreg s2  }
0xb0: {  	[dreg:$0x4] =	wrdreg $0x9  }
0xb1: {  	_ =	task.clear_ibuf [dreg:s7], $0x5FFFF;
	_ =	strace $0x90000046  }
0xb2: {  	s29 =	simm.s32 $0x9;
	_ =	strace $0x80000048  }
0xb3: {  	_ =	swait.ge [sflag:s29], $0x1  }
0xb4: {  	[sflag:s29] =	ssyncadd.s32 $0xFFFFFFFF  }
0xb5: {  	_ =	strace $0x90000048  }
0xb6: {  	_ =	sfence  }
0xb7: {  	s30 =	sld [smem:$0x0];
	_ =	sdelay $0x2  }
0xb8: {  	s31 =	sshll.u32 s1, $0xD;
	s1 =	sshrl.u32 s1, $0x2  }
0xb9: {  	s3 =	sand.u32 $0x4000, s31;
	s1 =	sadd.s32 s1, s30  }
0xba: {  	s0 =	sor.u32 s3, s0;
	s1 =	sshll.u32 s1, $0x11  }
0xbb: {  	s0 =	sor.u32 s1, s0  }
0xbc: {  	s0 =	sadd.s32 $0x8F2B, s0  }
0xbd: {  	[sflag:s0] =	ssyncadd.remote.s32 $0x1  }
0xbe: {  	_ =	sfence.sel $0xFFFF  }
0xbf: {  	[dreg:$0x0] =	wrdreg $0xFFFFFFFF;
	(pc) =	sbr.abs _section_cstart, $3  }
0xc0: {  	[dreg:$0x1] =	wrdreg $0xFFFFFFFF  }
0xc1: {  	_ =	task.clear_ibuf [dreg:s7], $0x2FFFF;
	_ =	strace $0x9FFFFFFF  }
0xc2: {  	(tm) =	ssettm $0x7FFFFFFF  }
0xc3: {  	_ =	shalt  }
tec
execute0_lowered:
.L_overlay_start_1:
0x0: {  	(tag) =	ssettag $0x1  }
0x1: {  	s1 =	srdreg.scid;
	s5 =	rddreg [dreg:$0x0]  }
0x2: {  	s0 =	stileid.u32;
	s2 =	rddreg [dreg:$0x1]  }
0x3: {  	s3 =	simm.s32 $0x0;
	s9 =	simm.s32 $0x80;
	s10 =	simm.s32 $0x400  }
0x4: {  	s11 =	simm.s32 $0x0;
	s4 =	sand.u32 $0x1, s1;
	s29 =	sshll.u32 s0, $0x1  }
0x5: {  	s30 =	sshrl.u32 s0, $0x2;
	s1 =	rddreg [dreg:$0x2];
	s6 =	sor.u32 s4, s29  }
0x6: {  	[smem:$0x7FF] =	sst s3;
	s7 =	smul.u32 $0x14000, s30;
	s8 =	sshll.u32 s6, $0x7  }
0x7: {  	s4 =	ssub.s32 $0x2, s4;
	s6 =	smul.u32 $0x280, s6;
	s8 =	sand.u32 $0x380, s8  }
0x8: {  	_ =	strace $0x80000047;
	s31 =	sshrl.u32 s4, $0x1;
	s7 =	sor.u32 s7, s8  }
0x9: {  	s6 =	sadd.s32 s6, s5;
	s8 =	simm.s32 $0x1400;
	s7 =	sshrl.u32 s7, $0x3  }
0xa: {  	s5 =	sadd.s32 s7, s5;
	s7 =	ssub.s32 s4, s31;
	s4 =	sadd.s32 $0x1200, s6  }
0xb: {  	v0 =	vimm.f32 $1.000000000e+00;
	s5 =	sadd.s32 $0x6200, s5;
	s6 =	smax.u32 s7, $0x1;
	s7 =	simm.s32 $0x1  }
.LBB2_1:
0xc: {  	[tilespmem:s3], [sflag:$0x1] =	stream.linear.gather [hbm4b:s4+s3], $0x1400, $0x38;
	[tilespmem:$0x3C00] =	vst v63  }
0xd: {  	_ =	swait.ge [sflag:s7], $0x1400  }
0xe: {  	[sflag:s7] =	ssyncset.done $0x0  }
0xf: {  	[sflag:s7] =	ssyncadd.s32 $0xFFFFEC00  }
0x10: {  	[tilespmem:s8], [sflag:$0x1] =	stream.linear.gather [hbm4b:s2+s3], $0x2800, $0x38;
	[tilespmem:$0x3C00] =	vst v63  }
0x11: {  	_ =	swait.ge [sflag:s7], $0x2800  }
0x12: {  	[sflag:s7] =	ssyncset.done $0x0  }
0x13: {  	s13 =	simm.s32 $0x0;
	s12 =	simm.s32 $0x40;
	[sflag:s7] =	ssyncadd.s32 $0xFFFFD800  }
.LBB2_2:
0x14: {  	p0 =	sne.s32 s12, $0x4FC0;
	v1 =	vld [tilespmem:s13+$0x0];
	_ =	sdelay $0x3  }
.Ltmp0:
0x15: {  	(pc) =	sbr.rel @p0 .LBB2_2-.Ltmp0, $2  }
0x16: {  	_ =	sdelay $0x2  }
0x17: {  	s13 =	sshra.s32 s12, $0x2;
	s12 =	sadd.s32 $0x40, s12;
	[tilespmem:v1+s8+$0x0] =	vst.idx.add.f32.msk $0xffff, v0  }
0x18: {  	v1 =	vld [tilespmem:s13+$0x0];
	_ =	sdelay $0x5  }
0x19: {  	s11 =	sadd.s32 $0x1, s11  }
0x1a: {  	p0 =	sne.s32 s11, s6  }
.Ltmp1:
0x1b: {  	[tilespmem:v1+s8+$0x0] =	vst.idx.add.f32.msk $0xffff, v0;
	(pc) =	sbr.rel @p0 .LBB2_1-.Ltmp1, $4  }
0x1c: {  	[hbm4b:s5+s9] =	stream.strided.scatter [tilespmem:s8], [sflag:$0x1], $0x2800, s10, s9, $0x38;
	[tilespmem:$0x3C00] =	vst v63  }
0x1d: {  	_ =	swait.ge [sflag:s7], $0x2800  }
0x1e: {  	[sflag:s7] =	ssyncset.done $0x0  }
0x1f: {  	[sflag:s7] =	ssyncadd.s32 $0xFFFFD800  }
0x20: {  	_ =	sfence.sel $0x180000  }
0x21: {  	[bflag:$0x0] =	sbarrier.arrive $0xFFFF  }
0x22: {  	p0 =	sne.s32 s0, $0x0;
	_ =	strace $0x90000047  }
0x23: {  	s0 =	sadd.s32 @!p0 $0x100000, s1;
	[bflag:$0x2] =	sbarrier.arrive $0xFFFF  }
0x24: {  	[sflag:s0] =	ssyncadd.tile.s32 @!p0 $0x1;
	_ =	shalt  }
.Lfunc_end2:
_tile_overlayer_lowered:
.L_overlay_start_2:
0x25: {  	(tag) =	ssettag $0x2  }
0x26: {  	s0 =	rddreg [dreg:$0x0];
	s2 =	stileid.u32  }
0x27: {  	s1 =	rddreg [dreg:$0x1];
	p0 =	sne.s32 s2, $0x0  }
0x28: {  	s3 =	rddreg [dreg:$0x2];
	[bflag:$0x3] =	sbarrier.arrive $0xFFFF;
	s2 =	simm.s32 @!p0 $0x1C01  }
0x29: {  	[timem:s3], [sflag:s2] =	dma.local @!p0 [hbm:s0], s1  }
0x2a: {  	s0 =	simm.s32 @!p0 $0x1  }
0x2b: {  	_ =	swait.ge @!p0 [sflag:s0], s1  }
0x2c: {  	s1 =	ssub.s32 @!p0 $0x0, s1;
	[sflag:s0] =	ssyncset.done @!p0 $0x0  }
0x2d: {  	[sflag:s0] =	ssyncadd.s32 @!p0 s1  }
0x2e: {  	[bflag:$0x3] =	sbarrier.arrive $0xFFFF  }
0x2f: {  	_ =	shalt  }

</sc_bundles>
